<compile_context>
chip_gen: v7x
topology: tpu7x:2x2x1
jax: 0.10.2.dev20260603
libtpu: 0.0.44.dev20260713+nightly
codegen_flags: <defaults>
</compile_context>

<pallas_src>
import functools

import jax
import jax.numpy as jnp
from jax import lax
from jax.experimental import pallas as pl
from jax.experimental.pallas import tpu as pltpu
from jax.experimental.pallas import tpu_sc as plsc

B, S, F = 1024, 50, 26
NSPARSE = F - 1
EMB = 32
OUT_W = 1 + NSPARSE * EMB
S_PAD = 56
W_PAD = 896
H0 = 24
H1 = S - H0
R1 = S_PAD - H0
IPB = S * NSPARSE

NC, NS = 2, 16
NW = NC * NS
TRIPS = B // NW
L = 16

IDS_ROWS = B * S * NSPARSE // 128
IDS_WIN = 11
DV_ROWS = B * S // 128
DV_WIN = 2


def _sc_body(ids_hbm, dense_hbm, table_hbm, out_hbm,
             idsW, dvW, idxT, g0, g1, a0, a1,
             sg0, sg1, so0, so1, si):
    cid = lax.axis_index("c")
    sid = lax.axis_index("s")
    wid = sid * NC + cid
    iota = lax.iota(jnp.int32, L)
    zeros = jnp.zeros((L,), jnp.int32)

    def fire_loads(i):
        b = i * NW + wid
        r0 = jnp.minimum((b * IPB) >> 7, IDS_ROWS - IDS_WIN)
        r0d = jnp.minimum((b * S) >> 7, DV_ROWS - DV_WIN)
        par = lax.rem(i, 2)
        pltpu.async_copy(ids_hbm.at[pl.ds(r0, IDS_WIN), :], idsW.at[par], si)
        pltpu.async_copy(dense_hbm.at[pl.ds(r0d, DV_WIN), :], dvW.at[par], si)

    def wait_loads():
        pltpu.make_async_copy(ids_hbm.at[pl.ds(0, IDS_WIN), :],
                              idsW.at[0], si).wait()
        pltpu.make_async_copy(dense_hbm.at[pl.ds(0, DV_WIN), :],
                              dvW.at[0], si).wait()
    blocks = ((0, 0, H0), (1, H0, H1))
    posv = {(blk, off): (iota + off + base) * NSPARSE
            for blk, base, n in blocks for off in (0, n - L)}

    def assemble(gb, am, base, n, od, dvC):
        def pos(p, c2):
            for r in range(NSPARSE):
                row = r * n + p
                am[p, pl.ds(1 + r * EMB, L)] = gb[row, pl.ds(0, L)]
                am[p, pl.ds(1 + r * EMB + L, L)] = gb[row, pl.ds(L, L)]
            return c2

        lax.fori_loop(0, n, pos, 0)
        for off in (0, n - L):
            fl = iota + off + base + od
            vals = plsc.load_gather(dvC, [fl >> 7, fl & 127])
            plsc.store_scatter(am, [iota + off, zeros], vals)

    def chunk(i, carry):
        b = i * NW + wid
        r0 = jnp.minimum((b * IPB) >> 7, IDS_ROWS - IDS_WIN)
        o = b * IPB - (r0 << 7)
        r0d = jnp.minimum((b * S) >> 7, DV_ROWS - DV_WIN)
        od = b * S - (r0d << 7)
        par = lax.rem(i, 2)
        wait_loads()
        idsC = idsW.at[par]
        dvC = dvW.at[par]

        @pl.when(i + 1 < TRIPS)
        def _():
            fire_loads(i + 1)

        for j in range(NSPARSE):
            for blk, base, n in blocks:
                for off in (0, n - L):
                    fl = posv[(blk, off)] + (o + j)
                    v = plsc.load_gather(idsC, [fl >> 7, fl & 127])
                    idxT[2 * j + blk, pl.ds(off, L)] = v
        gath0 = [
            pltpu.async_copy(table_hbm.at[idxT.at[2 * j, pl.ds(0, H0)]],
                             g0.at[pl.ds(j * H0, H0), :], sg0)
            for j in range(NSPARSE)
        ]
        gath1 = [
            pltpu.async_copy(table_hbm.at[idxT.at[2 * j + 1]],
                             g1.at[pl.ds(j * H1, H1), :], sg1)
            for j in range(NSPARSE)
        ]

        @pl.when(i > 0)
        def _():
            pltpu.make_async_copy(a0, out_hbm.at[b, pl.ds(0, H0), :],
                                  so0).wait()

        for cp in gath0:
            cp.wait()
        assemble(g0, a0, 0, H0, od, dvC)
        pltpu.async_copy(a0, out_hbm.at[b, pl.ds(0, H0), :], so0)

        @pl.when(i > 0)
        def _():
            pltpu.make_async_copy(a1, out_hbm.at[b, pl.ds(H0, R1), :],
                                  so1).wait()

        for cp in gath1:
            cp.wait()
        assemble(g1, a1, H0, H1, od, dvC)
        pltpu.async_copy(a1, out_hbm.at[b, pl.ds(H0, R1), :], so1)
        return carry

    fire_loads(0)
    lax.fori_loop(0, TRIPS, chunk, 0)
    pltpu.make_async_copy(a0, out_hbm.at[0, pl.ds(0, H0), :], so0).wait()
    pltpu.make_async_copy(a1, out_hbm.at[0, pl.ds(H0, R1), :], so1).wait()


@jax.jit
def _sc_call(ids_g, dense, table):
    return pl.kernel(
        _sc_body,
        out_type=jax.ShapeDtypeStruct((B, S_PAD, W_PAD), jnp.float32),
        mesh=plsc.VectorSubcoreMesh(
            core_axis_name="c", subcore_axis_name="s",
            num_cores=NC, num_subcores=NS,
        ),
        scratch_types=[
            pltpu.VMEM((2, IDS_WIN, 128), jnp.int32),
            pltpu.VMEM((2, DV_WIN, 128), jnp.float32),
            pltpu.VMEM((2 * NSPARSE, H1), jnp.int32),
            pltpu.VMEM((H0 * NSPARSE, EMB), jnp.float32),
            pltpu.VMEM((H1 * NSPARSE, EMB), jnp.float32),
            pltpu.VMEM((H0, W_PAD), jnp.float32),
            pltpu.VMEM((R1, W_PAD), jnp.float32),
            pltpu.SemaphoreType.DMA,
            pltpu.SemaphoreType.DMA,
            pltpu.SemaphoreType.DMA,
            pltpu.SemaphoreType.DMA,
            pltpu.SemaphoreType.DMA,
        ],
        compiler_params=pltpu.CompilerParams(
            use_tc_tiling_on_sc=False, needs_layout_passes=False),
    )(ids_g, dense, table)


def kernel(x, emb0):
    ids_g = x[:, :, 1:].astype(jnp.int32).reshape(IDS_ROWS, 128)
    dense = x[:, :, 0].reshape(DV_ROWS, 128)
    out = _sc_call(ids_g, dense, emb0)
    return out[:, :S, :OUT_W]

# --- scband reference (transcript-rebuilt; emitter-appended) ---
"""Pipeline reference for scband-embmodel-22926535426443 (READ-ONLY COPY).

The authoritative reference and input builder live on the scoring server;
editing this copy changes nothing except your own understanding.
"""

import jax, jax.numpy as jnp
import numpy as np

NUM_IDS = 1000000
EMB_SIZE = 32
FEATURE_TYPES = ['dense'] + ['sparse'] * 25


def setup_inputs(seed: int = 0) -> dict:
    key = jax.random.key(seed)
    k1, k2 = jax.random.split(key)
    # x holds dense values and sparse ids together as floats (matches torch module,
    # which casts sparse columns with .int() inside forward). Values in [0, NUM_IDS).
    x = jax.random.randint(k1, (1024, 50, 26), 0, NUM_IDS).astype(jnp.float32)
    # NOTE: the original torch module has a bug: emb_index is never incremented,
    # so every sparse feature looks up embs[0]. We faithfully reproduce that by
    # materializing only the first table and using it for all sparse columns.
    emb0 = jax.random.normal(k2, (NUM_IDS, EMB_SIZE), dtype=jnp.float32) * 0.02
    return {"x": x, "emb0": emb0}


def reference(x, emb0):
    output = []
    emb_index = 0  # bug preserved: never incremented in original forward
    for idx, ft in enumerate(FEATURE_TYPES):
        if ft == 'dense':
            output.append(x[:, :, idx:idx + 1])
        elif ft == 'sparse':
            ids = x[:, :, idx].astype(jnp.int32)
            res = jnp.take(emb0, ids, axis=0)  # embs[emb_index] == embs[0] always
            # dropout with p=0 is identity
            output.append(res)
    return jnp.concatenate(output, axis=2)

if __name__ == "__main__":
    import jax
    _d = setup_inputs()
    print(jax.jit(kernel)(*tuple(_d.values())))

</pallas_src>

<mosaic_0001>
#map = affine_map<(d0, d1) -> (0, 0)>
#map1 = affine_map<(d0, d1) -> (0, 0, 0)>
module attributes {stable_mosaic.version = 14 : i64} {
  func.func @_sc_body(%arg0: i32, %arg1: i32, %arg2: memref<10000x128xi32, #tpu.memory_space<hbm>>, %arg3: memref<400x128xf32, #tpu.memory_space<hbm>>, %arg4: memref<1000000x32xf32, #tpu.memory_space<hbm>>, %arg5: memref<1024x56x896xf32, #tpu.memory_space<hbm>>, %arg6: memref<2x11x128xi32, #tpu.memory_space<vmem>>, %arg7: memref<2x2x128xf32, #tpu.memory_space<vmem>>, %arg8: memref<50x26xi32, #tpu.memory_space<vmem>>, %arg9: memref<600x32xf32, #tpu.memory_space<vmem>>, %arg10: memref<650x32xf32, #tpu.memory_space<vmem>>, %arg11: memref<24x896xf32, #tpu.memory_space<vmem>>, %arg12: memref<32x896xf32, #tpu.memory_space<vmem>>, %arg13: memref<!tpu.dma_semaphore, #tpu.memory_space<semaphore_mem>>, %arg14: memref<!tpu.dma_semaphore, #tpu.memory_space<semaphore_mem>>, %arg15: memref<!tpu.dma_semaphore, #tpu.memory_space<semaphore_mem>>, %arg16: memref<!tpu.dma_semaphore, #tpu.memory_space<semaphore_mem>>, %arg17: memref<!tpu.dma_semaphore, #tpu.memory_space<semaphore_mem>>) attributes {dimension_semantics = [#tpu.dimension_semantics<core_parallel>, #tpu.dimension_semantics<subcore_parallel>], iteration_bounds = array<i64: 2, 16>, scalar_prefetch = 0 : i64, scratch_operands = 12 : i64, tpu.core_type = #tpu.core_type<sc_vector_subcore>, window_params = [{transform_indices = #map}, {transform_indices = #map}, {transform_indices = #map}, {transform_indices = #map1}]} {
    %mul3A = arith.constant 2 : i32
    %mul3A_0 = arith.muli %arg1, %mul3A : i32
    %add3A = arith.addi %mul3A_0, %arg0 : i32
    %iota3A = tpu.iota {dimensions = array<i32: 0>} : vector<16xi32>
    %broadcast_in_dim3A = arith.constant 0 : i32
    %broadcast_in_dim3A_1 = vector.broadcast %broadcast_in_dim3A : i32 to vector<16xi32>
    %add3A_2 = arith.constant 0 : i32
    %add3A_3 = vector.broadcast %add3A_2 : i32 to vector<16xi32>
    %add3A_4 = arith.addi %iota3A, %add3A_3 : vector<16xi32>
    %add3A_5 = arith.constant 0 : i32
    %add3A_6 = vector.broadcast %add3A_5 : i32 to vector<16xi32>
    %add3A_7 = arith.addi %add3A_4, %add3A_6 : vector<16xi32>
    %mul3A_8 = arith.constant 25 : i32
    %mul3A_9 = vector.broadcast %mul3A_8 : i32 to vector<16xi32>
    %mul3A_10 = arith.muli %add3A_7, %mul3A_9 : vector<16xi32>
    %add3A_11 = arith.constant 8 : i32
    %add3A_12 = vector.broadcast %add3A_11 : i32 to vector<16xi32>
    %add3A_13 = arith.addi %iota3A, %add3A_12 : vector<16xi32>
    %add3A_14 = arith.constant 0 : i32
    %add3A_15 = vector.broadcast %add3A_14 : i32 to vector<16xi32>
    %add3A_16 = arith.addi %add3A_13, %add3A_15 : vector<16xi32>
    %mul3A_17 = arith.constant 25 : i32
    %mul3A_18 = vector.broadcast %mul3A_17 : i32 to vector<16xi32>
    %mul3A_19 = arith.muli %add3A_16, %mul3A_18 : vector<16xi32>
    %add3A_20 = arith.constant 0 : i32
    %add3A_21 = vector.broadcast %add3A_20 : i32 to vector<16xi32>
    %add3A_22 = arith.addi %iota3A, %add3A_21 : vector<16xi32>
    %add3A_23 = arith.constant 24 : i32
    %add3A_24 = vector.broadcast %add3A_23 : i32 to vector<16xi32>
    %add3A_25 = arith.addi %add3A_22, %add3A_24 : vector<16xi32>
    %mul3A_26 = arith.constant 25 : i32
    %mul3A_27 = vector.broadcast %mul3A_26 : i32 to vector<16xi32>
    %mul3A_28 = arith.muli %add3A_25, %mul3A_27 : vector<16xi32>
    %add3A_29 = arith.constant 10 : i32
    %add3A_30 = vector.broadcast %add3A_29 : i32 to vector<16xi32>
    %add3A_31 = arith.addi %iota3A, %add3A_30 : vector<16xi32>
    %add3A_32 = arith.constant 24 : i32
    %add3A_33 = vector.broadcast %add3A_32 : i32 to vector<16xi32>
    %add3A_34 = arith.addi %add3A_31, %add3A_33 : vector<16xi32>
    %mul3A_35 = arith.constant 25 : i32
    %mul3A_36 = vector.broadcast %mul3A_35 : i32 to vector<16xi32>
    %mul3A_37 = arith.muli %add3A_34, %mul3A_36 : vector<16xi32>
    %add3A_38 = arith.constant 0 : i32
    %add3A_39 = arith.addi %add3A_38, %add3A : i32
    %mul3A_40 = arith.constant 1250 : i32
    %mul3A_41 = arith.muli %add3A_39, %mul3A_40 : i32
    %shift_right_arithmetic3A = arith.constant 7 : i32
    %shift_right_arithmetic3A_42 = arith.shrsi %mul3A_41, %shift_right_arithmetic3A : i32
    %min3A = arith.constant 9989 : i32
    %min3A_43 = arith.minsi %shift_right_arithmetic3A_42, %min3A : i32
    %mul3A_44 = arith.constant 50 : i32
    %mul3A_45 = arith.muli %add3A_39, %mul3A_44 : i32
    %shift_right_arithmetic3A_46 = arith.constant 7 : i32
    %shift_right_arithmetic3A_47 = arith.shrsi %mul3A_45, %shift_right_arithmetic3A_46 : i32
    %min3A_48 = arith.constant 398 : i32
    %min3A_49 = arith.minsi %shift_right_arithmetic3A_47, %min3A_48 : i32
    %rem3A = arith.constant 0 : i32
    %rem3A_50 = arith.constant 2 : i32
    %rem3A_51 = arith.remsi %rem3A, %rem3A_50 : i32
    %dma_start3A = arith.constant 0 : i32
    %dma_start3A_52 = arith.constant 0 : i32
    %dma_start3A_53 = tpu.memref_slice %arg6[%rem3A_51, %dma_start3A, %dma_start3A_52] : memref<2x11x128xi32, #tpu.memory_space<vmem>> -> memref<1x11x128xi32, #tpu.memory_space<vmem>>
    %dma_start3A_54 = tpu.memref_squeeze %dma_start3A_53 : memref<1x11x128xi32, #tpu.memory_space<vmem>> -> memref<11x128xi32, #tpu.memory_space<vmem>>
    %dma_start3A_55 = arith.constant 0 : i32
    %dma_start3A_56 = tpu.memref_slice %arg2[%min3A_43, %dma_start3A_55] : memref<10000x128xi32, #tpu.memory_space<hbm>> -> memref<11x128xi32, #tpu.memory_space<hbm>>
    %dma_start3A_57 = arith.constant 0 : i32
    %dma_start3A_58 = arith.constant 0 : i32
    %dma_start3A_59 = tpu.memref_slice %arg6[%rem3A_51, %dma_start3A_57, %dma_start3A_58] : memref<2x11x128xi32, #tpu.memory_space<vmem>> -> memref<1x11x128xi32, #tpu.memory_space<vmem>>
    %dma_start3A_60 = tpu.memref_squeeze %dma_start3A_59 : memref<1x11x128xi32, #tpu.memory_space<vmem>> -> memref<11x128xi32, #tpu.memory_space<vmem>>
    %dma_start3A_61 = arith.constant 0 : i32
    %dma_start3A_62 = tpu.memref_slice %arg2[%min3A_43, %dma_start3A_61] : memref<10000x128xi32, #tpu.memory_space<hbm>> -> memref<11x128xi32, #tpu.memory_space<hbm>>
    tpu.enqueue_dma source(%dma_start3A_62 : memref<11x128xi32, #tpu.memory_space<hbm>>) target(%dma_start3A_60 : memref<11x128xi32, #tpu.memory_space<vmem>>) target_semaphore(%arg17 : memref<!tpu.dma_semaphore, #tpu.memory_space<semaphore_mem>>)
    %dma_start3A_63 = arith.constant 0 : i32
    %dma_start3A_64 = arith.constant 0 : i32
    %dma_start3A_65 = tpu.memref_slice %arg7[%rem3A_51, %dma_start3A_63, %dma_start3A_64] : memref<2x2x128xf32, #tpu.memory_space<vmem>> -> memref<1x2x128xf32, #tpu.memory_space<vmem>>
    %dma_start3A_66 = tpu.memref_squeeze %dma_start3A_65 : memref<1x2x128xf32, #tpu.memory_space<vmem>> -> memref<2x128xf32, #tpu.memory_space<vmem>>
    %dma_start3A_67 = arith.constant 0 : i32
    %dma_start3A_68 = tpu.memref_slice %arg3[%min3A_49, %dma_start3A_67] : memref<400x128xf32, #tpu.memory_space<hbm>> -> memref<2x128xf32, #tpu.memory_space<hbm>>
    %dma_start3A_69 = arith.constant 0 : i32
    %dma_start3A_70 = arith.constant 0 : i32
    %dma_start3A_71 = tpu.memref_slice %arg7[%rem3A_51, %dma_start3A_69, %dma_start3A_70] : memref<2x2x128xf32, #tpu.memory_space<vmem>> -> memref<1x2x128xf32, #tpu.memory_space<vmem>>
    %dma_start3A_72 = tpu.memref_squeeze %dma_start3A_71 : memref<1x2x128xf32, #tpu.memory_space<vmem>> -> memref<2x128xf32, #tpu.memory_space<vmem>>
    %dma_start3A_73 = arith.constant 0 : i32
    %dma_start3A_74 = tpu.memref_slice %arg3[%min3A_49, %dma_start3A_73] : memref<400x128xf32, #tpu.memory_space<hbm>> -> memref<2x128xf32, #tpu.memory_space<hbm>>
    tpu.enqueue_dma source(%dma_start3A_74 : memref<2x128xf32, #tpu.memory_space<hbm>>) target(%dma_start3A_72 : memref<2x128xf32, #tpu.memory_space<vmem>>) target_semaphore(%arg17 : memref<!tpu.dma_semaphore, #tpu.memory_space<semaphore_mem>>)
    %scan3A = arith.constant 0 : i32
    %scan3A_75 = arith.constant 0 : i32
    %scan3A_76 = arith.constant 32 : i32
    %scan3A_77 = arith.addi %scan3A_75, %scan3A_76 : i32
    %scan3A_78 = arith.constant 1 : i32
    scf.for %scan3A_97 = %scan3A_75 to %scan3A_77 step %scan3A_78  : i32 {
      %mul3A_98 = arith.constant 32 : i32
      %mul3A_99 = arith.muli %scan3A_97, %mul3A_98 : i32
      %add3A_100 = arith.addi %mul3A_99, %add3A : i32
      %mul3A_101 = arith.constant 1250 : i32
      %mul3A_102 = arith.muli %add3A_100, %mul3A_101 : i32
      %shift_right_arithmetic3A_103 = arith.constant 7 : i32
      %shift_right_arithmetic3A_104 = arith.shrsi %mul3A_102, %shift_right_arithmetic3A_103 : i32
      %min3A_105 = arith.constant 9989 : i32
      %min3A_106 = arith.minsi %shift_right_arithmetic3A_104, %min3A_105 : i32
      %mul3A_107 = arith.constant 1250 : i32
      %mul3A_108 = arith.muli %add3A_100, %mul3A_107 : i32
      %shift_left3A = arith.constant 7 : i32
      %shift_left3A_109 = arith.shli %min3A_106, %shift_left3A : i32
      %sub3A = arith.subi %mul3A_108, %shift_left3A_109 : i32
      %mul3A_110 = arith.constant 50 : i32
      %mul3A_111 = arith.muli %add3A_100, %mul3A_110 : i32
      %shift_right_arithmetic3A_112 = arith.constant 7 : i32
      %shift_right_arithmetic3A_113 = arith.shrsi %mul3A_111, %shift_right_arithmetic3A_112 : i32
      %min3A_114 = arith.constant 398 : i32
      %min3A_115 = arith.minsi %shift_right_arithmetic3A_113, %min3A_114 : i32
      %mul3A_116 = arith.constant 50 : i32
      %mul3A_117 = arith.muli %add3A_100, %mul3A_116 : i32
      %shift_left3A_118 = arith.constant 7 : i32
      %shift_left3A_119 = arith.shli %min3A_115, %shift_left3A_118 : i32
      %sub3A_120 = arith.subi %mul3A_117, %shift_left3A_119 : i32
      %rem3A_121 = arith.constant 2 : i32
      %rem3A_122 = arith.remsi %scan3A_97, %rem3A_121 : i32
      %dma_wait3A_123 = arith.constant 0 : i32
      %dma_wait3A_124 = arith.constant 0 : i32
      %dma_wait3A_125 = arith.constant 0 : i32
      %dma_wait3A_126 = tpu.memref_slice %arg6[%dma_wait3A_123, %dma_wait3A_124, %dma_wait3A_125] : memref<2x11x128xi32, #tpu.memory_space<vmem>> -> memref<1x11x128xi32, #tpu.memory_space<vmem>>
      %dma_wait3A_127 = tpu.memref_squeeze %dma_wait3A_126 : memref<1x11x128xi32, #tpu.memory_space<vmem>> -> memref<11x128xi32, #tpu.memory_space<vmem>>
      %dma_wait3A_128 = arith.constant 0 : i32
      %dma_wait3A_129 = arith.constant 0 : i32
      %dma_wait3A_130 = tpu.memref_slice %arg2[%dma_wait3A_128, %dma_wait3A_129] : memref<10000x128xi32, #tpu.memory_space<hbm>> -> memref<11x128xi32, #tpu.memory_space<hbm>>
      %dma_wait3A_131 = arith.constant 0 : i32
      %dma_wait3A_132 = arith.constant 0 : i32
      %dma_wait3A_133 = tpu.memref_slice %arg6[%dma_wait3A_123, %dma_wait3A_131, %dma_wait3A_132] : memref<2x11x128xi32, #tpu.memory_space<vmem>> -> memref<1x11x128xi32, #tpu.memory_space<vmem>>
      %dma_wait3A_134 = tpu.memref_squeeze %dma_wait3A_133 : memref<1x11x128xi32, #tpu.memory_space<vmem>> -> memref<11x128xi32, #tpu.memory_space<vmem>>
      %dma_wait3A_135 = arith.constant 0 : i32
      %dma_wait3A_136 = arith.constant 0 : i32
      %dma_wait3A_137 = tpu.memref_slice %arg2[%dma_wait3A_135, %dma_wait3A_136] : memref<10000x128xi32, #tpu.memory_space<hbm>> -> memref<11x128xi32, #tpu.memory_space<hbm>>
      tpu.wait_dma2 semaphore(%arg17 : memref<!tpu.dma_semaphore, #tpu.memory_space<semaphore_mem>>) src(%dma_wait3A_137 : memref<11x128xi32, #tpu.memory_space<hbm>>) dst(%dma_wait3A_134 : memref<11x128xi32, #tpu.memory_space<vmem>>)
      %dma_wait3A_138 = arith.constant 0 : i32
      %dma_wait3A_139 = arith.constant 0 : i32
      %dma_wait3A_140 = arith.constant 0 : i32
      %dma_wait3A_141 = tpu.memref_slice %arg7[%dma_wait3A_138, %dma_wait3A_139, %dma_wait3A_140] : memref<2x2x128xf32, #tpu.memory_space<vmem>> -> memref<1x2x128xf32, #tpu.memory_space<vmem>>
      %dma_wait3A_142 = tpu.memref_squeeze %dma_wait3A_141 : memref<1x2x128xf32, #tpu.memory_space<vmem>> -> memref<2x128xf32, #tpu.memory_space<vmem>>
      %dma_wait3A_143 = arith.constant 0 : i32
      %dma_wait3A_144 = arith.constant 0 : i32
      %dma_wait3A_145 = tpu.memref_slice %arg3[%dma_wait3A_143, %dma_wait3A_144] : memref<400x128xf32, #tpu.memory_space<hbm>> -> memref<2x128xf32, #tpu.memory_space<hbm>>
      %dma_wait3A_146 = arith.constant 0 : i32
      %dma_wait3A_147 = arith.constant 0 : i32
      %dma_wait3A_148 = tpu.memref_slice %arg7[%dma_wait3A_138, %dma_wait3A_146, %dma_wait3A_147] : memref<2x2x128xf32, #tpu.memory_space<vmem>> -> memref<1x2x128xf32, #tpu.memory_space<vmem>>
      %dma_wait3A_149 = tpu.memref_squeeze %dma_wait3A_148 : memref<1x2x128xf32, #tpu.memory_space<vmem>> -> memref<2x128xf32, #tpu.memory_space<vmem>>
      %dma_wait3A_150 = arith.constant 0 : i32
      %dma_wait3A_151 = arith.constant 0 : i32
      %dma_wait3A_152 = tpu.memref_slice %arg3[%dma_wait3A_150, %dma_wait3A_151] : memref<400x128xf32, #tpu.memory_space<hbm>> -> memref<2x128xf32, #tpu.memory_space<hbm>>
      tpu.wait_dma2 semaphore(%arg17 : memref<!tpu.dma_semaphore, #tpu.memory_space<semaphore_mem>>) src(%dma_wait3A_152 : memref<2x128xf32, #tpu.memory_space<hbm>>) dst(%dma_wait3A_149 : memref<2x128xf32, #tpu.memory_space<vmem>>)
      %add3A_153 = arith.constant 1 : i32
      %add3A_154 = arith.addi %scan3A_97, %add3A_153 : i32
      %lt3A = arith.constant 32 : i32
      %lt3A_155 = arith.cmpi slt, %add3A_154, %lt3A : i32
      %convert_element_type3A = arith.extui %lt3A_155 : i1 to i32
      %cond3A = arith.constant 0 : i32
      %cond3A_156 = arith.cmpi ne, %convert_element_type3A, %cond3A : i32
      scf.if %cond3A_156 {
        %add3A_3179 = arith.constant 1 : i32
        %add3A_3180 = arith.addi %scan3A_97, %add3A_3179 : i32
        %mul3A_3181 = arith.constant 32 : i32
        %mul3A_3182 = arith.muli %add3A_3180, %mul3A_3181 : i32
        %add3A_3183 = arith.addi %mul3A_3182, %add3A : i32
        %mul3A_3184 = arith.constant 1250 : i32
        %mul3A_3185 = arith.muli %add3A_3183, %mul3A_3184 : i32
        %shift_right_arithmetic3A_3186 = arith.constant 7 : i32
        %shift_right_arithmetic3A_3187 = arith.shrsi %mul3A_3185, %shift_right_arithmetic3A_3186 : i32
        %min3A_3188 = arith.constant 9989 : i32
        %min3A_3189 = arith.minsi %shift_right_arithmetic3A_3187, %min3A_3188 : i32
        %mul3A_3190 = arith.constant 50 : i32
        %mul3A_3191 = arith.muli %add3A_3183, %mul3A_3190 : i32
        %shift_right_arithmetic3A_3192 = arith.constant 7 : i32
        %shift_right_arithmetic3A_3193 = arith.shrsi %mul3A_3191, %shift_right_arithmetic3A_3192 : i32
        %min3A_3194 = arith.constant 398 : i32
        %min3A_3195 = arith.minsi %shift_right_arithmetic3A_3193, %min3A_3194 : i32
        %rem3A_3196 = arith.constant 2 : i32
        %rem3A_3197 = arith.remsi %add3A_3180, %rem3A_3196 : i32
        %dma_start3A_3198 = arith.constant 0 : i32
        %dma_start3A_3199 = arith.constant 0 : i32
        %dma_start3A_3200 = tpu.memref_slice %arg6[%rem3A_3197, %dma_start3A_3198, %dma_start3A_3199] : memref<2x11x128xi32, #tpu.memory_space<vmem>> -> memref<1x11x128xi32, #tpu.memory_space<vmem>>
        %dma_start3A_3201 = tpu.memref_squeeze %dma_start3A_3200 : memref<1x11x128xi32, #tpu.memory_space<vmem>> -> memref<11x128xi32, #tpu.memory_space<vmem>>
        %dma_start3A_3202 = arith.constant 0 : i32
        %dma_start3A_3203 = tpu.memref_slice %arg2[%min3A_3189, %dma_start3A_3202] : memref<10000x128xi32, #tpu.memory_space<hbm>> -> memref<11x128xi32, #tpu.memory_space<hbm>>
        %dma_start3A_3204 = arith.constant 0 : i32
        %dma_start3A_3205 = arith.constant 0 : i32
        %dma_start3A_3206 = tpu.memref_slice %arg6[%rem3A_3197, %dma_start3A_3204, %dma_start3A_3205] : memref<2x11x128xi32, #tpu.memory_space<vmem>> -> memref<1x11x128xi32, #tpu.memory_space<vmem>>
        %dma_start3A_3207 = tpu.memref_squeeze %dma_start3A_3206 : memref<1x11x128xi32, #tpu.memory_space<vmem>> -> memref<11x128xi32, #tpu.memory_space<vmem>>
        %dma_start3A_3208 = arith.constant 0 : i32
        %dma_start3A_3209 = tpu.memref_slice %arg2[%min3A_3189, %dma_start3A_3208] : memref<10000x128xi32, #tpu.memory_space<hbm>> -> memref<11x128xi32, #tpu.memory_space<hbm>>
        tpu.enqueue_dma source(%dma_start3A_3209 : memref<11x128xi32, #tpu.memory_space<hbm>>) target(%dma_start3A_3207 : memref<11x128xi32, #tpu.memory_space<vmem>>) target_semaphore(%arg17 : memref<!tpu.dma_semaphore, #tpu.memory_space<semaphore_mem>>)
        %dma_start3A_3210 = arith.constant 0 : i32
        %dma_start3A_3211 = arith.constant 0 : i32
        %dma_start3A_3212 = tpu.memref_slice %arg7[%rem3A_3197, %dma_start3A_3210, %dma_start3A_3211] : memref<2x2x128xf32, #tpu.memory_space<vmem>> -> memref<1x2x128xf32, #tpu.memory_space<vmem>>
        %dma_start3A_3213 = tpu.memref_squeeze %dma_start3A_3212 : memref<1x2x128xf32, #tpu.memory_space<vmem>> -> memref<2x128xf32, #tpu.memory_space<vmem>>
        %dma_start3A_3214 = arith.constant 0 : i32
        %dma_start3A_3215 = tpu.memref_slice %arg3[%min3A_3195, %dma_start3A_3214] : memref<400x128xf32, #tpu.memory_space<hbm>> -> memref<2x128xf32, #tpu.memory_space<hbm>>
        %dma_start3A_3216 = arith.constant 0 : i32
        %dma_start3A_3217 = arith.constant 0 : i32
        %dma_start3A_3218 = tpu.memref_slice %arg7[%rem3A_3197, %dma_start3A_3216, %dma_start3A_3217] : memref<2x2x128xf32, #tpu.memory_space<vmem>> -> memref<1x2x128xf32, #tpu.memory_space<vmem>>
        %dma_start3A_3219 = tpu.memref_squeeze %dma_start3A_3218 : memref<1x2x128xf32, #tpu.memory_space<vmem>> -> memref<2x128xf32, #tpu.memory_space<vmem>>
        %dma_start3A_3220 = arith.constant 0 : i32
        %dma_start3A_3221 = tpu.memref_slice %arg3[%min3A_3195, %dma_start3A_3220] : memref<400x128xf32, #tpu.memory_space<hbm>> -> memref<2x128xf32, #tpu.memory_space<hbm>>
        tpu.enqueue_dma source(%dma_start3A_3221 : memref<2x128xf32, #tpu.memory_space<hbm>>) target(%dma_start3A_3219 : memref<2x128xf32, #tpu.memory_space<vmem>>) target_semaphore(%arg17 : memref<!tpu.dma_semaphore, #tpu.memory_space<semaphore_mem>>)
      } else {
      }
      %add3A_157 = arith.constant 0 : i32
      %add3A_158 = arith.addi %sub3A, %add3A_157 : i32
      %add3A_159 = vector.broadcast %add3A_158 : i32 to vector<16xi32>
      %add3A_160 = arith.addi %mul3A_10, %add3A_159 : vector<16xi32>
      %shift_right_arithmetic3A_161 = arith.constant 7 : i32
      %shift_right_arithmetic3A_162 = vector.broadcast %shift_right_arithmetic3A_161 : i32 to vector<16xi32>
      %shift_right_arithmetic3A_163 = arith.shrsi %add3A_160, %shift_right_arithmetic3A_162 : vector<16xi32>
      %and3A = arith.constant 127 : i32
      %and3A_164 = vector.broadcast %and3A : i32 to vector<16xi32>
      %and3A_165 = arith.andi %add3A_160, %and3A_164 : vector<16xi32>
      %gather3A = arith.constant 0 : i32
      %gather3A_166 = arith.constant 0 : i32
      %gather3A_167 = tpu.memref_slice %arg6[%rem3A_122, %gather3A, %gather3A_166] : memref<2x11x128xi32, #tpu.memory_space<vmem>> -> memref<1x11x128xi32, #tpu.memory_space<vmem>>
      %gather3A_168 = tpu.memref_squeeze %gather3A_167 : memref<1x11x128xi32, #tpu.memory_space<vmem>> -> memref<11x128xi32, #tpu.memory_space<vmem>>
      %gather3A_169 = tpu.vector_load_idx %gather3A_168[%shift_right_arithmetic3A_163, %and3A_165] : memref<11x128xi32, #tpu.memory_space<vmem>>[vector<16xi32>, vector<16xi32>], vector<16xi32>,
      %swap3A = arith.constant 0 : i32
      %swap3A_170 = arith.index_cast %swap3A : i32 to index
      %swap3A_171 = arith.constant 0 : index
      %swap3A_172 = tpu.vector_load %arg8[%swap3A_170, %swap3A_171] {strides = array<i32>} : memref<50x26xi32, #tpu.memory_space<vmem>>, vector<16xi32>,
      tpu.vector_store %arg8[%swap3A_170, %swap3A_171], %gather3A_169 {strides = array<i32>} : memref<50x26xi32, #tpu.memory_space<vmem>>, vector<16xi32>,
      %add3A_173 = arith.constant 0 : i32
      %add3A_174 = arith.addi %sub3A, %add3A_173 : i32
      %add3A_175 = vector.broadcast %add3A_174 : i32 to vector<16xi32>
      %add3A_176 = arith.addi %mul3A_19, %add3A_175 : vector<16xi32>
      %shift_right_arithmetic3A_177 = arith.constant 7 : i32
      %shift_right_arithmetic3A_178 = vector.broadcast %shift_right_arithmetic3A_177 : i32 to vector<16xi32>
      %shift_right_arithmetic3A_179 = arith.shrsi %add3A_176, %shift_right_arithmetic3A_178 : vector<16xi32>
      %and3A_180 = arith.constant 127 : i32
      %and3A_181 = vector.broadcast %and3A_180 : i32 to vector<16xi32>
      %and3A_182 = arith.andi %add3A_176, %and3A_181 : vector<16xi32>
      %gather3A_183 = arith.constant 0 : i32
      %gather3A_184 = arith.constant 0 : i32
      %gather3A_185 = tpu.memref_slice %arg6[%rem3A_122, %gather3A_183, %gather3A_184] : memref<2x11x128xi32, #tpu.memory_space<vmem>> -> memref<1x11x128xi32, #tpu.memory_space<vmem>>
      %gather3A_186 = tpu.memref_squeeze %gather3A_185 : memref<1x11x128xi32, #tpu.memory_space<vmem>> -> memref<11x128xi32, #tpu.memory_space<vmem>>
      %gather3A_187 = tpu.vector_load_idx %gather3A_186[%shift_right_arithmetic3A_179, %and3A_182] : memref<11x128xi32, #tpu.memory_space<vmem>>[vector<16xi32>, vector<16xi32>], vector<16xi32>,
      %swap3A_188 = arith.constant 0 : i32
      %swap3A_189 = arith.index_cast %swap3A_188 : i32 to index
      %swap3A_190 = arith.constant 8 : index
      %swap3A_191 = tpu.vector_load %arg8[%swap3A_189, %swap3A_190] {strides = array<i32>} : memref<50x26xi32, #tpu.memory_space<vmem>>, vector<16xi32>,
      tpu.vector_store %arg8[%swap3A_189, %swap3A_190], %gather3A_187 {strides = array<i32>} : memref<50x26xi32, #tpu.memory_space<vmem>>, vector<16xi32>,
      %add3A_192 = arith.constant 0 : i32
      %add3A_193 = arith.addi %sub3A, %add3A_192 : i32
      %add3A_194 = vector.broadcast %add3A_193 : i32 to vector<16xi32>
      %add3A_195 = arith.addi %mul3A_28, %add3A_194 : vector<16xi32>
      %shift_right_arithmetic3A_196 = arith.constant 7 : i32
      %shift_right_arithmetic3A_197 = vector.broadcast %shift_right_arithmetic3A_196 : i32 to vector<16xi32>
      %shift_right_arithmetic3A_198 = arith.shrsi %add3A_195, %shift_right_arithmetic3A_197 : vector<16xi32>
      %and3A_199 = arith.constant 127 : i32
      %and3A_200 = vector.broadcast %and3A_199 : i32 to vector<16xi32>
      %and3A_201 = arith.andi %add3A_195, %and3A_200 : vector<16xi32>
      %gather3A_202 = arith.constant 0 : i32
      %gather3A_203 = arith.constant 0 : i32
      %gather3A_204 = tpu.memref_slice %arg6[%rem3A_122, %gather3A_202, %gather3A_203] : memref<2x11x128xi32, #tpu.memory_space<vmem>> -> memref<1x11x128xi32, #tpu.memory_space<vmem>>
      %gather3A_205 = tpu.memref_squeeze %gather3A_204 : memref<1x11x128xi32, #tpu.memory_space<vmem>> -> memref<11x128xi32, #tpu.memory_space<vmem>>
      %gather3A_206 = tpu.vector_load_idx %gather3A_205[%shift_right_arithmetic3A_198, %and3A_201] : memref<11x128xi32, #tpu.memory_space<vmem>>[vector<16xi32>, vector<16xi32>], vector<16xi32>,
      %swap3A_207 = arith.constant 1 : i32
      %swap3A_208 = arith.index_cast %swap3A_207 : i32 to index
      %swap3A_209 = arith.constant 0 : index
      %swap3A_210 = tpu.vector_load %arg8[%swap3A_208, %swap3A_209] {strides = array<i32>} : memref<50x26xi32, #tpu.memory_space<vmem>>, vector<16xi32>,
      tpu.vector_store %arg8[%swap3A_208, %swap3A_209], %gather3A_206 {strides = array<i32>} : memref<50x26xi32, #tpu.memory_space<vmem>>, vector<16xi32>,
      %add3A_211 = arith.constant 0 : i32
      %add3A_212 = arith.addi %sub3A, %add3A_211 : i32
      %add3A_213 = vector.broadcast %add3A_212 : i32 to vector<16xi32>
      %add3A_214 = arith.addi %mul3A_37, %add3A_213 : vector<16xi32>
      %shift_right_arithmetic3A_215 = arith.constant 7 : i32
      %shift_right_arithmetic3A_216 = vector.broadcast %shift_right_arithmetic3A_215 : i32 to vector<16xi32>
      %shift_right_arithmetic3A_217 = arith.shrsi %add3A_214, %shift_right_arithmetic3A_216 : vector<16xi32>
      %and3A_218 = arith.constant 127 : i32
      %and3A_219 = vector.broadcast %and3A_218 : i32 to vector<16xi32>
      %and3A_220 = arith.andi %add3A_214, %and3A_219 : vector<16xi32>
      %gather3A_221 = arith.constant 0 : i32
      %gather3A_222 = arith.constant 0 : i32
      %gather3A_223 = tpu.memref_slice %arg6[%rem3A_122, %gather3A_221, %gather3A_222] : memref<2x11x128xi32, #tpu.memory_space<vmem>> -> memref<1x11x128xi32, #tpu.memory_space<vmem>>
      %gather3A_224 = tpu.memref_squeeze %gather3A_223 : memref<1x11x128xi32, #tpu.memory_space<vmem>> -> memref<11x128xi32, #tpu.memory_space<vmem>>
      %gather3A_225 = tpu.vector_load_idx %gather3A_224[%shift_right_arithmetic3A_217, %and3A_220] : memref<11x128xi32, #tpu.memory_space<vmem>>[vector<16xi32>, vector<16xi32>], vector<16xi32>,
      %swap3A_226 = arith.constant 1 : i32
      %swap3A_227 = arith.index_cast %swap3A_226 : i32 to index
      %swap3A_228 = arith.constant 10 : index
      %swap3A_229 = tpu.vector_load %arg8[%swap3A_227, %swap3A_228] {strides = array<i32>} : memref<50x26xi32, #tpu.memory_space<vmem>>, vector<16xi32>,
      tpu.vector_store %arg8[%swap3A_227, %swap3A_228], %gather3A_225 {strides = array<i32>} : memref<50x26xi32, #tpu.memory_space<vmem>>, vector<16xi32>,
      %add3A_230 = arith.constant 1 : i32
      %add3A_231 = arith.addi %sub3A, %add3A_230 : i32
      %add3A_232 = vector.broadcast %add3A_231 : i32 to vector<16xi32>
      %add3A_233 = arith.addi %mul3A_10, %add3A_232 : vector<16xi32>
      %shift_right_arithmetic3A_234 = arith.constant 7 : i32
      %shift_right_arithmetic3A_235 = vector.broadcast %shift_right_arithmetic3A_234 : i32 to vector<16xi32>
      %shift_right_arithmetic3A_236 = arith.shrsi %add3A_233, %shift_right_arithmetic3A_235 : vector<16xi32>
      %and3A_237 = arith.constant 127 : i32
      %and3A_238 = vector.broadcast %and3A_237 : i32 to vector<16xi32>
      %and3A_239 = arith.andi %add3A_233, %and3A_238 : vector<16xi32>
      %gather3A_240 = arith.constant 0 : i32
      %gather3A_241 = arith.constant 0 : i32
      %gather3A_242 = tpu.memref_slice %arg6[%rem3A_122, %gather3A_240, %gather3A_241] : memref<2x11x128xi32, #tpu.memory_space<vmem>> -> memref<1x11x128xi32, #tpu.memory_space<vmem>>
      %gather3A_243 = tpu.memref_squeeze %gather3A_242 : memref<1x11x128xi32, #tpu.memory_space<vmem>> -> memref<11x128xi32, #tpu.memory_space<vmem>>
      %gather3A_244 = tpu.vector_load_idx %gather3A_243[%shift_right_arithmetic3A_236, %and3A_239] : memref<11x128xi32, #tpu.memory_space<vmem>>[vector<16xi32>, vector<16xi32>], vector<16xi32>,
      %swap3A_245 = arith.constant 2 : i32
      %swap3A_246 = arith.index_cast %swap3A_245 : i32 to index
      %swap3A_247 = arith.constant 0 : index
      %swap3A_248 = tpu.vector_load %arg8[%swap3A_246, %swap3A_247] {strides = array<i32>} : memref<50x26xi32, #tpu.memory_space<vmem>>, vector<16xi32>,
      tpu.vector_store %arg8[%swap3A_246, %swap3A_247], %gather3A_244 {strides = array<i32>} : memref<50x26xi32, #tpu.memory_space<vmem>>, vector<16xi32>,
      %add3A_249 = arith.constant 1 : i32
      %add3A_250 = arith.addi %sub3A, %add3A_249 : i32
      %add3A_251 = vector.broadcast %add3A_250 : i32 to vector<16xi32>
      %add3A_252 = arith.addi %mul3A_19, %add3A_251 : vector<16xi32>
      %shift_right_arithmetic3A_253 = arith.constant 7 : i32
      %shift_right_arithmetic3A_254 = vector.broadcast %shift_right_arithmetic3A_253 : i32 to vector<16xi32>
      %shift_right_arithmetic3A_255 = arith.shrsi %add3A_252, %shift_right_arithmetic3A_254 : vector<16xi32>
      %and3A_256 = arith.constant 127 : i32
      %and3A_257 = vector.broadcast %and3A_256 : i32 to vector<16xi32>
      %and3A_258 = arith.andi %add3A_252, %and3A_257 : vector<16xi32>
      %gather3A_259 = arith.constant 0 : i32
      %gather3A_260 = arith.constant 0 : i32
      %gather3A_261 = tpu.memref_slice %arg6[%rem3A_122, %gather3A_259, %gather3A_260] : memref<2x11x128xi32, #tpu.memory_space<vmem>> -> memref<1x11x128xi32, #tpu.memory_space<vmem>>
      %gather3A_262 = tpu.memref_squeeze %gather3A_261 : memref<1x11x128xi32, #tpu.memory_space<vmem>> -> memref<11x128xi32, #tpu.memory_space<vmem>>
      %gather3A_263 = tpu.vector_load_idx %gather3A_262[%shift_right_arithmetic3A_255, %and3A_258] : memref<11x128xi32, #tpu.memory_space<vmem>>[vector<16xi32>, vector<16xi32>], vector<16xi32>,
      %swap3A_264 = arith.constant 2 : i32
      %swap3A_265 = arith.index_cast %swap3A_264 : i32 to index
      %swap3A_266 = arith.constant 8 : index
      %swap3A_267 = tpu.vector_load %arg8[%swap3A_265, %swap3A_266] {strides = array<i32>} : memref<50x26xi32, #tpu.memory_space<vmem>>, vector<16xi32>,
      tpu.vector_store %arg8[%swap3A_265, %swap3A_266], %gather3A_263 {strides = array<i32>} : memref<50x26xi32, #tpu.memory_space<vmem>>, vector<16xi32>,
      %add3A_268 = arith.constant 1 : i32
      %add3A_269 = arith.addi %sub3A, %add3A_268 : i32
      %add3A_270 = vector.broadcast %add3A_269 : i32 to vector<16xi32>
      %add3A_271 = arith.addi %mul3A_28, %add3A_270 : vector<16xi32>
      %shift_right_arithmetic3A_272 = arith.constant 7 : i32
      %shift_right_arithmetic3A_273 = vector.broadcast %shift_right_arithmetic3A_272 : i32 to vector<16xi32>
      %shift_right_arithmetic3A_274 = arith.shrsi %add3A_271, %shift_right_arithmetic3A_273 : vector<16xi32>
      %and3A_275 = arith.constant 127 : i32
      %and3A_276 = vector.broadcast %and3A_275 : i32 to vector<16xi32>
      %and3A_277 = arith.andi %add3A_271, %and3A_276 : vector<16xi32>
      %gather3A_278 = arith.constant 0 : i32
      %gather3A_279 = arith.constant 0 : i32
      %gather3A_280 = tpu.memref_slice %arg6[%rem3A_122, %gather3A_278, %gather3A_279] : memref<2x11x128xi32, #tpu.memory_space<vmem>> -> memref<1x11x128xi32, #tpu.memory_space<vmem>>
      %gather3A_281 = tpu.memref_squeeze %gather3A_280 : memref<1x11x128xi32, #tpu.memory_space<vmem>> -> memref<11x128xi32, #tpu.memory_space<vmem>>
      %gather3A_282 = tpu.vector_load_idx %gather3A_281[%shift_right_arithmetic3A_274, %and3A_277] : memref<11x128xi32, #tpu.memory_space<vmem>>[vector<16xi32>, vector<16xi32>], vector<16xi32>,
      %swap3A_283 = arith.constant 3 : i32
      %swap3A_284 = arith.index_cast %swap3A_283 : i32 to index
      %swap3A_285 = arith.constant 0 : index
      %swap3A_286 = tpu.vector_load %arg8[%swap3A_284, %swap3A_285] {strides = array<i32>} : memref<50x26xi32, #tpu.memory_space<vmem>>, vector<16xi32>,
      tpu.vector_store %arg8[%swap3A_284, %swap3A_285], %gather3A_282 {strides = array<i32>} : memref<50x26xi32, #tpu.memory_space<vmem>>, vector<16xi32>,
      %add3A_287 = arith.constant 1 : i32
      %add3A_288 = arith.addi %sub3A, %add3A_287 : i32
      %add3A_289 = vector.broadcast %add3A_288 : i32 to vector<16xi32>
      %add3A_290 = arith.addi %mul3A_37, %add3A_289 : vector<16xi32>
      %shift_right_arithmetic3A_291 = arith.constant 7 : i32
      %shift_right_arithmetic3A_292 = vector.broadcast %shift_right_arithmetic3A_291 : i32 to vector<16xi32>
      %shift_right_arithmetic3A_293 = arith.shrsi %add3A_290, %shift_right_arithmetic3A_292 : vector<16xi32>
      %and3A_294 = arith.constant 127 : i32
      %and3A_295 = vector.broadcast %and3A_294 : i32 to vector<16xi32>
      %and3A_296 = arith.andi %add3A_290, %and3A_295 : vector<16xi32>
      %gather3A_297 = arith.constant 0 : i32
      %gather3A_298 = arith.constant 0 : i32
      %gather3A_299 = tpu.memref_slice %arg6[%rem3A_122, %gather3A_297, %gather3A_298] : memref<2x11x128xi32, #tpu.memory_space<vmem>> -> memref<1x11x128xi32, #tpu.memory_space<vmem>>
      %gather3A_300 = tpu.memref_squeeze %gather3A_299 : memref<1x11x128xi32, #tpu.memory_space<vmem>> -> memref<11x128xi32, #tpu.memory_space<vmem>>
      %gather3A_301 = tpu.vector_load_idx %gather3A_300[%shift_right_arithmetic3A_293, %and3A_296] : memref<11x128xi32, #tpu.memory_space<vmem>>[vector<16xi32>, vector<16xi32>], vector<16xi32>,
      %swap3A_302 = arith.constant 3 : i32
      %swap3A_303 = arith.index_cast %swap3A_302 : i32 to index
      %swap3A_304 = arith.constant 10 : index
      %swap3A_305 = tpu.vector_load %arg8[%swap3A_303, %swap3A_304] {strides = array<i32>} : memref<50x26xi32, #tpu.memory_space<vmem>>, vector<16xi32>,
      tpu.vector_store %arg8[%swap3A_303, %swap3A_304], %gather3A_301 {strides = array<i32>} : memref<50x26xi32, #tpu.memory_space<vmem>>, vector<16xi32>,
      %add3A_306 = arith.constant 2 : i32
      %add3A_307 = arith.addi %sub3A, %add3A_306 : i32
      %add3A_308 = vector.broadcast %add3A_307 : i32 to vector<16xi32>
      %add3A_309 = arith.addi %mul3A_10, %add3A_308 : vector<16xi32>
      %shift_right_arithmetic3A_310 = arith.constant 7 : i32
      %shift_right_arithmetic3A_311 = vector.broadcast %shift_right_arithmetic3A_310 : i32 to vector<16xi32>
      %shift_right_arithmetic3A_312 = arith.shrsi %add3A_309, %shift_right_arithmetic3A_311 : vector<16xi32>
      %and3A_313 = arith.constant 127 : i32
      %and3A_314 = vector.broadcast %and3A_313 : i32 to vector<16xi32>
      %and3A_315 = arith.andi %add3A_309, %and3A_314 : vector<16xi32>
      %gather3A_316 = arith.constant 0 : i32
      %gather3A_317 = arith.constant 0 : i32
      %gather3A_318 = tpu.memref_slice %arg6[%rem3A_122, %gather3A_316, %gather3A_317] : memref<2x11x128xi32, #tpu.memory_space<vmem>> -> memref<1x11x128xi32, #tpu.memory_space<vmem>>
      %gather3A_319 = tpu.memref_squeeze %gather3A_318 : memref<1x11x128xi32, #tpu.memory_space<vmem>> -> memref<11x128xi32, #tpu.memory_space<vmem>>
      %gather3A_320 = tpu.vector_load_idx %gather3A_319[%shift_right_arithmetic3A_312, %and3A_315] : memref<11x128xi32, #tpu.memory_space<vmem>>[vector<16xi32>, vector<16xi32>], vector<16xi32>,
      %swap3A_321 = arith.constant 4 : i32
      %swap3A_322 = arith.index_cast %swap3A_321 : i32 to index
      %swap3A_323 = arith.constant 0 : index
      %swap3A_324 = tpu.vector_load %arg8[%swap3A_322, %swap3A_323] {strides = array<i32>} : memref<50x26xi32, #tpu.memory_space<vmem>>, vector<16xi32>,
      tpu.vector_store %arg8[%swap3A_322, %swap3A_323], %gather3A_320 {strides = array<i32>} : memref<50x26xi32, #tpu.memory_space<vmem>>, vector<16xi32>,
      %add3A_325 = arith.constant 2 : i32
      %add3A_326 = arith.addi %sub3A, %add3A_325 : i32
      %add3A_327 = vector.broadcast %add3A_326 : i32 to vector<16xi32>
      %add3A_328 = arith.addi %mul3A_19, %add3A_327 : vector<16xi32>
      %shift_right_arithmetic3A_329 = arith.constant 7 : i32
      %shift_right_arithmetic3A_330 = vector.broadcast %shift_right_arithmetic3A_329 : i32 to vector<16xi32>
      %shift_right_arithmetic3A_331 = arith.shrsi %add3A_328, %shift_right_arithmetic3A_330 : vector<16xi32>
      %and3A_332 = arith.constant 127 : i32
      %and3A_333 = vector.broadcast %and3A_332 : i32 to vector<16xi32>
      %and3A_334 = arith.andi %add3A_328, %and3A_333 : vector<16xi32>
      %gather3A_335 = arith.constant 0 : i32
      %gather3A_336 = arith.constant 0 : i32
      %gather3A_337 = tpu.memref_slice %arg6[%rem3A_122, %gather3A_335, %gather3A_336] : memref<2x11x128xi32, #tpu.memory_space<vmem>> -> memref<1x11x128xi32, #tpu.memory_space<vmem>>
      %gather3A_338 = tpu.memref_squeeze %gather3A_337 : memref<1x11x128xi32, #tpu.memory_space<vmem>> -> memref<11x128xi32, #tpu.memory_space<vmem>>
      %gather3A_339 = tpu.vector_load_idx %gather3A_338[%shift_right_arithmetic3A_331, %and3A_334] : memref<11x128xi32, #tpu.memory_space<vmem>>[vector<16xi32>, vector<16xi32>], vector<16xi32>,
      %swap3A_340 = arith.constant 4 : i32
      %swap3A_341 = arith.index_cast %swap3A_340 : i32 to index
      %swap3A_342 = arith.constant 8 : index
      %swap3A_343 = tpu.vector_load %arg8[%swap3A_341, %swap3A_342] {strides = array<i32>} : memref<50x26xi32, #tpu.memory_space<vmem>>, vector<16xi32>,
      tpu.vector_store %arg8[%swap3A_341, %swap3A_342], %gather3A_339 {strides = array<i32>} : memref<50x26xi32, #tpu.memory_space<vmem>>, vector<16xi32>,
      %add3A_344 = arith.constant 2 : i32
      %add3A_345 = arith.addi %sub3A, %add3A_344 : i32
      %add3A_346 = vector.broadcast %add3A_345 : i32 to vector<16xi32>
      %add3A_347 = arith.addi %mul3A_28, %add3A_346 : vector<16xi32>
      %shift_right_arithmetic3A_348 = arith.constant 7 : i32
      %shift_right_arithmetic3A_349 = vector.broadcast %shift_right_arithmetic3A_348 : i32 to vector<16xi32>
      %shift_right_arithmetic3A_350 = arith.shrsi %add3A_347, %shift_right_arithmetic3A_349 : vector<16xi32>
      %and3A_351 = arith.constant 127 : i32
      %and3A_352 = vector.broadcast %and3A_351 : i32 to vector<16xi32>
      %and3A_353 = arith.andi %add3A_347, %and3A_352 : vector<16xi32>
      %gather3A_354 = arith.constant 0 : i32
      %gather3A_355 = arith.constant 0 : i32
      %gather3A_356 = tpu.memref_slice %arg6[%rem3A_122, %gather3A_354, %gather3A_355] : memref<2x11x128xi32, #tpu.memory_space<vmem>> -> memref<1x11x128xi32, #tpu.memory_space<vmem>>
      %gather3A_357 = tpu.memref_squeeze %gather3A_356 : memref<1x11x128xi32, #tpu.memory_space<vmem>> -> memref<11x128xi32, #tpu.memory_space<vmem>>
      %gather3A_358 = tpu.vector_load_idx %gather3A_357[%shift_right_arithmetic3A_350, %and3A_353] : memref<11x128xi32, #tpu.memory_space<vmem>>[vector<16xi32>, vector<16xi32>], vector<16xi32>,
      %swap3A_359 = arith.constant 5 : i32
      %swap3A_360 = arith.index_cast %swap3A_359 : i32 to index
      %swap3A_361 = arith.constant 0 : index
      %swap3A_362 = tpu.vector_load %arg8[%swap3A_360, %swap3A_361] {strides = array<i32>} : memref<50x26xi32, #tpu.memory_space<vmem>>, vector<16xi32>,
      tpu.vector_store %arg8[%swap3A_360, %swap3A_361], %gather3A_358 {strides = array<i32>} : memref<50x26xi32, #tpu.memory_space<vmem>>, vector<16xi32>,
      %add3A_363 = arith.constant 2 : i32
      %add3A_364 = arith.addi %sub3A, %add3A_363 : i32
      %add3A_365 = vector.broadcast %add3A_364 : i32 to vector<16xi32>
      %add3A_366 = arith.addi %mul3A_37, %add3A_365 : vector<16xi32>
      %shift_right_arithmetic3A_367 = arith.constant 7 : i32
      %shift_right_arithmetic3A_368 = vector.broadcast %shift_right_arithmetic3A_367 : i32 to vector<16xi32>
      %shift_right_arithmetic3A_369 = arith.shrsi %add3A_366, %shift_right_arithmetic3A_368 : vector<16xi32>
      %and3A_370 = arith.constant 127 : i32
      %and3A_371 = vector.broadcast %and3A_370 : i32 to vector<16xi32>
      %and3A_372 = arith.andi %add3A_366, %and3A_371 : vector<16xi32>
      %gather3A_373 = arith.constant 0 : i32
      %gather3A_374 = arith.constant 0 : i32
      %gather3A_375 = tpu.memref_slice %arg6[%rem3A_122, %gather3A_373, %gather3A_374] : memref<2x11x128xi32, #tpu.memory_space<vmem>> -> memref<1x11x128xi32, #tpu.memory_space<vmem>>
      %gather3A_376 = tpu.memref_squeeze %gather3A_375 : memref<1x11x128xi32, #tpu.memory_space<vmem>> -> memref<11x128xi32, #tpu.memory_space<vmem>>
      %gather3A_377 = tpu.vector_load_idx %gather3A_376[%shift_right_arithmetic3A_369, %and3A_372] : memref<11x128xi32, #tpu.memory_space<vmem>>[vector<16xi32>, vector<16xi32>], vector<16xi32>,
      %swap3A_378 = arith.constant 5 : i32
      %swap3A_379 = arith.index_cast %swap3A_378 : i32 to index
      %swap3A_380 = arith.constant 10 : index
      %swap3A_381 = tpu.vector_load %arg8[%swap3A_379, %swap3A_380] {strides = array<i32>} : memref<50x26xi32, #tpu.memory_space<vmem>>, vector<16xi32>,
      tpu.vector_store %arg8[%swap3A_379, %swap3A_380], %gather3A_377 {strides = array<i32>} : memref<50x26xi32, #tpu.memory_space<vmem>>, vector<16xi32>,
      %add3A_382 = arith.constant 3 : i32
      %add3A_383 = arith.addi %sub3A, %add3A_382 : i32
      %add3A_384 = vector.broadcast %add3A_383 : i32 to vector<16xi32>
      %add3A_385 = arith.addi %mul3A_10, %add3A_384 : vector<16xi32>
      %shift_right_arithmetic3A_386 = arith.constant 7 : i32
      %shift_right_arithmetic3A_387 = vector.broadcast %shift_right_arithmetic3A_386 : i32 to vector<16xi32>
      %shift_right_arithmetic3A_388 = arith.shrsi %add3A_385, %shift_right_arithmetic3A_387 : vector<16xi32>
      %and3A_389 = arith.constant 127 : i32
      %and3A_390 = vector.broadcast %and3A_389 : i32 to vector<16xi32>
      %and3A_391 = arith.andi %add3A_385, %and3A_390 : vector<16xi32>
      %gather3A_392 = arith.constant 0 : i32
      %gather3A_393 = arith.constant 0 : i32
      %gather3A_394 = tpu.memref_slice %arg6[%rem3A_122, %gather3A_392, %gather3A_393] : memref<2x11x128xi32, #tpu.memory_space<vmem>> -> memref<1x11x128xi32, #tpu.memory_space<vmem>>
      %gather3A_395 = tpu.memref_squeeze %gather3A_394 : memref<1x11x128xi32, #tpu.memory_space<vmem>> -> memref<11x128xi32, #tpu.memory_space<vmem>>
      %gather3A_396 = tpu.vector_load_idx %gather3A_395[%shift_right_arithmetic3A_388, %and3A_391] : memref<11x128xi32, #tpu.memory_space<vmem>>[vector<16xi32>, vector<16xi32>], vector<16xi32>,
      %swap3A_397 = arith.constant 6 : i32
      %swap3A_398 = arith.index_cast %swap3A_397 : i32 to index
      %swap3A_399 = arith.constant 0 : index
      %swap3A_400 = tpu.vector_load %arg8[%swap3A_398, %swap3A_399] {strides = array<i32>} : memref<50x26xi32, #tpu.memory_space<vmem>>, vector<16xi32>,
      tpu.vector_store %arg8[%swap3A_398, %swap3A_399], %gather3A_396 {strides = array<i32>} : memref<50x26xi32, #tpu.memory_space<vmem>>, vector<16xi32>,
      %add3A_401 = arith.constant 3 : i32
      %add3A_402 = arith.addi %sub3A, %add3A_401 : i32
      %add3A_403 = vector.broadcast %add3A_402 : i32 to vector<16xi32>
      %add3A_404 = arith.addi %mul3A_19, %add3A_403 : vector<16xi32>
      %shift_right_arithmetic3A_405 = arith.constant 7 : i32
      %shift_right_arithmetic3A_406 = vector.broadcast %shift_right_arithmetic3A_405 : i32 to vector<16xi32>
      %shift_right_arithmetic3A_407 = arith.shrsi %add3A_404, %shift_right_arithmetic3A_406 : vector<16xi32>
      %and3A_408 = arith.constant 127 : i32
      %and3A_409 = vector.broadcast %and3A_408 : i32 to vector<16xi32>
      %and3A_410 = arith.andi %add3A_404, %and3A_409 : vector<16xi32>
      %gather3A_411 = arith.constant 0 : i32
      %gather3A_412 = arith.constant 0 : i32
      %gather3A_413 = tpu.memref_slice %arg6[%rem3A_122, %gather3A_411, %gather3A_412] : memref<2x11x128xi32, #tpu.memory_space<vmem>> -> memref<1x11x128xi32, #tpu.memory_space<vmem>>
      %gather3A_414 = tpu.memref_squeeze %gather3A_413 : memref<1x11x128xi32, #tpu.memory_space<vmem>> -> memref<11x128xi32, #tpu.memory_space<vmem>>
      %gather3A_415 = tpu.vector_load_idx %gather3A_414[%shift_right_arithmetic3A_407, %and3A_410] : memref<11x128xi32, #tpu.memory_space<vmem>>[vector<16xi32>, vector<16xi32>], vector<16xi32>,
      %swap3A_416 = arith.constant 6 : i32
      %swap3A_417 = arith.index_cast %swap3A_416 : i32 to index
      %swap3A_418 = arith.constant 8 : index
      %swap3A_419 = tpu.vector_load %arg8[%swap3A_417, %swap3A_418] {strides = array<i32>} : memref<50x26xi32, #tpu.memory_space<vmem>>, vector<16xi32>,
      tpu.vector_store %arg8[%swap3A_417, %swap3A_418], %gather3A_415 {strides = array<i32>} : memref<50x26xi32, #tpu.memory_space<vmem>>, vector<16xi32>,
      %add3A_420 = arith.constant 3 : i32
      %add3A_421 = arith.addi %sub3A, %add3A_420 : i32
      %add3A_422 = vector.broadcast %add3A_421 : i32 to vector<16xi32>
      %add3A_423 = arith.addi %mul3A_28, %add3A_422 : vector<16xi32>
      %shift_right_arithmetic3A_424 = arith.constant 7 : i32
      %shift_right_arithmetic3A_425 = vector.broadcast %shift_right_arithmetic3A_424 : i32 to vector<16xi32>
      %shift_right_arithmetic3A_426 = arith.shrsi %add3A_423, %shift_right_arithmetic3A_425 : vector<16xi32>
      %and3A_427 = arith.constant 127 : i32
      %and3A_428 = vector.broadcast %and3A_427 : i32 to vector<16xi32>
      %and3A_429 = arith.andi %add3A_423, %and3A_428 : vector<16xi32>
      %gather3A_430 = arith.constant 0 : i32
      %gather3A_431 = arith.constant 0 : i32
      %gather3A_432 = tpu.memref_slice %arg6[%rem3A_122, %gather3A_430, %gather3A_431] : memref<2x11x128xi32, #tpu.memory_space<vmem>> -> memref<1x11x128xi32, #tpu.memory_space<vmem>>
      %gather3A_433 = tpu.memref_squeeze %gather3A_432 : memref<1x11x128xi32, #tpu.memory_space<vmem>> -> memref<11x128xi32, #tpu.memory_space<vmem>>
      %gather3A_434 = tpu.vector_load_idx %gather3A_433[%shift_right_arithmetic3A_426, %and3A_429] : memref<11x128xi32, #tpu.memory_space<vmem>>[vector<16xi32>, vector<16xi32>], vector<16xi32>,
      %swap3A_435 = arith.constant 7 : i32
      %swap3A_436 = arith.index_cast %swap3A_435 : i32 to index
      %swap3A_437 = arith.constant 0 : index
      %swap3A_438 = tpu.vector_load %arg8[%swap3A_436, %swap3A_437] {strides = array<i32>} : memref<50x26xi32, #tpu.memory_space<vmem>>, vector<16xi32>,
      tpu.vector_store %arg8[%swap3A_436, %swap3A_437], %gather3A_434 {strides = array<i32>} : memref<50x26xi32, #tpu.memory_space<vmem>>, vector<16xi32>,
      %add3A_439 = arith.constant 3 : i32
      %add3A_440 = arith.addi %sub3A, %add3A_439 : i32
      %add3A_441 = vector.broadcast %add3A_440 : i32 to vector<16xi32>
      %add3A_442 = arith.addi %mul3A_37, %add3A_441 : vector<16xi32>
      %shift_right_arithmetic3A_443 = arith.constant 7 : i32
      %shift_right_arithmetic3A_444 = vector.broadcast %shift_right_arithmetic3A_443 : i32 to vector<16xi32>
      %shift_right_arithmetic3A_445 = arith.shrsi %add3A_442, %shift_right_arithmetic3A_444 : vector<16xi32>
      %and3A_446 = arith.constant 127 : i32
      %and3A_447 = vector.broadcast %and3A_446 : i32 to vector<16xi32>
      %and3A_448 = arith.andi %add3A_442, %and3A_447 : vector<16xi32>
      %gather3A_449 = arith.constant 0 : i32
      %gather3A_450 = arith.constant 0 : i32
      %gather3A_451 = tpu.memref_slice %arg6[%rem3A_122, %gather3A_449, %gather3A_450] : memref<2x11x128xi32, #tpu.memory_space<vmem>> -> memref<1x11x128xi32, #tpu.memory_space<vmem>>
      %gather3A_452 = tpu.memref_squeeze %gather3A_451 : memref<1x11x128xi32, #tpu.memory_space<vmem>> -> memref<11x128xi32, #tpu.memory_space<vmem>>
      %gather3A_453 = tpu.vector_load_idx %gather3A_452[%shift_right_arithmetic3A_445, %and3A_448] : memref<11x128xi32, #tpu.memory_space<vmem>>[vector<16xi32>, vector<16xi32>], vector<16xi32>,
      %swap3A_454 = arith.constant 7 : i32
      %swap3A_455 = arith.index_cast %swap3A_454 : i32 to index
      %swap3A_456 = arith.constant 10 : index
      %swap3A_457 = tpu.vector_load %arg8[%swap3A_455, %swap3A_456] {strides = array<i32>} : memref<50x26xi32, #tpu.memory_space<vmem>>, vector<16xi32>,
      tpu.vector_store %arg8[%swap3A_455, %swap3A_456], %gather3A_453 {strides = array<i32>} : memref<50x26xi32, #tpu.memory_space<vmem>>, vector<16xi32>,
      %add3A_458 = arith.constant 4 : i32
      %add3A_459 = arith.addi %sub3A, %add3A_458 : i32
      %add3A_460 = vector.broadcast %add3A_459 : i32 to vector<16xi32>
      %add3A_461 = arith.addi %mul3A_10, %add3A_460 : vector<16xi32>
      %shift_right_arithmetic3A_462 = arith.constant 7 : i32
      %shift_right_arithmetic3A_463 = vector.broadcast %shift_right_arithmetic3A_462 : i32 to vector<16xi32>
      %shift_right_arithmetic3A_464 = arith.shrsi %add3A_461, %shift_right_arithmetic3A_463 : vector<16xi32>
      %and3A_465 = arith.constant 127 : i32
      %and3A_466 = vector.broadcast %and3A_465 : i32 to vector<16xi32>
      %and3A_467 = arith.andi %add3A_461, %and3A_466 : vector<16xi32>
      %gather3A_468 = arith.constant 0 : i32
      %gather3A_469 = arith.constant 0 : i32
      %gather3A_470 = tpu.memref_slice %arg6[%rem3A_122, %gather3A_468, %gather3A_469] : memref<2x11x128xi32, #tpu.memory_space<vmem>> -> memref<1x11x128xi32, #tpu.memory_space<vmem>>
      %gather3A_471 = tpu.memref_squeeze %gather3A_470 : memref<1x11x128xi32, #tpu.memory_space<vmem>> -> memref<11x128xi32, #tpu.memory_space<vmem>>
      %gather3A_472 = tpu.vector_load_idx %gather3A_471[%shift_right_arithmetic3A_464, %and3A_467] : memref<11x128xi32, #tpu.memory_space<vmem>>[vector<16xi32>, vector<16xi32>], vector<16xi32>,
      %swap3A_473 = arith.constant 8 : i32
      %swap3A_474 = arith.index_cast %swap3A_473 : i32 to index
      %swap3A_475 = arith.constant 0 : index
      %swap3A_476 = tpu.vector_load %arg8[%swap3A_474, %swap3A_475] {strides = array<i32>} : memref<50x26xi32, #tpu.memory_space<vmem>>, vector<16xi32>,
      tpu.vector_store %arg8[%swap3A_474, %swap3A_475], %gather3A_472 {strides = array<i32>} : memref<50x26xi32, #tpu.memory_space<vmem>>, vector<16xi32>,
      %add3A_477 = arith.constant 4 : i32
      %add3A_478 = arith.addi %sub3A, %add3A_477 : i32
      %add3A_479 = vector.broadcast %add3A_478 : i32 to vector<16xi32>
      %add3A_480 = arith.addi %mul3A_19, %add3A_479 : vector<16xi32>
      %shift_right_arithmetic3A_481 = arith.constant 7 : i32
      %shift_right_arithmetic3A_482 = vector.broadcast %shift_right_arithmetic3A_481 : i32 to vector<16xi32>
      %shift_right_arithmetic3A_483 = arith.shrsi %add3A_480, %shift_right_arithmetic3A_482 : vector<16xi32>
      %and3A_484 = arith.constant 127 : i32
      %and3A_485 = vector.broadcast %and3A_484 : i32 to vector<16xi32>
      %and3A_486 = arith.andi %add3A_480, %and3A_485 : vector<16xi32>
      %gather3A_487 = arith.constant 0 : i32
      %gather3A_488 = arith.constant 0 : i32
      %gather3A_489 = tpu.memref_slice %arg6[%rem3A_122, %gather3A_487, %gather3A_488] : memref<2x11x128xi32, #tpu.memory_space<vmem>> -> memref<1x11x128xi32, #tpu.memory_space<vmem>>
      %gather3A_490 = tpu.memref_squeeze %gather3A_489 : memref<1x11x128xi32, #tpu.memory_space<vmem>> -> memref<11x128xi32, #tpu.memory_space<vmem>>
      %gather3A_491 = tpu.vector_load_idx %gather3A_490[%shift_right_arithmetic3A_483, %and3A_486] : memref<11x128xi32, #tpu.memory_space<vmem>>[vector<16xi32>, vector<16xi32>], vector<16xi32>,
      %swap3A_492 = arith.constant 8 : i32
      %swap3A_493 = arith.index_cast %swap3A_492 : i32 to index
      %swap3A_494 = arith.constant 8 : index
      %swap3A_495 = tpu.vector_load %arg8[%swap3A_493, %swap3A_494] {strides = array<i32>} : memref<50x26xi32, #tpu.memory_space<vmem>>, vector<16xi32>,
      tpu.vector_store %arg8[%swap3A_493, %swap3A_494], %gather3A_491 {strides = array<i32>} : memref<50x26xi32, #tpu.memory_space<vmem>>, vector<16xi32>,
      %add3A_496 = arith.constant 4 : i32
      %add3A_497 = arith.addi %sub3A, %add3A_496 : i32
      %add3A_498 = vector.broadcast %add3A_497 : i32 to vector<16xi32>
      %add3A_499 = arith.addi %mul3A_28, %add3A_498 : vector<16xi32>
      %shift_right_arithmetic3A_500 = arith.constant 7 : i32
      %shift_right_arithmetic3A_501 = vector.broadcast %shift_right_arithmetic3A_500 : i32 to vector<16xi32>
      %shift_right_arithmetic3A_502 = arith.shrsi %add3A_499, %shift_right_arithmetic3A_501 : vector<16xi32>
      %and3A_503 = arith.constant 127 : i32
      %and3A_504 = vector.broadcast %and3A_503 : i32 to vector<16xi32>
      %and3A_505 = arith.andi %add3A_499, %and3A_504 : vector<16xi32>
      %gather3A_506 = arith.constant 0 : i32
      %gather3A_507 = arith.constant 0 : i32
      %gather3A_508 = tpu.memref_slice %arg6[%rem3A_122, %gather3A_506, %gather3A_507] : memref<2x11x128xi32, #tpu.memory_space<vmem>> -> memref<1x11x128xi32, #tpu.memory_space<vmem>>
      %gather3A_509 = tpu.memref_squeeze %gather3A_508 : memref<1x11x128xi32, #tpu.memory_space<vmem>> -> memref<11x128xi32, #tpu.memory_space<vmem>>
      %gather3A_510 = tpu.vector_load_idx %gather3A_509[%shift_right_arithmetic3A_502, %and3A_505] : memref<11x128xi32, #tpu.memory_space<vmem>>[vector<16xi32>, vector<16xi32>], vector<16xi32>,
      %swap3A_511 = arith.constant 9 : i32
      %swap3A_512 = arith.index_cast %swap3A_511 : i32 to index
      %swap3A_513 = arith.constant 0 : index
      %swap3A_514 = tpu.vector_load %arg8[%swap3A_512, %swap3A_513] {strides = array<i32>} : memref<50x26xi32, #tpu.memory_space<vmem>>, vector<16xi32>,
      tpu.vector_store %arg8[%swap3A_512, %swap3A_513], %gather3A_510 {strides = array<i32>} : memref<50x26xi32, #tpu.memory_space<vmem>>, vector<16xi32>,
      %add3A_515 = arith.constant 4 : i32
      %add3A_516 = arith.addi %sub3A, %add3A_515 : i32
      %add3A_517 = vector.broadcast %add3A_516 : i32 to vector<16xi32>
      %add3A_518 = arith.addi %mul3A_37, %add3A_517 : vector<16xi32>
      %shift_right_arithmetic3A_519 = arith.constant 7 : i32
      %shift_right_arithmetic3A_520 = vector.broadcast %shift_right_arithmetic3A_519 : i32 to vector<16xi32>
      %shift_right_arithmetic3A_521 = arith.shrsi %add3A_518, %shift_right_arithmetic3A_520 : vector<16xi32>
      %and3A_522 = arith.constant 127 : i32
      %and3A_523 = vector.broadcast %and3A_522 : i32 to vector<16xi32>
      %and3A_524 = arith.andi %add3A_518, %and3A_523 : vector<16xi32>
      %gather3A_525 = arith.constant 0 : i32
      %gather3A_526 = arith.constant 0 : i32
      %gather3A_527 = tpu.memref_slice %arg6[%rem3A_122, %gather3A_525, %gather3A_526] : memref<2x11x128xi32, #tpu.memory_space<vmem>> -> memref<1x11x128xi32, #tpu.memory_space<vmem>>
      %gather3A_528 = tpu.memref_squeeze %gather3A_527 : memref<1x11x128xi32, #tpu.memory_space<vmem>> -> memref<11x128xi32, #tpu.memory_space<vmem>>
      %gather3A_529 = tpu.vector_load_idx %gather3A_528[%shift_right_arithmetic3A_521, %and3A_524] : memref<11x128xi32, #tpu.memory_space<vmem>>[vector<16xi32>, vector<16xi32>], vector<16xi32>,
      %swap3A_530 = arith.constant 9 : i32
      %swap3A_531 = arith.index_cast %swap3A_530 : i32 to index
      %swap3A_532 = arith.constant 10 : index
      %swap3A_533 = tpu.vector_load %arg8[%swap3A_531, %swap3A_532] {strides = array<i32>} : memref<50x26xi32, #tpu.memory_space<vmem>>, vector<16xi32>,
      tpu.vector_store %arg8[%swap3A_531, %swap3A_532], %gather3A_529 {strides = array<i32>} : memref<50x26xi32, #tpu.memory_space<vmem>>, vector<16xi32>,
      %add3A_534 = arith.constant 5 : i32
      %add3A_535 = arith.addi %sub3A, %add3A_534 : i32
      %add3A_536 = vector.broadcast %add3A_535 : i32 to vector<16xi32>
      %add3A_537 = arith.addi %mul3A_10, %add3A_536 : vector<16xi32>
      %shift_right_arithmetic3A_538 = arith.constant 7 : i32
      %shift_right_arithmetic3A_539 = vector.broadcast %shift_right_arithmetic3A_538 : i32 to vector<16xi32>
      %shift_right_arithmetic3A_540 = arith.shrsi %add3A_537, %shift_right_arithmetic3A_539 : vector<16xi32>
      %and3A_541 = arith.constant 127 : i32
      %and3A_542 = vector.broadcast %and3A_541 : i32 to vector<16xi32>
      %and3A_543 = arith.andi %add3A_537, %and3A_542 : vector<16xi32>
      %gather3A_544 = arith.constant 0 : i32
      %gather3A_545 = arith.constant 0 : i32
      %gather3A_546 = tpu.memref_slice %arg6[%rem3A_122, %gather3A_544, %gather3A_545] : memref<2x11x128xi32, #tpu.memory_space<vmem>> -> memref<1x11x128xi32, #tpu.memory_space<vmem>>
      %gather3A_547 = tpu.memref_squeeze %gather3A_546 : memref<1x11x128xi32, #tpu.memory_space<vmem>> -> memref<11x128xi32, #tpu.memory_space<vmem>>
      %gather3A_548 = tpu.vector_load_idx %gather3A_547[%shift_right_arithmetic3A_540, %and3A_543] : memref<11x128xi32, #tpu.memory_space<vmem>>[vector<16xi32>, vector<16xi32>], vector<16xi32>,
      %swap3A_549 = arith.constant 10 : i32
      %swap3A_550 = arith.index_cast %swap3A_549 : i32 to index
      %swap3A_551 = arith.constant 0 : index
      %swap3A_552 = tpu.vector_load %arg8[%swap3A_550, %swap3A_551] {strides = array<i32>} : memref<50x26xi32, #tpu.memory_space<vmem>>, vector<16xi32>,
      tpu.vector_store %arg8[%swap3A_550, %swap3A_551], %gather3A_548 {strides = array<i32>} : memref<50x26xi32, #tpu.memory_space<vmem>>, vector<16xi32>,
      %add3A_553 = arith.constant 5 : i32
      %add3A_554 = arith.addi %sub3A, %add3A_553 : i32
      %add3A_555 = vector.broadcast %add3A_554 : i32 to vector<16xi32>
      %add3A_556 = arith.addi %mul3A_19, %add3A_555 : vector<16xi32>
      %shift_right_arithmetic3A_557 = arith.constant 7 : i32
      %shift_right_arithmetic3A_558 = vector.broadcast %shift_right_arithmetic3A_557 : i32 to vector<16xi32>
      %shift_right_arithmetic3A_559 = arith.shrsi %add3A_556, %shift_right_arithmetic3A_558 : vector<16xi32>
      %and3A_560 = arith.constant 127 : i32
      %and3A_561 = vector.broadcast %and3A_560 : i32 to vector<16xi32>
      %and3A_562 = arith.andi %add3A_556, %and3A_561 : vector<16xi32>
      %gather3A_563 = arith.constant 0 : i32
      %gather3A_564 = arith.constant 0 : i32
      %gather3A_565 = tpu.memref_slice %arg6[%rem3A_122, %gather3A_563, %gather3A_564] : memref<2x11x128xi32, #tpu.memory_space<vmem>> -> memref<1x11x128xi32, #tpu.memory_space<vmem>>
      %gather3A_566 = tpu.memref_squeeze %gather3A_565 : memref<1x11x128xi32, #tpu.memory_space<vmem>> -> memref<11x128xi32, #tpu.memory_space<vmem>>
      %gather3A_567 = tpu.vector_load_idx %gather3A_566[%shift_right_arithmetic3A_559, %and3A_562] : memref<11x128xi32, #tpu.memory_space<vmem>>[vector<16xi32>, vector<16xi32>], vector<16xi32>,
      %swap3A_568 = arith.constant 10 : i32
      %swap3A_569 = arith.index_cast %swap3A_568 : i32 to index
      %swap3A_570 = arith.constant 8 : index
      %swap3A_571 = tpu.vector_load %arg8[%swap3A_569, %swap3A_570] {strides = array<i32>} : memref<50x26xi32, #tpu.memory_space<vmem>>, vector<16xi32>,
      tpu.vector_store %arg8[%swap3A_569, %swap3A_570], %gather3A_567 {strides = array<i32>} : memref<50x26xi32, #tpu.memory_space<vmem>>, vector<16xi32>,
      %add3A_572 = arith.constant 5 : i32
      %add3A_573 = arith.addi %sub3A, %add3A_572 : i32
      %add3A_574 = vector.broadcast %add3A_573 : i32 to vector<16xi32>
      %add3A_575 = arith.addi %mul3A_28, %add3A_574 : vector<16xi32>
      %shift_right_arithmetic3A_576 = arith.constant 7 : i32
      %shift_right_arithmetic3A_577 = vector.broadcast %shift_right_arithmetic3A_576 : i32 to vector<16xi32>
      %shift_right_arithmetic3A_578 = arith.shrsi %add3A_575, %shift_right_arithmetic3A_577 : vector<16xi32>
      %and3A_579 = arith.constant 127 : i32
      %and3A_580 = vector.broadcast %and3A_579 : i32 to vector<16xi32>
      %and3A_581 = arith.andi %add3A_575, %and3A_580 : vector<16xi32>
      %gather3A_582 = arith.constant 0 : i32
      %gather3A_583 = arith.constant 0 : i32
      %gather3A_584 = tpu.memref_slice %arg6[%rem3A_122, %gather3A_582, %gather3A_583] : memref<2x11x128xi32, #tpu.memory_space<vmem>> -> memref<1x11x128xi32, #tpu.memory_space<vmem>>
      %gather3A_585 = tpu.memref_squeeze %gather3A_584 : memref<1x11x128xi32, #tpu.memory_space<vmem>> -> memref<11x128xi32, #tpu.memory_space<vmem>>
      %gather3A_586 = tpu.vector_load_idx %gather3A_585[%shift_right_arithmetic3A_578, %and3A_581] : memref<11x128xi32, #tpu.memory_space<vmem>>[vector<16xi32>, vector<16xi32>], vector<16xi32>,
      %swap3A_587 = arith.constant 11 : i32
      %swap3A_588 = arith.index_cast %swap3A_587 : i32 to index
      %swap3A_589 = arith.constant 0 : index
      %swap3A_590 = tpu.vector_load %arg8[%swap3A_588, %swap3A_589] {strides = array<i32>} : memref<50x26xi32, #tpu.memory_space<vmem>>, vector<16xi32>,
      tpu.vector_store %arg8[%swap3A_588, %swap3A_589], %gather3A_586 {strides = array<i32>} : memref<50x26xi32, #tpu.memory_space<vmem>>, vector<16xi32>,
      %add3A_591 = arith.constant 5 : i32
      %add3A_592 = arith.addi %sub3A, %add3A_591 : i32
      %add3A_593 = vector.broadcast %add3A_592 : i32 to vector<16xi32>
      %add3A_594 = arith.addi %mul3A_37, %add3A_593 : vector<16xi32>
      %shift_right_arithmetic3A_595 = arith.constant 7 : i32
      %shift_right_arithmetic3A_596 = vector.broadcast %shift_right_arithmetic3A_595 : i32 to vector<16xi32>
      %shift_right_arithmetic3A_597 = arith.shrsi %add3A_594, %shift_right_arithmetic3A_596 : vector<16xi32>
      %and3A_598 = arith.constant 127 : i32
      %and3A_599 = vector.broadcast %and3A_598 : i32 to vector<16xi32>
      %and3A_600 = arith.andi %add3A_594, %and3A_599 : vector<16xi32>
      %gather3A_601 = arith.constant 0 : i32
      %gather3A_602 = arith.constant 0 : i32
      %gather3A_603 = tpu.memref_slice %arg6[%rem3A_122, %gather3A_601, %gather3A_602] : memref<2x11x128xi32, #tpu.memory_space<vmem>> -> memref<1x11x128xi32, #tpu.memory_space<vmem>>
      %gather3A_604 = tpu.memref_squeeze %gather3A_603 : memref<1x11x128xi32, #tpu.memory_space<vmem>> -> memref<11x128xi32, #tpu.memory_space<vmem>>
      %gather3A_605 = tpu.vector_load_idx %gather3A_604[%shift_right_arithmetic3A_597, %and3A_600] : memref<11x128xi32, #tpu.memory_space<vmem>>[vector<16xi32>, vector<16xi32>], vector<16xi32>,
      %swap3A_606 = arith.constant 11 : i32
      %swap3A_607 = arith.index_cast %swap3A_606 : i32 to index
      %swap3A_608 = arith.constant 10 : index
      %swap3A_609 = tpu.vector_load %arg8[%swap3A_607, %swap3A_608] {strides = array<i32>} : memref<50x26xi32, #tpu.memory_space<vmem>>, vector<16xi32>,
      tpu.vector_store %arg8[%swap3A_607, %swap3A_608], %gather3A_605 {strides = array<i32>} : memref<50x26xi32, #tpu.memory_space<vmem>>, vector<16xi32>,
      %add3A_610 = arith.constant 6 : i32
      %add3A_611 = arith.addi %sub3A, %add3A_610 : i32
      %add3A_612 = vector.broadcast %add3A_611 : i32 to vector<16xi32>
      %add3A_613 = arith.addi %mul3A_10, %add3A_612 : vector<16xi32>
      %shift_right_arithmetic3A_614 = arith.constant 7 : i32
      %shift_right_arithmetic3A_615 = vector.broadcast %shift_right_arithmetic3A_614 : i32 to vector<16xi32>
      %shift_right_arithmetic3A_616 = arith.shrsi %add3A_613, %shift_right_arithmetic3A_615 : vector<16xi32>
      %and3A_617 = arith.constant 127 : i32
      %and3A_618 = vector.broadcast %and3A_617 : i32 to vector<16xi32>
      %and3A_619 = arith.andi %add3A_613, %and3A_618 : vector<16xi32>
      %gather3A_620 = arith.constant 0 : i32
      %gather3A_621 = arith.constant 0 : i32
      %gather3A_622 = tpu.memref_slice %arg6[%rem3A_122, %gather3A_620, %gather3A_621] : memref<2x11x128xi32, #tpu.memory_space<vmem>> -> memref<1x11x128xi32, #tpu.memory_space<vmem>>
      %gather3A_623 = tpu.memref_squeeze %gather3A_622 : memref<1x11x128xi32, #tpu.memory_space<vmem>> -> memref<11x128xi32, #tpu.memory_space<vmem>>
      %gather3A_624 = tpu.vector_load_idx %gather3A_623[%shift_right_arithmetic3A_616, %and3A_619] : memref<11x128xi32, #tpu.memory_space<vmem>>[vector<16xi32>, vector<16xi32>], vector<16xi32>,
      %swap3A_625 = arith.constant 12 : i32
      %swap3A_626 = arith.index_cast %swap3A_625 : i32 to index
      %swap3A_627 = arith.constant 0 : index
      %swap3A_628 = tpu.vector_load %arg8[%swap3A_626, %swap3A_627] {strides = array<i32>} : memref<50x26xi32, #tpu.memory_space<vmem>>, vector<16xi32>,
      tpu.vector_store %arg8[%swap3A_626, %swap3A_627], %gather3A_624 {strides = array<i32>} : memref<50x26xi32, #tpu.memory_space<vmem>>, vector<16xi32>,
      %add3A_629 = arith.constant 6 : i32
      %add3A_630 = arith.addi %sub3A, %add3A_629 : i32
      %add3A_631 = vector.broadcast %add3A_630 : i32 to vector<16xi32>
      %add3A_632 = arith.addi %mul3A_19, %add3A_631 : vector<16xi32>
      %shift_right_arithmetic3A_633 = arith.constant 7 : i32
      %shift_right_arithmetic3A_634 = vector.broadcast %shift_right_arithmetic3A_633 : i32 to vector<16xi32>
      %shift_right_arithmetic3A_635 = arith.shrsi %add3A_632, %shift_right_arithmetic3A_634 : vector<16xi32>
      %and3A_636 = arith.constant 127 : i32
      %and3A_637 = vector.broadcast %and3A_636 : i32 to vector<16xi32>
      %and3A_638 = arith.andi %add3A_632, %and3A_637 : vector<16xi32>
      %gather3A_639 = arith.constant 0 : i32
      %gather3A_640 = arith.constant 0 : i32
      %gather3A_641 = tpu.memref_slice %arg6[%rem3A_122, %gather3A_639, %gather3A_640] : memref<2x11x128xi32, #tpu.memory_space<vmem>> -> memref<1x11x128xi32, #tpu.memory_space<vmem>>
      %gather3A_642 = tpu.memref_squeeze %gather3A_641 : memref<1x11x128xi32, #tpu.memory_space<vmem>> -> memref<11x128xi32, #tpu.memory_space<vmem>>
      %gather3A_643 = tpu.vector_load_idx %gather3A_642[%shift_right_arithmetic3A_635, %and3A_638] : memref<11x128xi32, #tpu.memory_space<vmem>>[vector<16xi32>, vector<16xi32>], vector<16xi32>,
      %swap3A_644 = arith.constant 12 : i32
      %swap3A_645 = arith.index_cast %swap3A_644 : i32 to index
      %swap3A_646 = arith.constant 8 : index
      %swap3A_647 = tpu.vector_load %arg8[%swap3A_645, %swap3A_646] {strides = array<i32>} : memref<50x26xi32, #tpu.memory_space<vmem>>, vector<16xi32>,
      tpu.vector_store %arg8[%swap3A_645, %swap3A_646], %gather3A_643 {strides = array<i32>} : memref<50x26xi32, #tpu.memory_space<vmem>>, vector<16xi32>,
      %add3A_648 = arith.constant 6 : i32
      %add3A_649 = arith.addi %sub3A, %add3A_648 : i32
      %add3A_650 = vector.broadcast %add3A_649 : i32 to vector<16xi32>
      %add3A_651 = arith.addi %mul3A_28, %add3A_650 : vector<16xi32>
      %shift_right_arithmetic3A_652 = arith.constant 7 : i32
      %shift_right_arithmetic3A_653 = vector.broadcast %shift_right_arithmetic3A_652 : i32 to vector<16xi32>
      %shift_right_arithmetic3A_654 = arith.shrsi %add3A_651, %shift_right_arithmetic3A_653 : vector<16xi32>
      %and3A_655 = arith.constant 127 : i32
      %and3A_656 = vector.broadcast %and3A_655 : i32 to vector<16xi32>
      %and3A_657 = arith.andi %add3A_651, %and3A_656 : vector<16xi32>
      %gather3A_658 = arith.constant 0 : i32
      %gather3A_659 = arith.constant 0 : i32
      %gather3A_660 = tpu.memref_slice %arg6[%rem3A_122, %gather3A_658, %gather3A_659] : memref<2x11x128xi32, #tpu.memory_space<vmem>> -> memref<1x11x128xi32, #tpu.memory_space<vmem>>
      %gather3A_661 = tpu.memref_squeeze %gather3A_660 : memref<1x11x128xi32, #tpu.memory_space<vmem>> -> memref<11x128xi32, #tpu.memory_space<vmem>>
      %gather3A_662 = tpu.vector_load_idx %gather3A_661[%shift_right_arithmetic3A_654, %and3A_657] : memref<11x128xi32, #tpu.memory_space<vmem>>[vector<16xi32>, vector<16xi32>], vector<16xi32>,
      %swap3A_663 = arith.constant 13 : i32
      %swap3A_664 = arith.index_cast %swap3A_663 : i32 to index
      %swap3A_665 = arith.constant 0 : index
      %swap3A_666 = tpu.vector_load %arg8[%swap3A_664, %swap3A_665] {strides = array<i32>} : memref<50x26xi32, #tpu.memory_space<vmem>>, vector<16xi32>,
      tpu.vector_store %arg8[%swap3A_664, %swap3A_665], %gather3A_662 {strides = array<i32>} : memref<50x26xi32, #tpu.memory_space<vmem>>, vector<16xi32>,
      %add3A_667 = arith.constant 6 : i32
      %add3A_668 = arith.addi %sub3A, %add3A_667 : i32
      %add3A_669 = vector.broadcast %add3A_668 : i32 to vector<16xi32>
      %add3A_670 = arith.addi %mul3A_37, %add3A_669 : vector<16xi32>
      %shift_right_arithmetic3A_671 = arith.constant 7 : i32
      %shift_right_arithmetic3A_672 = vector.broadcast %shift_right_arithmetic3A_671 : i32 to vector<16xi32>
      %shift_right_arithmetic3A_673 = arith.shrsi %add3A_670, %shift_right_arithmetic3A_672 : vector<16xi32>
      %and3A_674 = arith.constant 127 : i32
      %and3A_675 = vector.broadcast %and3A_674 : i32 to vector<16xi32>
      %and3A_676 = arith.andi %add3A_670, %and3A_675 : vector<16xi32>
      %gather3A_677 = arith.constant 0 : i32
      %gather3A_678 = arith.constant 0 : i32
      %gather3A_679 = tpu.memref_slice %arg6[%rem3A_122, %gather3A_677, %gather3A_678] : memref<2x11x128xi32, #tpu.memory_space<vmem>> -> memref<1x11x128xi32, #tpu.memory_space<vmem>>
      %gather3A_680 = tpu.memref_squeeze %gather3A_679 : memref<1x11x128xi32, #tpu.memory_space<vmem>> -> memref<11x128xi32, #tpu.memory_space<vmem>>
      %gather3A_681 = tpu.vector_load_idx %gather3A_680[%shift_right_arithmetic3A_673, %and3A_676] : memref<11x128xi32, #tpu.memory_space<vmem>>[vector<16xi32>, vector<16xi32>], vector<16xi32>,
      %swap3A_682 = arith.constant 13 : i32
      %swap3A_683 = arith.index_cast %swap3A_682 : i32 to index
      %swap3A_684 = arith.constant 10 : index
      %swap3A_685 = tpu.vector_load %arg8[%swap3A_683, %swap3A_684] {strides = array<i32>} : memref<50x26xi32, #tpu.memory_space<vmem>>, vector<16xi32>,
      tpu.vector_store %arg8[%swap3A_683, %swap3A_684], %gather3A_681 {strides = array<i32>} : memref<50x26xi32, #tpu.memory_space<vmem>>, vector<16xi32>,
      %add3A_686 = arith.constant 7 : i32
      %add3A_687 = arith.addi %sub3A, %add3A_686 : i32
      %add3A_688 = vector.broadcast %add3A_687 : i32 to vector<16xi32>
      %add3A_689 = arith.addi %mul3A_10, %add3A_688 : vector<16xi32>
      %shift_right_arithmetic3A_690 = arith.constant 7 : i32
      %shift_right_arithmetic3A_691 = vector.broadcast %shift_right_arithmetic3A_690 : i32 to vector<16xi32>
      %shift_right_arithmetic3A_692 = arith.shrsi %add3A_689, %shift_right_arithmetic3A_691 : vector<16xi32>
      %and3A_693 = arith.constant 127 : i32
      %and3A_694 = vector.broadcast %and3A_693 : i32 to vector<16xi32>
      %and3A_695 = arith.andi %add3A_689, %and3A_694 : vector<16xi32>
      %gather3A_696 = arith.constant 0 : i32
      %gather3A_697 = arith.constant 0 : i32
      %gather3A_698 = tpu.memref_slice %arg6[%rem3A_122, %gather3A_696, %gather3A_697] : memref<2x11x128xi32, #tpu.memory_space<vmem>> -> memref<1x11x128xi32, #tpu.memory_space<vmem>>
      %gather3A_699 = tpu.memref_squeeze %gather3A_698 : memref<1x11x128xi32, #tpu.memory_space<vmem>> -> memref<11x128xi32, #tpu.memory_space<vmem>>
      %gather3A_700 = tpu.vector_load_idx %gather3A_699[%shift_right_arithmetic3A_692, %and3A_695] : memref<11x128xi32, #tpu.memory_space<vmem>>[vector<16xi32>, vector<16xi32>], vector<16xi32>,
      %swap3A_701 = arith.constant 14 : i32
      %swap3A_702 = arith.index_cast %swap3A_701 : i32 to index
      %swap3A_703 = arith.constant 0 : index
      %swap3A_704 = tpu.vector_load %arg8[%swap3A_702, %swap3A_703] {strides = array<i32>} : memref<50x26xi32, #tpu.memory_space<vmem>>, vector<16xi32>,
      tpu.vector_store %arg8[%swap3A_702, %swap3A_703], %gather3A_700 {strides = array<i32>} : memref<50x26xi32, #tpu.memory_space<vmem>>, vector<16xi32>,
      %add3A_705 = arith.constant 7 : i32
      %add3A_706 = arith.addi %sub3A, %add3A_705 : i32
      %add3A_707 = vector.broadcast %add3A_706 : i32 to vector<16xi32>
      %add3A_708 = arith.addi %mul3A_19, %add3A_707 : vector<16xi32>
      %shift_right_arithmetic3A_709 = arith.constant 7 : i32
      %shift_right_arithmetic3A_710 = vector.broadcast %shift_right_arithmetic3A_709 : i32 to vector<16xi32>
      %shift_right_arithmetic3A_711 = arith.shrsi %add3A_708, %shift_right_arithmetic3A_710 : vector<16xi32>
      %and3A_712 = arith.constant 127 : i32
      %and3A_713 = vector.broadcast %and3A_712 : i32 to vector<16xi32>
      %and3A_714 = arith.andi %add3A_708, %and3A_713 : vector<16xi32>
      %gather3A_715 = arith.constant 0 : i32
      %gather3A_716 = arith.constant 0 : i32
      %gather3A_717 = tpu.memref_slice %arg6[%rem3A_122, %gather3A_715, %gather3A_716] : memref<2x11x128xi32, #tpu.memory_space<vmem>> -> memref<1x11x128xi32, #tpu.memory_space<vmem>>
      %gather3A_718 = tpu.memref_squeeze %gather3A_717 : memref<1x11x128xi32, #tpu.memory_space<vmem>> -> memref<11x128xi32, #tpu.memory_space<vmem>>
      %gather3A_719 = tpu.vector_load_idx %gather3A_718[%shift_right_arithmetic3A_711, %and3A_714] : memref<11x128xi32, #tpu.memory_space<vmem>>[vector<16xi32>, vector<16xi32>], vector<16xi32>,
      %swap3A_720 = arith.constant 14 : i32
      %swap3A_721 = arith.index_cast %swap3A_720 : i32 to index
      %swap3A_722 = arith.constant 8 : index
      %swap3A_723 = tpu.vector_load %arg8[%swap3A_721, %swap3A_722] {strides = array<i32>} : memref<50x26xi32, #tpu.memory_space<vmem>>, vector<16xi32>,
      tpu.vector_store %arg8[%swap3A_721, %swap3A_722], %gather3A_719 {strides = array<i32>} : memref<50x26xi32, #tpu.memory_space<vmem>>, vector<16xi32>,
      %add3A_724 = arith.constant 7 : i32
      %add3A_725 = arith.addi %sub3A, %add3A_724 : i32
      %add3A_726 = vector.broadcast %add3A_725 : i32 to vector<16xi32>
      %add3A_727 = arith.addi %mul3A_28, %add3A_726 : vector<16xi32>
      %shift_right_arithmetic3A_728 = arith.constant 7 : i32
      %shift_right_arithmetic3A_729 = vector.broadcast %shift_right_arithmetic3A_728 : i32 to vector<16xi32>
      %shift_right_arithmetic3A_730 = arith.shrsi %add3A_727, %shift_right_arithmetic3A_729 : vector<16xi32>
      %and3A_731 = arith.constant 127 : i32
      %and3A_732 = vector.broadcast %and3A_731 : i32 to vector<16xi32>
      %and3A_733 = arith.andi %add3A_727, %and3A_732 : vector<16xi32>
      %gather3A_734 = arith.constant 0 : i32
      %gather3A_735 = arith.constant 0 : i32
      %gather3A_736 = tpu.memref_slice %arg6[%rem3A_122, %gather3A_734, %gather3A_735] : memref<2x11x128xi32, #tpu.memory_space<vmem>> -> memref<1x11x128xi32, #tpu.memory_space<vmem>>
      %gather3A_737 = tpu.memref_squeeze %gather3A_736 : memref<1x11x128xi32, #tpu.memory_space<vmem>> -> memref<11x128xi32, #tpu.memory_space<vmem>>
      %gather3A_738 = tpu.vector_load_idx %gather3A_737[%shift_right_arithmetic3A_730, %and3A_733] : memref<11x128xi32, #tpu.memory_space<vmem>>[vector<16xi32>, vector<16xi32>], vector<16xi32>,
      %swap3A_739 = arith.constant 15 : i32
      %swap3A_740 = arith.index_cast %swap3A_739 : i32 to index
      %swap3A_741 = arith.constant 0 : index
      %swap3A_742 = tpu.vector_load %arg8[%swap3A_740, %swap3A_741] {strides = array<i32>} : memref<50x26xi32, #tpu.memory_space<vmem>>, vector<16xi32>,
      tpu.vector_store %arg8[%swap3A_740, %swap3A_741], %gather3A_738 {strides = array<i32>} : memref<50x26xi32, #tpu.memory_space<vmem>>, vector<16xi32>,
      %add3A_743 = arith.constant 7 : i32
      %add3A_744 = arith.addi %sub3A, %add3A_743 : i32
      %add3A_745 = vector.broadcast %add3A_744 : i32 to vector<16xi32>
      %add3A_746 = arith.addi %mul3A_37, %add3A_745 : vector<16xi32>
      %shift_right_arithmetic3A_747 = arith.constant 7 : i32
      %shift_right_arithmetic3A_748 = vector.broadcast %shift_right_arithmetic3A_747 : i32 to vector<16xi32>
      %shift_right_arithmetic3A_749 = arith.shrsi %add3A_746, %shift_right_arithmetic3A_748 : vector<16xi32>
      %and3A_750 = arith.constant 127 : i32
      %and3A_751 = vector.broadcast %and3A_750 : i32 to vector<16xi32>
      %and3A_752 = arith.andi %add3A_746, %and3A_751 : vector<16xi32>
      %gather3A_753 = arith.constant 0 : i32
      %gather3A_754 = arith.constant 0 : i32
      %gather3A_755 = tpu.memref_slice %arg6[%rem3A_122, %gather3A_753, %gather3A_754] : memref<2x11x128xi32, #tpu.memory_space<vmem>> -> memref<1x11x128xi32, #tpu.memory_space<vmem>>
      %gather3A_756 = tpu.memref_squeeze %gather3A_755 : memref<1x11x128xi32, #tpu.memory_space<vmem>> -> memref<11x128xi32, #tpu.memory_space<vmem>>
      %gather3A_757 = tpu.vector_load_idx %gather3A_756[%shift_right_arithmetic3A_749, %and3A_752] : memref<11x128xi32, #tpu.memory_space<vmem>>[vector<16xi32>, vector<16xi32>], vector<16xi32>,
      %swap3A_758 = arith.constant 15 : i32
      %swap3A_759 = arith.index_cast %swap3A_758 : i32 to index
      %swap3A_760 = arith.constant 10 : index
      %swap3A_761 = tpu.vector_load %arg8[%swap3A_759, %swap3A_760] {strides = array<i32>} : memref<50x26xi32, #tpu.memory_space<vmem>>, vector<16xi32>,
      tpu.vector_store %arg8[%swap3A_759, %swap3A_760], %gather3A_757 {strides = array<i32>} : memref<50x26xi32, #tpu.memory_space<vmem>>, vector<16xi32>,
      %add3A_762 = arith.constant 8 : i32
      %add3A_763 = arith.addi %sub3A, %add3A_762 : i32
      %add3A_764 = vector.broadcast %add3A_763 : i32 to vector<16xi32>
      %add3A_765 = arith.addi %mul3A_10, %add3A_764 : vector<16xi32>
      %shift_right_arithmetic3A_766 = arith.constant 7 : i32
      %shift_right_arithmetic3A_767 = vector.broadcast %shift_right_arithmetic3A_766 : i32 to vector<16xi32>
      %shift_right_arithmetic3A_768 = arith.shrsi %add3A_765, %shift_right_arithmetic3A_767 : vector<16xi32>
      %and3A_769 = arith.constant 127 : i32
      %and3A_770 = vector.broadcast %and3A_769 : i32 to vector<16xi32>
      %and3A_771 = arith.andi %add3A_765, %and3A_770 : vector<16xi32>
      %gather3A_772 = arith.constant 0 : i32
      %gather3A_773 = arith.constant 0 : i32
      %gather3A_774 = tpu.memref_slice %arg6[%rem3A_122, %gather3A_772, %gather3A_773] : memref<2x11x128xi32, #tpu.memory_space<vmem>> -> memref<1x11x128xi32, #tpu.memory_space<vmem>>
      %gather3A_775 = tpu.memref_squeeze %gather3A_774 : memref<1x11x128xi32, #tpu.memory_space<vmem>> -> memref<11x128xi32, #tpu.memory_space<vmem>>
      %gather3A_776 = tpu.vector_load_idx %gather3A_775[%shift_right_arithmetic3A_768, %and3A_771] : memref<11x128xi32, #tpu.memory_space<vmem>>[vector<16xi32>, vector<16xi32>], vector<16xi32>,
      %swap3A_777 = arith.constant 16 : i32
      %swap3A_778 = arith.index_cast %swap3A_777 : i32 to index
      %swap3A_779 = arith.constant 0 : index
      %swap3A_780 = tpu.vector_load %arg8[%swap3A_778, %swap3A_779] {strides = array<i32>} : memref<50x26xi32, #tpu.memory_space<vmem>>, vector<16xi32>,
      tpu.vector_store %arg8[%swap3A_778, %swap3A_779], %gather3A_776 {strides = array<i32>} : memref<50x26xi32, #tpu.memory_space<vmem>>, vector<16xi32>,
      %add3A_781 = arith.constant 8 : i32
      %add3A_782 = arith.addi %sub3A, %add3A_781 : i32
      %add3A_783 = vector.broadcast %add3A_782 : i32 to vector<16xi32>
      %add3A_784 = arith.addi %mul3A_19, %add3A_783 : vector<16xi32>
      %shift_right_arithmetic3A_785 = arith.constant 7 : i32
      %shift_right_arithmetic3A_786 = vector.broadcast %shift_right_arithmetic3A_785 : i32 to vector<16xi32>
      %shift_right_arithmetic3A_787 = arith.shrsi %add3A_784, %shift_right_arithmetic3A_786 : vector<16xi32>
      %and3A_788 = arith.constant 127 : i32
      %and3A_789 = vector.broadcast %and3A_788 : i32 to vector<16xi32>
      %and3A_790 = arith.andi %add3A_784, %and3A_789 : vector<16xi32>
      %gather3A_791 = arith.constant 0 : i32
      %gather3A_792 = arith.constant 0 : i32
      %gather3A_793 = tpu.memref_slice %arg6[%rem3A_122, %gather3A_791, %gather3A_792] : memref<2x11x128xi32, #tpu.memory_space<vmem>> -> memref<1x11x128xi32, #tpu.memory_space<vmem>>
      %gather3A_794 = tpu.memref_squeeze %gather3A_793 : memref<1x11x128xi32, #tpu.memory_space<vmem>> -> memref<11x128xi32, #tpu.memory_space<vmem>>
      %gather3A_795 = tpu.vector_load_idx %gather3A_794[%shift_right_arithmetic3A_787, %and3A_790] : memref<11x128xi32, #tpu.memory_space<vmem>>[vector<16xi32>, vector<16xi32>], vector<16xi32>,
      %swap3A_796 = arith.constant 16 : i32
      %swap3A_797 = arith.index_cast %swap3A_796 : i32 to index
      %swap3A_798 = arith.constant 8 : index
      %swap3A_799 = tpu.vector_load %arg8[%swap3A_797, %swap3A_798] {strides = array<i32>} : memref<50x26xi32, #tpu.memory_space<vmem>>, vector<16xi32>,
      tpu.vector_store %arg8[%swap3A_797, %swap3A_798], %gather3A_795 {strides = array<i32>} : memref<50x26xi32, #tpu.memory_space<vmem>>, vector<16xi32>,
      %add3A_800 = arith.constant 8 : i32
      %add3A_801 = arith.addi %sub3A, %add3A_800 : i32
      %add3A_802 = vector.broadcast %add3A_801 : i32 to vector<16xi32>
      %add3A_803 = arith.addi %mul3A_28, %add3A_802 : vector<16xi32>
      %shift_right_arithmetic3A_804 = arith.constant 7 : i32
      %shift_right_arithmetic3A_805 = vector.broadcast %shift_right_arithmetic3A_804 : i32 to vector<16xi32>
      %shift_right_arithmetic3A_806 = arith.shrsi %add3A_803, %shift_right_arithmetic3A_805 : vector<16xi32>
      %and3A_807 = arith.constant 127 : i32
      %and3A_808 = vector.broadcast %and3A_807 : i32 to vector<16xi32>
      %and3A_809 = arith.andi %add3A_803, %and3A_808 : vector<16xi32>
      %gather3A_810 = arith.constant 0 : i32
      %gather3A_811 = arith.constant 0 : i32
      %gather3A_812 = tpu.memref_slice %arg6[%rem3A_122, %gather3A_810, %gather3A_811] : memref<2x11x128xi32, #tpu.memory_space<vmem>> -> memref<1x11x128xi32, #tpu.memory_space<vmem>>
      %gather3A_813 = tpu.memref_squeeze %gather3A_812 : memref<1x11x128xi32, #tpu.memory_space<vmem>> -> memref<11x128xi32, #tpu.memory_space<vmem>>
      %gather3A_814 = tpu.vector_load_idx %gather3A_813[%shift_right_arithmetic3A_806, %and3A_809] : memref<11x128xi32, #tpu.memory_space<vmem>>[vector<16xi32>, vector<16xi32>], vector<16xi32>,
      %swap3A_815 = arith.constant 17 : i32
      %swap3A_816 = arith.index_cast %swap3A_815 : i32 to index
      %swap3A_817 = arith.constant 0 : index
      %swap3A_818 = tpu.vector_load %arg8[%swap3A_816, %swap3A_817] {strides = array<i32>} : memref<50x26xi32, #tpu.memory_space<vmem>>, vector<16xi32>,
      tpu.vector_store %arg8[%swap3A_816, %swap3A_817], %gather3A_814 {strides = array<i32>} : memref<50x26xi32, #tpu.memory_space<vmem>>, vector<16xi32>,
      %add3A_819 = arith.constant 8 : i32
      %add3A_820 = arith.addi %sub3A, %add3A_819 : i32
      %add3A_821 = vector.broadcast %add3A_820 : i32 to vector<16xi32>
      %add3A_822 = arith.addi %mul3A_37, %add3A_821 : vector<16xi32>
      %shift_right_arithmetic3A_823 = arith.constant 7 : i32
      %shift_right_arithmetic3A_824 = vector.broadcast %shift_right_arithmetic3A_823 : i32 to vector<16xi32>
      %shift_right_arithmetic3A_825 = arith.shrsi %add3A_822, %shift_right_arithmetic3A_824 : vector<16xi32>
      %and3A_826 = arith.constant 127 : i32
      %and3A_827 = vector.broadcast %and3A_826 : i32 to vector<16xi32>
      %and3A_828 = arith.andi %add3A_822, %and3A_827 : vector<16xi32>
      %gather3A_829 = arith.constant 0 : i32
      %gather3A_830 = arith.constant 0 : i32
      %gather3A_831 = tpu.memref_slice %arg6[%rem3A_122, %gather3A_829, %gather3A_830] : memref<2x11x128xi32, #tpu.memory_space<vmem>> -> memref<1x11x128xi32, #tpu.memory_space<vmem>>
      %gather3A_832 = tpu.memref_squeeze %gather3A_831 : memref<1x11x128xi32, #tpu.memory_space<vmem>> -> memref<11x128xi32, #tpu.memory_space<vmem>>
      %gather3A_833 = tpu.vector_load_idx %gather3A_832[%shift_right_arithmetic3A_825, %and3A_828] : memref<11x128xi32, #tpu.memory_space<vmem>>[vector<16xi32>, vector<16xi32>], vector<16xi32>,
      %swap3A_834 = arith.constant 17 : i32
      %swap3A_835 = arith.index_cast %swap3A_834 : i32 to index
      %swap3A_836 = arith.constant 10 : index
      %swap3A_837 = tpu.vector_load %arg8[%swap3A_835, %swap3A_836] {strides = array<i32>} : memref<50x26xi32, #tpu.memory_space<vmem>>, vector<16xi32>,
      tpu.vector_store %arg8[%swap3A_835, %swap3A_836], %gather3A_833 {strides = array<i32>} : memref<50x26xi32, #tpu.memory_space<vmem>>, vector<16xi32>,
      %add3A_838 = arith.constant 9 : i32
      %add3A_839 = arith.addi %sub3A, %add3A_838 : i32
      %add3A_840 = vector.broadcast %add3A_839 : i32 to vector<16xi32>
      %add3A_841 = arith.addi %mul3A_10, %add3A_840 : vector<16xi32>
      %shift_right_arithmetic3A_842 = arith.constant 7 : i32
      %shift_right_arithmetic3A_843 = vector.broadcast %shift_right_arithmetic3A_842 : i32 to vector<16xi32>
      %shift_right_arithmetic3A_844 = arith.shrsi %add3A_841, %shift_right_arithmetic3A_843 : vector<16xi32>
      %and3A_845 = arith.constant 127 : i32
      %and3A_846 = vector.broadcast %and3A_845 : i32 to vector<16xi32>
      %and3A_847 = arith.andi %add3A_841, %and3A_846 : vector<16xi32>
      %gather3A_848 = arith.constant 0 : i32
      %gather3A_849 = arith.constant 0 : i32
      %gather3A_850 = tpu.memref_slice %arg6[%rem3A_122, %gather3A_848, %gather3A_849] : memref<2x11x128xi32, #tpu.memory_space<vmem>> -> memref<1x11x128xi32, #tpu.memory_space<vmem>>
      %gather3A_851 = tpu.memref_squeeze %gather3A_850 : memref<1x11x128xi32, #tpu.memory_space<vmem>> -> memref<11x128xi32, #tpu.memory_space<vmem>>
      %gather3A_852 = tpu.vector_load_idx %gather3A_851[%shift_right_arithmetic3A_844, %and3A_847] : memref<11x128xi32, #tpu.memory_space<vmem>>[vector<16xi32>, vector<16xi32>], vector<16xi32>,
      %swap3A_853 = arith.constant 18 : i32
      %swap3A_854 = arith.index_cast %swap3A_853 : i32 to index
      %swap3A_855 = arith.constant 0 : index
      %swap3A_856 = tpu.vector_load %arg8[%swap3A_854, %swap3A_855] {strides = array<i32>} : memref<50x26xi32, #tpu.memory_space<vmem>>, vector<16xi32>,
      tpu.vector_store %arg8[%swap3A_854, %swap3A_855], %gather3A_852 {strides = array<i32>} : memref<50x26xi32, #tpu.memory_space<vmem>>, vector<16xi32>,
      %add3A_857 = arith.constant 9 : i32
      %add3A_858 = arith.addi %sub3A, %add3A_857 : i32
      %add3A_859 = vector.broadcast %add3A_858 : i32 to vector<16xi32>
      %add3A_860 = arith.addi %mul3A_19, %add3A_859 : vector<16xi32>
      %shift_right_arithmetic3A_861 = arith.constant 7 : i32
      %shift_right_arithmetic3A_862 = vector.broadcast %shift_right_arithmetic3A_861 : i32 to vector<16xi32>
      %shift_right_arithmetic3A_863 = arith.shrsi %add3A_860, %shift_right_arithmetic3A_862 : vector<16xi32>
      %and3A_864 = arith.constant 127 : i32
      %and3A_865 = vector.broadcast %and3A_864 : i32 to vector<16xi32>
      %and3A_866 = arith.andi %add3A_860, %and3A_865 : vector<16xi32>
      %gather3A_867 = arith.constant 0 : i32
      %gather3A_868 = arith.constant 0 : i32
      %gather3A_869 = tpu.memref_slice %arg6[%rem3A_122, %gather3A_867, %gather3A_868] : memref<2x11x128xi32, #tpu.memory_space<vmem>> -> memref<1x11x128xi32, #tpu.memory_space<vmem>>
      %gather3A_870 = tpu.memref_squeeze %gather3A_869 : memref<1x11x128xi32, #tpu.memory_space<vmem>> -> memref<11x128xi32, #tpu.memory_space<vmem>>
      %gather3A_871 = tpu.vector_load_idx %gather3A_870[%shift_right_arithmetic3A_863, %and3A_866] : memref<11x128xi32, #tpu.memory_space<vmem>>[vector<16xi32>, vector<16xi32>], vector<16xi32>,
      %swap3A_872 = arith.constant 18 : i32
      %swap3A_873 = arith.index_cast %swap3A_872 : i32 to index
      %swap3A_874 = arith.constant 8 : index
      %swap3A_875 = tpu.vector_load %arg8[%swap3A_873, %swap3A_874] {strides = array<i32>} : memref<50x26xi32, #tpu.memory_space<vmem>>, vector<16xi32>,
      tpu.vector_store %arg8[%swap3A_873, %swap3A_874], %gather3A_871 {strides = array<i32>} : memref<50x26xi32, #tpu.memory_space<vmem>>, vector<16xi32>,
      %add3A_876 = arith.constant 9 : i32
      %add3A_877 = arith.addi %sub3A, %add3A_876 : i32
      %add3A_878 = vector.broadcast %add3A_877 : i32 to vector<16xi32>
      %add3A_879 = arith.addi %mul3A_28, %add3A_878 : vector<16xi32>
      %shift_right_arithmetic3A_880 = arith.constant 7 : i32
      %shift_right_arithmetic3A_881 = vector.broadcast %shift_right_arithmetic3A_880 : i32 to vector<16xi32>
      %shift_right_arithmetic3A_882 = arith.shrsi %add3A_879, %shift_right_arithmetic3A_881 : vector<16xi32>
      %and3A_883 = arith.constant 127 : i32
      %and3A_884 = vector.broadcast %and3A_883 : i32 to vector<16xi32>
      %and3A_885 = arith.andi %add3A_879, %and3A_884 : vector<16xi32>
      %gather3A_886 = arith.constant 0 : i32
      %gather3A_887 = arith.constant 0 : i32
      %gather3A_888 = tpu.memref_slice %arg6[%rem3A_122, %gather3A_886, %gather3A_887] : memref<2x11x128xi32, #tpu.memory_space<vmem>> -> memref<1x11x128xi32, #tpu.memory_space<vmem>>
      %gather3A_889 = tpu.memref_squeeze %gather3A_888 : memref<1x11x128xi32, #tpu.memory_space<vmem>> -> memref<11x128xi32, #tpu.memory_space<vmem>>
      %gather3A_890 = tpu.vector_load_idx %gather3A_889[%shift_right_arithmetic3A_882, %and3A_885] : memref<11x128xi32, #tpu.memory_space<vmem>>[vector<16xi32>, vector<16xi32>], vector<16xi32>,
      %swap3A_891 = arith.constant 19 : i32
      %swap3A_892 = arith.index_cast %swap3A_891 : i32 to index
      %swap3A_893 = arith.constant 0 : index
      %swap3A_894 = tpu.vector_load %arg8[%swap3A_892, %swap3A_893] {strides = array<i32>} : memref<50x26xi32, #tpu.memory_space<vmem>>, vector<16xi32>,
      tpu.vector_store %arg8[%swap3A_892, %swap3A_893], %gather3A_890 {strides = array<i32>} : memref<50x26xi32, #tpu.memory_space<vmem>>, vector<16xi32>,
      %add3A_895 = arith.constant 9 : i32
      %add3A_896 = arith.addi %sub3A, %add3A_895 : i32
      %add3A_897 = vector.broadcast %add3A_896 : i32 to vector<16xi32>
      %add3A_898 = arith.addi %mul3A_37, %add3A_897 : vector<16xi32>
      %shift_right_arithmetic3A_899 = arith.constant 7 : i32
      %shift_right_arithmetic3A_900 = vector.broadcast %shift_right_arithmetic3A_899 : i32 to vector<16xi32>
      %shift_right_arithmetic3A_901 = arith.shrsi %add3A_898, %shift_right_arithmetic3A_900 : vector<16xi32>
      %and3A_902 = arith.constant 127 : i32
      %and3A_903 = vector.broadcast %and3A_902 : i32 to vector<16xi32>
      %and3A_904 = arith.andi %add3A_898, %and3A_903 : vector<16xi32>
      %gather3A_905 = arith.constant 0 : i32
      %gather3A_906 = arith.constant 0 : i32
      %gather3A_907 = tpu.memref_slice %arg6[%rem3A_122, %gather3A_905, %gather3A_906] : memref<2x11x128xi32, #tpu.memory_space<vmem>> -> memref<1x11x128xi32, #tpu.memory_space<vmem>>
      %gather3A_908 = tpu.memref_squeeze %gather3A_907 : memref<1x11x128xi32, #tpu.memory_space<vmem>> -> memref<11x128xi32, #tpu.memory_space<vmem>>
      %gather3A_909 = tpu.vector_load_idx %gather3A_908[%shift_right_arithmetic3A_901, %and3A_904] : memref<11x128xi32, #tpu.memory_space<vmem>>[vector<16xi32>, vector<16xi32>], vector<16xi32>,
      %swap3A_910 = arith.constant 19 : i32
      %swap3A_911 = arith.index_cast %swap3A_910 : i32 to index
      %swap3A_912 = arith.constant 10 : index
      %swap3A_913 = tpu.vector_load %arg8[%swap3A_911, %swap3A_912] {strides = array<i32>} : memref<50x26xi32, #tpu.memory_space<vmem>>, vector<16xi32>,
      tpu.vector_store %arg8[%swap3A_911, %swap3A_912], %gather3A_909 {strides = array<i32>} : memref<50x26xi32, #tpu.memory_space<vmem>>, vector<16xi32>,
      %add3A_914 = arith.constant 10 : i32
      %add3A_915 = arith.addi %sub3A, %add3A_914 : i32
      %add3A_916 = vector.broadcast %add3A_915 : i32 to vector<16xi32>
      %add3A_917 = arith.addi %mul3A_10, %add3A_916 : vector<16xi32>
      %shift_right_arithmetic3A_918 = arith.constant 7 : i32
      %shift_right_arithmetic3A_919 = vector.broadcast %shift_right_arithmetic3A_918 : i32 to vector<16xi32>
      %shift_right_arithmetic3A_920 = arith.shrsi %add3A_917, %shift_right_arithmetic3A_919 : vector<16xi32>
      %and3A_921 = arith.constant 127 : i32
      %and3A_922 = vector.broadcast %and3A_921 : i32 to vector<16xi32>
      %and3A_923 = arith.andi %add3A_917, %and3A_922 : vector<16xi32>
      %gather3A_924 = arith.constant 0 : i32
      %gather3A_925 = arith.constant 0 : i32
      %gather3A_926 = tpu.memref_slice %arg6[%rem3A_122, %gather3A_924, %gather3A_925] : memref<2x11x128xi32, #tpu.memory_space<vmem>> -> memref<1x11x128xi32, #tpu.memory_space<vmem>>
      %gather3A_927 = tpu.memref_squeeze %gather3A_926 : memref<1x11x128xi32, #tpu.memory_space<vmem>> -> memref<11x128xi32, #tpu.memory_space<vmem>>
      %gather3A_928 = tpu.vector_load_idx %gather3A_927[%shift_right_arithmetic3A_920, %and3A_923] : memref<11x128xi32, #tpu.memory_space<vmem>>[vector<16xi32>, vector<16xi32>], vector<16xi32>,
      %swap3A_929 = arith.constant 20 : i32
      %swap3A_930 = arith.index_cast %swap3A_929 : i32 to index
      %swap3A_931 = arith.constant 0 : index
      %swap3A_932 = tpu.vector_load %arg8[%swap3A_930, %swap3A_931] {strides = array<i32>} : memref<50x26xi32, #tpu.memory_space<vmem>>, vector<16xi32>,
      tpu.vector_store %arg8[%swap3A_930, %swap3A_931], %gather3A_928 {strides = array<i32>} : memref<50x26xi32, #tpu.memory_space<vmem>>, vector<16xi32>,
      %add3A_933 = arith.constant 10 : i32
      %add3A_934 = arith.addi %sub3A, %add3A_933 : i32
      %add3A_935 = vector.broadcast %add3A_934 : i32 to vector<16xi32>
      %add3A_936 = arith.addi %mul3A_19, %add3A_935 : vector<16xi32>
      %shift_right_arithmetic3A_937 = arith.constant 7 : i32
      %shift_right_arithmetic3A_938 = vector.broadcast %shift_right_arithmetic3A_937 : i32 to vector<16xi32>
      %shift_right_arithmetic3A_939 = arith.shrsi %add3A_936, %shift_right_arithmetic3A_938 : vector<16xi32>
      %and3A_940 = arith.constant 127 : i32
      %and3A_941 = vector.broadcast %and3A_940 : i32 to vector<16xi32>
      %and3A_942 = arith.andi %add3A_936, %and3A_941 : vector<16xi32>
      %gather3A_943 = arith.constant 0 : i32
      %gather3A_944 = arith.constant 0 : i32
      %gather3A_945 = tpu.memref_slice %arg6[%rem3A_122, %gather3A_943, %gather3A_944] : memref<2x11x128xi32, #tpu.memory_space<vmem>> -> memref<1x11x128xi32, #tpu.memory_space<vmem>>
      %gather3A_946 = tpu.memref_squeeze %gather3A_945 : memref<1x11x128xi32, #tpu.memory_space<vmem>> -> memref<11x128xi32, #tpu.memory_space<vmem>>
      %gather3A_947 = tpu.vector_load_idx %gather3A_946[%shift_right_arithmetic3A_939, %and3A_942] : memref<11x128xi32, #tpu.memory_space<vmem>>[vector<16xi32>, vector<16xi32>], vector<16xi32>,
      %swap3A_948 = arith.constant 20 : i32
      %swap3A_949 = arith.index_cast %swap3A_948 : i32 to index
      %swap3A_950 = arith.constant 8 : index
      %swap3A_951 = tpu.vector_load %arg8[%swap3A_949, %swap3A_950] {strides = array<i32>} : memref<50x26xi32, #tpu.memory_space<vmem>>, vector<16xi32>,
      tpu.vector_store %arg8[%swap3A_949, %swap3A_950], %gather3A_947 {strides = array<i32>} : memref<50x26xi32, #tpu.memory_space<vmem>>, vector<16xi32>,
      %add3A_952 = arith.constant 10 : i32
      %add3A_953 = arith.addi %sub3A, %add3A_952 : i32
      %add3A_954 = vector.broadcast %add3A_953 : i32 to vector<16xi32>
      %add3A_955 = arith.addi %mul3A_28, %add3A_954 : vector<16xi32>
      %shift_right_arithmetic3A_956 = arith.constant 7 : i32
      %shift_right_arithmetic3A_957 = vector.broadcast %shift_right_arithmetic3A_956 : i32 to vector<16xi32>
      %shift_right_arithmetic3A_958 = arith.shrsi %add3A_955, %shift_right_arithmetic3A_957 : vector<16xi32>
      %and3A_959 = arith.constant 127 : i32
      %and3A_960 = vector.broadcast %and3A_959 : i32 to vector<16xi32>
      %and3A_961 = arith.andi %add3A_955, %and3A_960 : vector<16xi32>
      %gather3A_962 = arith.constant 0 : i32
      %gather3A_963 = arith.constant 0 : i32
      %gather3A_964 = tpu.memref_slice %arg6[%rem3A_122, %gather3A_962, %gather3A_963] : memref<2x11x128xi32, #tpu.memory_space<vmem>> -> memref<1x11x128xi32, #tpu.memory_space<vmem>>
      %gather3A_965 = tpu.memref_squeeze %gather3A_964 : memref<1x11x128xi32, #tpu.memory_space<vmem>> -> memref<11x128xi32, #tpu.memory_space<vmem>>
      %gather3A_966 = tpu.vector_load_idx %gather3A_965[%shift_right_arithmetic3A_958, %and3A_961] : memref<11x128xi32, #tpu.memory_space<vmem>>[vector<16xi32>, vector<16xi32>], vector<16xi32>,
      %swap3A_967 = arith.constant 21 : i32
      %swap3A_968 = arith.index_cast %swap3A_967 : i32 to index
      %swap3A_969 = arith.constant 0 : index
      %swap3A_970 = tpu.vector_load %arg8[%swap3A_968, %swap3A_969] {strides = array<i32>} : memref<50x26xi32, #tpu.memory_space<vmem>>, vector<16xi32>,
      tpu.vector_store %arg8[%swap3A_968, %swap3A_969], %gather3A_966 {strides = array<i32>} : memref<50x26xi32, #tpu.memory_space<vmem>>, vector<16xi32>,
      %add3A_971 = arith.constant 10 : i32
      %add3A_972 = arith.addi %sub3A, %add3A_971 : i32
      %add3A_973 = vector.broadcast %add3A_972 : i32 to vector<16xi32>
      %add3A_974 = arith.addi %mul3A_37, %add3A_973 : vector<16xi32>
      %shift_right_arithmetic3A_975 = arith.constant 7 : i32
      %shift_right_arithmetic3A_976 = vector.broadcast %shift_right_arithmetic3A_975 : i32 to vector<16xi32>
      %shift_right_arithmetic3A_977 = arith.shrsi %add3A_974, %shift_right_arithmetic3A_976 : vector<16xi32>
      %and3A_978 = arith.constant 127 : i32
      %and3A_979 = vector.broadcast %and3A_978 : i32 to vector<16xi32>
      %and3A_980 = arith.andi %add3A_974, %and3A_979 : vector<16xi32>
      %gather3A_981 = arith.constant 0 : i32
      %gather3A_982 = arith.constant 0 : i32
      %gather3A_983 = tpu.memref_slice %arg6[%rem3A_122, %gather3A_981, %gather3A_982] : memref<2x11x128xi32, #tpu.memory_space<vmem>> -> memref<1x11x128xi32, #tpu.memory_space<vmem>>
      %gather3A_984 = tpu.memref_squeeze %gather3A_983 : memref<1x11x128xi32, #tpu.memory_space<vmem>> -> memref<11x128xi32, #tpu.memory_space<vmem>>
      %gather3A_985 = tpu.vector_load_idx %gather3A_984[%shift_right_arithmetic3A_977, %and3A_980] : memref<11x128xi32, #tpu.memory_space<vmem>>[vector<16xi32>, vector<16xi32>], vector<16xi32>,
      %swap3A_986 = arith.constant 21 : i32
      %swap3A_987 = arith.index_cast %swap3A_986 : i32 to index
      %swap3A_988 = arith.constant 10 : index
      %swap3A_989 = tpu.vector_load %arg8[%swap3A_987, %swap3A_988] {strides = array<i32>} : memref<50x26xi32, #tpu.memory_space<vmem>>, vector<16xi32>,
      tpu.vector_store %arg8[%swap3A_987, %swap3A_988], %gather3A_985 {strides = array<i32>} : memref<50x26xi32, #tpu.memory_space<vmem>>, vector<16xi32>,
      %add3A_990 = arith.constant 11 : i32
      %add3A_991 = arith.addi %sub3A, %add3A_990 : i32
      %add3A_992 = vector.broadcast %add3A_991 : i32 to vector<16xi32>
      %add3A_993 = arith.addi %mul3A_10, %add3A_992 : vector<16xi32>
      %shift_right_arithmetic3A_994 = arith.constant 7 : i32
      %shift_right_arithmetic3A_995 = vector.broadcast %shift_right_arithmetic3A_994 : i32 to vector<16xi32>
      %shift_right_arithmetic3A_996 = arith.shrsi %add3A_993, %shift_right_arithmetic3A_995 : vector<16xi32>
      %and3A_997 = arith.constant 127 : i32
      %and3A_998 = vector.broadcast %and3A_997 : i32 to vector<16xi32>
      %and3A_999 = arith.andi %add3A_993, %and3A_998 : vector<16xi32>
      %gather3A_1000 = arith.constant 0 : i32
      %gather3A_1001 = arith.constant 0 : i32
      %gather3A_1002 = tpu.memref_slice %arg6[%rem3A_122, %gather3A_1000, %gather3A_1001] : memref<2x11x128xi32, #tpu.memory_space<vmem>> -> memref<1x11x128xi32, #tpu.memory_space<vmem>>
      %gather3A_1003 = tpu.memref_squeeze %gather3A_1002 : memref<1x11x128xi32, #tpu.memory_space<vmem>> -> memref<11x128xi32, #tpu.memory_space<vmem>>
      %gather3A_1004 = tpu.vector_load_idx %gather3A_1003[%shift_right_arithmetic3A_996, %and3A_999] : memref<11x128xi32, #tpu.memory_space<vmem>>[vector<16xi32>, vector<16xi32>], vector<16xi32>,
      %swap3A_1005 = arith.constant 22 : i32
      %swap3A_1006 = arith.index_cast %swap3A_1005 : i32 to index
      %swap3A_1007 = arith.constant 0 : index
      %swap3A_1008 = tpu.vector_load %arg8[%swap3A_1006, %swap3A_1007] {strides = array<i32>} : memref<50x26xi32, #tpu.memory_space<vmem>>, vector<16xi32>,
      tpu.vector_store %arg8[%swap3A_1006, %swap3A_1007], %gather3A_1004 {strides = array<i32>} : memref<50x26xi32, #tpu.memory_space<vmem>>, vector<16xi32>,
      %add3A_1009 = arith.constant 11 : i32
      %add3A_1010 = arith.addi %sub3A, %add3A_1009 : i32
      %add3A_1011 = vector.broadcast %add3A_1010 : i32 to vector<16xi32>
      %add3A_1012 = arith.addi %mul3A_19, %add3A_1011 : vector<16xi32>
      %shift_right_arithmetic3A_1013 = arith.constant 7 : i32
      %shift_right_arithmetic3A_1014 = vector.broadcast %shift_right_arithmetic3A_1013 : i32 to vector<16xi32>
      %shift_right_arithmetic3A_1015 = arith.shrsi %add3A_1012, %shift_right_arithmetic3A_1014 : vector<16xi32>
      %and3A_1016 = arith.constant 127 : i32
      %and3A_1017 = vector.broadcast %and3A_1016 : i32 to vector<16xi32>
      %and3A_1018 = arith.andi %add3A_1012, %and3A_1017 : vector<16xi32>
      %gather3A_1019 = arith.constant 0 : i32
      %gather3A_1020 = arith.constant 0 : i32
      %gather3A_1021 = tpu.memref_slice %arg6[%rem3A_122, %gather3A_1019, %gather3A_1020] : memref<2x11x128xi32, #tpu.memory_space<vmem>> -> memref<1x11x128xi32, #tpu.memory_space<vmem>>
      %gather3A_1022 = tpu.memref_squeeze %gather3A_1021 : memref<1x11x128xi32, #tpu.memory_space<vmem>> -> memref<11x128xi32, #tpu.memory_space<vmem>>
      %gather3A_1023 = tpu.vector_load_idx %gather3A_1022[%shift_right_arithmetic3A_1015, %and3A_1018] : memref<11x128xi32, #tpu.memory_space<vmem>>[vector<16xi32>, vector<16xi32>], vector<16xi32>,
      %swap3A_1024 = arith.constant 22 : i32
      %swap3A_1025 = arith.index_cast %swap3A_1024 : i32 to index
      %swap3A_1026 = arith.constant 8 : index
      %swap3A_1027 = tpu.vector_load %arg8[%swap3A_1025, %swap3A_1026] {strides = array<i32>} : memref<50x26xi32, #tpu.memory_space<vmem>>, vector<16xi32>,
      tpu.vector_store %arg8[%swap3A_1025, %swap3A_1026], %gather3A_1023 {strides = array<i32>} : memref<50x26xi32, #tpu.memory_space<vmem>>, vector<16xi32>,
      %add3A_1028 = arith.constant 11 : i32
      %add3A_1029 = arith.addi %sub3A, %add3A_1028 : i32
      %add3A_1030 = vector.broadcast %add3A_1029 : i32 to vector<16xi32>
      %add3A_1031 = arith.addi %mul3A_28, %add3A_1030 : vector<16xi32>
      %shift_right_arithmetic3A_1032 = arith.constant 7 : i32
      %shift_right_arithmetic3A_1033 = vector.broadcast %shift_right_arithmetic3A_1032 : i32 to vector<16xi32>
      %shift_right_arithmetic3A_1034 = arith.shrsi %add3A_1031, %shift_right_arithmetic3A_1033 : vector<16xi32>
      %and3A_1035 = arith.constant 127 : i32
      %and3A_1036 = vector.broadcast %and3A_1035 : i32 to vector<16xi32>
      %and3A_1037 = arith.andi %add3A_1031, %and3A_1036 : vector<16xi32>
      %gather3A_1038 = arith.constant 0 : i32
      %gather3A_1039 = arith.constant 0 : i32
      %gather3A_1040 = tpu.memref_slice %arg6[%rem3A_122, %gather3A_1038, %gather3A_1039] : memref<2x11x128xi32, #tpu.memory_space<vmem>> -> memref<1x11x128xi32, #tpu.memory_space<vmem>>
      %gather3A_1041 = tpu.memref_squeeze %gather3A_1040 : memref<1x11x128xi32, #tpu.memory_space<vmem>> -> memref<11x128xi32, #tpu.memory_space<vmem>>
      %gather3A_1042 = tpu.vector_load_idx %gather3A_1041[%shift_right_arithmetic3A_1034, %and3A_1037] : memref<11x128xi32, #tpu.memory_space<vmem>>[vector<16xi32>, vector<16xi32>], vector<16xi32>,
      %swap3A_1043 = arith.constant 23 : i32
      %swap3A_1044 = arith.index_cast %swap3A_1043 : i32 to index
      %swap3A_1045 = arith.constant 0 : index
      %swap3A_1046 = tpu.vector_load %arg8[%swap3A_1044, %swap3A_1045] {strides = array<i32>} : memref<50x26xi32, #tpu.memory_space<vmem>>, vector<16xi32>,
      tpu.vector_store %arg8[%swap3A_1044, %swap3A_1045], %gather3A_1042 {strides = array<i32>} : memref<50x26xi32, #tpu.memory_space<vmem>>, vector<16xi32>,
      %add3A_1047 = arith.constant 11 : i32
      %add3A_1048 = arith.addi %sub3A, %add3A_1047 : i32
      %add3A_1049 = vector.broadcast %add3A_1048 : i32 to vector<16xi32>
      %add3A_1050 = arith.addi %mul3A_37, %add3A_1049 : vector<16xi32>
      %shift_right_arithmetic3A_1051 = arith.constant 7 : i32
      %shift_right_arithmetic3A_1052 = vector.broadcast %shift_right_arithmetic3A_1051 : i32 to vector<16xi32>
      %shift_right_arithmetic3A_1053 = arith.shrsi %add3A_1050, %shift_right_arithmetic3A_1052 : vector<16xi32>
      %and3A_1054 = arith.constant 127 : i32
      %and3A_1055 = vector.broadcast %and3A_1054 : i32 to vector<16xi32>
      %and3A_1056 = arith.andi %add3A_1050, %and3A_1055 : vector<16xi32>
      %gather3A_1057 = arith.constant 0 : i32
      %gather3A_1058 = arith.constant 0 : i32
      %gather3A_1059 = tpu.memref_slice %arg6[%rem3A_122, %gather3A_1057, %gather3A_1058] : memref<2x11x128xi32, #tpu.memory_space<vmem>> -> memref<1x11x128xi32, #tpu.memory_space<vmem>>
      %gather3A_1060 = tpu.memref_squeeze %gather3A_1059 : memref<1x11x128xi32, #tpu.memory_space<vmem>> -> memref<11x128xi32, #tpu.memory_space<vmem>>
      %gather3A_1061 = tpu.vector_load_idx %gather3A_1060[%shift_right_arithmetic3A_1053, %and3A_1056] : memref<11x128xi32, #tpu.memory_space<vmem>>[vector<16xi32>, vector<16xi32>], vector<16xi32>,
      %swap3A_1062 = arith.constant 23 : i32
      %swap3A_1063 = arith.index_cast %swap3A_1062 : i32 to index
      %swap3A_1064 = arith.constant 10 : index
      %swap3A_1065 = tpu.vector_load %arg8[%swap3A_1063, %swap3A_1064] {strides = array<i32>} : memref<50x26xi32, #tpu.memory_space<vmem>>, vector<16xi32>,
      tpu.vector_store %arg8[%swap3A_1063, %swap3A_1064], %gather3A_1061 {strides = array<i32>} : memref<50x26xi32, #tpu.memory_space<vmem>>, vector<16xi32>,
      %add3A_1066 = arith.constant 12 : i32
      %add3A_1067 = arith.addi %sub3A, %add3A_1066 : i32
      %add3A_1068 = vector.broadcast %add3A_1067 : i32 to vector<16xi32>
      %add3A_1069 = arith.addi %mul3A_10, %add3A_1068 : vector<16xi32>
      %shift_right_arithmetic3A_1070 = arith.constant 7 : i32
      %shift_right_arithmetic3A_1071 = vector.broadcast %shift_right_arithmetic3A_1070 : i32 to vector<16xi32>
      %shift_right_arithmetic3A_1072 = arith.shrsi %add3A_1069, %shift_right_arithmetic3A_1071 : vector<16xi32>
      %and3A_1073 = arith.constant 127 : i32
      %and3A_1074 = vector.broadcast %and3A_1073 : i32 to vector<16xi32>
      %and3A_1075 = arith.andi %add3A_1069, %and3A_1074 : vector<16xi32>
      %gather3A_1076 = arith.constant 0 : i32
      %gather3A_1077 = arith.constant 0 : i32
      %gather3A_1078 = tpu.memref_slice %arg6[%rem3A_122, %gather3A_1076, %gather3A_1077] : memref<2x11x128xi32, #tpu.memory_space<vmem>> -> memref<1x11x128xi32, #tpu.memory_space<vmem>>
      %gather3A_1079 = tpu.memref_squeeze %gather3A_1078 : memref<1x11x128xi32, #tpu.memory_space<vmem>> -> memref<11x128xi32, #tpu.memory_space<vmem>>
      %gather3A_1080 = tpu.vector_load_idx %gather3A_1079[%shift_right_arithmetic3A_1072, %and3A_1075] : memref<11x128xi32, #tpu.memory_space<vmem>>[vector<16xi32>, vector<16xi32>], vector<16xi32>,
      %swap3A_1081 = arith.constant 24 : i32
      %swap3A_1082 = arith.index_cast %swap3A_1081 : i32 to index
      %swap3A_1083 = arith.constant 0 : index
      %swap3A_1084 = tpu.vector_load %arg8[%swap3A_1082, %swap3A_1083] {strides = array<i32>} : memref<50x26xi32, #tpu.memory_space<vmem>>, vector<16xi32>,
      tpu.vector_store %arg8[%swap3A_1082, %swap3A_1083], %gather3A_1080 {strides = array<i32>} : memref<50x26xi32, #tpu.memory_space<vmem>>, vector<16xi32>,
      %add3A_1085 = arith.constant 12 : i32
      %add3A_1086 = arith.addi %sub3A, %add3A_1085 : i32
      %add3A_1087 = vector.broadcast %add3A_1086 : i32 to vector<16xi32>
      %add3A_1088 = arith.addi %mul3A_19, %add3A_1087 : vector<16xi32>
      %shift_right_arithmetic3A_1089 = arith.constant 7 : i32
      %shift_right_arithmetic3A_1090 = vector.broadcast %shift_right_arithmetic3A_1089 : i32 to vector<16xi32>
      %shift_right_arithmetic3A_1091 = arith.shrsi %add3A_1088, %shift_right_arithmetic3A_1090 : vector<16xi32>
      %and3A_1092 = arith.constant 127 : i32
      %and3A_1093 = vector.broadcast %and3A_1092 : i32 to vector<16xi32>
      %and3A_1094 = arith.andi %add3A_1088, %and3A_1093 : vector<16xi32>
      %gather3A_1095 = arith.constant 0 : i32
      %gather3A_1096 = arith.constant 0 : i32
      %gather3A_1097 = tpu.memref_slice %arg6[%rem3A_122, %gather3A_1095, %gather3A_1096] : memref<2x11x128xi32, #tpu.memory_space<vmem>> -> memref<1x11x128xi32, #tpu.memory_space<vmem>>
      %gather3A_1098 = tpu.memref_squeeze %gather3A_1097 : memref<1x11x128xi32, #tpu.memory_space<vmem>> -> memref<11x128xi32, #tpu.memory_space<vmem>>
      %gather3A_1099 = tpu.vector_load_idx %gather3A_1098[%shift_right_arithmetic3A_1091, %and3A_1094] : memref<11x128xi32, #tpu.memory_space<vmem>>[vector<16xi32>, vector<16xi32>], vector<16xi32>,
      %swap3A_1100 = arith.constant 24 : i32
      %swap3A_1101 = arith.index_cast %swap3A_1100 : i32 to index
      %swap3A_1102 = arith.constant 8 : index
      %swap3A_1103 = tpu.vector_load %arg8[%swap3A_1101, %swap3A_1102] {strides = array<i32>} : memref<50x26xi32, #tpu.memory_space<vmem>>, vector<16xi32>,
      tpu.vector_store %arg8[%swap3A_1101, %swap3A_1102], %gather3A_1099 {strides = array<i32>} : memref<50x26xi32, #tpu.memory_space<vmem>>, vector<16xi32>,
      %add3A_1104 = arith.constant 12 : i32
      %add3A_1105 = arith.addi %sub3A, %add3A_1104 : i32
      %add3A_1106 = vector.broadcast %add3A_1105 : i32 to vector<16xi32>
      %add3A_1107 = arith.addi %mul3A_28, %add3A_1106 : vector<16xi32>
      %shift_right_arithmetic3A_1108 = arith.constant 7 : i32
      %shift_right_arithmetic3A_1109 = vector.broadcast %shift_right_arithmetic3A_1108 : i32 to vector<16xi32>
      %shift_right_arithmetic3A_1110 = arith.shrsi %add3A_1107, %shift_right_arithmetic3A_1109 : vector<16xi32>
      %and3A_1111 = arith.constant 127 : i32
      %and3A_1112 = vector.broadcast %and3A_1111 : i32 to vector<16xi32>
      %and3A_1113 = arith.andi %add3A_1107, %and3A_1112 : vector<16xi32>
      %gather3A_1114 = arith.constant 0 : i32
      %gather3A_1115 = arith.constant 0 : i32
      %gather3A_1116 = tpu.memref_slice %arg6[%rem3A_122, %gather3A_1114, %gather3A_1115] : memref<2x11x128xi32, #tpu.memory_space<vmem>> -> memref<1x11x128xi32, #tpu.memory_space<vmem>>
      %gather3A_1117 = tpu.memref_squeeze %gather3A_1116 : memref<1x11x128xi32, #tpu.memory_space<vmem>> -> memref<11x128xi32, #tpu.memory_space<vmem>>
      %gather3A_1118 = tpu.vector_load_idx %gather3A_1117[%shift_right_arithmetic3A_1110, %and3A_1113] : memref<11x128xi32, #tpu.memory_space<vmem>>[vector<16xi32>, vector<16xi32>], vector<16xi32>,
      %swap3A_1119 = arith.constant 25 : i32
      %swap3A_1120 = arith.index_cast %swap3A_1119 : i32 to index
      %swap3A_1121 = arith.constant 0 : index
      %swap3A_1122 = tpu.vector_load %arg8[%swap3A_1120, %swap3A_1121] {strides = array<i32>} : memref<50x26xi32, #tpu.memory_space<vmem>>, vector<16xi32>,
      tpu.vector_store %arg8[%swap3A_1120, %swap3A_1121], %gather3A_1118 {strides = array<i32>} : memref<50x26xi32, #tpu.memory_space<vmem>>, vector<16xi32>,
      %add3A_1123 = arith.constant 12 : i32
      %add3A_1124 = arith.addi %sub3A, %add3A_1123 : i32
      %add3A_1125 = vector.broadcast %add3A_1124 : i32 to vector<16xi32>
      %add3A_1126 = arith.addi %mul3A_37, %add3A_1125 : vector<16xi32>
      %shift_right_arithmetic3A_1127 = arith.constant 7 : i32
      %shift_right_arithmetic3A_1128 = vector.broadcast %shift_right_arithmetic3A_1127 : i32 to vector<16xi32>
      %shift_right_arithmetic3A_1129 = arith.shrsi %add3A_1126, %shift_right_arithmetic3A_1128 : vector<16xi32>
      %and3A_1130 = arith.constant 127 : i32
      %and3A_1131 = vector.broadcast %and3A_1130 : i32 to vector<16xi32>
      %and3A_1132 = arith.andi %add3A_1126, %and3A_1131 : vector<16xi32>
      %gather3A_1133 = arith.constant 0 : i32
      %gather3A_1134 = arith.constant 0 : i32
      %gather3A_1135 = tpu.memref_slice %arg6[%rem3A_122, %gather3A_1133, %gather3A_1134] : memref<2x11x128xi32, #tpu.memory_space<vmem>> -> memref<1x11x128xi32, #tpu.memory_space<vmem>>
      %gather3A_1136 = tpu.memref_squeeze %gather3A_1135 : memref<1x11x128xi32, #tpu.memory_space<vmem>> -> memref<11x128xi32, #tpu.memory_space<vmem>>
      %gather3A_1137 = tpu.vector_load_idx %gather3A_1136[%shift_right_arithmetic3A_1129, %and3A_1132] : memref<11x128xi32, #tpu.memory_space<vmem>>[vector<16xi32>, vector<16xi32>], vector<16xi32>,
      %swap3A_1138 = arith.constant 25 : i32
      %swap3A_1139 = arith.index_cast %swap3A_1138 : i32 to index
      %swap3A_1140 = arith.constant 10 : index
      %swap3A_1141 = tpu.vector_load %arg8[%swap3A_1139, %swap3A_1140] {strides = array<i32>} : memref<50x26xi32, #tpu.memory_space<vmem>>, vector<16xi32>,
      tpu.vector_store %arg8[%swap3A_1139, %swap3A_1140], %gather3A_1137 {strides = array<i32>} : memref<50x26xi32, #tpu.memory_space<vmem>>, vector<16xi32>,
      %add3A_1142 = arith.constant 13 : i32
      %add3A_1143 = arith.addi %sub3A, %add3A_1142 : i32
      %add3A_1144 = vector.broadcast %add3A_1143 : i32 to vector<16xi32>
      %add3A_1145 = arith.addi %mul3A_10, %add3A_1144 : vector<16xi32>
      %shift_right_arithmetic3A_1146 = arith.constant 7 : i32
      %shift_right_arithmetic3A_1147 = vector.broadcast %shift_right_arithmetic3A_1146 : i32 to vector<16xi32>
      %shift_right_arithmetic3A_1148 = arith.shrsi %add3A_1145, %shift_right_arithmetic3A_1147 : vector<16xi32>
      %and3A_1149 = arith.constant 127 : i32
      %and3A_1150 = vector.broadcast %and3A_1149 : i32 to vector<16xi32>
      %and3A_1151 = arith.andi %add3A_1145, %and3A_1150 : vector<16xi32>
      %gather3A_1152 = arith.constant 0 : i32
      %gather3A_1153 = arith.constant 0 : i32
      %gather3A_1154 = tpu.memref_slice %arg6[%rem3A_122, %gather3A_1152, %gather3A_1153] : memref<2x11x128xi32, #tpu.memory_space<vmem>> -> memref<1x11x128xi32, #tpu.memory_space<vmem>>
      %gather3A_1155 = tpu.memref_squeeze %gather3A_1154 : memref<1x11x128xi32, #tpu.memory_space<vmem>> -> memref<11x128xi32, #tpu.memory_space<vmem>>
      %gather3A_1156 = tpu.vector_load_idx %gather3A_1155[%shift_right_arithmetic3A_1148, %and3A_1151] : memref<11x128xi32, #tpu.memory_space<vmem>>[vector<16xi32>, vector<16xi32>], vector<16xi32>,
      %swap3A_1157 = arith.constant 26 : i32
      %swap3A_1158 = arith.index_cast %swap3A_1157 : i32 to index
      %swap3A_1159 = arith.constant 0 : index
      %swap3A_1160 = tpu.vector_load %arg8[%swap3A_1158, %swap3A_1159] {strides = array<i32>} : memref<50x26xi32, #tpu.memory_space<vmem>>, vector<16xi32>,
      tpu.vector_store %arg8[%swap3A_1158, %swap3A_1159], %gather3A_1156 {strides = array<i32>} : memref<50x26xi32, #tpu.memory_space<vmem>>, vector<16xi32>,
      %add3A_1161 = arith.constant 13 : i32
      %add3A_1162 = arith.addi %sub3A, %add3A_1161 : i32
      %add3A_1163 = vector.broadcast %add3A_1162 : i32 to vector<16xi32>
      %add3A_1164 = arith.addi %mul3A_19, %add3A_1163 : vector<16xi32>
      %shift_right_arithmetic3A_1165 = arith.constant 7 : i32
      %shift_right_arithmetic3A_1166 = vector.broadcast %shift_right_arithmetic3A_1165 : i32 to vector<16xi32>
      %shift_right_arithmetic3A_1167 = arith.shrsi %add3A_1164, %shift_right_arithmetic3A_1166 : vector<16xi32>
      %and3A_1168 = arith.constant 127 : i32
      %and3A_1169 = vector.broadcast %and3A_1168 : i32 to vector<16xi32>
      %and3A_1170 = arith.andi %add3A_1164, %and3A_1169 : vector<16xi32>
      %gather3A_1171 = arith.constant 0 : i32
      %gather3A_1172 = arith.constant 0 : i32
      %gather3A_1173 = tpu.memref_slice %arg6[%rem3A_122, %gather3A_1171, %gather3A_1172] : memref<2x11x128xi32, #tpu.memory_space<vmem>> -> memref<1x11x128xi32, #tpu.memory_space<vmem>>
      %gather3A_1174 = tpu.memref_squeeze %gather3A_1173 : memref<1x11x128xi32, #tpu.memory_space<vmem>> -> memref<11x128xi32, #tpu.memory_space<vmem>>
      %gather3A_1175 = tpu.vector_load_idx %gather3A_1174[%shift_right_arithmetic3A_1167, %and3A_1170] : memref<11x128xi32, #tpu.memory_space<vmem>>[vector<16xi32>, vector<16xi32>], vector<16xi32>,
      %swap3A_1176 = arith.constant 26 : i32
      %swap3A_1177 = arith.index_cast %swap3A_1176 : i32 to index
      %swap3A_1178 = arith.constant 8 : index
      %swap3A_1179 = tpu.vector_load %arg8[%swap3A_1177, %swap3A_1178] {strides = array<i32>} : memref<50x26xi32, #tpu.memory_space<vmem>>, vector<16xi32>,
      tpu.vector_store %arg8[%swap3A_1177, %swap3A_1178], %gather3A_1175 {strides = array<i32>} : memref<50x26xi32, #tpu.memory_space<vmem>>, vector<16xi32>,
      %add3A_1180 = arith.constant 13 : i32
      %add3A_1181 = arith.addi %sub3A, %add3A_1180 : i32
      %add3A_1182 = vector.broadcast %add3A_1181 : i32 to vector<16xi32>
      %add3A_1183 = arith.addi %mul3A_28, %add3A_1182 : vector<16xi32>
      %shift_right_arithmetic3A_1184 = arith.constant 7 : i32
      %shift_right_arithmetic3A_1185 = vector.broadcast %shift_right_arithmetic3A_1184 : i32 to vector<16xi32>
      %shift_right_arithmetic3A_1186 = arith.shrsi %add3A_1183, %shift_right_arithmetic3A_1185 : vector<16xi32>
      %and3A_1187 = arith.constant 127 : i32
      %and3A_1188 = vector.broadcast %and3A_1187 : i32 to vector<16xi32>
      %and3A_1189 = arith.andi %add3A_1183, %and3A_1188 : vector<16xi32>
      %gather3A_1190 = arith.constant 0 : i32
      %gather3A_1191 = arith.constant 0 : i32
      %gather3A_1192 = tpu.memref_slice %arg6[%rem3A_122, %gather3A_1190, %gather3A_1191] : memref<2x11x128xi32, #tpu.memory_space<vmem>> -> memref<1x11x128xi32, #tpu.memory_space<vmem>>
      %gather3A_1193 = tpu.memref_squeeze %gather3A_1192 : memref<1x11x128xi32, #tpu.memory_space<vmem>> -> memref<11x128xi32, #tpu.memory_space<vmem>>
      %gather3A_1194 = tpu.vector_load_idx %gather3A_1193[%shift_right_arithmetic3A_1186, %and3A_1189] : memref<11x128xi32, #tpu.memory_space<vmem>>[vector<16xi32>, vector<16xi32>], vector<16xi32>,
      %swap3A_1195 = arith.constant 27 : i32
      %swap3A_1196 = arith.index_cast %swap3A_1195 : i32 to index
      %swap3A_1197 = arith.constant 0 : index
      %swap3A_1198 = tpu.vector_load %arg8[%swap3A_1196, %swap3A_1197] {strides = array<i32>} : memref<50x26xi32, #tpu.memory_space<vmem>>, vector<16xi32>,
      tpu.vector_store %arg8[%swap3A_1196, %swap3A_1197], %gather3A_1194 {strides = array<i32>} : memref<50x26xi32, #tpu.memory_space<vmem>>, vector<16xi32>,
      %add3A_1199 = arith.constant 13 : i32
      %add3A_1200 = arith.addi %sub3A, %add3A_1199 : i32
      %add3A_1201 = vector.broadcast %add3A_1200 : i32 to vector<16xi32>
      %add3A_1202 = arith.addi %mul3A_37, %add3A_1201 : vector<16xi32>
      %shift_right_arithmetic3A_1203 = arith.constant 7 : i32
      %shift_right_arithmetic3A_1204 = vector.broadcast %shift_right_arithmetic3A_1203 : i32 to vector<16xi32>
      %shift_right_arithmetic3A_1205 = arith.shrsi %add3A_1202, %shift_right_arithmetic3A_1204 : vector<16xi32>
      %and3A_1206 = arith.constant 127 : i32
      %and3A_1207 = vector.broadcast %and3A_1206 : i32 to vector<16xi32>
      %and3A_1208 = arith.andi %add3A_1202, %and3A_1207 : vector<16xi32>
      %gather3A_1209 = arith.constant 0 : i32
      %gather3A_1210 = arith.constant 0 : i32
      %gather3A_1211 = tpu.memref_slice %arg6[%rem3A_122, %gather3A_1209, %gather3A_1210] : memref<2x11x128xi32, #tpu.memory_space<vmem>> -> memref<1x11x128xi32, #tpu.memory_space<vmem>>
      %gather3A_1212 = tpu.memref_squeeze %gather3A_1211 : memref<1x11x128xi32, #tpu.memory_space<vmem>> -> memref<11x128xi32, #tpu.memory_space<vmem>>
      %gather3A_1213 = tpu.vector_load_idx %gather3A_1212[%shift_right_arithmetic3A_1205, %and3A_1208] : memref<11x128xi32, #tpu.memory_space<vmem>>[vector<16xi32>, vector<16xi32>], vector<16xi32>,
      %swap3A_1214 = arith.constant 27 : i32
      %swap3A_1215 = arith.index_cast %swap3A_1214 : i32 to index
      %swap3A_1216 = arith.constant 10 : index
      %swap3A_1217 = tpu.vector_load %arg8[%swap3A_1215, %swap3A_1216] {strides = array<i32>} : memref<50x26xi32, #tpu.memory_space<vmem>>, vector<16xi32>,
      tpu.vector_store %arg8[%swap3A_1215, %swap3A_1216], %gather3A_1213 {strides = array<i32>} : memref<50x26xi32, #tpu.memory_space<vmem>>, vector<16xi32>,
      %add3A_1218 = arith.constant 14 : i32
      %add3A_1219 = arith.addi %sub3A, %add3A_1218 : i32
      %add3A_1220 = vector.broadcast %add3A_1219 : i32 to vector<16xi32>
      %add3A_1221 = arith.addi %mul3A_10, %add3A_1220 : vector<16xi32>
      %shift_right_arithmetic3A_1222 = arith.constant 7 : i32
      %shift_right_arithmetic3A_1223 = vector.broadcast %shift_right_arithmetic3A_1222 : i32 to vector<16xi32>
      %shift_right_arithmetic3A_1224 = arith.shrsi %add3A_1221, %shift_right_arithmetic3A_1223 : vector<16xi32>
      %and3A_1225 = arith.constant 127 : i32
      %and3A_1226 = vector.broadcast %and3A_1225 : i32 to vector<16xi32>
      %and3A_1227 = arith.andi %add3A_1221, %and3A_1226 : vector<16xi32>
      %gather3A_1228 = arith.constant 0 : i32
      %gather3A_1229 = arith.constant 0 : i32
      %gather3A_1230 = tpu.memref_slice %arg6[%rem3A_122, %gather3A_1228, %gather3A_1229] : memref<2x11x128xi32, #tpu.memory_space<vmem>> -> memref<1x11x128xi32, #tpu.memory_space<vmem>>
      %gather3A_1231 = tpu.memref_squeeze %gather3A_1230 : memref<1x11x128xi32, #tpu.memory_space<vmem>> -> memref<11x128xi32, #tpu.memory_space<vmem>>
      %gather3A_1232 = tpu.vector_load_idx %gather3A_1231[%shift_right_arithmetic3A_1224, %and3A_1227] : memref<11x128xi32, #tpu.memory_space<vmem>>[vector<16xi32>, vector<16xi32>], vector<16xi32>,
      %swap3A_1233 = arith.constant 28 : i32
      %swap3A_1234 = arith.index_cast %swap3A_1233 : i32 to index
      %swap3A_1235 = arith.constant 0 : index
      %swap3A_1236 = tpu.vector_load %arg8[%swap3A_1234, %swap3A_1235] {strides = array<i32>} : memref<50x26xi32, #tpu.memory_space<vmem>>, vector<16xi32>,
      tpu.vector_store %arg8[%swap3A_1234, %swap3A_1235], %gather3A_1232 {strides = array<i32>} : memref<50x26xi32, #tpu.memory_space<vmem>>, vector<16xi32>,
      %add3A_1237 = arith.constant 14 : i32
      %add3A_1238 = arith.addi %sub3A, %add3A_1237 : i32
      %add3A_1239 = vector.broadcast %add3A_1238 : i32 to vector<16xi32>
      %add3A_1240 = arith.addi %mul3A_19, %add3A_1239 : vector<16xi32>
      %shift_right_arithmetic3A_1241 = arith.constant 7 : i32
      %shift_right_arithmetic3A_1242 = vector.broadcast %shift_right_arithmetic3A_1241 : i32 to vector<16xi32>
      %shift_right_arithmetic3A_1243 = arith.shrsi %add3A_1240, %shift_right_arithmetic3A_1242 : vector<16xi32>
      %and3A_1244 = arith.constant 127 : i32
      %and3A_1245 = vector.broadcast %and3A_1244 : i32 to vector<16xi32>
      %and3A_1246 = arith.andi %add3A_1240, %and3A_1245 : vector<16xi32>
      %gather3A_1247 = arith.constant 0 : i32
      %gather3A_1248 = arith.constant 0 : i32
      %gather3A_1249 = tpu.memref_slice %arg6[%rem3A_122, %gather3A_1247, %gather3A_1248] : memref<2x11x128xi32, #tpu.memory_space<vmem>> -> memref<1x11x128xi32, #tpu.memory_space<vmem>>
      %gather3A_1250 = tpu.memref_squeeze %gather3A_1249 : memref<1x11x128xi32, #tpu.memory_space<vmem>> -> memref<11x128xi32, #tpu.memory_space<vmem>>
      %gather3A_1251 = tpu.vector_load_idx %gather3A_1250[%shift_right_arithmetic3A_1243, %and3A_1246] : memref<11x128xi32, #tpu.memory_space<vmem>>[vector<16xi32>, vector<16xi32>], vector<16xi32>,
      %swap3A_1252 = arith.constant 28 : i32
      %swap3A_1253 = arith.index_cast %swap3A_1252 : i32 to index
      %swap3A_1254 = arith.constant 8 : index
      %swap3A_1255 = tpu.vector_load %arg8[%swap3A_1253, %swap3A_1254] {strides = array<i32>} : memref<50x26xi32, #tpu.memory_space<vmem>>, vector<16xi32>,
      tpu.vector_store %arg8[%swap3A_1253, %swap3A_1254], %gather3A_1251 {strides = array<i32>} : memref<50x26xi32, #tpu.memory_space<vmem>>, vector<16xi32>,
      %add3A_1256 = arith.constant 14 : i32
      %add3A_1257 = arith.addi %sub3A, %add3A_1256 : i32
      %add3A_1258 = vector.broadcast %add3A_1257 : i32 to vector<16xi32>
      %add3A_1259 = arith.addi %mul3A_28, %add3A_1258 : vector<16xi32>
      %shift_right_arithmetic3A_1260 = arith.constant 7 : i32
      %shift_right_arithmetic3A_1261 = vector.broadcast %shift_right_arithmetic3A_1260 : i32 to vector<16xi32>
      %shift_right_arithmetic3A_1262 = arith.shrsi %add3A_1259, %shift_right_arithmetic3A_1261 : vector<16xi32>
      %and3A_1263 = arith.constant 127 : i32
      %and3A_1264 = vector.broadcast %and3A_1263 : i32 to vector<16xi32>
      %and3A_1265 = arith.andi %add3A_1259, %and3A_1264 : vector<16xi32>
      %gather3A_1266 = arith.constant 0 : i32
      %gather3A_1267 = arith.constant 0 : i32
      %gather3A_1268 = tpu.memref_slice %arg6[%rem3A_122, %gather3A_1266, %gather3A_1267] : memref<2x11x128xi32, #tpu.memory_space<vmem>> -> memref<1x11x128xi32, #tpu.memory_space<vmem>>
      %gather3A_1269 = tpu.memref_squeeze %gather3A_1268 : memref<1x11x128xi32, #tpu.memory_space<vmem>> -> memref<11x128xi32, #tpu.memory_space<vmem>>
      %gather3A_1270 = tpu.vector_load_idx %gather3A_1269[%shift_right_arithmetic3A_1262, %and3A_1265] : memref<11x128xi32, #tpu.memory_space<vmem>>[vector<16xi32>, vector<16xi32>], vector<16xi32>,
      %swap3A_1271 = arith.constant 29 : i32
      %swap3A_1272 = arith.index_cast %swap3A_1271 : i32 to index
      %swap3A_1273 = arith.constant 0 : index
      %swap3A_1274 = tpu.vector_load %arg8[%swap3A_1272, %swap3A_1273] {strides = array<i32>} : memref<50x26xi32, #tpu.memory_space<vmem>>, vector<16xi32>,
      tpu.vector_store %arg8[%swap3A_1272, %swap3A_1273], %gather3A_1270 {strides = array<i32>} : memref<50x26xi32, #tpu.memory_space<vmem>>, vector<16xi32>,
      %add3A_1275 = arith.constant 14 : i32
      %add3A_1276 = arith.addi %sub3A, %add3A_1275 : i32
      %add3A_1277 = vector.broadcast %add3A_1276 : i32 to vector<16xi32>
      %add3A_1278 = arith.addi %mul3A_37, %add3A_1277 : vector<16xi32>
      %shift_right_arithmetic3A_1279 = arith.constant 7 : i32
      %shift_right_arithmetic3A_1280 = vector.broadcast %shift_right_arithmetic3A_1279 : i32 to vector<16xi32>
      %shift_right_arithmetic3A_1281 = arith.shrsi %add3A_1278, %shift_right_arithmetic3A_1280 : vector<16xi32>
      %and3A_1282 = arith.constant 127 : i32
      %and3A_1283 = vector.broadcast %and3A_1282 : i32 to vector<16xi32>
      %and3A_1284 = arith.andi %add3A_1278, %and3A_1283 : vector<16xi32>
      %gather3A_1285 = arith.constant 0 : i32
      %gather3A_1286 = arith.constant 0 : i32
      %gather3A_1287 = tpu.memref_slice %arg6[%rem3A_122, %gather3A_1285, %gather3A_1286] : memref<2x11x128xi32, #tpu.memory_space<vmem>> -> memref<1x11x128xi32, #tpu.memory_space<vmem>>
      %gather3A_1288 = tpu.memref_squeeze %gather3A_1287 : memref<1x11x128xi32, #tpu.memory_space<vmem>> -> memref<11x128xi32, #tpu.memory_space<vmem>>
      %gather3A_1289 = tpu.vector_load_idx %gather3A_1288[%shift_right_arithmetic3A_1281, %and3A_1284] : memref<11x128xi32, #tpu.memory_space<vmem>>[vector<16xi32>, vector<16xi32>], vector<16xi32>,
      %swap3A_1290 = arith.constant 29 : i32
      %swap3A_1291 = arith.index_cast %swap3A_1290 : i32 to index
      %swap3A_1292 = arith.constant 10 : index
      %swap3A_1293 = tpu.vector_load %arg8[%swap3A_1291, %swap3A_1292] {strides = array<i32>} : memref<50x26xi32, #tpu.memory_space<vmem>>, vector<16xi32>,
      tpu.vector_store %arg8[%swap3A_1291, %swap3A_1292], %gather3A_1289 {strides = array<i32>} : memref<50x26xi32, #tpu.memory_space<vmem>>, vector<16xi32>,
      %add3A_1294 = arith.constant 15 : i32
      %add3A_1295 = arith.addi %sub3A, %add3A_1294 : i32
      %add3A_1296 = vector.broadcast %add3A_1295 : i32 to vector<16xi32>
      %add3A_1297 = arith.addi %mul3A_10, %add3A_1296 : vector<16xi32>
      %shift_right_arithmetic3A_1298 = arith.constant 7 : i32
      %shift_right_arithmetic3A_1299 = vector.broadcast %shift_right_arithmetic3A_1298 : i32 to vector<16xi32>
      %shift_right_arithmetic3A_1300 = arith.shrsi %add3A_1297, %shift_right_arithmetic3A_1299 : vector<16xi32>
      %and3A_1301 = arith.constant 127 : i32
      %and3A_1302 = vector.broadcast %and3A_1301 : i32 to vector<16xi32>
      %and3A_1303 = arith.andi %add3A_1297, %and3A_1302 : vector<16xi32>
      %gather3A_1304 = arith.constant 0 : i32
      %gather3A_1305 = arith.constant 0 : i32
      %gather3A_1306 = tpu.memref_slice %arg6[%rem3A_122, %gather3A_1304, %gather3A_1305] : memref<2x11x128xi32, #tpu.memory_space<vmem>> -> memref<1x11x128xi32, #tpu.memory_space<vmem>>
      %gather3A_1307 = tpu.memref_squeeze %gather3A_1306 : memref<1x11x128xi32, #tpu.memory_space<vmem>> -> memref<11x128xi32, #tpu.memory_space<vmem>>
      %gather3A_1308 = tpu.vector_load_idx %gather3A_1307[%shift_right_arithmetic3A_1300, %and3A_1303] : memref<11x128xi32, #tpu.memory_space<vmem>>[vector<16xi32>, vector<16xi32>], vector<16xi32>,
      %swap3A_1309 = arith.constant 30 : i32
      %swap3A_1310 = arith.index_cast %swap3A_1309 : i32 to index
      %swap3A_1311 = arith.constant 0 : index
      %swap3A_1312 = tpu.vector_load %arg8[%swap3A_1310, %swap3A_1311] {strides = array<i32>} : memref<50x26xi32, #tpu.memory_space<vmem>>, vector<16xi32>,
      tpu.vector_store %arg8[%swap3A_1310, %swap3A_1311], %gather3A_1308 {strides = array<i32>} : memref<50x26xi32, #tpu.memory_space<vmem>>, vector<16xi32>,
      %add3A_1313 = arith.constant 15 : i32
      %add3A_1314 = arith.addi %sub3A, %add3A_1313 : i32
      %add3A_1315 = vector.broadcast %add3A_1314 : i32 to vector<16xi32>
      %add3A_1316 = arith.addi %mul3A_19, %add3A_1315 : vector<16xi32>
      %shift_right_arithmetic3A_1317 = arith.constant 7 : i32
      %shift_right_arithmetic3A_1318 = vector.broadcast %shift_right_arithmetic3A_1317 : i32 to vector<16xi32>
      %shift_right_arithmetic3A_1319 = arith.shrsi %add3A_1316, %shift_right_arithmetic3A_1318 : vector<16xi32>
      %and3A_1320 = arith.constant 127 : i32
      %and3A_1321 = vector.broadcast %and3A_1320 : i32 to vector<16xi32>
      %and3A_1322 = arith.andi %add3A_1316, %and3A_1321 : vector<16xi32>
      %gather3A_1323 = arith.constant 0 : i32
      %gather3A_1324 = arith.constant 0 : i32
      %gather3A_1325 = tpu.memref_slice %arg6[%rem3A_122, %gather3A_1323, %gather3A_1324] : memref<2x11x128xi32, #tpu.memory_space<vmem>> -> memref<1x11x128xi32, #tpu.memory_space<vmem>>
      %gather3A_1326 = tpu.memref_squeeze %gather3A_1325 : memref<1x11x128xi32, #tpu.memory_space<vmem>> -> memref<11x128xi32, #tpu.memory_space<vmem>>
      %gather3A_1327 = tpu.vector_load_idx %gather3A_1326[%shift_right_arithmetic3A_1319, %and3A_1322] : memref<11x128xi32, #tpu.memory_space<vmem>>[vector<16xi32>, vector<16xi32>], vector<16xi32>,
      %swap3A_1328 = arith.constant 30 : i32
      %swap3A_1329 = arith.index_cast %swap3A_1328 : i32 to index
      %swap3A_1330 = arith.constant 8 : index
      %swap3A_1331 = tpu.vector_load %arg8[%swap3A_1329, %swap3A_1330] {strides = array<i32>} : memref<50x26xi32, #tpu.memory_space<vmem>>, vector<16xi32>,
      tpu.vector_store %arg8[%swap3A_1329, %swap3A_1330], %gather3A_1327 {strides = array<i32>} : memref<50x26xi32, #tpu.memory_space<vmem>>, vector<16xi32>,
      %add3A_1332 = arith.constant 15 : i32
      %add3A_1333 = arith.addi %sub3A, %add3A_1332 : i32
      %add3A_1334 = vector.broadcast %add3A_1333 : i32 to vector<16xi32>
      %add3A_1335 = arith.addi %mul3A_28, %add3A_1334 : vector<16xi32>
      %shift_right_arithmetic3A_1336 = arith.constant 7 : i32
      %shift_right_arithmetic3A_1337 = vector.broadcast %shift_right_arithmetic3A_1336 : i32 to vector<16xi32>
      %shift_right_arithmetic3A_1338 = arith.shrsi %add3A_1335, %shift_right_arithmetic3A_1337 : vector<16xi32>
      %and3A_1339 = arith.constant 127 : i32
      %and3A_1340 = vector.broadcast %and3A_1339 : i32 to vector<16xi32>
      %and3A_1341 = arith.andi %add3A_1335, %and3A_1340 : vector<16xi32>
      %gather3A_1342 = arith.constant 0 : i32
      %gather3A_1343 = arith.constant 0 : i32
      %gather3A_1344 = tpu.memref_slice %arg6[%rem3A_122, %gather3A_1342, %gather3A_1343] : memref<2x11x128xi32, #tpu.memory_space<vmem>> -> memref<1x11x128xi32, #tpu.memory_space<vmem>>
      %gather3A_1345 = tpu.memref_squeeze %gather3A_1344 : memref<1x11x128xi32, #tpu.memory_space<vmem>> -> memref<11x128xi32, #tpu.memory_space<vmem>>
      %gather3A_1346 = tpu.vector_load_idx %gather3A_1345[%shift_right_arithmetic3A_1338, %and3A_1341] : memref<11x128xi32, #tpu.memory_space<vmem>>[vector<16xi32>, vector<16xi32>], vector<16xi32>,
      %swap3A_1347 = arith.constant 31 : i32
      %swap3A_1348 = arith.index_cast %swap3A_1347 : i32 to index
      %swap3A_1349 = arith.constant 0 : index
      %swap3A_1350 = tpu.vector_load %arg8[%swap3A_1348, %swap3A_1349] {strides = array<i32>} : memref<50x26xi32, #tpu.memory_space<vmem>>, vector<16xi32>,
      tpu.vector_store %arg8[%swap3A_1348, %swap3A_1349], %gather3A_1346 {strides = array<i32>} : memref<50x26xi32, #tpu.memory_space<vmem>>, vector<16xi32>,
      %add3A_1351 = arith.constant 15 : i32
      %add3A_1352 = arith.addi %sub3A, %add3A_1351 : i32
      %add3A_1353 = vector.broadcast %add3A_1352 : i32 to vector<16xi32>
      %add3A_1354 = arith.addi %mul3A_37, %add3A_1353 : vector<16xi32>
      %shift_right_arithmetic3A_1355 = arith.constant 7 : i32
      %shift_right_arithmetic3A_1356 = vector.broadcast %shift_right_arithmetic3A_1355 : i32 to vector<16xi32>
      %shift_right_arithmetic3A_1357 = arith.shrsi %add3A_1354, %shift_right_arithmetic3A_1356 : vector<16xi32>
      %and3A_1358 = arith.constant 127 : i32
      %and3A_1359 = vector.broadcast %and3A_1358 : i32 to vector<16xi32>
      %and3A_1360 = arith.andi %add3A_1354, %and3A_1359 : vector<16xi32>
      %gather3A_1361 = arith.constant 0 : i32
      %gather3A_1362 = arith.constant 0 : i32
      %gather3A_1363 = tpu.memref_slice %arg6[%rem3A_122, %gather3A_1361, %gather3A_1362] : memref<2x11x128xi32, #tpu.memory_space<vmem>> -> memref<1x11x128xi32, #tpu.memory_space<vmem>>
      %gather3A_1364 = tpu.memref_squeeze %gather3A_1363 : memref<1x11x128xi32, #tpu.memory_space<vmem>> -> memref<11x128xi32, #tpu.memory_space<vmem>>
      %gather3A_1365 = tpu.vector_load_idx %gather3A_1364[%shift_right_arithmetic3A_1357, %and3A_1360] : memref<11x128xi32, #tpu.memory_space<vmem>>[vector<16xi32>, vector<16xi32>], vector<16xi32>,
      %swap3A_1366 = arith.constant 31 : i32
      %swap3A_1367 = arith.index_cast %swap3A_1366 : i32 to index
      %swap3A_1368 = arith.constant 10 : index
      %swap3A_1369 = tpu.vector_load %arg8[%swap3A_1367, %swap3A_1368] {strides = array<i32>} : memref<50x26xi32, #tpu.memory_space<vmem>>, vector<16xi32>,
      tpu.vector_store %arg8[%swap3A_1367, %swap3A_1368], %gather3A_1365 {strides = array<i32>} : memref<50x26xi32, #tpu.memory_space<vmem>>, vector<16xi32>,
      %add3A_1370 = arith.constant 16 : i32
      %add3A_1371 = arith.addi %sub3A, %add3A_1370 : i32
      %add3A_1372 = vector.broadcast %add3A_1371 : i32 to vector<16xi32>
      %add3A_1373 = arith.addi %mul3A_10, %add3A_1372 : vector<16xi32>
      %shift_right_arithmetic3A_1374 = arith.constant 7 : i32
      %shift_right_arithmetic3A_1375 = vector.broadcast %shift_right_arithmetic3A_1374 : i32 to vector<16xi32>
      %shift_right_arithmetic3A_1376 = arith.shrsi %add3A_1373, %shift_right_arithmetic3A_1375 : vector<16xi32>
      %and3A_1377 = arith.constant 127 : i32
      %and3A_1378 = vector.broadcast %and3A_1377 : i32 to vector<16xi32>
      %and3A_1379 = arith.andi %add3A_1373, %and3A_1378 : vector<16xi32>
      %gather3A_1380 = arith.constant 0 : i32
      %gather3A_1381 = arith.constant 0 : i32
      %gather3A_1382 = tpu.memref_slice %arg6[%rem3A_122, %gather3A_1380, %gather3A_1381] : memref<2x11x128xi32, #tpu.memory_space<vmem>> -> memref<1x11x128xi32, #tpu.memory_space<vmem>>
      %gather3A_1383 = tpu.memref_squeeze %gather3A_1382 : memref<1x11x128xi32, #tpu.memory_space<vmem>> -> memref<11x128xi32, #tpu.memory_space<vmem>>
      %gather3A_1384 = tpu.vector_load_idx %gather3A_1383[%shift_right_arithmetic3A_1376, %and3A_1379] : memref<11x128xi32, #tpu.memory_space<vmem>>[vector<16xi32>, vector<16xi32>], vector<16xi32>,
      %swap3A_1385 = arith.constant 32 : i32
      %swap3A_1386 = arith.index_cast %swap3A_1385 : i32 to index
      %swap3A_1387 = arith.constant 0 : index
      %swap3A_1388 = tpu.vector_load %arg8[%swap3A_1386, %swap3A_1387] {strides = array<i32>} : memref<50x26xi32, #tpu.memory_space<vmem>>, vector<16xi32>,
      tpu.vector_store %arg8[%swap3A_1386, %swap3A_1387], %gather3A_1384 {strides = array<i32>} : memref<50x26xi32, #tpu.memory_space<vmem>>, vector<16xi32>,
      %add3A_1389 = arith.constant 16 : i32
      %add3A_1390 = arith.addi %sub3A, %add3A_1389 : i32
      %add3A_1391 = vector.broadcast %add3A_1390 : i32 to vector<16xi32>
      %add3A_1392 = arith.addi %mul3A_19, %add3A_1391 : vector<16xi32>
      %shift_right_arithmetic3A_1393 = arith.constant 7 : i32
      %shift_right_arithmetic3A_1394 = vector.broadcast %shift_right_arithmetic3A_1393 : i32 to vector<16xi32>
      %shift_right_arithmetic3A_1395 = arith.shrsi %add3A_1392, %shift_right_arithmetic3A_1394 : vector<16xi32>
      %and3A_1396 = arith.constant 127 : i32
      %and3A_1397 = vector.broadcast %and3A_1396 : i32 to vector<16xi32>
      %and3A_1398 = arith.andi %add3A_1392, %and3A_1397 : vector<16xi32>
      %gather3A_1399 = arith.constant 0 : i32
      %gather3A_1400 = arith.constant 0 : i32
      %gather3A_1401 = tpu.memref_slice %arg6[%rem3A_122, %gather3A_1399, %gather3A_1400] : memref<2x11x128xi32, #tpu.memory_space<vmem>> -> memref<1x11x128xi32, #tpu.memory_space<vmem>>
      %gather3A_1402 = tpu.memref_squeeze %gather3A_1401 : memref<1x11x128xi32, #tpu.memory_space<vmem>> -> memref<11x128xi32, #tpu.memory_space<vmem>>
      %gather3A_1403 = tpu.vector_load_idx %gather3A_1402[%shift_right_arithmetic3A_1395, %and3A_1398] : memref<11x128xi32, #tpu.memory_space<vmem>>[vector<16xi32>, vector<16xi32>], vector<16xi32>,
      %swap3A_1404 = arith.constant 32 : i32
      %swap3A_1405 = arith.index_cast %swap3A_1404 : i32 to index
      %swap3A_1406 = arith.constant 8 : index
      %swap3A_1407 = tpu.vector_load %arg8[%swap3A_1405, %swap3A_1406] {strides = array<i32>} : memref<50x26xi32, #tpu.memory_space<vmem>>, vector<16xi32>,
      tpu.vector_store %arg8[%swap3A_1405, %swap3A_1406], %gather3A_1403 {strides = array<i32>} : memref<50x26xi32, #tpu.memory_space<vmem>>, vector<16xi32>,
      %add3A_1408 = arith.constant 16 : i32
      %add3A_1409 = arith.addi %sub3A, %add3A_1408 : i32
      %add3A_1410 = vector.broadcast %add3A_1409 : i32 to vector<16xi32>
      %add3A_1411 = arith.addi %mul3A_28, %add3A_1410 : vector<16xi32>
      %shift_right_arithmetic3A_1412 = arith.constant 7 : i32
      %shift_right_arithmetic3A_1413 = vector.broadcast %shift_right_arithmetic3A_1412 : i32 to vector<16xi32>
      %shift_right_arithmetic3A_1414 = arith.shrsi %add3A_1411, %shift_right_arithmetic3A_1413 : vector<16xi32>
      %and3A_1415 = arith.constant 127 : i32
      %and3A_1416 = vector.broadcast %and3A_1415 : i32 to vector<16xi32>
      %and3A_1417 = arith.andi %add3A_1411, %and3A_1416 : vector<16xi32>
      %gather3A_1418 = arith.constant 0 : i32
      %gather3A_1419 = arith.constant 0 : i32
      %gather3A_1420 = tpu.memref_slice %arg6[%rem3A_122, %gather3A_1418, %gather3A_1419] : memref<2x11x128xi32, #tpu.memory_space<vmem>> -> memref<1x11x128xi32, #tpu.memory_space<vmem>>
      %gather3A_1421 = tpu.memref_squeeze %gather3A_1420 : memref<1x11x128xi32, #tpu.memory_space<vmem>> -> memref<11x128xi32, #tpu.memory_space<vmem>>
      %gather3A_1422 = tpu.vector_load_idx %gather3A_1421[%shift_right_arithmetic3A_1414, %and3A_1417] : memref<11x128xi32, #tpu.memory_space<vmem>>[vector<16xi32>, vector<16xi32>], vector<16xi32>,
      %swap3A_1423 = arith.constant 33 : i32
      %swap3A_1424 = arith.index_cast %swap3A_1423 : i32 to index
      %swap3A_1425 = arith.constant 0 : index
      %swap3A_1426 = tpu.vector_load %arg8[%swap3A_1424, %swap3A_1425] {strides = array<i32>} : memref<50x26xi32, #tpu.memory_space<vmem>>, vector<16xi32>,
      tpu.vector_store %arg8[%swap3A_1424, %swap3A_1425], %gather3A_1422 {strides = array<i32>} : memref<50x26xi32, #tpu.memory_space<vmem>>, vector<16xi32>,
      %add3A_1427 = arith.constant 16 : i32
      %add3A_1428 = arith.addi %sub3A, %add3A_1427 : i32
      %add3A_1429 = vector.broadcast %add3A_1428 : i32 to vector<16xi32>
      %add3A_1430 = arith.addi %mul3A_37, %add3A_1429 : vector<16xi32>
      %shift_right_arithmetic3A_1431 = arith.constant 7 : i32
      %shift_right_arithmetic3A_1432 = vector.broadcast %shift_right_arithmetic3A_1431 : i32 to vector<16xi32>
      %shift_right_arithmetic3A_1433 = arith.shrsi %add3A_1430, %shift_right_arithmetic3A_1432 : vector<16xi32>
      %and3A_1434 = arith.constant 127 : i32
      %and3A_1435 = vector.broadcast %and3A_1434 : i32 to vector<16xi32>
      %and3A_1436 = arith.andi %add3A_1430, %and3A_1435 : vector<16xi32>
      %gather3A_1437 = arith.constant 0 : i32
      %gather3A_1438 = arith.constant 0 : i32
      %gather3A_1439 = tpu.memref_slice %arg6[%rem3A_122, %gather3A_1437, %gather3A_1438] : memref<2x11x128xi32, #tpu.memory_space<vmem>> -> memref<1x11x128xi32, #tpu.memory_space<vmem>>
      %gather3A_1440 = tpu.memref_squeeze %gather3A_1439 : memref<1x11x128xi32, #tpu.memory_space<vmem>> -> memref<11x128xi32, #tpu.memory_space<vmem>>
      %gather3A_1441 = tpu.vector_load_idx %gather3A_1440[%shift_right_arithmetic3A_1433, %and3A_1436] : memref<11x128xi32, #tpu.memory_space<vmem>>[vector<16xi32>, vector<16xi32>], vector<16xi32>,
      %swap3A_1442 = arith.constant 33 : i32
      %swap3A_1443 = arith.index_cast %swap3A_1442 : i32 to index
      %swap3A_1444 = arith.constant 10 : index
      %swap3A_1445 = tpu.vector_load %arg8[%swap3A_1443, %swap3A_1444] {strides = array<i32>} : memref<50x26xi32, #tpu.memory_space<vmem>>, vector<16xi32>,
      tpu.vector_store %arg8[%swap3A_1443, %swap3A_1444], %gather3A_1441 {strides = array<i32>} : memref<50x26xi32, #tpu.memory_space<vmem>>, vector<16xi32>,
      %add3A_1446 = arith.constant 17 : i32
      %add3A_1447 = arith.addi %sub3A, %add3A_1446 : i32
      %add3A_1448 = vector.broadcast %add3A_1447 : i32 to vector<16xi32>
      %add3A_1449 = arith.addi %mul3A_10, %add3A_1448 : vector<16xi32>
      %shift_right_arithmetic3A_1450 = arith.constant 7 : i32
      %shift_right_arithmetic3A_1451 = vector.broadcast %shift_right_arithmetic3A_1450 : i32 to vector<16xi32>
      %shift_right_arithmetic3A_1452 = arith.shrsi %add3A_1449, %shift_right_arithmetic3A_1451 : vector<16xi32>
      %and3A_1453 = arith.constant 127 : i32
      %and3A_1454 = vector.broadcast %and3A_1453 : i32 to vector<16xi32>
      %and3A_1455 = arith.andi %add3A_1449, %and3A_1454 : vector<16xi32>
      %gather3A_1456 = arith.constant 0 : i32
      %gather3A_1457 = arith.constant 0 : i32
      %gather3A_1458 = tpu.memref_slice %arg6[%rem3A_122, %gather3A_1456, %gather3A_1457] : memref<2x11x128xi32, #tpu.memory_space<vmem>> -> memref<1x11x128xi32, #tpu.memory_space<vmem>>
      %gather3A_1459 = tpu.memref_squeeze %gather3A_1458 : memref<1x11x128xi32, #tpu.memory_space<vmem>> -> memref<11x128xi32, #tpu.memory_space<vmem>>
      %gather3A_1460 = tpu.vector_load_idx %gather3A_1459[%shift_right_arithmetic3A_1452, %and3A_1455] : memref<11x128xi32, #tpu.memory_space<vmem>>[vector<16xi32>, vector<16xi32>], vector<16xi32>,
      %swap3A_1461 = arith.constant 34 : i32
      %swap3A_1462 = arith.index_cast %swap3A_1461 : i32 to index
      %swap3A_1463 = arith.constant 0 : index
      %swap3A_1464 = tpu.vector_load %arg8[%swap3A_1462, %swap3A_1463] {strides = array<i32>} : memref<50x26xi32, #tpu.memory_space<vmem>>, vector<16xi32>,
      tpu.vector_store %arg8[%swap3A_1462, %swap3A_1463], %gather3A_1460 {strides = array<i32>} : memref<50x26xi32, #tpu.memory_space<vmem>>, vector<16xi32>,
      %add3A_1465 = arith.constant 17 : i32
      %add3A_1466 = arith.addi %sub3A, %add3A_1465 : i32
      %add3A_1467 = vector.broadcast %add3A_1466 : i32 to vector<16xi32>
      %add3A_1468 = arith.addi %mul3A_19, %add3A_1467 : vector<16xi32>
      %shift_right_arithmetic3A_1469 = arith.constant 7 : i32
      %shift_right_arithmetic3A_1470 = vector.broadcast %shift_right_arithmetic3A_1469 : i32 to vector<16xi32>
      %shift_right_arithmetic3A_1471 = arith.shrsi %add3A_1468, %shift_right_arithmetic3A_1470 : vector<16xi32>
      %and3A_1472 = arith.constant 127 : i32
      %and3A_1473 = vector.broadcast %and3A_1472 : i32 to vector<16xi32>
      %and3A_1474 = arith.andi %add3A_1468, %and3A_1473 : vector<16xi32>
      %gather3A_1475 = arith.constant 0 : i32
      %gather3A_1476 = arith.constant 0 : i32
      %gather3A_1477 = tpu.memref_slice %arg6[%rem3A_122, %gather3A_1475, %gather3A_1476] : memref<2x11x128xi32, #tpu.memory_space<vmem>> -> memref<1x11x128xi32, #tpu.memory_space<vmem>>
      %gather3A_1478 = tpu.memref_squeeze %gather3A_1477 : memref<1x11x128xi32, #tpu.memory_space<vmem>> -> memref<11x128xi32, #tpu.memory_space<vmem>>
      %gather3A_1479 = tpu.vector_load_idx %gather3A_1478[%shift_right_arithmetic3A_1471, %and3A_1474] : memref<11x128xi32, #tpu.memory_space<vmem>>[vector<16xi32>, vector<16xi32>], vector<16xi32>,
      %swap3A_1480 = arith.constant 34 : i32
      %swap3A_1481 = arith.index_cast %swap3A_1480 : i32 to index
      %swap3A_1482 = arith.constant 8 : index
      %swap3A_1483 = tpu.vector_load %arg8[%swap3A_1481, %swap3A_1482] {strides = array<i32>} : memref<50x26xi32, #tpu.memory_space<vmem>>, vector<16xi32>,
      tpu.vector_store %arg8[%swap3A_1481, %swap3A_1482], %gather3A_1479 {strides = array<i32>} : memref<50x26xi32, #tpu.memory_space<vmem>>, vector<16xi32>,
      %add3A_1484 = arith.constant 17 : i32
      %add3A_1485 = arith.addi %sub3A, %add3A_1484 : i32
      %add3A_1486 = vector.broadcast %add3A_1485 : i32 to vector<16xi32>
      %add3A_1487 = arith.addi %mul3A_28, %add3A_1486 : vector<16xi32>
      %shift_right_arithmetic3A_1488 = arith.constant 7 : i32
      %shift_right_arithmetic3A_1489 = vector.broadcast %shift_right_arithmetic3A_1488 : i32 to vector<16xi32>
      %shift_right_arithmetic3A_1490 = arith.shrsi %add3A_1487, %shift_right_arithmetic3A_1489 : vector<16xi32>
      %and3A_1491 = arith.constant 127 : i32
      %and3A_1492 = vector.broadcast %and3A_1491 : i32 to vector<16xi32>
      %and3A_1493 = arith.andi %add3A_1487, %and3A_1492 : vector<16xi32>
      %gather3A_1494 = arith.constant 0 : i32
      %gather3A_1495 = arith.constant 0 : i32
      %gather3A_1496 = tpu.memref_slice %arg6[%rem3A_122, %gather3A_1494, %gather3A_1495] : memref<2x11x128xi32, #tpu.memory_space<vmem>> -> memref<1x11x128xi32, #tpu.memory_space<vmem>>
      %gather3A_1497 = tpu.memref_squeeze %gather3A_1496 : memref<1x11x128xi32, #tpu.memory_space<vmem>> -> memref<11x128xi32, #tpu.memory_space<vmem>>
      %gather3A_1498 = tpu.vector_load_idx %gather3A_1497[%shift_right_arithmetic3A_1490, %and3A_1493] : memref<11x128xi32, #tpu.memory_space<vmem>>[vector<16xi32>, vector<16xi32>], vector<16xi32>,
      %swap3A_1499 = arith.constant 35 : i32
      %swap3A_1500 = arith.index_cast %swap3A_1499 : i32 to index
      %swap3A_1501 = arith.constant 0 : index
      %swap3A_1502 = tpu.vector_load %arg8[%swap3A_1500, %swap3A_1501] {strides = array<i32>} : memref<50x26xi32, #tpu.memory_space<vmem>>, vector<16xi32>,
      tpu.vector_store %arg8[%swap3A_1500, %swap3A_1501], %gather3A_1498 {strides = array<i32>} : memref<50x26xi32, #tpu.memory_space<vmem>>, vector<16xi32>,
      %add3A_1503 = arith.constant 17 : i32
      %add3A_1504 = arith.addi %sub3A, %add3A_1503 : i32
      %add3A_1505 = vector.broadcast %add3A_1504 : i32 to vector<16xi32>
      %add3A_1506 = arith.addi %mul3A_37, %add3A_1505 : vector<16xi32>
      %shift_right_arithmetic3A_1507 = arith.constant 7 : i32
      %shift_right_arithmetic3A_1508 = vector.broadcast %shift_right_arithmetic3A_1507 : i32 to vector<16xi32>
      %shift_right_arithmetic3A_1509 = arith.shrsi %add3A_1506, %shift_right_arithmetic3A_1508 : vector<16xi32>
      %and3A_1510 = arith.constant 127 : i32
      %and3A_1511 = vector.broadcast %and3A_1510 : i32 to vector<16xi32>
      %and3A_1512 = arith.andi %add3A_1506, %and3A_1511 : vector<16xi32>
      %gather3A_1513 = arith.constant 0 : i32
      %gather3A_1514 = arith.constant 0 : i32
      %gather3A_1515 = tpu.memref_slice %arg6[%rem3A_122, %gather3A_1513, %gather3A_1514] : memref<2x11x128xi32, #tpu.memory_space<vmem>> -> memref<1x11x128xi32, #tpu.memory_space<vmem>>
      %gather3A_1516 = tpu.memref_squeeze %gather3A_1515 : memref<1x11x128xi32, #tpu.memory_space<vmem>> -> memref<11x128xi32, #tpu.memory_space<vmem>>
      %gather3A_1517 = tpu.vector_load_idx %gather3A_1516[%shift_right_arithmetic3A_1509, %and3A_1512] : memref<11x128xi32, #tpu.memory_space<vmem>>[vector<16xi32>, vector<16xi32>], vector<16xi32>,
      %swap3A_1518 = arith.constant 35 : i32
      %swap3A_1519 = arith.index_cast %swap3A_1518 : i32 to index
      %swap3A_1520 = arith.constant 10 : index
      %swap3A_1521 = tpu.vector_load %arg8[%swap3A_1519, %swap3A_1520] {strides = array<i32>} : memref<50x26xi32, #tpu.memory_space<vmem>>, vector<16xi32>,
      tpu.vector_store %arg8[%swap3A_1519, %swap3A_1520], %gather3A_1517 {strides = array<i32>} : memref<50x26xi32, #tpu.memory_space<vmem>>, vector<16xi32>,
      %add3A_1522 = arith.constant 18 : i32
      %add3A_1523 = arith.addi %sub3A, %add3A_1522 : i32
      %add3A_1524 = vector.broadcast %add3A_1523 : i32 to vector<16xi32>
      %add3A_1525 = arith.addi %mul3A_10, %add3A_1524 : vector<16xi32>
      %shift_right_arithmetic3A_1526 = arith.constant 7 : i32
      %shift_right_arithmetic3A_1527 = vector.broadcast %shift_right_arithmetic3A_1526 : i32 to vector<16xi32>
      %shift_right_arithmetic3A_1528 = arith.shrsi %add3A_1525, %shift_right_arithmetic3A_1527 : vector<16xi32>
      %and3A_1529 = arith.constant 127 : i32
      %and3A_1530 = vector.broadcast %and3A_1529 : i32 to vector<16xi32>
      %and3A_1531 = arith.andi %add3A_1525, %and3A_1530 : vector<16xi32>
      %gather3A_1532 = arith.constant 0 : i32
      %gather3A_1533 = arith.constant 0 : i32
      %gather3A_1534 = tpu.memref_slice %arg6[%rem3A_122, %gather3A_1532, %gather3A_1533] : memref<2x11x128xi32, #tpu.memory_space<vmem>> -> memref<1x11x128xi32, #tpu.memory_space<vmem>>
      %gather3A_1535 = tpu.memref_squeeze %gather3A_1534 : memref<1x11x128xi32, #tpu.memory_space<vmem>> -> memref<11x128xi32, #tpu.memory_space<vmem>>
      %gather3A_1536 = tpu.vector_load_idx %gather3A_1535[%shift_right_arithmetic3A_1528, %and3A_1531] : memref<11x128xi32, #tpu.memory_space<vmem>>[vector<16xi32>, vector<16xi32>], vector<16xi32>,
      %swap3A_1537 = arith.constant 36 : i32
      %swap3A_1538 = arith.index_cast %swap3A_1537 : i32 to index
      %swap3A_1539 = arith.constant 0 : index
      %swap3A_1540 = tpu.vector_load %arg8[%swap3A_1538, %swap3A_1539] {strides = array<i32>} : memref<50x26xi32, #tpu.memory_space<vmem>>, vector<16xi32>,
      tpu.vector_store %arg8[%swap3A_1538, %swap3A_1539], %gather3A_1536 {strides = array<i32>} : memref<50x26xi32, #tpu.memory_space<vmem>>, vector<16xi32>,
      %add3A_1541 = arith.constant 18 : i32
      %add3A_1542 = arith.addi %sub3A, %add3A_1541 : i32
      %add3A_1543 = vector.broadcast %add3A_1542 : i32 to vector<16xi32>
      %add3A_1544 = arith.addi %mul3A_19, %add3A_1543 : vector<16xi32>
      %shift_right_arithmetic3A_1545 = arith.constant 7 : i32
      %shift_right_arithmetic3A_1546 = vector.broadcast %shift_right_arithmetic3A_1545 : i32 to vector<16xi32>
      %shift_right_arithmetic3A_1547 = arith.shrsi %add3A_1544, %shift_right_arithmetic3A_1546 : vector<16xi32>
      %and3A_1548 = arith.constant 127 : i32
      %and3A_1549 = vector.broadcast %and3A_1548 : i32 to vector<16xi32>
      %and3A_1550 = arith.andi %add3A_1544, %and3A_1549 : vector<16xi32>
      %gather3A_1551 = arith.constant 0 : i32
      %gather3A_1552 = arith.constant 0 : i32
      %gather3A_1553 = tpu.memref_slice %arg6[%rem3A_122, %gather3A_1551, %gather3A_1552] : memref<2x11x128xi32, #tpu.memory_space<vmem>> -> memref<1x11x128xi32, #tpu.memory_space<vmem>>
      %gather3A_1554 = tpu.memref_squeeze %gather3A_1553 : memref<1x11x128xi32, #tpu.memory_space<vmem>> -> memref<11x128xi32, #tpu.memory_space<vmem>>
      %gather3A_1555 = tpu.vector_load_idx %gather3A_1554[%shift_right_arithmetic3A_1547, %and3A_1550] : memref<11x128xi32, #tpu.memory_space<vmem>>[vector<16xi32>, vector<16xi32>], vector<16xi32>,
      %swap3A_1556 = arith.constant 36 : i32
      %swap3A_1557 = arith.index_cast %swap3A_1556 : i32 to index
      %swap3A_1558 = arith.constant 8 : index
      %swap3A_1559 = tpu.vector_load %arg8[%swap3A_1557, %swap3A_1558] {strides = array<i32>} : memref<50x26xi32, #tpu.memory_space<vmem>>, vector<16xi32>,
      tpu.vector_store %arg8[%swap3A_1557, %swap3A_1558], %gather3A_1555 {strides = array<i32>} : memref<50x26xi32, #tpu.memory_space<vmem>>, vector<16xi32>,
      %add3A_1560 = arith.constant 18 : i32
      %add3A_1561 = arith.addi %sub3A, %add3A_1560 : i32
      %add3A_1562 = vector.broadcast %add3A_1561 : i32 to vector<16xi32>
      %add3A_1563 = arith.addi %mul3A_28, %add3A_1562 : vector<16xi32>
      %shift_right_arithmetic3A_1564 = arith.constant 7 : i32
      %shift_right_arithmetic3A_1565 = vector.broadcast %shift_right_arithmetic3A_1564 : i32 to vector<16xi32>
      %shift_right_arithmetic3A_1566 = arith.shrsi %add3A_1563, %shift_right_arithmetic3A_1565 : vector<16xi32>
      %and3A_1567 = arith.constant 127 : i32
      %and3A_1568 = vector.broadcast %and3A_1567 : i32 to vector<16xi32>
      %and3A_1569 = arith.andi %add3A_1563, %and3A_1568 : vector<16xi32>
      %gather3A_1570 = arith.constant 0 : i32
      %gather3A_1571 = arith.constant 0 : i32
      %gather3A_1572 = tpu.memref_slice %arg6[%rem3A_122, %gather3A_1570, %gather3A_1571] : memref<2x11x128xi32, #tpu.memory_space<vmem>> -> memref<1x11x128xi32, #tpu.memory_space<vmem>>
      %gather3A_1573 = tpu.memref_squeeze %gather3A_1572 : memref<1x11x128xi32, #tpu.memory_space<vmem>> -> memref<11x128xi32, #tpu.memory_space<vmem>>
      %gather3A_1574 = tpu.vector_load_idx %gather3A_1573[%shift_right_arithmetic3A_1566, %and3A_1569] : memref<11x128xi32, #tpu.memory_space<vmem>>[vector<16xi32>, vector<16xi32>], vector<16xi32>,
      %swap3A_1575 = arith.constant 37 : i32
      %swap3A_1576 = arith.index_cast %swap3A_1575 : i32 to index
      %swap3A_1577 = arith.constant 0 : index
      %swap3A_1578 = tpu.vector_load %arg8[%swap3A_1576, %swap3A_1577] {strides = array<i32>} : memref<50x26xi32, #tpu.memory_space<vmem>>, vector<16xi32>,
      tpu.vector_store %arg8[%swap3A_1576, %swap3A_1577], %gather3A_1574 {strides = array<i32>} : memref<50x26xi32, #tpu.memory_space<vmem>>, vector<16xi32>,
      %add3A_1579 = arith.constant 18 : i32
      %add3A_1580 = arith.addi %sub3A, %add3A_1579 : i32
      %add3A_1581 = vector.broadcast %add3A_1580 : i32 to vector<16xi32>
      %add3A_1582 = arith.addi %mul3A_37, %add3A_1581 : vector<16xi32>
      %shift_right_arithmetic3A_1583 = arith.constant 7 : i32
      %shift_right_arithmetic3A_1584 = vector.broadcast %shift_right_arithmetic3A_1583 : i32 to vector<16xi32>
      %shift_right_arithmetic3A_1585 = arith.shrsi %add3A_1582, %shift_right_arithmetic3A_1584 : vector<16xi32>
      %and3A_1586 = arith.constant 127 : i32
      %and3A_1587 = vector.broadcast %and3A_1586 : i32 to vector<16xi32>
      %and3A_1588 = arith.andi %add3A_1582, %and3A_1587 : vector<16xi32>
      %gather3A_1589 = arith.constant 0 : i32
      %gather3A_1590 = arith.constant 0 : i32
      %gather3A_1591 = tpu.memref_slice %arg6[%rem3A_122, %gather3A_1589, %gather3A_1590] : memref<2x11x128xi32, #tpu.memory_space<vmem>> -> memref<1x11x128xi32, #tpu.memory_space<vmem>>
      %gather3A_1592 = tpu.memref_squeeze %gather3A_1591 : memref<1x11x128xi32, #tpu.memory_space<vmem>> -> memref<11x128xi32, #tpu.memory_space<vmem>>
      %gather3A_1593 = tpu.vector_load_idx %gather3A_1592[%shift_right_arithmetic3A_1585, %and3A_1588] : memref<11x128xi32, #tpu.memory_space<vmem>>[vector<16xi32>, vector<16xi32>], vector<16xi32>,
      %swap3A_1594 = arith.constant 37 : i32
      %swap3A_1595 = arith.index_cast %swap3A_1594 : i32 to index
      %swap3A_1596 = arith.constant 10 : index
      %swap3A_1597 = tpu.vector_load %arg8[%swap3A_1595, %swap3A_1596] {strides = array<i32>} : memref<50x26xi32, #tpu.memory_space<vmem>>, vector<16xi32>,
      tpu.vector_store %arg8[%swap3A_1595, %swap3A_1596], %gather3A_1593 {strides = array<i32>} : memref<50x26xi32, #tpu.memory_space<vmem>>, vector<16xi32>,
      %add3A_1598 = arith.constant 19 : i32
      %add3A_1599 = arith.addi %sub3A, %add3A_1598 : i32
      %add3A_1600 = vector.broadcast %add3A_1599 : i32 to vector<16xi32>
      %add3A_1601 = arith.addi %mul3A_10, %add3A_1600 : vector<16xi32>
      %shift_right_arithmetic3A_1602 = arith.constant 7 : i32
      %shift_right_arithmetic3A_1603 = vector.broadcast %shift_right_arithmetic3A_1602 : i32 to vector<16xi32>
      %shift_right_arithmetic3A_1604 = arith.shrsi %add3A_1601, %shift_right_arithmetic3A_1603 : vector<16xi32>
      %and3A_1605 = arith.constant 127 : i32
      %and3A_1606 = vector.broadcast %and3A_1605 : i32 to vector<16xi32>
      %and3A_1607 = arith.andi %add3A_1601, %and3A_1606 : vector<16xi32>
      %gather3A_1608 = arith.constant 0 : i32
      %gather3A_1609 = arith.constant 0 : i32
      %gather3A_1610 = tpu.memref_slice %arg6[%rem3A_122, %gather3A_1608, %gather3A_1609] : memref<2x11x128xi32, #tpu.memory_space<vmem>> -> memref<1x11x128xi32, #tpu.memory_space<vmem>>
      %gather3A_1611 = tpu.memref_squeeze %gather3A_1610 : memref<1x11x128xi32, #tpu.memory_space<vmem>> -> memref<11x128xi32, #tpu.memory_space<vmem>>
      %gather3A_1612 = tpu.vector_load_idx %gather3A_1611[%shift_right_arithmetic3A_1604, %and3A_1607] : memref<11x128xi32, #tpu.memory_space<vmem>>[vector<16xi32>, vector<16xi32>], vector<16xi32>,
      %swap3A_1613 = arith.constant 38 : i32
      %swap3A_1614 = arith.index_cast %swap3A_1613 : i32 to index
      %swap3A_1615 = arith.constant 0 : index
      %swap3A_1616 = tpu.vector_load %arg8[%swap3A_1614, %swap3A_1615] {strides = array<i32>} : memref<50x26xi32, #tpu.memory_space<vmem>>, vector<16xi32>,
      tpu.vector_store %arg8[%swap3A_1614, %swap3A_1615], %gather3A_1612 {strides = array<i32>} : memref<50x26xi32, #tpu.memory_space<vmem>>, vector<16xi32>,
      %add3A_1617 = arith.constant 19 : i32
      %add3A_1618 = arith.addi %sub3A, %add3A_1617 : i32
      %add3A_1619 = vector.broadcast %add3A_1618 : i32 to vector<16xi32>
      %add3A_1620 = arith.addi %mul3A_19, %add3A_1619 : vector<16xi32>
      %shift_right_arithmetic3A_1621 = arith.constant 7 : i32
      %shift_right_arithmetic3A_1622 = vector.broadcast %shift_right_arithmetic3A_1621 : i32 to vector<16xi32>
      %shift_right_arithmetic3A_1623 = arith.shrsi %add3A_1620, %shift_right_arithmetic3A_1622 : vector<16xi32>
      %and3A_1624 = arith.constant 127 : i32
      %and3A_1625 = vector.broadcast %and3A_1624 : i32 to vector<16xi32>
      %and3A_1626 = arith.andi %add3A_1620, %and3A_1625 : vector<16xi32>
      %gather3A_1627 = arith.constant 0 : i32
      %gather3A_1628 = arith.constant 0 : i32
      %gather3A_1629 = tpu.memref_slice %arg6[%rem3A_122, %gather3A_1627, %gather3A_1628] : memref<2x11x128xi32, #tpu.memory_space<vmem>> -> memref<1x11x128xi32, #tpu.memory_space<vmem>>
      %gather3A_1630 = tpu.memref_squeeze %gather3A_1629 : memref<1x11x128xi32, #tpu.memory_space<vmem>> -> memref<11x128xi32, #tpu.memory_space<vmem>>
      %gather3A_1631 = tpu.vector_load_idx %gather3A_1630[%shift_right_arithmetic3A_1623, %and3A_1626] : memref<11x128xi32, #tpu.memory_space<vmem>>[vector<16xi32>, vector<16xi32>], vector<16xi32>,
      %swap3A_1632 = arith.constant 38 : i32
      %swap3A_1633 = arith.index_cast %swap3A_1632 : i32 to index
      %swap3A_1634 = arith.constant 8 : index
      %swap3A_1635 = tpu.vector_load %arg8[%swap3A_1633, %swap3A_1634] {strides = array<i32>} : memref<50x26xi32, #tpu.memory_space<vmem>>, vector<16xi32>,
      tpu.vector_store %arg8[%swap3A_1633, %swap3A_1634], %gather3A_1631 {strides = array<i32>} : memref<50x26xi32, #tpu.memory_space<vmem>>, vector<16xi32>,
      %add3A_1636 = arith.constant 19 : i32
      %add3A_1637 = arith.addi %sub3A, %add3A_1636 : i32
      %add3A_1638 = vector.broadcast %add3A_1637 : i32 to vector<16xi32>
      %add3A_1639 = arith.addi %mul3A_28, %add3A_1638 : vector<16xi32>
      %shift_right_arithmetic3A_1640 = arith.constant 7 : i32
      %shift_right_arithmetic3A_1641 = vector.broadcast %shift_right_arithmetic3A_1640 : i32 to vector<16xi32>
      %shift_right_arithmetic3A_1642 = arith.shrsi %add3A_1639, %shift_right_arithmetic3A_1641 : vector<16xi32>
      %and3A_1643 = arith.constant 127 : i32
      %and3A_1644 = vector.broadcast %and3A_1643 : i32 to vector<16xi32>
      %and3A_1645 = arith.andi %add3A_1639, %and3A_1644 : vector<16xi32>
      %gather3A_1646 = arith.constant 0 : i32
      %gather3A_1647 = arith.constant 0 : i32
      %gather3A_1648 = tpu.memref_slice %arg6[%rem3A_122, %gather3A_1646, %gather3A_1647] : memref<2x11x128xi32, #tpu.memory_space<vmem>> -> memref<1x11x128xi32, #tpu.memory_space<vmem>>
      %gather3A_1649 = tpu.memref_squeeze %gather3A_1648 : memref<1x11x128xi32, #tpu.memory_space<vmem>> -> memref<11x128xi32, #tpu.memory_space<vmem>>
      %gather3A_1650 = tpu.vector_load_idx %gather3A_1649[%shift_right_arithmetic3A_1642, %and3A_1645] : memref<11x128xi32, #tpu.memory_space<vmem>>[vector<16xi32>, vector<16xi32>], vector<16xi32>,
      %swap3A_1651 = arith.constant 39 : i32
      %swap3A_1652 = arith.index_cast %swap3A_1651 : i32 to index
      %swap3A_1653 = arith.constant 0 : index
      %swap3A_1654 = tpu.vector_load %arg8[%swap3A_1652, %swap3A_1653] {strides = array<i32>} : memref<50x26xi32, #tpu.memory_space<vmem>>, vector<16xi32>,
      tpu.vector_store %arg8[%swap3A_1652, %swap3A_1653], %gather3A_1650 {strides = array<i32>} : memref<50x26xi32, #tpu.memory_space<vmem>>, vector<16xi32>,
      %add3A_1655 = arith.constant 19 : i32
      %add3A_1656 = arith.addi %sub3A, %add3A_1655 : i32
      %add3A_1657 = vector.broadcast %add3A_1656 : i32 to vector<16xi32>
      %add3A_1658 = arith.addi %mul3A_37, %add3A_1657 : vector<16xi32>
      %shift_right_arithmetic3A_1659 = arith.constant 7 : i32
      %shift_right_arithmetic3A_1660 = vector.broadcast %shift_right_arithmetic3A_1659 : i32 to vector<16xi32>
      %shift_right_arithmetic3A_1661 = arith.shrsi %add3A_1658, %shift_right_arithmetic3A_1660 : vector<16xi32>
      %and3A_1662 = arith.constant 127 : i32
      %and3A_1663 = vector.broadcast %and3A_1662 : i32 to vector<16xi32>
      %and3A_1664 = arith.andi %add3A_1658, %and3A_1663 : vector<16xi32>
      %gather3A_1665 = arith.constant 0 : i32
      %gather3A_1666 = arith.constant 0 : i32
      %gather3A_1667 = tpu.memref_slice %arg6[%rem3A_122, %gather3A_1665, %gather3A_1666] : memref<2x11x128xi32, #tpu.memory_space<vmem>> -> memref<1x11x128xi32, #tpu.memory_space<vmem>>
      %gather3A_1668 = tpu.memref_squeeze %gather3A_1667 : memref<1x11x128xi32, #tpu.memory_space<vmem>> -> memref<11x128xi32, #tpu.memory_space<vmem>>
      %gather3A_1669 = tpu.vector_load_idx %gather3A_1668[%shift_right_arithmetic3A_1661, %and3A_1664] : memref<11x128xi32, #tpu.memory_space<vmem>>[vector<16xi32>, vector<16xi32>], vector<16xi32>,
      %swap3A_1670 = arith.constant 39 : i32
      %swap3A_1671 = arith.index_cast %swap3A_1670 : i32 to index
      %swap3A_1672 = arith.constant 10 : index
      %swap3A_1673 = tpu.vector_load %arg8[%swap3A_1671, %swap3A_1672] {strides = array<i32>} : memref<50x26xi32, #tpu.memory_space<vmem>>, vector<16xi32>,
      tpu.vector_store %arg8[%swap3A_1671, %swap3A_1672], %gather3A_1669 {strides = array<i32>} : memref<50x26xi32, #tpu.memory_space<vmem>>, vector<16xi32>,
      %add3A_1674 = arith.constant 20 : i32
      %add3A_1675 = arith.addi %sub3A, %add3A_1674 : i32
      %add3A_1676 = vector.broadcast %add3A_1675 : i32 to vector<16xi32>
      %add3A_1677 = arith.addi %mul3A_10, %add3A_1676 : vector<16xi32>
      %shift_right_arithmetic3A_1678 = arith.constant 7 : i32
      %shift_right_arithmetic3A_1679 = vector.broadcast %shift_right_arithmetic3A_1678 : i32 to vector<16xi32>
      %shift_right_arithmetic3A_1680 = arith.shrsi %add3A_1677, %shift_right_arithmetic3A_1679 : vector<16xi32>
      %and3A_1681 = arith.constant 127 : i32
      %and3A_1682 = vector.broadcast %and3A_1681 : i32 to vector<16xi32>
      %and3A_1683 = arith.andi %add3A_1677, %and3A_1682 : vector<16xi32>
      %gather3A_1684 = arith.constant 0 : i32
      %gather3A_1685 = arith.constant 0 : i32
      %gather3A_1686 = tpu.memref_slice %arg6[%rem3A_122, %gather3A_1684, %gather3A_1685] : memref<2x11x128xi32, #tpu.memory_space<vmem>> -> memref<1x11x128xi32, #tpu.memory_space<vmem>>
      %gather3A_1687 = tpu.memref_squeeze %gather3A_1686 : memref<1x11x128xi32, #tpu.memory_space<vmem>> -> memref<11x128xi32, #tpu.memory_space<vmem>>
      %gather3A_1688 = tpu.vector_load_idx %gather3A_1687[%shift_right_arithmetic3A_1680, %and3A_1683] : memref<11x128xi32, #tpu.memory_space<vmem>>[vector<16xi32>, vector<16xi32>], vector<16xi32>,
      %swap3A_1689 = arith.constant 40 : i32
      %swap3A_1690 = arith.index_cast %swap3A_1689 : i32 to index
      %swap3A_1691 = arith.constant 0 : index
      %swap3A_1692 = tpu.vector_load %arg8[%swap3A_1690, %swap3A_1691] {strides = array<i32>} : memref<50x26xi32, #tpu.memory_space<vmem>>, vector<16xi32>,
      tpu.vector_store %arg8[%swap3A_1690, %swap3A_1691], %gather3A_1688 {strides = array<i32>} : memref<50x26xi32, #tpu.memory_space<vmem>>, vector<16xi32>,
      %add3A_1693 = arith.constant 20 : i32
      %add3A_1694 = arith.addi %sub3A, %add3A_1693 : i32
      %add3A_1695 = vector.broadcast %add3A_1694 : i32 to vector<16xi32>
      %add3A_1696 = arith.addi %mul3A_19, %add3A_1695 : vector<16xi32>
      %shift_right_arithmetic3A_1697 = arith.constant 7 : i32
      %shift_right_arithmetic3A_1698 = vector.broadcast %shift_right_arithmetic3A_1697 : i32 to vector<16xi32>
      %shift_right_arithmetic3A_1699 = arith.shrsi %add3A_1696, %shift_right_arithmetic3A_1698 : vector<16xi32>
      %and3A_1700 = arith.constant 127 : i32
      %and3A_1701 = vector.broadcast %and3A_1700 : i32 to vector<16xi32>
      %and3A_1702 = arith.andi %add3A_1696, %and3A_1701 : vector<16xi32>
      %gather3A_1703 = arith.constant 0 : i32
      %gather3A_1704 = arith.constant 0 : i32
      %gather3A_1705 = tpu.memref_slice %arg6[%rem3A_122, %gather3A_1703, %gather3A_1704] : memref<2x11x128xi32, #tpu.memory_space<vmem>> -> memref<1x11x128xi32, #tpu.memory_space<vmem>>
      %gather3A_1706 = tpu.memref_squeeze %gather3A_1705 : memref<1x11x128xi32, #tpu.memory_space<vmem>> -> memref<11x128xi32, #tpu.memory_space<vmem>>
      %gather3A_1707 = tpu.vector_load_idx %gather3A_1706[%shift_right_arithmetic3A_1699, %and3A_1702] : memref<11x128xi32, #tpu.memory_space<vmem>>[vector<16xi32>, vector<16xi32>], vector<16xi32>,
      %swap3A_1708 = arith.constant 40 : i32
      %swap3A_1709 = arith.index_cast %swap3A_1708 : i32 to index
      %swap3A_1710 = arith.constant 8 : index
      %swap3A_1711 = tpu.vector_load %arg8[%swap3A_1709, %swap3A_1710] {strides = array<i32>} : memref<50x26xi32, #tpu.memory_space<vmem>>, vector<16xi32>,
      tpu.vector_store %arg8[%swap3A_1709, %swap3A_1710], %gather3A_1707 {strides = array<i32>} : memref<50x26xi32, #tpu.memory_space<vmem>>, vector<16xi32>,
      %add3A_1712 = arith.constant 20 : i32
      %add3A_1713 = arith.addi %sub3A, %add3A_1712 : i32
      %add3A_1714 = vector.broadcast %add3A_1713 : i32 to vector<16xi32>
      %add3A_1715 = arith.addi %mul3A_28, %add3A_1714 : vector<16xi32>
      %shift_right_arithmetic3A_1716 = arith.constant 7 : i32
      %shift_right_arithmetic3A_1717 = vector.broadcast %shift_right_arithmetic3A_1716 : i32 to vector<16xi32>
      %shift_right_arithmetic3A_1718 = arith.shrsi %add3A_1715, %shift_right_arithmetic3A_1717 : vector<16xi32>
      %and3A_1719 = arith.constant 127 : i32
      %and3A_1720 = vector.broadcast %and3A_1719 : i32 to vector<16xi32>
      %and3A_1721 = arith.andi %add3A_1715, %and3A_1720 : vector<16xi32>
      %gather3A_1722 = arith.constant 0 : i32
      %gather3A_1723 = arith.constant 0 : i32
      %gather3A_1724 = tpu.memref_slice %arg6[%rem3A_122, %gather3A_1722, %gather3A_1723] : memref<2x11x128xi32, #tpu.memory_space<vmem>> -> memref<1x11x128xi32, #tpu.memory_space<vmem>>
      %gather3A_1725 = tpu.memref_squeeze %gather3A_1724 : memref<1x11x128xi32, #tpu.memory_space<vmem>> -> memref<11x128xi32, #tpu.memory_space<vmem>>
      %gather3A_1726 = tpu.vector_load_idx %gather3A_1725[%shift_right_arithmetic3A_1718, %and3A_1721] : memref<11x128xi32, #tpu.memory_space<vmem>>[vector<16xi32>, vector<16xi32>], vector<16xi32>,
      %swap3A_1727 = arith.constant 41 : i32
      %swap3A_1728 = arith.index_cast %swap3A_1727 : i32 to index
      %swap3A_1729 = arith.constant 0 : index
      %swap3A_1730 = tpu.vector_load %arg8[%swap3A_1728, %swap3A_1729] {strides = array<i32>} : memref<50x26xi32, #tpu.memory_space<vmem>>, vector<16xi32>,
      tpu.vector_store %arg8[%swap3A_1728, %swap3A_1729], %gather3A_1726 {strides = array<i32>} : memref<50x26xi32, #tpu.memory_space<vmem>>, vector<16xi32>,
      %add3A_1731 = arith.constant 20 : i32
      %add3A_1732 = arith.addi %sub3A, %add3A_1731 : i32
      %add3A_1733 = vector.broadcast %add3A_1732 : i32 to vector<16xi32>
      %add3A_1734 = arith.addi %mul3A_37, %add3A_1733 : vector<16xi32>
      %shift_right_arithmetic3A_1735 = arith.constant 7 : i32
      %shift_right_arithmetic3A_1736 = vector.broadcast %shift_right_arithmetic3A_1735 : i32 to vector<16xi32>
      %shift_right_arithmetic3A_1737 = arith.shrsi %add3A_1734, %shift_right_arithmetic3A_1736 : vector<16xi32>
      %and3A_1738 = arith.constant 127 : i32
      %and3A_1739 = vector.broadcast %and3A_1738 : i32 to vector<16xi32>
      %and3A_1740 = arith.andi %add3A_1734, %and3A_1739 : vector<16xi32>
      %gather3A_1741 = arith.constant 0 : i32
      %gather3A_1742 = arith.constant 0 : i32
      %gather3A_1743 = tpu.memref_slice %arg6[%rem3A_122, %gather3A_1741, %gather3A_1742] : memref<2x11x128xi32, #tpu.memory_space<vmem>> -> memref<1x11x128xi32, #tpu.memory_space<vmem>>
      %gather3A_1744 = tpu.memref_squeeze %gather3A_1743 : memref<1x11x128xi32, #tpu.memory_space<vmem>> -> memref<11x128xi32, #tpu.memory_space<vmem>>
      %gather3A_1745 = tpu.vector_load_idx %gather3A_1744[%shift_right_arithmetic3A_1737, %and3A_1740] : memref<11x128xi32, #tpu.memory_space<vmem>>[vector<16xi32>, vector<16xi32>], vector<16xi32>,
      %swap3A_1746 = arith.constant 41 : i32
      %swap3A_1747 = arith.index_cast %swap3A_1746 : i32 to index
      %swap3A_1748 = arith.constant 10 : index
      %swap3A_1749 = tpu.vector_load %arg8[%swap3A_1747, %swap3A_1748] {strides = array<i32>} : memref<50x26xi32, #tpu.memory_space<vmem>>, vector<16xi32>,
      tpu.vector_store %arg8[%swap3A_1747, %swap3A_1748], %gather3A_1745 {strides = array<i32>} : memref<50x26xi32, #tpu.memory_space<vmem>>, vector<16xi32>,
      %add3A_1750 = arith.constant 21 : i32
      %add3A_1751 = arith.addi %sub3A, %add3A_1750 : i32
      %add3A_1752 = vector.broadcast %add3A_1751 : i32 to vector<16xi32>
      %add3A_1753 = arith.addi %mul3A_10, %add3A_1752 : vector<16xi32>
      %shift_right_arithmetic3A_1754 = arith.constant 7 : i32
      %shift_right_arithmetic3A_1755 = vector.broadcast %shift_right_arithmetic3A_1754 : i32 to vector<16xi32>
      %shift_right_arithmetic3A_1756 = arith.shrsi %add3A_1753, %shift_right_arithmetic3A_1755 : vector<16xi32>
      %and3A_1757 = arith.constant 127 : i32
      %and3A_1758 = vector.broadcast %and3A_1757 : i32 to vector<16xi32>
      %and3A_1759 = arith.andi %add3A_1753, %and3A_1758 : vector<16xi32>
      %gather3A_1760 = arith.constant 0 : i32
      %gather3A_1761 = arith.constant 0 : i32
      %gather3A_1762 = tpu.memref_slice %arg6[%rem3A_122, %gather3A_1760, %gather3A_1761] : memref<2x11x128xi32, #tpu.memory_space<vmem>> -> memref<1x11x128xi32, #tpu.memory_space<vmem>>
      %gather3A_1763 = tpu.memref_squeeze %gather3A_1762 : memref<1x11x128xi32, #tpu.memory_space<vmem>> -> memref<11x128xi32, #tpu.memory_space<vmem>>
      %gather3A_1764 = tpu.vector_load_idx %gather3A_1763[%shift_right_arithmetic3A_1756, %and3A_1759] : memref<11x128xi32, #tpu.memory_space<vmem>>[vector<16xi32>, vector<16xi32>], vector<16xi32>,
      %swap3A_1765 = arith.constant 42 : i32
      %swap3A_1766 = arith.index_cast %swap3A_1765 : i32 to index
      %swap3A_1767 = arith.constant 0 : index
      %swap3A_1768 = tpu.vector_load %arg8[%swap3A_1766, %swap3A_1767] {strides = array<i32>} : memref<50x26xi32, #tpu.memory_space<vmem>>, vector<16xi32>,
      tpu.vector_store %arg8[%swap3A_1766, %swap3A_1767], %gather3A_1764 {strides = array<i32>} : memref<50x26xi32, #tpu.memory_space<vmem>>, vector<16xi32>,
      %add3A_1769 = arith.constant 21 : i32
      %add3A_1770 = arith.addi %sub3A, %add3A_1769 : i32
      %add3A_1771 = vector.broadcast %add3A_1770 : i32 to vector<16xi32>
      %add3A_1772 = arith.addi %mul3A_19, %add3A_1771 : vector<16xi32>
      %shift_right_arithmetic3A_1773 = arith.constant 7 : i32
      %shift_right_arithmetic3A_1774 = vector.broadcast %shift_right_arithmetic3A_1773 : i32 to vector<16xi32>
      %shift_right_arithmetic3A_1775 = arith.shrsi %add3A_1772, %shift_right_arithmetic3A_1774 : vector<16xi32>
      %and3A_1776 = arith.constant 127 : i32
      %and3A_1777 = vector.broadcast %and3A_1776 : i32 to vector<16xi32>
      %and3A_1778 = arith.andi %add3A_1772, %and3A_1777 : vector<16xi32>
      %gather3A_1779 = arith.constant 0 : i32
      %gather3A_1780 = arith.constant 0 : i32
      %gather3A_1781 = tpu.memref_slice %arg6[%rem3A_122, %gather3A_1779, %gather3A_1780] : memref<2x11x128xi32, #tpu.memory_space<vmem>> -> memref<1x11x128xi32, #tpu.memory_space<vmem>>
      %gather3A_1782 = tpu.memref_squeeze %gather3A_1781 : memref<1x11x128xi32, #tpu.memory_space<vmem>> -> memref<11x128xi32, #tpu.memory_space<vmem>>
      %gather3A_1783 = tpu.vector_load_idx %gather3A_1782[%shift_right_arithmetic3A_1775, %and3A_1778] : memref<11x128xi32, #tpu.memory_space<vmem>>[vector<16xi32>, vector<16xi32>], vector<16xi32>,
      %swap3A_1784 = arith.constant 42 : i32
      %swap3A_1785 = arith.index_cast %swap3A_1784 : i32 to index
      %swap3A_1786 = arith.constant 8 : index
      %swap3A_1787 = tpu.vector_load %arg8[%swap3A_1785, %swap3A_1786] {strides = array<i32>} : memref<50x26xi32, #tpu.memory_space<vmem>>, vector<16xi32>,
      tpu.vector_store %arg8[%swap3A_1785, %swap3A_1786], %gather3A_1783 {strides = array<i32>} : memref<50x26xi32, #tpu.memory_space<vmem>>, vector<16xi32>,
      %add3A_1788 = arith.constant 21 : i32
      %add3A_1789 = arith.addi %sub3A, %add3A_1788 : i32
      %add3A_1790 = vector.broadcast %add3A_1789 : i32 to vector<16xi32>
      %add3A_1791 = arith.addi %mul3A_28, %add3A_1790 : vector<16xi32>
      %shift_right_arithmetic3A_1792 = arith.constant 7 : i32
      %shift_right_arithmetic3A_1793 = vector.broadcast %shift_right_arithmetic3A_1792 : i32 to vector<16xi32>
      %shift_right_arithmetic3A_1794 = arith.shrsi %add3A_1791, %shift_right_arithmetic3A_1793 : vector<16xi32>
      %and3A_1795 = arith.constant 127 : i32
      %and3A_1796 = vector.broadcast %and3A_1795 : i32 to vector<16xi32>
      %and3A_1797 = arith.andi %add3A_1791, %and3A_1796 : vector<16xi32>
      %gather3A_1798 = arith.constant 0 : i32
      %gather3A_1799 = arith.constant 0 : i32
      %gather3A_1800 = tpu.memref_slice %arg6[%rem3A_122, %gather3A_1798, %gather3A_1799] : memref<2x11x128xi32, #tpu.memory_space<vmem>> -> memref<1x11x128xi32, #tpu.memory_space<vmem>>
      %gather3A_1801 = tpu.memref_squeeze %gather3A_1800 : memref<1x11x128xi32, #tpu.memory_space<vmem>> -> memref<11x128xi32, #tpu.memory_space<vmem>>
      %gather3A_1802 = tpu.vector_load_idx %gather3A_1801[%shift_right_arithmetic3A_1794, %and3A_1797] : memref<11x128xi32, #tpu.memory_space<vmem>>[vector<16xi32>, vector<16xi32>], vector<16xi32>,
      %swap3A_1803 = arith.constant 43 : i32
      %swap3A_1804 = arith.index_cast %swap3A_1803 : i32 to index
      %swap3A_1805 = arith.constant 0 : index
      %swap3A_1806 = tpu.vector_load %arg8[%swap3A_1804, %swap3A_1805] {strides = array<i32>} : memref<50x26xi32, #tpu.memory_space<vmem>>, vector<16xi32>,
      tpu.vector_store %arg8[%swap3A_1804, %swap3A_1805], %gather3A_1802 {strides = array<i32>} : memref<50x26xi32, #tpu.memory_space<vmem>>, vector<16xi32>,
      %add3A_1807 = arith.constant 21 : i32
      %add3A_1808 = arith.addi %sub3A, %add3A_1807 : i32
      %add3A_1809 = vector.broadcast %add3A_1808 : i32 to vector<16xi32>
      %add3A_1810 = arith.addi %mul3A_37, %add3A_1809 : vector<16xi32>
      %shift_right_arithmetic3A_1811 = arith.constant 7 : i32
      %shift_right_arithmetic3A_1812 = vector.broadcast %shift_right_arithmetic3A_1811 : i32 to vector<16xi32>
      %shift_right_arithmetic3A_1813 = arith.shrsi %add3A_1810, %shift_right_arithmetic3A_1812 : vector<16xi32>
      %and3A_1814 = arith.constant 127 : i32
      %and3A_1815 = vector.broadcast %and3A_1814 : i32 to vector<16xi32>
      %and3A_1816 = arith.andi %add3A_1810, %and3A_1815 : vector<16xi32>
      %gather3A_1817 = arith.constant 0 : i32
      %gather3A_1818 = arith.constant 0 : i32
      %gather3A_1819 = tpu.memref_slice %arg6[%rem3A_122, %gather3A_1817, %gather3A_1818] : memref<2x11x128xi32, #tpu.memory_space<vmem>> -> memref<1x11x128xi32, #tpu.memory_space<vmem>>
      %gather3A_1820 = tpu.memref_squeeze %gather3A_1819 : memref<1x11x128xi32, #tpu.memory_space<vmem>> -> memref<11x128xi32, #tpu.memory_space<vmem>>
      %gather3A_1821 = tpu.vector_load_idx %gather3A_1820[%shift_right_arithmetic3A_1813, %and3A_1816] : memref<11x128xi32, #tpu.memory_space<vmem>>[vector<16xi32>, vector<16xi32>], vector<16xi32>,
      %swap3A_1822 = arith.constant 43 : i32
      %swap3A_1823 = arith.index_cast %swap3A_1822 : i32 to index
      %swap3A_1824 = arith.constant 10 : index
      %swap3A_1825 = tpu.vector_load %arg8[%swap3A_1823, %swap3A_1824] {strides = array<i32>} : memref<50x26xi32, #tpu.memory_space<vmem>>, vector<16xi32>,
      tpu.vector_store %arg8[%swap3A_1823, %swap3A_1824], %gather3A_1821 {strides = array<i32>} : memref<50x26xi32, #tpu.memory_space<vmem>>, vector<16xi32>,
      %add3A_1826 = arith.constant 22 : i32
      %add3A_1827 = arith.addi %sub3A, %add3A_1826 : i32
      %add3A_1828 = vector.broadcast %add3A_1827 : i32 to vector<16xi32>
      %add3A_1829 = arith.addi %mul3A_10, %add3A_1828 : vector<16xi32>
      %shift_right_arithmetic3A_1830 = arith.constant 7 : i32
      %shift_right_arithmetic3A_1831 = vector.broadcast %shift_right_arithmetic3A_1830 : i32 to vector<16xi32>
      %shift_right_arithmetic3A_1832 = arith.shrsi %add3A_1829, %shift_right_arithmetic3A_1831 : vector<16xi32>
      %and3A_1833 = arith.constant 127 : i32
      %and3A_1834 = vector.broadcast %and3A_1833 : i32 to vector<16xi32>
      %and3A_1835 = arith.andi %add3A_1829, %and3A_1834 : vector<16xi32>
      %gather3A_1836 = arith.constant 0 : i32
      %gather3A_1837 = arith.constant 0 : i32
      %gather3A_1838 = tpu.memref_slice %arg6[%rem3A_122, %gather3A_1836, %gather3A_1837] : memref<2x11x128xi32, #tpu.memory_space<vmem>> -> memref<1x11x128xi32, #tpu.memory_space<vmem>>
      %gather3A_1839 = tpu.memref_squeeze %gather3A_1838 : memref<1x11x128xi32, #tpu.memory_space<vmem>> -> memref<11x128xi32, #tpu.memory_space<vmem>>
      %gather3A_1840 = tpu.vector_load_idx %gather3A_1839[%shift_right_arithmetic3A_1832, %and3A_1835] : memref<11x128xi32, #tpu.memory_space<vmem>>[vector<16xi32>, vector<16xi32>], vector<16xi32>,
      %swap3A_1841 = arith.constant 44 : i32
      %swap3A_1842 = arith.index_cast %swap3A_1841 : i32 to index
      %swap3A_1843 = arith.constant 0 : index
      %swap3A_1844 = tpu.vector_load %arg8[%swap3A_1842, %swap3A_1843] {strides = array<i32>} : memref<50x26xi32, #tpu.memory_space<vmem>>, vector<16xi32>,
      tpu.vector_store %arg8[%swap3A_1842, %swap3A_1843], %gather3A_1840 {strides = array<i32>} : memref<50x26xi32, #tpu.memory_space<vmem>>, vector<16xi32>,
      %add3A_1845 = arith.constant 22 : i32
      %add3A_1846 = arith.addi %sub3A, %add3A_1845 : i32
      %add3A_1847 = vector.broadcast %add3A_1846 : i32 to vector<16xi32>
      %add3A_1848 = arith.addi %mul3A_19, %add3A_1847 : vector<16xi32>
      %shift_right_arithmetic3A_1849 = arith.constant 7 : i32
      %shift_right_arithmetic3A_1850 = vector.broadcast %shift_right_arithmetic3A_1849 : i32 to vector<16xi32>
      %shift_right_arithmetic3A_1851 = arith.shrsi %add3A_1848, %shift_right_arithmetic3A_1850 : vector<16xi32>
      %and3A_1852 = arith.constant 127 : i32
      %and3A_1853 = vector.broadcast %and3A_1852 : i32 to vector<16xi32>
      %and3A_1854 = arith.andi %add3A_1848, %and3A_1853 : vector<16xi32>
      %gather3A_1855 = arith.constant 0 : i32
      %gather3A_1856 = arith.constant 0 : i32
      %gather3A_1857 = tpu.memref_slice %arg6[%rem3A_122, %gather3A_1855, %gather3A_1856] : memref<2x11x128xi32, #tpu.memory_space<vmem>> -> memref<1x11x128xi32, #tpu.memory_space<vmem>>
      %gather3A_1858 = tpu.memref_squeeze %gather3A_1857 : memref<1x11x128xi32, #tpu.memory_space<vmem>> -> memref<11x128xi32, #tpu.memory_space<vmem>>
      %gather3A_1859 = tpu.vector_load_idx %gather3A_1858[%shift_right_arithmetic3A_1851, %and3A_1854] : memref<11x128xi32, #tpu.memory_space<vmem>>[vector<16xi32>, vector<16xi32>], vector<16xi32>,
      %swap3A_1860 = arith.constant 44 : i32
      %swap3A_1861 = arith.index_cast %swap3A_1860 : i32 to index
      %swap3A_1862 = arith.constant 8 : index
      %swap3A_1863 = tpu.vector_load %arg8[%swap3A_1861, %swap3A_1862] {strides = array<i32>} : memref<50x26xi32, #tpu.memory_space<vmem>>, vector<16xi32>,
      tpu.vector_store %arg8[%swap3A_1861, %swap3A_1862], %gather3A_1859 {strides = array<i32>} : memref<50x26xi32, #tpu.memory_space<vmem>>, vector<16xi32>,
      %add3A_1864 = arith.constant 22 : i32
      %add3A_1865 = arith.addi %sub3A, %add3A_1864 : i32
      %add3A_1866 = vector.broadcast %add3A_1865 : i32 to vector<16xi32>
      %add3A_1867 = arith.addi %mul3A_28, %add3A_1866 : vector<16xi32>
      %shift_right_arithmetic3A_1868 = arith.constant 7 : i32
      %shift_right_arithmetic3A_1869 = vector.broadcast %shift_right_arithmetic3A_1868 : i32 to vector<16xi32>
      %shift_right_arithmetic3A_1870 = arith.shrsi %add3A_1867, %shift_right_arithmetic3A_1869 : vector<16xi32>
      %and3A_1871 = arith.constant 127 : i32
      %and3A_1872 = vector.broadcast %and3A_1871 : i32 to vector<16xi32>
      %and3A_1873 = arith.andi %add3A_1867, %and3A_1872 : vector<16xi32>
      %gather3A_1874 = arith.constant 0 : i32
      %gather3A_1875 = arith.constant 0 : i32
      %gather3A_1876 = tpu.memref_slice %arg6[%rem3A_122, %gather3A_1874, %gather3A_1875] : memref<2x11x128xi32, #tpu.memory_space<vmem>> -> memref<1x11x128xi32, #tpu.memory_space<vmem>>
      %gather3A_1877 = tpu.memref_squeeze %gather3A_1876 : memref<1x11x128xi32, #tpu.memory_space<vmem>> -> memref<11x128xi32, #tpu.memory_space<vmem>>
      %gather3A_1878 = tpu.vector_load_idx %gather3A_1877[%shift_right_arithmetic3A_1870, %and3A_1873] : memref<11x128xi32, #tpu.memory_space<vmem>>[vector<16xi32>, vector<16xi32>], vector<16xi32>,
      %swap3A_1879 = arith.constant 45 : i32
      %swap3A_1880 = arith.index_cast %swap3A_1879 : i32 to index
      %swap3A_1881 = arith.constant 0 : index
      %swap3A_1882 = tpu.vector_load %arg8[%swap3A_1880, %swap3A_1881] {strides = array<i32>} : memref<50x26xi32, #tpu.memory_space<vmem>>, vector<16xi32>,
      tpu.vector_store %arg8[%swap3A_1880, %swap3A_1881], %gather3A_1878 {strides = array<i32>} : memref<50x26xi32, #tpu.memory_space<vmem>>, vector<16xi32>,
      %add3A_1883 = arith.constant 22 : i32
      %add3A_1884 = arith.addi %sub3A, %add3A_1883 : i32
      %add3A_1885 = vector.broadcast %add3A_1884 : i32 to vector<16xi32>
      %add3A_1886 = arith.addi %mul3A_37, %add3A_1885 : vector<16xi32>
      %shift_right_arithmetic3A_1887 = arith.constant 7 : i32
      %shift_right_arithmetic3A_1888 = vector.broadcast %shift_right_arithmetic3A_1887 : i32 to vector<16xi32>
      %shift_right_arithmetic3A_1889 = arith.shrsi %add3A_1886, %shift_right_arithmetic3A_1888 : vector<16xi32>
      %and3A_1890 = arith.constant 127 : i32
      %and3A_1891 = vector.broadcast %and3A_1890 : i32 to vector<16xi32>
      %and3A_1892 = arith.andi %add3A_1886, %and3A_1891 : vector<16xi32>
      %gather3A_1893 = arith.constant 0 : i32
      %gather3A_1894 = arith.constant 0 : i32
      %gather3A_1895 = tpu.memref_slice %arg6[%rem3A_122, %gather3A_1893, %gather3A_1894] : memref<2x11x128xi32, #tpu.memory_space<vmem>> -> memref<1x11x128xi32, #tpu.memory_space<vmem>>
      %gather3A_1896 = tpu.memref_squeeze %gather3A_1895 : memref<1x11x128xi32, #tpu.memory_space<vmem>> -> memref<11x128xi32, #tpu.memory_space<vmem>>
      %gather3A_1897 = tpu.vector_load_idx %gather3A_1896[%shift_right_arithmetic3A_1889, %and3A_1892] : memref<11x128xi32, #tpu.memory_space<vmem>>[vector<16xi32>, vector<16xi32>], vector<16xi32>,
      %swap3A_1898 = arith.constant 45 : i32
      %swap3A_1899 = arith.index_cast %swap3A_1898 : i32 to index
      %swap3A_1900 = arith.constant 10 : index
      %swap3A_1901 = tpu.vector_load %arg8[%swap3A_1899, %swap3A_1900] {strides = array<i32>} : memref<50x26xi32, #tpu.memory_space<vmem>>, vector<16xi32>,
      tpu.vector_store %arg8[%swap3A_1899, %swap3A_1900], %gather3A_1897 {strides = array<i32>} : memref<50x26xi32, #tpu.memory_space<vmem>>, vector<16xi32>,
      %add3A_1902 = arith.constant 23 : i32
      %add3A_1903 = arith.addi %sub3A, %add3A_1902 : i32
      %add3A_1904 = vector.broadcast %add3A_1903 : i32 to vector<16xi32>
      %add3A_1905 = arith.addi %mul3A_10, %add3A_1904 : vector<16xi32>
      %shift_right_arithmetic3A_1906 = arith.constant 7 : i32
      %shift_right_arithmetic3A_1907 = vector.broadcast %shift_right_arithmetic3A_1906 : i32 to vector<16xi32>
      %shift_right_arithmetic3A_1908 = arith.shrsi %add3A_1905, %shift_right_arithmetic3A_1907 : vector<16xi32>
      %and3A_1909 = arith.constant 127 : i32
      %and3A_1910 = vector.broadcast %and3A_1909 : i32 to vector<16xi32>
      %and3A_1911 = arith.andi %add3A_1905, %and3A_1910 : vector<16xi32>
      %gather3A_1912 = arith.constant 0 : i32
      %gather3A_1913 = arith.constant 0 : i32
      %gather3A_1914 = tpu.memref_slice %arg6[%rem3A_122, %gather3A_1912, %gather3A_1913] : memref<2x11x128xi32, #tpu.memory_space<vmem>> -> memref<1x11x128xi32, #tpu.memory_space<vmem>>
      %gather3A_1915 = tpu.memref_squeeze %gather3A_1914 : memref<1x11x128xi32, #tpu.memory_space<vmem>> -> memref<11x128xi32, #tpu.memory_space<vmem>>
      %gather3A_1916 = tpu.vector_load_idx %gather3A_1915[%shift_right_arithmetic3A_1908, %and3A_1911] : memref<11x128xi32, #tpu.memory_space<vmem>>[vector<16xi32>, vector<16xi32>], vector<16xi32>,
      %swap3A_1917 = arith.constant 46 : i32
      %swap3A_1918 = arith.index_cast %swap3A_1917 : i32 to index
      %swap3A_1919 = arith.constant 0 : index
      %swap3A_1920 = tpu.vector_load %arg8[%swap3A_1918, %swap3A_1919] {strides = array<i32>} : memref<50x26xi32, #tpu.memory_space<vmem>>, vector<16xi32>,
      tpu.vector_store %arg8[%swap3A_1918, %swap3A_1919], %gather3A_1916 {strides = array<i32>} : memref<50x26xi32, #tpu.memory_space<vmem>>, vector<16xi32>,
      %add3A_1921 = arith.constant 23 : i32
      %add3A_1922 = arith.addi %sub3A, %add3A_1921 : i32
      %add3A_1923 = vector.broadcast %add3A_1922 : i32 to vector<16xi32>
      %add3A_1924 = arith.addi %mul3A_19, %add3A_1923 : vector<16xi32>
      %shift_right_arithmetic3A_1925 = arith.constant 7 : i32
      %shift_right_arithmetic3A_1926 = vector.broadcast %shift_right_arithmetic3A_1925 : i32 to vector<16xi32>
      %shift_right_arithmetic3A_1927 = arith.shrsi %add3A_1924, %shift_right_arithmetic3A_1926 : vector<16xi32>
      %and3A_1928 = arith.constant 127 : i32
      %and3A_1929 = vector.broadcast %and3A_1928 : i32 to vector<16xi32>
      %and3A_1930 = arith.andi %add3A_1924, %and3A_1929 : vector<16xi32>
      %gather3A_1931 = arith.constant 0 : i32
      %gather3A_1932 = arith.constant 0 : i32
      %gather3A_1933 = tpu.memref_slice %arg6[%rem3A_122, %gather3A_1931, %gather3A_1932] : memref<2x11x128xi32, #tpu.memory_space<vmem>> -> memref<1x11x128xi32, #tpu.memory_space<vmem>>
      %gather3A_1934 = tpu.memref_squeeze %gather3A_1933 : memref<1x11x128xi32, #tpu.memory_space<vmem>> -> memref<11x128xi32, #tpu.memory_space<vmem>>
      %gather3A_1935 = tpu.vector_load_idx %gather3A_1934[%shift_right_arithmetic3A_1927, %and3A_1930] : memref<11x128xi32, #tpu.memory_space<vmem>>[vector<16xi32>, vector<16xi32>], vector<16xi32>,
      %swap3A_1936 = arith.constant 46 : i32
      %swap3A_1937 = arith.index_cast %swap3A_1936 : i32 to index
      %swap3A_1938 = arith.constant 8 : index
      %swap3A_1939 = tpu.vector_load %arg8[%swap3A_1937, %swap3A_1938] {strides = array<i32>} : memref<50x26xi32, #tpu.memory_space<vmem>>, vector<16xi32>,
      tpu.vector_store %arg8[%swap3A_1937, %swap3A_1938], %gather3A_1935 {strides = array<i32>} : memref<50x26xi32, #tpu.memory_space<vmem>>, vector<16xi32>,
      %add3A_1940 = arith.constant 23 : i32
      %add3A_1941 = arith.addi %sub3A, %add3A_1940 : i32
      %add3A_1942 = vector.broadcast %add3A_1941 : i32 to vector<16xi32>
      %add3A_1943 = arith.addi %mul3A_28, %add3A_1942 : vector<16xi32>
      %shift_right_arithmetic3A_1944 = arith.constant 7 : i32
      %shift_right_arithmetic3A_1945 = vector.broadcast %shift_right_arithmetic3A_1944 : i32 to vector<16xi32>
      %shift_right_arithmetic3A_1946 = arith.shrsi %add3A_1943, %shift_right_arithmetic3A_1945 : vector<16xi32>
      %and3A_1947 = arith.constant 127 : i32
      %and3A_1948 = vector.broadcast %and3A_1947 : i32 to vector<16xi32>
      %and3A_1949 = arith.andi %add3A_1943, %and3A_1948 : vector<16xi32>
      %gather3A_1950 = arith.constant 0 : i32
      %gather3A_1951 = arith.constant 0 : i32
      %gather3A_1952 = tpu.memref_slice %arg6[%rem3A_122, %gather3A_1950, %gather3A_1951] : memref<2x11x128xi32, #tpu.memory_space<vmem>> -> memref<1x11x128xi32, #tpu.memory_space<vmem>>
      %gather3A_1953 = tpu.memref_squeeze %gather3A_1952 : memref<1x11x128xi32, #tpu.memory_space<vmem>> -> memref<11x128xi32, #tpu.memory_space<vmem>>
      %gather3A_1954 = tpu.vector_load_idx %gather3A_1953[%shift_right_arithmetic3A_1946, %and3A_1949] : memref<11x128xi32, #tpu.memory_space<vmem>>[vector<16xi32>, vector<16xi32>], vector<16xi32>,
      %swap3A_1955 = arith.constant 47 : i32
      %swap3A_1956 = arith.index_cast %swap3A_1955 : i32 to index
      %swap3A_1957 = arith.constant 0 : index
      %swap3A_1958 = tpu.vector_load %arg8[%swap3A_1956, %swap3A_1957] {strides = array<i32>} : memref<50x26xi32, #tpu.memory_space<vmem>>, vector<16xi32>,
      tpu.vector_store %arg8[%swap3A_1956, %swap3A_1957], %gather3A_1954 {strides = array<i32>} : memref<50x26xi32, #tpu.memory_space<vmem>>, vector<16xi32>,
      %add3A_1959 = arith.constant 23 : i32
      %add3A_1960 = arith.addi %sub3A, %add3A_1959 : i32
      %add3A_1961 = vector.broadcast %add3A_1960 : i32 to vector<16xi32>
      %add3A_1962 = arith.addi %mul3A_37, %add3A_1961 : vector<16xi32>
      %shift_right_arithmetic3A_1963 = arith.constant 7 : i32
      %shift_right_arithmetic3A_1964 = vector.broadcast %shift_right_arithmetic3A_1963 : i32 to vector<16xi32>
      %shift_right_arithmetic3A_1965 = arith.shrsi %add3A_1962, %shift_right_arithmetic3A_1964 : vector<16xi32>
      %and3A_1966 = arith.constant 127 : i32
      %and3A_1967 = vector.broadcast %and3A_1966 : i32 to vector<16xi32>
      %and3A_1968 = arith.andi %add3A_1962, %and3A_1967 : vector<16xi32>
      %gather3A_1969 = arith.constant 0 : i32
      %gather3A_1970 = arith.constant 0 : i32
      %gather3A_1971 = tpu.memref_slice %arg6[%rem3A_122, %gather3A_1969, %gather3A_1970] : memref<2x11x128xi32, #tpu.memory_space<vmem>> -> memref<1x11x128xi32, #tpu.memory_space<vmem>>
      %gather3A_1972 = tpu.memref_squeeze %gather3A_1971 : memref<1x11x128xi32, #tpu.memory_space<vmem>> -> memref<11x128xi32, #tpu.memory_space<vmem>>
      %gather3A_1973 = tpu.vector_load_idx %gather3A_1972[%shift_right_arithmetic3A_1965, %and3A_1968] : memref<11x128xi32, #tpu.memory_space<vmem>>[vector<16xi32>, vector<16xi32>], vector<16xi32>,
      %swap3A_1974 = arith.constant 47 : i32
      %swap3A_1975 = arith.index_cast %swap3A_1974 : i32 to index
      %swap3A_1976 = arith.constant 10 : index
      %swap3A_1977 = tpu.vector_load %arg8[%swap3A_1975, %swap3A_1976] {strides = array<i32>} : memref<50x26xi32, #tpu.memory_space<vmem>>, vector<16xi32>,
      tpu.vector_store %arg8[%swap3A_1975, %swap3A_1976], %gather3A_1973 {strides = array<i32>} : memref<50x26xi32, #tpu.memory_space<vmem>>, vector<16xi32>,
      %add3A_1978 = arith.constant 24 : i32
      %add3A_1979 = arith.addi %sub3A, %add3A_1978 : i32
      %add3A_1980 = vector.broadcast %add3A_1979 : i32 to vector<16xi32>
      %add3A_1981 = arith.addi %mul3A_10, %add3A_1980 : vector<16xi32>
      %shift_right_arithmetic3A_1982 = arith.constant 7 : i32
      %shift_right_arithmetic3A_1983 = vector.broadcast %shift_right_arithmetic3A_1982 : i32 to vector<16xi32>
      %shift_right_arithmetic3A_1984 = arith.shrsi %add3A_1981, %shift_right_arithmetic3A_1983 : vector<16xi32>
      %and3A_1985 = arith.constant 127 : i32
      %and3A_1986 = vector.broadcast %and3A_1985 : i32 to vector<16xi32>
      %and3A_1987 = arith.andi %add3A_1981, %and3A_1986 : vector<16xi32>
      %gather3A_1988 = arith.constant 0 : i32
      %gather3A_1989 = arith.constant 0 : i32
      %gather3A_1990 = tpu.memref_slice %arg6[%rem3A_122, %gather3A_1988, %gather3A_1989] : memref<2x11x128xi32, #tpu.memory_space<vmem>> -> memref<1x11x128xi32, #tpu.memory_space<vmem>>
      %gather3A_1991 = tpu.memref_squeeze %gather3A_1990 : memref<1x11x128xi32, #tpu.memory_space<vmem>> -> memref<11x128xi32, #tpu.memory_space<vmem>>
      %gather3A_1992 = tpu.vector_load_idx %gather3A_1991[%shift_right_arithmetic3A_1984, %and3A_1987] : memref<11x128xi32, #tpu.memory_space<vmem>>[vector<16xi32>, vector<16xi32>], vector<16xi32>,
      %swap3A_1993 = arith.constant 48 : i32
      %swap3A_1994 = arith.index_cast %swap3A_1993 : i32 to index
      %swap3A_1995 = arith.constant 0 : index
      %swap3A_1996 = tpu.vector_load %arg8[%swap3A_1994, %swap3A_1995] {strides = array<i32>} : memref<50x26xi32, #tpu.memory_space<vmem>>, vector<16xi32>,
      tpu.vector_store %arg8[%swap3A_1994, %swap3A_1995], %gather3A_1992 {strides = array<i32>} : memref<50x26xi32, #tpu.memory_space<vmem>>, vector<16xi32>,
      %add3A_1997 = arith.constant 24 : i32
      %add3A_1998 = arith.addi %sub3A, %add3A_1997 : i32
      %add3A_1999 = vector.broadcast %add3A_1998 : i32 to vector<16xi32>
      %add3A_2000 = arith.addi %mul3A_19, %add3A_1999 : vector<16xi32>
      %shift_right_arithmetic3A_2001 = arith.constant 7 : i32
      %shift_right_arithmetic3A_2002 = vector.broadcast %shift_right_arithmetic3A_2001 : i32 to vector<16xi32>
      %shift_right_arithmetic3A_2003 = arith.shrsi %add3A_2000, %shift_right_arithmetic3A_2002 : vector<16xi32>
      %and3A_2004 = arith.constant 127 : i32
      %and3A_2005 = vector.broadcast %and3A_2004 : i32 to vector<16xi32>
      %and3A_2006 = arith.andi %add3A_2000, %and3A_2005 : vector<16xi32>
      %gather3A_2007 = arith.constant 0 : i32
      %gather3A_2008 = arith.constant 0 : i32
      %gather3A_2009 = tpu.memref_slice %arg6[%rem3A_122, %gather3A_2007, %gather3A_2008] : memref<2x11x128xi32, #tpu.memory_space<vmem>> -> memref<1x11x128xi32, #tpu.memory_space<vmem>>
      %gather3A_2010 = tpu.memref_squeeze %gather3A_2009 : memref<1x11x128xi32, #tpu.memory_space<vmem>> -> memref<11x128xi32, #tpu.memory_space<vmem>>
      %gather3A_2011 = tpu.vector_load_idx %gather3A_2010[%shift_right_arithmetic3A_2003, %and3A_2006] : memref<11x128xi32, #tpu.memory_space<vmem>>[vector<16xi32>, vector<16xi32>], vector<16xi32>,
      %swap3A_2012 = arith.constant 48 : i32
      %swap3A_2013 = arith.index_cast %swap3A_2012 : i32 to index
      %swap3A_2014 = arith.constant 8 : index
      %swap3A_2015 = tpu.vector_load %arg8[%swap3A_2013, %swap3A_2014] {strides = array<i32>} : memref<50x26xi32, #tpu.memory_space<vmem>>, vector<16xi32>,
      tpu.vector_store %arg8[%swap3A_2013, %swap3A_2014], %gather3A_2011 {strides = array<i32>} : memref<50x26xi32, #tpu.memory_space<vmem>>, vector<16xi32>,
      %add3A_2016 = arith.constant 24 : i32
      %add3A_2017 = arith.addi %sub3A, %add3A_2016 : i32
      %add3A_2018 = vector.broadcast %add3A_2017 : i32 to vector<16xi32>
      %add3A_2019 = arith.addi %mul3A_28, %add3A_2018 : vector<16xi32>
      %shift_right_arithmetic3A_2020 = arith.constant 7 : i32
      %shift_right_arithmetic3A_2021 = vector.broadcast %shift_right_arithmetic3A_2020 : i32 to vector<16xi32>
      %shift_right_arithmetic3A_2022 = arith.shrsi %add3A_2019, %shift_right_arithmetic3A_2021 : vector<16xi32>
      %and3A_2023 = arith.constant 127 : i32
      %and3A_2024 = vector.broadcast %and3A_2023 : i32 to vector<16xi32>
      %and3A_2025 = arith.andi %add3A_2019, %and3A_2024 : vector<16xi32>
      %gather3A_2026 = arith.constant 0 : i32
      %gather3A_2027 = arith.constant 0 : i32
      %gather3A_2028 = tpu.memref_slice %arg6[%rem3A_122, %gather3A_2026, %gather3A_2027] : memref<2x11x128xi32, #tpu.memory_space<vmem>> -> memref<1x11x128xi32, #tpu.memory_space<vmem>>
      %gather3A_2029 = tpu.memref_squeeze %gather3A_2028 : memref<1x11x128xi32, #tpu.memory_space<vmem>> -> memref<11x128xi32, #tpu.memory_space<vmem>>
      %gather3A_2030 = tpu.vector_load_idx %gather3A_2029[%shift_right_arithmetic3A_2022, %and3A_2025] : memref<11x128xi32, #tpu.memory_space<vmem>>[vector<16xi32>, vector<16xi32>], vector<16xi32>,
      %swap3A_2031 = arith.constant 49 : i32
      %swap3A_2032 = arith.index_cast %swap3A_2031 : i32 to index
      %swap3A_2033 = arith.constant 0 : index
      %swap3A_2034 = tpu.vector_load %arg8[%swap3A_2032, %swap3A_2033] {strides = array<i32>} : memref<50x26xi32, #tpu.memory_space<vmem>>, vector<16xi32>,
      tpu.vector_store %arg8[%swap3A_2032, %swap3A_2033], %gather3A_2030 {strides = array<i32>} : memref<50x26xi32, #tpu.memory_space<vmem>>, vector<16xi32>,
      %add3A_2035 = arith.constant 24 : i32
      %add3A_2036 = arith.addi %sub3A, %add3A_2035 : i32
      %add3A_2037 = vector.broadcast %add3A_2036 : i32 to vector<16xi32>
      %add3A_2038 = arith.addi %mul3A_37, %add3A_2037 : vector<16xi32>
      %shift_right_arithmetic3A_2039 = arith.constant 7 : i32
      %shift_right_arithmetic3A_2040 = vector.broadcast %shift_right_arithmetic3A_2039 : i32 to vector<16xi32>
      %shift_right_arithmetic3A_2041 = arith.shrsi %add3A_2038, %shift_right_arithmetic3A_2040 : vector<16xi32>
      %and3A_2042 = arith.constant 127 : i32
      %and3A_2043 = vector.broadcast %and3A_2042 : i32 to vector<16xi32>
      %and3A_2044 = arith.andi %add3A_2038, %and3A_2043 : vector<16xi32>
      %gather3A_2045 = arith.constant 0 : i32
      %gather3A_2046 = arith.constant 0 : i32
      %gather3A_2047 = tpu.memref_slice %arg6[%rem3A_122, %gather3A_2045, %gather3A_2046] : memref<2x11x128xi32, #tpu.memory_space<vmem>> -> memref<1x11x128xi32, #tpu.memory_space<vmem>>
      %gather3A_2048 = tpu.memref_squeeze %gather3A_2047 : memref<1x11x128xi32, #tpu.memory_space<vmem>> -> memref<11x128xi32, #tpu.memory_space<vmem>>
      %gather3A_2049 = tpu.vector_load_idx %gather3A_2048[%shift_right_arithmetic3A_2041, %and3A_2044] : memref<11x128xi32, #tpu.memory_space<vmem>>[vector<16xi32>, vector<16xi32>], vector<16xi32>,
      %swap3A_2050 = arith.constant 49 : i32
      %swap3A_2051 = arith.index_cast %swap3A_2050 : i32 to index
      %swap3A_2052 = arith.constant 10 : index
      %swap3A_2053 = tpu.vector_load %arg8[%swap3A_2051, %swap3A_2052] {strides = array<i32>} : memref<50x26xi32, #tpu.memory_space<vmem>>, vector<16xi32>,
      tpu.vector_store %arg8[%swap3A_2051, %swap3A_2052], %gather3A_2049 {strides = array<i32>} : memref<50x26xi32, #tpu.memory_space<vmem>>, vector<16xi32>,
      %dma_start3A_2054 = arith.constant 0 : i32
      %dma_start3A_2055 = arith.constant 0 : i32
      %dma_start3A_2056 = arith.constant 0 : i32
      %dma_start3A_2057 = tpu.memref_slice %arg9[%dma_start3A_2055, %dma_start3A_2056] : memref<600x32xf32, #tpu.memory_space<vmem>> -> memref<24x32xf32, #tpu.memory_space<vmem>>
      %dma_start3A_2058 = arith.constant 0 : i32
      %dma_start3A_2059 = tpu.memref_slice %arg8[%dma_start3A_2054, %dma_start3A_2058] : memref<50x26xi32, #tpu.memory_space<vmem>> -> memref<1x24xi32, #tpu.memory_space<vmem>>
      %dma_start3A_2060 = tpu.memref_squeeze %dma_start3A_2059 : memref<1x24xi32, #tpu.memory_space<vmem>> -> memref<24xi32, #tpu.memory_space<vmem>>
      %dma_start3A_2061 = arith.constant 0 : i32
      %dma_start3A_2062 = arith.constant 0 : i32
      %dma_start3A_2063 = tpu.memref_slice %arg4[%dma_start3A_2061, %dma_start3A_2062] : memref<1000000x32xf32, #tpu.memory_space<hbm>> -> memref<1000000x32xf32, #tpu.memory_space<hbm>>
      tpu.enqueue_indirect_dma source(%dma_start3A_2063 : memref<1000000x32xf32, #tpu.memory_space<hbm>>) target(%dma_start3A_2057 : memref<24x32xf32, #tpu.memory_space<vmem>>) offsets(%dma_start3A_2060 : memref<24xi32, #tpu.memory_space<vmem>>) semaphore(%arg13 : memref<!tpu.dma_semaphore, #tpu.memory_space<semaphore_mem>>)
      %dma_start3A_2064 = arith.constant 2 : i32
      %dma_start3A_2065 = arith.constant 24 : i32
      %dma_start3A_2066 = arith.constant 0 : i32
      %dma_start3A_2067 = tpu.memref_slice %arg9[%dma_start3A_2065, %dma_start3A_2066] : memref<600x32xf32, #tpu.memory_space<vmem>> -> memref<24x32xf32, #tpu.memory_space<vmem>>
      %dma_start3A_2068 = arith.constant 0 : i32
      %dma_start3A_2069 = tpu.memref_slice %arg8[%dma_start3A_2064, %dma_start3A_2068] : memref<50x26xi32, #tpu.memory_space<vmem>> -> memref<1x24xi32, #tpu.memory_space<vmem>>
      %dma_start3A_2070 = tpu.memref_squeeze %dma_start3A_2069 : memref<1x24xi32, #tpu.memory_space<vmem>> -> memref<24xi32, #tpu.memory_space<vmem>>
      %dma_start3A_2071 = arith.constant 0 : i32
      %dma_start3A_2072 = arith.constant 0 : i32
      %dma_start3A_2073 = tpu.memref_slice %arg4[%dma_start3A_2071, %dma_start3A_2072] : memref<1000000x32xf32, #tpu.memory_space<hbm>> -> memref<1000000x32xf32, #tpu.memory_space<hbm>>
      tpu.enqueue_indirect_dma source(%dma_start3A_2073 : memref<1000000x32xf32, #tpu.memory_space<hbm>>) target(%dma_start3A_2067 : memref<24x32xf32, #tpu.memory_space<vmem>>) offsets(%dma_start3A_2070 : memref<24xi32, #tpu.memory_space<vmem>>) semaphore(%arg13 : memref<!tpu.dma_semaphore, #tpu.memory_space<semaphore_mem>>)
      %dma_start3A_2074 = arith.constant 4 : i32
      %dma_start3A_2075 = arith.constant 48 : i32
      %dma_start3A_2076 = arith.constant 0 : i32
      %dma_start3A_2077 = tpu.memref_slice %arg9[%dma_start3A_2075, %dma_start3A_2076] : memref<600x32xf32, #tpu.memory_space<vmem>> -> memref<24x32xf32, #tpu.memory_space<vmem>>
      %dma_start3A_2078 = arith.constant 0 : i32
      %dma_start3A_2079 = tpu.memref_slice %arg8[%dma_start3A_2074, %dma_start3A_2078] : memref<50x26xi32, #tpu.memory_space<vmem>> -> memref<1x24xi32, #tpu.memory_space<vmem>>
      %dma_start3A_2080 = tpu.memref_squeeze %dma_start3A_2079 : memref<1x24xi32, #tpu.memory_space<vmem>> -> memref<24xi32, #tpu.memory_space<vmem>>
      %dma_start3A_2081 = arith.constant 0 : i32
      %dma_start3A_2082 = arith.constant 0 : i32
      %dma_start3A_2083 = tpu.memref_slice %arg4[%dma_start3A_2081, %dma_start3A_2082] : memref<1000000x32xf32, #tpu.memory_space<hbm>> -> memref<1000000x32xf32, #tpu.memory_space<hbm>>
      tpu.enqueue_indirect_dma source(%dma_start3A_2083 : memref<1000000x32xf32, #tpu.memory_space<hbm>>) target(%dma_start3A_2077 : memref<24x32xf32, #tpu.memory_space<vmem>>) offsets(%dma_start3A_2080 : memref<24xi32, #tpu.memory_space<vmem>>) semaphore(%arg13 : memref<!tpu.dma_semaphore, #tpu.memory_space<semaphore_mem>>)
      %dma_start3A_2084 = arith.constant 6 : i32
      %dma_start3A_2085 = arith.constant 72 : i32
      %dma_start3A_2086 = arith.constant 0 : i32
      %dma_start3A_2087 = tpu.memref_slice %arg9[%dma_start3A_2085, %dma_start3A_2086] : memref<600x32xf32, #tpu.memory_space<vmem>> -> memref<24x32xf32, #tpu.memory_space<vmem>>
      %dma_start3A_2088 = arith.constant 0 : i32
      %dma_start3A_2089 = tpu.memref_slice %arg8[%dma_start3A_2084, %dma_start3A_2088] : memref<50x26xi32, #tpu.memory_space<vmem>> -> memref<1x24xi32, #tpu.memory_space<vmem>>
      %dma_start3A_2090 = tpu.memref_squeeze %dma_start3A_2089 : memref<1x24xi32, #tpu.memory_space<vmem>> -> memref<24xi32, #tpu.memory_space<vmem>>
      %dma_start3A_2091 = arith.constant 0 : i32
      %dma_start3A_2092 = arith.constant 0 : i32
      %dma_start3A_2093 = tpu.memref_slice %arg4[%dma_start3A_2091, %dma_start3A_2092] : memref<1000000x32xf32, #tpu.memory_space<hbm>> -> memref<1000000x32xf32, #tpu.memory_space<hbm>>
      tpu.enqueue_indirect_dma source(%dma_start3A_2093 : memref<1000000x32xf32, #tpu.memory_space<hbm>>) target(%dma_start3A_2087 : memref<24x32xf32, #tpu.memory_space<vmem>>) offsets(%dma_start3A_2090 : memref<24xi32, #tpu.memory_space<vmem>>) semaphore(%arg13 : memref<!tpu.dma_semaphore, #tpu.memory_space<semaphore_mem>>)
      %dma_start3A_2094 = arith.constant 8 : i32
      %dma_start3A_2095 = arith.constant 96 : i32
      %dma_start3A_2096 = arith.constant 0 : i32
      %dma_start3A_2097 = tpu.memref_slice %arg9[%dma_start3A_2095, %dma_start3A_2096] : memref<600x32xf32, #tpu.memory_space<vmem>> -> memref<24x32xf32, #tpu.memory_space<vmem>>
      %dma_start3A_2098 = arith.constant 0 : i32
      %dma_start3A_2099 = tpu.memref_slice %arg8[%dma_start3A_2094, %dma_start3A_2098] : memref<50x26xi32, #tpu.memory_space<vmem>> -> memref<1x24xi32, #tpu.memory_space<vmem>>
      %dma_start3A_2100 = tpu.memref_squeeze %dma_start3A_2099 : memref<1x24xi32, #tpu.memory_space<vmem>> -> memref<24xi32, #tpu.memory_space<vmem>>
      %dma_start3A_2101 = arith.constant 0 : i32
      %dma_start3A_2102 = arith.constant 0 : i32
      %dma_start3A_2103 = tpu.memref_slice %arg4[%dma_start3A_2101, %dma_start3A_2102] : memref<1000000x32xf32, #tpu.memory_space<hbm>> -> memref<1000000x32xf32, #tpu.memory_space<hbm>>
      tpu.enqueue_indirect_dma source(%dma_start3A_2103 : memref<1000000x32xf32, #tpu.memory_space<hbm>>) target(%dma_start3A_2097 : memref<24x32xf32, #tpu.memory_space<vmem>>) offsets(%dma_start3A_2100 : memref<24xi32, #tpu.memory_space<vmem>>) semaphore(%arg13 : memref<!tpu.dma_semaphore, #tpu.memory_space<semaphore_mem>>)
      %dma_start3A_2104 = arith.constant 10 : i32
      %dma_start3A_2105 = arith.constant 120 : i32
      %dma_start3A_2106 = arith.constant 0 : i32
      %dma_start3A_2107 = tpu.memref_slice %arg9[%dma_start3A_2105, %dma_start3A_2106] : memref<600x32xf32, #tpu.memory_space<vmem>> -> memref<24x32xf32, #tpu.memory_space<vmem>>
      %dma_start3A_2108 = arith.constant 0 : i32
      %dma_start3A_2109 = tpu.memref_slice %arg8[%dma_start3A_2104, %dma_start3A_2108] : memref<50x26xi32, #tpu.memory_space<vmem>> -> memref<1x24xi32, #tpu.memory_space<vmem>>
      %dma_start3A_2110 = tpu.memref_squeeze %dma_start3A_2109 : memref<1x24xi32, #tpu.memory_space<vmem>> -> memref<24xi32, #tpu.memory_space<vmem>>
      %dma_start3A_2111 = arith.constant 0 : i32
      %dma_start3A_2112 = arith.constant 0 : i32
      %dma_start3A_2113 = tpu.memref_slice %arg4[%dma_start3A_2111, %dma_start3A_2112] : memref<1000000x32xf32, #tpu.memory_space<hbm>> -> memref<1000000x32xf32, #tpu.memory_space<hbm>>
      tpu.enqueue_indirect_dma source(%dma_start3A_2113 : memref<1000000x32xf32, #tpu.memory_space<hbm>>) target(%dma_start3A_2107 : memref<24x32xf32, #tpu.memory_space<vmem>>) offsets(%dma_start3A_2110 : memref<24xi32, #tpu.memory_space<vmem>>) semaphore(%arg13 : memref<!tpu.dma_semaphore, #tpu.memory_space<semaphore_mem>>)
      %dma_start3A_2114 = arith.constant 12 : i32
      %dma_start3A_2115 = arith.constant 144 : i32
      %dma_start3A_2116 = arith.constant 0 : i32
      %dma_start3A_2117 = tpu.memref_slice %arg9[%dma_start3A_2115, %dma_start3A_2116] : memref<600x32xf32, #tpu.memory_space<vmem>> -> memref<24x32xf32, #tpu.memory_space<vmem>>
      %dma_start3A_2118 = arith.constant 0 : i32
      %dma_start3A_2119 = tpu.memref_slice %arg8[%dma_start3A_2114, %dma_start3A_2118] : memref<50x26xi32, #tpu.memory_space<vmem>> -> memref<1x24xi32, #tpu.memory_space<vmem>>
      %dma_start3A_2120 = tpu.memref_squeeze %dma_start3A_2119 : memref<1x24xi32, #tpu.memory_space<vmem>> -> memref<24xi32, #tpu.memory_space<vmem>>
      %dma_start3A_2121 = arith.constant 0 : i32
      %dma_start3A_2122 = arith.constant 0 : i32
      %dma_start3A_2123 = tpu.memref_slice %arg4[%dma_start3A_2121, %dma_start3A_2122] : memref<1000000x32xf32, #tpu.memory_space<hbm>> -> memref<1000000x32xf32, #tpu.memory_space<hbm>>
      tpu.enqueue_indirect_dma source(%dma_start3A_2123 : memref<1000000x32xf32, #tpu.memory_space<hbm>>) target(%dma_start3A_2117 : memref<24x32xf32, #tpu.memory_space<vmem>>) offsets(%dma_start3A_2120 : memref<24xi32, #tpu.memory_space<vmem>>) semaphore(%arg13 : memref<!tpu.dma_semaphore, #tpu.memory_space<semaphore_mem>>)
      %dma_start3A_2124 = arith.constant 14 : i32
      %dma_start3A_2125 = arith.constant 168 : i32
      %dma_start3A_2126 = arith.constant 0 : i32
      %dma_start3A_2127 = tpu.memref_slice %arg9[%dma_start3A_2125, %dma_start3A_2126] : memref<600x32xf32, #tpu.memory_space<vmem>> -> memref<24x32xf32, #tpu.memory_space<vmem>>
      %dma_start3A_2128 = arith.constant 0 : i32
      %dma_start3A_2129 = tpu.memref_slice %arg8[%dma_start3A_2124, %dma_start3A_2128] : memref<50x26xi32, #tpu.memory_space<vmem>> -> memref<1x24xi32, #tpu.memory_space<vmem>>
      %dma_start3A_2130 = tpu.memref_squeeze %dma_start3A_2129 : memref<1x24xi32, #tpu.memory_space<vmem>> -> memref<24xi32, #tpu.memory_space<vmem>>
      %dma_start3A_2131 = arith.constant 0 : i32
      %dma_start3A_2132 = arith.constant 0 : i32
      %dma_start3A_2133 = tpu.memref_slice %arg4[%dma_start3A_2131, %dma_start3A_2132] : memref<1000000x32xf32, #tpu.memory_space<hbm>> -> memref<1000000x32xf32, #tpu.memory_space<hbm>>
      tpu.enqueue_indirect_dma source(%dma_start3A_2133 : memref<1000000x32xf32, #tpu.memory_space<hbm>>) target(%dma_start3A_2127 : memref<24x32xf32, #tpu.memory_space<vmem>>) offsets(%dma_start3A_2130 : memref<24xi32, #tpu.memory_space<vmem>>) semaphore(%arg13 : memref<!tpu.dma_semaphore, #tpu.memory_space<semaphore_mem>>)
      %dma_start3A_2134 = arith.constant 16 : i32
      %dma_start3A_2135 = arith.constant 192 : i32
      %dma_start3A_2136 = arith.constant 0 : i32
      %dma_start3A_2137 = tpu.memref_slice %arg9[%dma_start3A_2135, %dma_start3A_2136] : memref<600x32xf32, #tpu.memory_space<vmem>> -> memref<24x32xf32, #tpu.memory_space<vmem>>
      %dma_start3A_2138 = arith.constant 0 : i32
      %dma_start3A_2139 = tpu.memref_slice %arg8[%dma_start3A_2134, %dma_start3A_2138] : memref<50x26xi32, #tpu.memory_space<vmem>> -> memref<1x24xi32, #tpu.memory_space<vmem>>
      %dma_start3A_2140 = tpu.memref_squeeze %dma_start3A_2139 : memref<1x24xi32, #tpu.memory_space<vmem>> -> memref<24xi32, #tpu.memory_space<vmem>>
      %dma_start3A_2141 = arith.constant 0 : i32
      %dma_start3A_2142 = arith.constant 0 : i32
      %dma_start3A_2143 = tpu.memref_slice %arg4[%dma_start3A_2141, %dma_start3A_2142] : memref<1000000x32xf32, #tpu.memory_space<hbm>> -> memref<1000000x32xf32, #tpu.memory_space<hbm>>
      tpu.enqueue_indirect_dma source(%dma_start3A_2143 : memref<1000000x32xf32, #tpu.memory_space<hbm>>) target(%dma_start3A_2137 : memref<24x32xf32, #tpu.memory_space<vmem>>) offsets(%dma_start3A_2140 : memref<24xi32, #tpu.memory_space<vmem>>) semaphore(%arg13 : memref<!tpu.dma_semaphore, #tpu.memory_space<semaphore_mem>>)
      %dma_start3A_2144 = arith.constant 18 : i32
      %dma_start3A_2145 = arith.constant 216 : i32
      %dma_start3A_2146 = arith.constant 0 : i32
      %dma_start3A_2147 = tpu.memref_slice %arg9[%dma_start3A_2145, %dma_start3A_2146] : memref<600x32xf32, #tpu.memory_space<vmem>> -> memref<24x32xf32, #tpu.memory_space<vmem>>
      %dma_start3A_2148 = arith.constant 0 : i32
      %dma_start3A_2149 = tpu.memref_slice %arg8[%dma_start3A_2144, %dma_start3A_2148] : memref<50x26xi32, #tpu.memory_space<vmem>> -> memref<1x24xi32, #tpu.memory_space<vmem>>
      %dma_start3A_2150 = tpu.memref_squeeze %dma_start3A_2149 : memref<1x24xi32, #tpu.memory_space<vmem>> -> memref<24xi32, #tpu.memory_space<vmem>>
      %dma_start3A_2151 = arith.constant 0 : i32
      %dma_start3A_2152 = arith.constant 0 : i32
      %dma_start3A_2153 = tpu.memref_slice %arg4[%dma_start3A_2151, %dma_start3A_2152] : memref<1000000x32xf32, #tpu.memory_space<hbm>> -> memref<1000000x32xf32, #tpu.memory_space<hbm>>
      tpu.enqueue_indirect_dma source(%dma_start3A_2153 : memref<1000000x32xf32, #tpu.memory_space<hbm>>) target(%dma_start3A_2147 : memref<24x32xf32, #tpu.memory_space<vmem>>) offsets(%dma_start3A_2150 : memref<24xi32, #tpu.memory_space<vmem>>) semaphore(%arg13 : memref<!tpu.dma_semaphore, #tpu.memory_space<semaphore_mem>>)
      %dma_start3A_2154 = arith.constant 20 : i32
      %dma_start3A_2155 = arith.constant 240 : i32
      %dma_start3A_2156 = arith.constant 0 : i32
      %dma_start3A_2157 = tpu.memref_slice %arg9[%dma_start3A_2155, %dma_start3A_2156] : memref<600x32xf32, #tpu.memory_space<vmem>> -> memref<24x32xf32, #tpu.memory_space<vmem>>
      %dma_start3A_2158 = arith.constant 0 : i32
      %dma_start3A_2159 = tpu.memref_slice %arg8[%dma_start3A_2154, %dma_start3A_2158] : memref<50x26xi32, #tpu.memory_space<vmem>> -> memref<1x24xi32, #tpu.memory_space<vmem>>
      %dma_start3A_2160 = tpu.memref_squeeze %dma_start3A_2159 : memref<1x24xi32, #tpu.memory_space<vmem>> -> memref<24xi32, #tpu.memory_space<vmem>>
      %dma_start3A_2161 = arith.constant 0 : i32
      %dma_start3A_2162 = arith.constant 0 : i32
      %dma_start3A_2163 = tpu.memref_slice %arg4[%dma_start3A_2161, %dma_start3A_2162] : memref<1000000x32xf32, #tpu.memory_space<hbm>> -> memref<1000000x32xf32, #tpu.memory_space<hbm>>
      tpu.enqueue_indirect_dma source(%dma_start3A_2163 : memref<1000000x32xf32, #tpu.memory_space<hbm>>) target(%dma_start3A_2157 : memref<24x32xf32, #tpu.memory_space<vmem>>) offsets(%dma_start3A_2160 : memref<24xi32, #tpu.memory_space<vmem>>) semaphore(%arg13 : memref<!tpu.dma_semaphore, #tpu.memory_space<semaphore_mem>>)
      %dma_start3A_2164 = arith.constant 22 : i32
      %dma_start3A_2165 = arith.constant 264 : i32
      %dma_start3A_2166 = arith.constant 0 : i32
      %dma_start3A_2167 = tpu.memref_slice %arg9[%dma_start3A_2165, %dma_start3A_2166] : memref<600x32xf32, #tpu.memory_space<vmem>> -> memref<24x32xf32, #tpu.memory_space<vmem>>
      %dma_start3A_2168 = arith.constant 0 : i32
      %dma_start3A_2169 = tpu.memref_slice %arg8[%dma_start3A_2164, %dma_start3A_2168] : memref<50x26xi32, #tpu.memory_space<vmem>> -> memref<1x24xi32, #tpu.memory_space<vmem>>
      %dma_start3A_2170 = tpu.memref_squeeze %dma_start3A_2169 : memref<1x24xi32, #tpu.memory_space<vmem>> -> memref<24xi32, #tpu.memory_space<vmem>>
      %dma_start3A_2171 = arith.constant 0 : i32
      %dma_start3A_2172 = arith.constant 0 : i32
      %dma_start3A_2173 = tpu.memref_slice %arg4[%dma_start3A_2171, %dma_start3A_2172] : memref<1000000x32xf32, #tpu.memory_space<hbm>> -> memref<1000000x32xf32, #tpu.memory_space<hbm>>
      tpu.enqueue_indirect_dma source(%dma_start3A_2173 : memref<1000000x32xf32, #tpu.memory_space<hbm>>) target(%dma_start3A_2167 : memref<24x32xf32, #tpu.memory_space<vmem>>) offsets(%dma_start3A_2170 : memref<24xi32, #tpu.memory_space<vmem>>) semaphore(%arg13 : memref<!tpu.dma_semaphore, #tpu.memory_space<semaphore_mem>>)
      %dma_start3A_2174 = arith.constant 24 : i32
      %dma_start3A_2175 = arith.constant 288 : i32
      %dma_start3A_2176 = arith.constant 0 : i32
      %dma_start3A_2177 = tpu.memref_slice %arg9[%dma_start3A_2175, %dma_start3A_2176] : memref<600x32xf32, #tpu.memory_space<vmem>> -> memref<24x32xf32, #tpu.memory_space<vmem>>
      %dma_start3A_2178 = arith.constant 0 : i32
      %dma_start3A_2179 = tpu.memref_slice %arg8[%dma_start3A_2174, %dma_start3A_2178] : memref<50x26xi32, #tpu.memory_space<vmem>> -> memref<1x24xi32, #tpu.memory_space<vmem>>
      %dma_start3A_2180 = tpu.memref_squeeze %dma_start3A_2179 : memref<1x24xi32, #tpu.memory_space<vmem>> -> memref<24xi32, #tpu.memory_space<vmem>>
      %dma_start3A_2181 = arith.constant 0 : i32
      %dma_start3A_2182 = arith.constant 0 : i32
      %dma_start3A_2183 = tpu.memref_slice %arg4[%dma_start3A_2181, %dma_start3A_2182] : memref<1000000x32xf32, #tpu.memory_space<hbm>> -> memref<1000000x32xf32, #tpu.memory_space<hbm>>
      tpu.enqueue_indirect_dma source(%dma_start3A_2183 : memref<1000000x32xf32, #tpu.memory_space<hbm>>) target(%dma_start3A_2177 : memref<24x32xf32, #tpu.memory_space<vmem>>) offsets(%dma_start3A_2180 : memref<24xi32, #tpu.memory_space<vmem>>) semaphore(%arg13 : memref<!tpu.dma_semaphore, #tpu.memory_space<semaphore_mem>>)
      %dma_start3A_2184 = arith.constant 26 : i32
      %dma_start3A_2185 = arith.constant 312 : i32
      %dma_start3A_2186 = arith.constant 0 : i32
      %dma_start3A_2187 = tpu.memref_slice %arg9[%dma_start3A_2185, %dma_start3A_2186] : memref<600x32xf32, #tpu.memory_space<vmem>> -> memref<24x32xf32, #tpu.memory_space<vmem>>
      %dma_start3A_2188 = arith.constant 0 : i32
      %dma_start3A_2189 = tpu.memref_slice %arg8[%dma_start3A_2184, %dma_start3A_2188] : memref<50x26xi32, #tpu.memory_space<vmem>> -> memref<1x24xi32, #tpu.memory_space<vmem>>
      %dma_start3A_2190 = tpu.memref_squeeze %dma_start3A_2189 : memref<1x24xi32, #tpu.memory_space<vmem>> -> memref<24xi32, #tpu.memory_space<vmem>>
      %dma_start3A_2191 = arith.constant 0 : i32
      %dma_start3A_2192 = arith.constant 0 : i32
      %dma_start3A_2193 = tpu.memref_slice %arg4[%dma_start3A_2191, %dma_start3A_2192] : memref<1000000x32xf32, #tpu.memory_space<hbm>> -> memref<1000000x32xf32, #tpu.memory_space<hbm>>
      tpu.enqueue_indirect_dma source(%dma_start3A_2193 : memref<1000000x32xf32, #tpu.memory_space<hbm>>) target(%dma_start3A_2187 : memref<24x32xf32, #tpu.memory_space<vmem>>) offsets(%dma_start3A_2190 : memref<24xi32, #tpu.memory_space<vmem>>) semaphore(%arg13 : memref<!tpu.dma_semaphore, #tpu.memory_space<semaphore_mem>>)
      %dma_start3A_2194 = arith.constant 28 : i32
      %dma_start3A_2195 = arith.constant 336 : i32
      %dma_start3A_2196 = arith.constant 0 : i32
      %dma_start3A_2197 = tpu.memref_slice %arg9[%dma_start3A_2195, %dma_start3A_2196] : memref<600x32xf32, #tpu.memory_space<vmem>> -> memref<24x32xf32, #tpu.memory_space<vmem>>
      %dma_start3A_2198 = arith.constant 0 : i32
      %dma_start3A_2199 = tpu.memref_slice %arg8[%dma_start3A_2194, %dma_start3A_2198] : memref<50x26xi32, #tpu.memory_space<vmem>> -> memref<1x24xi32, #tpu.memory_space<vmem>>
      %dma_start3A_2200 = tpu.memref_squeeze %dma_start3A_2199 : memref<1x24xi32, #tpu.memory_space<vmem>> -> memref<24xi32, #tpu.memory_space<vmem>>
      %dma_start3A_2201 = arith.constant 0 : i32
      %dma_start3A_2202 = arith.constant 0 : i32
      %dma_start3A_2203 = tpu.memref_slice %arg4[%dma_start3A_2201, %dma_start3A_2202] : memref<1000000x32xf32, #tpu.memory_space<hbm>> -> memref<1000000x32xf32, #tpu.memory_space<hbm>>
      tpu.enqueue_indirect_dma source(%dma_start3A_2203 : memref<1000000x32xf32, #tpu.memory_space<hbm>>) target(%dma_start3A_2197 : memref<24x32xf32, #tpu.memory_space<vmem>>) offsets(%dma_start3A_2200 : memref<24xi32, #tpu.memory_space<vmem>>) semaphore(%arg13 : memref<!tpu.dma_semaphore, #tpu.memory_space<semaphore_mem>>)
      %dma_start3A_2204 = arith.constant 30 : i32
      %dma_start3A_2205 = arith.constant 360 : i32
      %dma_start3A_2206 = arith.constant 0 : i32
      %dma_start3A_2207 = tpu.memref_slice %arg9[%dma_start3A_2205, %dma_start3A_2206] : memref<600x32xf32, #tpu.memory_space<vmem>> -> memref<24x32xf32, #tpu.memory_space<vmem>>
      %dma_start3A_2208 = arith.constant 0 : i32
      %dma_start3A_2209 = tpu.memref_slice %arg8[%dma_start3A_2204, %dma_start3A_2208] : memref<50x26xi32, #tpu.memory_space<vmem>> -> memref<1x24xi32, #tpu.memory_space<vmem>>
      %dma_start3A_2210 = tpu.memref_squeeze %dma_start3A_2209 : memref<1x24xi32, #tpu.memory_space<vmem>> -> memref<24xi32, #tpu.memory_space<vmem>>
      %dma_start3A_2211 = arith.constant 0 : i32
      %dma_start3A_2212 = arith.constant 0 : i32
      %dma_start3A_2213 = tpu.memref_slice %arg4[%dma_start3A_2211, %dma_start3A_2212] : memref<1000000x32xf32, #tpu.memory_space<hbm>> -> memref<1000000x32xf32, #tpu.memory_space<hbm>>
      tpu.enqueue_indirect_dma source(%dma_start3A_2213 : memref<1000000x32xf32, #tpu.memory_space<hbm>>) target(%dma_start3A_2207 : memref<24x32xf32, #tpu.memory_space<vmem>>) offsets(%dma_start3A_2210 : memref<24xi32, #tpu.memory_space<vmem>>) semaphore(%arg13 : memref<!tpu.dma_semaphore, #tpu.memory_space<semaphore_mem>>)
      %dma_start3A_2214 = arith.constant 32 : i32
      %dma_start3A_2215 = arith.constant 384 : i32
      %dma_start3A_2216 = arith.constant 0 : i32
      %dma_start3A_2217 = tpu.memref_slice %arg9[%dma_start3A_2215, %dma_start3A_2216] : memref<600x32xf32, #tpu.memory_space<vmem>> -> memref<24x32xf32, #tpu.memory_space<vmem>>
      %dma_start3A_2218 = arith.constant 0 : i32
      %dma_start3A_2219 = tpu.memref_slice %arg8[%dma_start3A_2214, %dma_start3A_2218] : memref<50x26xi32, #tpu.memory_space<vmem>> -> memref<1x24xi32, #tpu.memory_space<vmem>>
      %dma_start3A_2220 = tpu.memref_squeeze %dma_start3A_2219 : memref<1x24xi32, #tpu.memory_space<vmem>> -> memref<24xi32, #tpu.memory_space<vmem>>
      %dma_start3A_2221 = arith.constant 0 : i32
      %dma_start3A_2222 = arith.constant 0 : i32
      %dma_start3A_2223 = tpu.memref_slice %arg4[%dma_start3A_2221, %dma_start3A_2222] : memref<1000000x32xf32, #tpu.memory_space<hbm>> -> memref<1000000x32xf32, #tpu.memory_space<hbm>>
      tpu.enqueue_indirect_dma source(%dma_start3A_2223 : memref<1000000x32xf32, #tpu.memory_space<hbm>>) target(%dma_start3A_2217 : memref<24x32xf32, #tpu.memory_space<vmem>>) offsets(%dma_start3A_2220 : memref<24xi32, #tpu.memory_space<vmem>>) semaphore(%arg13 : memref<!tpu.dma_semaphore, #tpu.memory_space<semaphore_mem>>)
      %dma_start3A_2224 = arith.constant 34 : i32
      %dma_start3A_2225 = arith.constant 408 : i32
      %dma_start3A_2226 = arith.constant 0 : i32
      %dma_start3A_2227 = tpu.memref_slice %arg9[%dma_start3A_2225, %dma_start3A_2226] : memref<600x32xf32, #tpu.memory_space<vmem>> -> memref<24x32xf32, #tpu.memory_space<vmem>>
      %dma_start3A_2228 = arith.constant 0 : i32
      %dma_start3A_2229 = tpu.memref_slice %arg8[%dma_start3A_2224, %dma_start3A_2228] : memref<50x26xi32, #tpu.memory_space<vmem>> -> memref<1x24xi32, #tpu.memory_space<vmem>>
      %dma_start3A_2230 = tpu.memref_squeeze %dma_start3A_2229 : memref<1x24xi32, #tpu.memory_space<vmem>> -> memref<24xi32, #tpu.memory_space<vmem>>
      %dma_start3A_2231 = arith.constant 0 : i32
      %dma_start3A_2232 = arith.constant 0 : i32
      %dma_start3A_2233 = tpu.memref_slice %arg4[%dma_start3A_2231, %dma_start3A_2232] : memref<1000000x32xf32, #tpu.memory_space<hbm>> -> memref<1000000x32xf32, #tpu.memory_space<hbm>>
      tpu.enqueue_indirect_dma source(%dma_start3A_2233 : memref<1000000x32xf32, #tpu.memory_space<hbm>>) target(%dma_start3A_2227 : memref<24x32xf32, #tpu.memory_space<vmem>>) offsets(%dma_start3A_2230 : memref<24xi32, #tpu.memory_space<vmem>>) semaphore(%arg13 : memref<!tpu.dma_semaphore, #tpu.memory_space<semaphore_mem>>)
      %dma_start3A_2234 = arith.constant 36 : i32
      %dma_start3A_2235 = arith.constant 432 : i32
      %dma_start3A_2236 = arith.constant 0 : i32
      %dma_start3A_2237 = tpu.memref_slice %arg9[%dma_start3A_2235, %dma_start3A_2236] : memref<600x32xf32, #tpu.memory_space<vmem>> -> memref<24x32xf32, #tpu.memory_space<vmem>>
      %dma_start3A_2238 = arith.constant 0 : i32
      %dma_start3A_2239 = tpu.memref_slice %arg8[%dma_start3A_2234, %dma_start3A_2238] : memref<50x26xi32, #tpu.memory_space<vmem>> -> memref<1x24xi32, #tpu.memory_space<vmem>>
      %dma_start3A_2240 = tpu.memref_squeeze %dma_start3A_2239 : memref<1x24xi32, #tpu.memory_space<vmem>> -> memref<24xi32, #tpu.memory_space<vmem>>
      %dma_start3A_2241 = arith.constant 0 : i32
      %dma_start3A_2242 = arith.constant 0 : i32
      %dma_start3A_2243 = tpu.memref_slice %arg4[%dma_start3A_2241, %dma_start3A_2242] : memref<1000000x32xf32, #tpu.memory_space<hbm>> -> memref<1000000x32xf32, #tpu.memory_space<hbm>>
      tpu.enqueue_indirect_dma source(%dma_start3A_2243 : memref<1000000x32xf32, #tpu.memory_space<hbm>>) target(%dma_start3A_2237 : memref<24x32xf32, #tpu.memory_space<vmem>>) offsets(%dma_start3A_2240 : memref<24xi32, #tpu.memory_space<vmem>>) semaphore(%arg13 : memref<!tpu.dma_semaphore, #tpu.memory_space<semaphore_mem>>)
      %dma_start3A_2244 = arith.constant 38 : i32
      %dma_start3A_2245 = arith.constant 456 : i32
      %dma_start3A_2246 = arith.constant 0 : i32
      %dma_start3A_2247 = tpu.memref_slice %arg9[%dma_start3A_2245, %dma_start3A_2246] : memref<600x32xf32, #tpu.memory_space<vmem>> -> memref<24x32xf32, #tpu.memory_space<vmem>>
      %dma_start3A_2248 = arith.constant 0 : i32
      %dma_start3A_2249 = tpu.memref_slice %arg8[%dma_start3A_2244, %dma_start3A_2248] : memref<50x26xi32, #tpu.memory_space<vmem>> -> memref<1x24xi32, #tpu.memory_space<vmem>>
      %dma_start3A_2250 = tpu.memref_squeeze %dma_start3A_2249 : memref<1x24xi32, #tpu.memory_space<vmem>> -> memref<24xi32, #tpu.memory_space<vmem>>
      %dma_start3A_2251 = arith.constant 0 : i32
      %dma_start3A_2252 = arith.constant 0 : i32
      %dma_start3A_2253 = tpu.memref_slice %arg4[%dma_start3A_2251, %dma_start3A_2252] : memref<1000000x32xf32, #tpu.memory_space<hbm>> -> memref<1000000x32xf32, #tpu.memory_space<hbm>>
      tpu.enqueue_indirect_dma source(%dma_start3A_2253 : memref<1000000x32xf32, #tpu.memory_space<hbm>>) target(%dma_start3A_2247 : memref<24x32xf32, #tpu.memory_space<vmem>>) offsets(%dma_start3A_2250 : memref<24xi32, #tpu.memory_space<vmem>>) semaphore(%arg13 : memref<!tpu.dma_semaphore, #tpu.memory_space<semaphore_mem>>)
      %dma_start3A_2254 = arith.constant 40 : i32
      %dma_start3A_2255 = arith.constant 480 : i32
      %dma_start3A_2256 = arith.constant 0 : i32
      %dma_start3A_2257 = tpu.memref_slice %arg9[%dma_start3A_2255, %dma_start3A_2256] : memref<600x32xf32, #tpu.memory_space<vmem>> -> memref<24x32xf32, #tpu.memory_space<vmem>>
      %dma_start3A_2258 = arith.constant 0 : i32
      %dma_start3A_2259 = tpu.memref_slice %arg8[%dma_start3A_2254, %dma_start3A_2258] : memref<50x26xi32, #tpu.memory_space<vmem>> -> memref<1x24xi32, #tpu.memory_space<vmem>>
      %dma_start3A_2260 = tpu.memref_squeeze %dma_start3A_2259 : memref<1x24xi32, #tpu.memory_space<vmem>> -> memref<24xi32, #tpu.memory_space<vmem>>
      %dma_start3A_2261 = arith.constant 0 : i32
      %dma_start3A_2262 = arith.constant 0 : i32
      %dma_start3A_2263 = tpu.memref_slice %arg4[%dma_start3A_2261, %dma_start3A_2262] : memref<1000000x32xf32, #tpu.memory_space<hbm>> -> memref<1000000x32xf32, #tpu.memory_space<hbm>>
      tpu.enqueue_indirect_dma source(%dma_start3A_2263 : memref<1000000x32xf32, #tpu.memory_space<hbm>>) target(%dma_start3A_2257 : memref<24x32xf32, #tpu.memory_space<vmem>>) offsets(%dma_start3A_2260 : memref<24xi32, #tpu.memory_space<vmem>>) semaphore(%arg13 : memref<!tpu.dma_semaphore, #tpu.memory_space<semaphore_mem>>)
      %dma_start3A_2264 = arith.constant 42 : i32
      %dma_start3A_2265 = arith.constant 504 : i32
      %dma_start3A_2266 = arith.constant 0 : i32
      %dma_start3A_2267 = tpu.memref_slice %arg9[%dma_start3A_2265, %dma_start3A_2266] : memref<600x32xf32, #tpu.memory_space<vmem>> -> memref<24x32xf32, #tpu.memory_space<vmem>>
      %dma_start3A_2268 = arith.constant 0 : i32
      %dma_start3A_2269 = tpu.memref_slice %arg8[%dma_start3A_2264, %dma_start3A_2268] : memref<50x26xi32, #tpu.memory_space<vmem>> -> memref<1x24xi32, #tpu.memory_space<vmem>>
      %dma_start3A_2270 = tpu.memref_squeeze %dma_start3A_2269 : memref<1x24xi32, #tpu.memory_space<vmem>> -> memref<24xi32, #tpu.memory_space<vmem>>
      %dma_start3A_2271 = arith.constant 0 : i32
      %dma_start3A_2272 = arith.constant 0 : i32
      %dma_start3A_2273 = tpu.memref_slice %arg4[%dma_start3A_2271, %dma_start3A_2272] : memref<1000000x32xf32, #tpu.memory_space<hbm>> -> memref<1000000x32xf32, #tpu.memory_space<hbm>>
      tpu.enqueue_indirect_dma source(%dma_start3A_2273 : memref<1000000x32xf32, #tpu.memory_space<hbm>>) target(%dma_start3A_2267 : memref<24x32xf32, #tpu.memory_space<vmem>>) offsets(%dma_start3A_2270 : memref<24xi32, #tpu.memory_space<vmem>>) semaphore(%arg13 : memref<!tpu.dma_semaphore, #tpu.memory_space<semaphore_mem>>)
      %dma_start3A_2274 = arith.constant 44 : i32
      %dma_start3A_2275 = arith.constant 528 : i32
      %dma_start3A_2276 = arith.constant 0 : i32
      %dma_start3A_2277 = tpu.memref_slice %arg9[%dma_start3A_2275, %dma_start3A_2276] : memref<600x32xf32, #tpu.memory_space<vmem>> -> memref<24x32xf32, #tpu.memory_space<vmem>>
      %dma_start3A_2278 = arith.constant 0 : i32
      %dma_start3A_2279 = tpu.memref_slice %arg8[%dma_start3A_2274, %dma_start3A_2278] : memref<50x26xi32, #tpu.memory_space<vmem>> -> memref<1x24xi32, #tpu.memory_space<vmem>>
      %dma_start3A_2280 = tpu.memref_squeeze %dma_start3A_2279 : memref<1x24xi32, #tpu.memory_space<vmem>> -> memref<24xi32, #tpu.memory_space<vmem>>
      %dma_start3A_2281 = arith.constant 0 : i32
      %dma_start3A_2282 = arith.constant 0 : i32
      %dma_start3A_2283 = tpu.memref_slice %arg4[%dma_start3A_2281, %dma_start3A_2282] : memref<1000000x32xf32, #tpu.memory_space<hbm>> -> memref<1000000x32xf32, #tpu.memory_space<hbm>>
      tpu.enqueue_indirect_dma source(%dma_start3A_2283 : memref<1000000x32xf32, #tpu.memory_space<hbm>>) target(%dma_start3A_2277 : memref<24x32xf32, #tpu.memory_space<vmem>>) offsets(%dma_start3A_2280 : memref<24xi32, #tpu.memory_space<vmem>>) semaphore(%arg13 : memref<!tpu.dma_semaphore, #tpu.memory_space<semaphore_mem>>)
      %dma_start3A_2284 = arith.constant 46 : i32
      %dma_start3A_2285 = arith.constant 552 : i32
      %dma_start3A_2286 = arith.constant 0 : i32
      %dma_start3A_2287 = tpu.memref_slice %arg9[%dma_start3A_2285, %dma_start3A_2286] : memref<600x32xf32, #tpu.memory_space<vmem>> -> memref<24x32xf32, #tpu.memory_space<vmem>>
      %dma_start3A_2288 = arith.constant 0 : i32
      %dma_start3A_2289 = tpu.memref_slice %arg8[%dma_start3A_2284, %dma_start3A_2288] : memref<50x26xi32, #tpu.memory_space<vmem>> -> memref<1x24xi32, #tpu.memory_space<vmem>>
      %dma_start3A_2290 = tpu.memref_squeeze %dma_start3A_2289 : memref<1x24xi32, #tpu.memory_space<vmem>> -> memref<24xi32, #tpu.memory_space<vmem>>
      %dma_start3A_2291 = arith.constant 0 : i32
      %dma_start3A_2292 = arith.constant 0 : i32
      %dma_start3A_2293 = tpu.memref_slice %arg4[%dma_start3A_2291, %dma_start3A_2292] : memref<1000000x32xf32, #tpu.memory_space<hbm>> -> memref<1000000x32xf32, #tpu.memory_space<hbm>>
      tpu.enqueue_indirect_dma source(%dma_start3A_2293 : memref<1000000x32xf32, #tpu.memory_space<hbm>>) target(%dma_start3A_2287 : memref<24x32xf32, #tpu.memory_space<vmem>>) offsets(%dma_start3A_2290 : memref<24xi32, #tpu.memory_space<vmem>>) semaphore(%arg13 : memref<!tpu.dma_semaphore, #tpu.memory_space<semaphore_mem>>)
      %dma_start3A_2294 = arith.constant 48 : i32
      %dma_start3A_2295 = arith.constant 576 : i32
      %dma_start3A_2296 = arith.constant 0 : i32
      %dma_start3A_2297 = tpu.memref_slice %arg9[%dma_start3A_2295, %dma_start3A_2296] : memref<600x32xf32, #tpu.memory_space<vmem>> -> memref<24x32xf32, #tpu.memory_space<vmem>>
      %dma_start3A_2298 = arith.constant 0 : i32
      %dma_start3A_2299 = tpu.memref_slice %arg8[%dma_start3A_2294, %dma_start3A_2298] : memref<50x26xi32, #tpu.memory_space<vmem>> -> memref<1x24xi32, #tpu.memory_space<vmem>>
      %dma_start3A_2300 = tpu.memref_squeeze %dma_start3A_2299 : memref<1x24xi32, #tpu.memory_space<vmem>> -> memref<24xi32, #tpu.memory_space<vmem>>
      %dma_start3A_2301 = arith.constant 0 : i32
      %dma_start3A_2302 = arith.constant 0 : i32
      %dma_start3A_2303 = tpu.memref_slice %arg4[%dma_start3A_2301, %dma_start3A_2302] : memref<1000000x32xf32, #tpu.memory_space<hbm>> -> memref<1000000x32xf32, #tpu.memory_space<hbm>>
      tpu.enqueue_indirect_dma source(%dma_start3A_2303 : memref<1000000x32xf32, #tpu.memory_space<hbm>>) target(%dma_start3A_2297 : memref<24x32xf32, #tpu.memory_space<vmem>>) offsets(%dma_start3A_2300 : memref<24xi32, #tpu.memory_space<vmem>>) semaphore(%arg13 : memref<!tpu.dma_semaphore, #tpu.memory_space<semaphore_mem>>)
      %dma_start3A_2304 = arith.constant 1 : i32
      %dma_start3A_2305 = arith.constant 0 : i32
      %dma_start3A_2306 = arith.constant 0 : i32
      %dma_start3A_2307 = tpu.memref_slice %arg10[%dma_start3A_2305, %dma_start3A_2306] : memref<650x32xf32, #tpu.memory_space<vmem>> -> memref<26x32xf32, #tpu.memory_space<vmem>>
      %dma_start3A_2308 = arith.constant 0 : i32
      %dma_start3A_2309 = tpu.memref_slice %arg8[%dma_start3A_2304, %dma_start3A_2308] : memref<50x26xi32, #tpu.memory_space<vmem>> -> memref<1x26xi32, #tpu.memory_space<vmem>>
      %dma_start3A_2310 = tpu.memref_squeeze %dma_start3A_2309 : memref<1x26xi32, #tpu.memory_space<vmem>> -> memref<26xi32, #tpu.memory_space<vmem>>
      %dma_start3A_2311 = arith.constant 0 : i32
      %dma_start3A_2312 = arith.constant 0 : i32
      %dma_start3A_2313 = tpu.memref_slice %arg4[%dma_start3A_2311, %dma_start3A_2312] : memref<1000000x32xf32, #tpu.memory_space<hbm>> -> memref<1000000x32xf32, #tpu.memory_space<hbm>>
      tpu.enqueue_indirect_dma source(%dma_start3A_2313 : memref<1000000x32xf32, #tpu.memory_space<hbm>>) target(%dma_start3A_2307 : memref<26x32xf32, #tpu.memory_space<vmem>>) offsets(%dma_start3A_2310 : memref<26xi32, #tpu.memory_space<vmem>>) semaphore(%arg14 : memref<!tpu.dma_semaphore, #tpu.memory_space<semaphore_mem>>)
      %dma_start3A_2314 = arith.constant 3 : i32
      %dma_start3A_2315 = arith.constant 26 : i32
      %dma_start3A_2316 = arith.constant 0 : i32
      %dma_start3A_2317 = tpu.memref_slice %arg10[%dma_start3A_2315, %dma_start3A_2316] : memref<650x32xf32, #tpu.memory_space<vmem>> -> memref<26x32xf32, #tpu.memory_space<vmem>>
      %dma_start3A_2318 = arith.constant 0 : i32
      %dma_start3A_2319 = tpu.memref_slice %arg8[%dma_start3A_2314, %dma_start3A_2318] : memref<50x26xi32, #tpu.memory_space<vmem>> -> memref<1x26xi32, #tpu.memory_space<vmem>>
      %dma_start3A_2320 = tpu.memref_squeeze %dma_start3A_2319 : memref<1x26xi32, #tpu.memory_space<vmem>> -> memref<26xi32, #tpu.memory_space<vmem>>
      %dma_start3A_2321 = arith.constant 0 : i32
      %dma_start3A_2322 = arith.constant 0 : i32
      %dma_start3A_2323 = tpu.memref_slice %arg4[%dma_start3A_2321, %dma_start3A_2322] : memref<1000000x32xf32, #tpu.memory_space<hbm>> -> memref<1000000x32xf32, #tpu.memory_space<hbm>>
      tpu.enqueue_indirect_dma source(%dma_start3A_2323 : memref<1000000x32xf32, #tpu.memory_space<hbm>>) target(%dma_start3A_2317 : memref<26x32xf32, #tpu.memory_space<vmem>>) offsets(%dma_start3A_2320 : memref<26xi32, #tpu.memory_space<vmem>>) semaphore(%arg14 : memref<!tpu.dma_semaphore, #tpu.memory_space<semaphore_mem>>)
      %dma_start3A_2324 = arith.constant 5 : i32
      %dma_start3A_2325 = arith.constant 52 : i32
      %dma_start3A_2326 = arith.constant 0 : i32
      %dma_start3A_2327 = tpu.memref_slice %arg10[%dma_start3A_2325, %dma_start3A_2326] : memref<650x32xf32, #tpu.memory_space<vmem>> -> memref<26x32xf32, #tpu.memory_space<vmem>>
      %dma_start3A_2328 = arith.constant 0 : i32
      %dma_start3A_2329 = tpu.memref_slice %arg8[%dma_start3A_2324, %dma_start3A_2328] : memref<50x26xi32, #tpu.memory_space<vmem>> -> memref<1x26xi32, #tpu.memory_space<vmem>>
      %dma_start3A_2330 = tpu.memref_squeeze %dma_start3A_2329 : memref<1x26xi32, #tpu.memory_space<vmem>> -> memref<26xi32, #tpu.memory_space<vmem>>
      %dma_start3A_2331 = arith.constant 0 : i32
      %dma_start3A_2332 = arith.constant 0 : i32
      %dma_start3A_2333 = tpu.memref_slice %arg4[%dma_start3A_2331, %dma_start3A_2332] : memref<1000000x32xf32, #tpu.memory_space<hbm>> -> memref<1000000x32xf32, #tpu.memory_space<hbm>>
      tpu.enqueue_indirect_dma source(%dma_start3A_2333 : memref<1000000x32xf32, #tpu.memory_space<hbm>>) target(%dma_start3A_2327 : memref<26x32xf32, #tpu.memory_space<vmem>>) offsets(%dma_start3A_2330 : memref<26xi32, #tpu.memory_space<vmem>>) semaphore(%arg14 : memref<!tpu.dma_semaphore, #tpu.memory_space<semaphore_mem>>)
      %dma_start3A_2334 = arith.constant 7 : i32
      %dma_start3A_2335 = arith.constant 78 : i32
      %dma_start3A_2336 = arith.constant 0 : i32
      %dma_start3A_2337 = tpu.memref_slice %arg10[%dma_start3A_2335, %dma_start3A_2336] : memref<650x32xf32, #tpu.memory_space<vmem>> -> memref<26x32xf32, #tpu.memory_space<vmem>>
      %dma_start3A_2338 = arith.constant 0 : i32
      %dma_start3A_2339 = tpu.memref_slice %arg8[%dma_start3A_2334, %dma_start3A_2338] : memref<50x26xi32, #tpu.memory_space<vmem>> -> memref<1x26xi32, #tpu.memory_space<vmem>>
      %dma_start3A_2340 = tpu.memref_squeeze %dma_start3A_2339 : memref<1x26xi32, #tpu.memory_space<vmem>> -> memref<26xi32, #tpu.memory_space<vmem>>
      %dma_start3A_2341 = arith.constant 0 : i32
      %dma_start3A_2342 = arith.constant 0 : i32
      %dma_start3A_2343 = tpu.memref_slice %arg4[%dma_start3A_2341, %dma_start3A_2342] : memref<1000000x32xf32, #tpu.memory_space<hbm>> -> memref<1000000x32xf32, #tpu.memory_space<hbm>>
      tpu.enqueue_indirect_dma source(%dma_start3A_2343 : memref<1000000x32xf32, #tpu.memory_space<hbm>>) target(%dma_start3A_2337 : memref<26x32xf32, #tpu.memory_space<vmem>>) offsets(%dma_start3A_2340 : memref<26xi32, #tpu.memory_space<vmem>>) semaphore(%arg14 : memref<!tpu.dma_semaphore, #tpu.memory_space<semaphore_mem>>)
      %dma_start3A_2344 = arith.constant 9 : i32
      %dma_start3A_2345 = arith.constant 104 : i32
      %dma_start3A_2346 = arith.constant 0 : i32
      %dma_start3A_2347 = tpu.memref_slice %arg10[%dma_start3A_2345, %dma_start3A_2346] : memref<650x32xf32, #tpu.memory_space<vmem>> -> memref<26x32xf32, #tpu.memory_space<vmem>>
      %dma_start3A_2348 = arith.constant 0 : i32
      %dma_start3A_2349 = tpu.memref_slice %arg8[%dma_start3A_2344, %dma_start3A_2348] : memref<50x26xi32, #tpu.memory_space<vmem>> -> memref<1x26xi32, #tpu.memory_space<vmem>>
      %dma_start3A_2350 = tpu.memref_squeeze %dma_start3A_2349 : memref<1x26xi32, #tpu.memory_space<vmem>> -> memref<26xi32, #tpu.memory_space<vmem>>
      %dma_start3A_2351 = arith.constant 0 : i32
      %dma_start3A_2352 = arith.constant 0 : i32
      %dma_start3A_2353 = tpu.memref_slice %arg4[%dma_start3A_2351, %dma_start3A_2352] : memref<1000000x32xf32, #tpu.memory_space<hbm>> -> memref<1000000x32xf32, #tpu.memory_space<hbm>>
      tpu.enqueue_indirect_dma source(%dma_start3A_2353 : memref<1000000x32xf32, #tpu.memory_space<hbm>>) target(%dma_start3A_2347 : memref<26x32xf32, #tpu.memory_space<vmem>>) offsets(%dma_start3A_2350 : memref<26xi32, #tpu.memory_space<vmem>>) semaphore(%arg14 : memref<!tpu.dma_semaphore, #tpu.memory_space<semaphore_mem>>)
      %dma_start3A_2354 = arith.constant 11 : i32
      %dma_start3A_2355 = arith.constant 130 : i32
      %dma_start3A_2356 = arith.constant 0 : i32
      %dma_start3A_2357 = tpu.memref_slice %arg10[%dma_start3A_2355, %dma_start3A_2356] : memref<650x32xf32, #tpu.memory_space<vmem>> -> memref<26x32xf32, #tpu.memory_space<vmem>>
      %dma_start3A_2358 = arith.constant 0 : i32
      %dma_start3A_2359 = tpu.memref_slice %arg8[%dma_start3A_2354, %dma_start3A_2358] : memref<50x26xi32, #tpu.memory_space<vmem>> -> memref<1x26xi32, #tpu.memory_space<vmem>>
      %dma_start3A_2360 = tpu.memref_squeeze %dma_start3A_2359 : memref<1x26xi32, #tpu.memory_space<vmem>> -> memref<26xi32, #tpu.memory_space<vmem>>
      %dma_start3A_2361 = arith.constant 0 : i32
      %dma_start3A_2362 = arith.constant 0 : i32
      %dma_start3A_2363 = tpu.memref_slice %arg4[%dma_start3A_2361, %dma_start3A_2362] : memref<1000000x32xf32, #tpu.memory_space<hbm>> -> memref<1000000x32xf32, #tpu.memory_space<hbm>>
      tpu.enqueue_indirect_dma source(%dma_start3A_2363 : memref<1000000x32xf32, #tpu.memory_space<hbm>>) target(%dma_start3A_2357 : memref<26x32xf32, #tpu.memory_space<vmem>>) offsets(%dma_start3A_2360 : memref<26xi32, #tpu.memory_space<vmem>>) semaphore(%arg14 : memref<!tpu.dma_semaphore, #tpu.memory_space<semaphore_mem>>)
      %dma_start3A_2364 = arith.constant 13 : i32
      %dma_start3A_2365 = arith.constant 156 : i32
      %dma_start3A_2366 = arith.constant 0 : i32
      %dma_start3A_2367 = tpu.memref_slice %arg10[%dma_start3A_2365, %dma_start3A_2366] : memref<650x32xf32, #tpu.memory_space<vmem>> -> memref<26x32xf32, #tpu.memory_space<vmem>>
      %dma_start3A_2368 = arith.constant 0 : i32
      %dma_start3A_2369 = tpu.memref_slice %arg8[%dma_start3A_2364, %dma_start3A_2368] : memref<50x26xi32, #tpu.memory_space<vmem>> -> memref<1x26xi32, #tpu.memory_space<vmem>>
      %dma_start3A_2370 = tpu.memref_squeeze %dma_start3A_2369 : memref<1x26xi32, #tpu.memory_space<vmem>> -> memref<26xi32, #tpu.memory_space<vmem>>
      %dma_start3A_2371 = arith.constant 0 : i32
      %dma_start3A_2372 = arith.constant 0 : i32
      %dma_start3A_2373 = tpu.memref_slice %arg4[%dma_start3A_2371, %dma_start3A_2372] : memref<1000000x32xf32, #tpu.memory_space<hbm>> -> memref<1000000x32xf32, #tpu.memory_space<hbm>>
      tpu.enqueue_indirect_dma source(%dma_start3A_2373 : memref<1000000x32xf32, #tpu.memory_space<hbm>>) target(%dma_start3A_2367 : memref<26x32xf32, #tpu.memory_space<vmem>>) offsets(%dma_start3A_2370 : memref<26xi32, #tpu.memory_space<vmem>>) semaphore(%arg14 : memref<!tpu.dma_semaphore, #tpu.memory_space<semaphore_mem>>)
      %dma_start3A_2374 = arith.constant 15 : i32
      %dma_start3A_2375 = arith.constant 182 : i32
      %dma_start3A_2376 = arith.constant 0 : i32
      %dma_start3A_2377 = tpu.memref_slice %arg10[%dma_start3A_2375, %dma_start3A_2376] : memref<650x32xf32, #tpu.memory_space<vmem>> -> memref<26x32xf32, #tpu.memory_space<vmem>>
      %dma_start3A_2378 = arith.constant 0 : i32
      %dma_start3A_2379 = tpu.memref_slice %arg8[%dma_start3A_2374, %dma_start3A_2378] : memref<50x26xi32, #tpu.memory_space<vmem>> -> memref<1x26xi32, #tpu.memory_space<vmem>>
      %dma_start3A_2380 = tpu.memref_squeeze %dma_start3A_2379 : memref<1x26xi32, #tpu.memory_space<vmem>> -> memref<26xi32, #tpu.memory_space<vmem>>
      %dma_start3A_2381 = arith.constant 0 : i32
      %dma_start3A_2382 = arith.constant 0 : i32
      %dma_start3A_2383 = tpu.memref_slice %arg4[%dma_start3A_2381, %dma_start3A_2382] : memref<1000000x32xf32, #tpu.memory_space<hbm>> -> memref<1000000x32xf32, #tpu.memory_space<hbm>>
      tpu.enqueue_indirect_dma source(%dma_start3A_2383 : memref<1000000x32xf32, #tpu.memory_space<hbm>>) target(%dma_start3A_2377 : memref<26x32xf32, #tpu.memory_space<vmem>>) offsets(%dma_start3A_2380 : memref<26xi32, #tpu.memory_space<vmem>>) semaphore(%arg14 : memref<!tpu.dma_semaphore, #tpu.memory_space<semaphore_mem>>)
      %dma_start3A_2384 = arith.constant 17 : i32
      %dma_start3A_2385 = arith.constant 208 : i32
      %dma_start3A_2386 = arith.constant 0 : i32
      %dma_start3A_2387 = tpu.memref_slice %arg10[%dma_start3A_2385, %dma_start3A_2386] : memref<650x32xf32, #tpu.memory_space<vmem>> -> memref<26x32xf32, #tpu.memory_space<vmem>>
      %dma_start3A_2388 = arith.constant 0 : i32
      %dma_start3A_2389 = tpu.memref_slice %arg8[%dma_start3A_2384, %dma_start3A_2388] : memref<50x26xi32, #tpu.memory_space<vmem>> -> memref<1x26xi32, #tpu.memory_space<vmem>>
      %dma_start3A_2390 = tpu.memref_squeeze %dma_start3A_2389 : memref<1x26xi32, #tpu.memory_space<vmem>> -> memref<26xi32, #tpu.memory_space<vmem>>
      %dma_start3A_2391 = arith.constant 0 : i32
      %dma_start3A_2392 = arith.constant 0 : i32
      %dma_start3A_2393 = tpu.memref_slice %arg4[%dma_start3A_2391, %dma_start3A_2392] : memref<1000000x32xf32, #tpu.memory_space<hbm>> -> memref<1000000x32xf32, #tpu.memory_space<hbm>>
      tpu.enqueue_indirect_dma source(%dma_start3A_2393 : memref<1000000x32xf32, #tpu.memory_space<hbm>>) target(%dma_start3A_2387 : memref<26x32xf32, #tpu.memory_space<vmem>>) offsets(%dma_start3A_2390 : memref<26xi32, #tpu.memory_space<vmem>>) semaphore(%arg14 : memref<!tpu.dma_semaphore, #tpu.memory_space<semaphore_mem>>)
      %dma_start3A_2394 = arith.constant 19 : i32
      %dma_start3A_2395 = arith.constant 234 : i32
      %dma_start3A_2396 = arith.constant 0 : i32
      %dma_start3A_2397 = tpu.memref_slice %arg10[%dma_start3A_2395, %dma_start3A_2396] : memref<650x32xf32, #tpu.memory_space<vmem>> -> memref<26x32xf32, #tpu.memory_space<vmem>>
      %dma_start3A_2398 = arith.constant 0 : i32
      %dma_start3A_2399 = tpu.memref_slice %arg8[%dma_start3A_2394, %dma_start3A_2398] : memref<50x26xi32, #tpu.memory_space<vmem>> -> memref<1x26xi32, #tpu.memory_space<vmem>>
      %dma_start3A_2400 = tpu.memref_squeeze %dma_start3A_2399 : memref<1x26xi32, #tpu.memory_space<vmem>> -> memref<26xi32, #tpu.memory_space<vmem>>
      %dma_start3A_2401 = arith.constant 0 : i32
      %dma_start3A_2402 = arith.constant 0 : i32
      %dma_start3A_2403 = tpu.memref_slice %arg4[%dma_start3A_2401, %dma_start3A_2402] : memref<1000000x32xf32, #tpu.memory_space<hbm>> -> memref<1000000x32xf32, #tpu.memory_space<hbm>>
      tpu.enqueue_indirect_dma source(%dma_start3A_2403 : memref<1000000x32xf32, #tpu.memory_space<hbm>>) target(%dma_start3A_2397 : memref<26x32xf32, #tpu.memory_space<vmem>>) offsets(%dma_start3A_2400 : memref<26xi32, #tpu.memory_space<vmem>>) semaphore(%arg14 : memref<!tpu.dma_semaphore, #tpu.memory_space<semaphore_mem>>)
      %dma_start3A_2404 = arith.constant 21 : i32
      %dma_start3A_2405 = arith.constant 260 : i32
      %dma_start3A_2406 = arith.constant 0 : i32
      %dma_start3A_2407 = tpu.memref_slice %arg10[%dma_start3A_2405, %dma_start3A_2406] : memref<650x32xf32, #tpu.memory_space<vmem>> -> memref<26x32xf32, #tpu.memory_space<vmem>>
      %dma_start3A_2408 = arith.constant 0 : i32
      %dma_start3A_2409 = tpu.memref_slice %arg8[%dma_start3A_2404, %dma_start3A_2408] : memref<50x26xi32, #tpu.memory_space<vmem>> -> memref<1x26xi32, #tpu.memory_space<vmem>>
      %dma_start3A_2410 = tpu.memref_squeeze %dma_start3A_2409 : memref<1x26xi32, #tpu.memory_space<vmem>> -> memref<26xi32, #tpu.memory_space<vmem>>
      %dma_start3A_2411 = arith.constant 0 : i32
      %dma_start3A_2412 = arith.constant 0 : i32
      %dma_start3A_2413 = tpu.memref_slice %arg4[%dma_start3A_2411, %dma_start3A_2412] : memref<1000000x32xf32, #tpu.memory_space<hbm>> -> memref<1000000x32xf32, #tpu.memory_space<hbm>>
      tpu.enqueue_indirect_dma source(%dma_start3A_2413 : memref<1000000x32xf32, #tpu.memory_space<hbm>>) target(%dma_start3A_2407 : memref<26x32xf32, #tpu.memory_space<vmem>>) offsets(%dma_start3A_2410 : memref<26xi32, #tpu.memory_space<vmem>>) semaphore(%arg14 : memref<!tpu.dma_semaphore, #tpu.memory_space<semaphore_mem>>)
      %dma_start3A_2414 = arith.constant 23 : i32
      %dma_start3A_2415 = arith.constant 286 : i32
      %dma_start3A_2416 = arith.constant 0 : i32
      %dma_start3A_2417 = tpu.memref_slice %arg10[%dma_start3A_2415, %dma_start3A_2416] : memref<650x32xf32, #tpu.memory_space<vmem>> -> memref<26x32xf32, #tpu.memory_space<vmem>>
      %dma_start3A_2418 = arith.constant 0 : i32
      %dma_start3A_2419 = tpu.memref_slice %arg8[%dma_start3A_2414, %dma_start3A_2418] : memref<50x26xi32, #tpu.memory_space<vmem>> -> memref<1x26xi32, #tpu.memory_space<vmem>>
      %dma_start3A_2420 = tpu.memref_squeeze %dma_start3A_2419 : memref<1x26xi32, #tpu.memory_space<vmem>> -> memref<26xi32, #tpu.memory_space<vmem>>
      %dma_start3A_2421 = arith.constant 0 : i32
      %dma_start3A_2422 = arith.constant 0 : i32
      %dma_start3A_2423 = tpu.memref_slice %arg4[%dma_start3A_2421, %dma_start3A_2422] : memref<1000000x32xf32, #tpu.memory_space<hbm>> -> memref<1000000x32xf32, #tpu.memory_space<hbm>>
      tpu.enqueue_indirect_dma source(%dma_start3A_2423 : memref<1000000x32xf32, #tpu.memory_space<hbm>>) target(%dma_start3A_2417 : memref<26x32xf32, #tpu.memory_space<vmem>>) offsets(%dma_start3A_2420 : memref<26xi32, #tpu.memory_space<vmem>>) semaphore(%arg14 : memref<!tpu.dma_semaphore, #tpu.memory_space<semaphore_mem>>)
      %dma_start3A_2424 = arith.constant 25 : i32
      %dma_start3A_2425 = arith.constant 312 : i32
      %dma_start3A_2426 = arith.constant 0 : i32
      %dma_start3A_2427 = tpu.memref_slice %arg10[%dma_start3A_2425, %dma_start3A_2426] : memref<650x32xf32, #tpu.memory_space<vmem>> -> memref<26x32xf32, #tpu.memory_space<vmem>>
      %dma_start3A_2428 = arith.constant 0 : i32
      %dma_start3A_2429 = tpu.memref_slice %arg8[%dma_start3A_2424, %dma_start3A_2428] : memref<50x26xi32, #tpu.memory_space<vmem>> -> memref<1x26xi32, #tpu.memory_space<vmem>>
      %dma_start3A_2430 = tpu.memref_squeeze %dma_start3A_2429 : memref<1x26xi32, #tpu.memory_space<vmem>> -> memref<26xi32, #tpu.memory_space<vmem>>
      %dma_start3A_2431 = arith.constant 0 : i32
      %dma_start3A_2432 = arith.constant 0 : i32
      %dma_start3A_2433 = tpu.memref_slice %arg4[%dma_start3A_2431, %dma_start3A_2432] : memref<1000000x32xf32, #tpu.memory_space<hbm>> -> memref<1000000x32xf32, #tpu.memory_space<hbm>>
      tpu.enqueue_indirect_dma source(%dma_start3A_2433 : memref<1000000x32xf32, #tpu.memory_space<hbm>>) target(%dma_start3A_2427 : memref<26x32xf32, #tpu.memory_space<vmem>>) offsets(%dma_start3A_2430 : memref<26xi32, #tpu.memory_space<vmem>>) semaphore(%arg14 : memref<!tpu.dma_semaphore, #tpu.memory_space<semaphore_mem>>)
      %dma_start3A_2434 = arith.constant 27 : i32
      %dma_start3A_2435 = arith.constant 338 : i32
      %dma_start3A_2436 = arith.constant 0 : i32
      %dma_start3A_2437 = tpu.memref_slice %arg10[%dma_start3A_2435, %dma_start3A_2436] : memref<650x32xf32, #tpu.memory_space<vmem>> -> memref<26x32xf32, #tpu.memory_space<vmem>>
      %dma_start3A_2438 = arith.constant 0 : i32
      %dma_start3A_2439 = tpu.memref_slice %arg8[%dma_start3A_2434, %dma_start3A_2438] : memref<50x26xi32, #tpu.memory_space<vmem>> -> memref<1x26xi32, #tpu.memory_space<vmem>>
      %dma_start3A_2440 = tpu.memref_squeeze %dma_start3A_2439 : memref<1x26xi32, #tpu.memory_space<vmem>> -> memref<26xi32, #tpu.memory_space<vmem>>
      %dma_start3A_2441 = arith.constant 0 : i32
      %dma_start3A_2442 = arith.constant 0 : i32
      %dma_start3A_2443 = tpu.memref_slice %arg4[%dma_start3A_2441, %dma_start3A_2442] : memref<1000000x32xf32, #tpu.memory_space<hbm>> -> memref<1000000x32xf32, #tpu.memory_space<hbm>>
      tpu.enqueue_indirect_dma source(%dma_start3A_2443 : memref<1000000x32xf32, #tpu.memory_space<hbm>>) target(%dma_start3A_2437 : memref<26x32xf32, #tpu.memory_space<vmem>>) offsets(%dma_start3A_2440 : memref<26xi32, #tpu.memory_space<vmem>>) semaphore(%arg14 : memref<!tpu.dma_semaphore, #tpu.memory_space<semaphore_mem>>)
      %dma_start3A_2444 = arith.constant 29 : i32
      %dma_start3A_2445 = arith.constant 364 : i32
      %dma_start3A_2446 = arith.constant 0 : i32
      %dma_start3A_2447 = tpu.memref_slice %arg10[%dma_start3A_2445, %dma_start3A_2446] : memref<650x32xf32, #tpu.memory_space<vmem>> -> memref<26x32xf32, #tpu.memory_space<vmem>>
      %dma_start3A_2448 = arith.constant 0 : i32
      %dma_start3A_2449 = tpu.memref_slice %arg8[%dma_start3A_2444, %dma_start3A_2448] : memref<50x26xi32, #tpu.memory_space<vmem>> -> memref<1x26xi32, #tpu.memory_space<vmem>>
      %dma_start3A_2450 = tpu.memref_squeeze %dma_start3A_2449 : memref<1x26xi32, #tpu.memory_space<vmem>> -> memref<26xi32, #tpu.memory_space<vmem>>
      %dma_start3A_2451 = arith.constant 0 : i32
      %dma_start3A_2452 = arith.constant 0 : i32
      %dma_start3A_2453 = tpu.memref_slice %arg4[%dma_start3A_2451, %dma_start3A_2452] : memref<1000000x32xf32, #tpu.memory_space<hbm>> -> memref<1000000x32xf32, #tpu.memory_space<hbm>>
      tpu.enqueue_indirect_dma source(%dma_start3A_2453 : memref<1000000x32xf32, #tpu.memory_space<hbm>>) target(%dma_start3A_2447 : memref<26x32xf32, #tpu.memory_space<vmem>>) offsets(%dma_start3A_2450 : memref<26xi32, #tpu.memory_space<vmem>>) semaphore(%arg14 : memref<!tpu.dma_semaphore, #tpu.memory_space<semaphore_mem>>)
      %dma_start3A_2454 = arith.constant 31 : i32
      %dma_start3A_2455 = arith.constant 390 : i32
      %dma_start3A_2456 = arith.constant 0 : i32
      %dma_start3A_2457 = tpu.memref_slice %arg10[%dma_start3A_2455, %dma_start3A_2456] : memref<650x32xf32, #tpu.memory_space<vmem>> -> memref<26x32xf32, #tpu.memory_space<vmem>>
      %dma_start3A_2458 = arith.constant 0 : i32
      %dma_start3A_2459 = tpu.memref_slice %arg8[%dma_start3A_2454, %dma_start3A_2458] : memref<50x26xi32, #tpu.memory_space<vmem>> -> memref<1x26xi32, #tpu.memory_space<vmem>>
      %dma_start3A_2460 = tpu.memref_squeeze %dma_start3A_2459 : memref<1x26xi32, #tpu.memory_space<vmem>> -> memref<26xi32, #tpu.memory_space<vmem>>
      %dma_start3A_2461 = arith.constant 0 : i32
      %dma_start3A_2462 = arith.constant 0 : i32
      %dma_start3A_2463 = tpu.memref_slice %arg4[%dma_start3A_2461, %dma_start3A_2462] : memref<1000000x32xf32, #tpu.memory_space<hbm>> -> memref<1000000x32xf32, #tpu.memory_space<hbm>>
      tpu.enqueue_indirect_dma source(%dma_start3A_2463 : memref<1000000x32xf32, #tpu.memory_space<hbm>>) target(%dma_start3A_2457 : memref<26x32xf32, #tpu.memory_space<vmem>>) offsets(%dma_start3A_2460 : memref<26xi32, #tpu.memory_space<vmem>>) semaphore(%arg14 : memref<!tpu.dma_semaphore, #tpu.memory_space<semaphore_mem>>)
      %dma_start3A_2464 = arith.constant 33 : i32
      %dma_start3A_2465 = arith.constant 416 : i32
      %dma_start3A_2466 = arith.constant 0 : i32
      %dma_start3A_2467 = tpu.memref_slice %arg10[%dma_start3A_2465, %dma_start3A_2466] : memref<650x32xf32, #tpu.memory_space<vmem>> -> memref<26x32xf32, #tpu.memory_space<vmem>>
      %dma_start3A_2468 = arith.constant 0 : i32
      %dma_start3A_2469 = tpu.memref_slice %arg8[%dma_start3A_2464, %dma_start3A_2468] : memref<50x26xi32, #tpu.memory_space<vmem>> -> memref<1x26xi32, #tpu.memory_space<vmem>>
      %dma_start3A_2470 = tpu.memref_squeeze %dma_start3A_2469 : memref<1x26xi32, #tpu.memory_space<vmem>> -> memref<26xi32, #tpu.memory_space<vmem>>
      %dma_start3A_2471 = arith.constant 0 : i32
      %dma_start3A_2472 = arith.constant 0 : i32
      %dma_start3A_2473 = tpu.memref_slice %arg4[%dma_start3A_2471, %dma_start3A_2472] : memref<1000000x32xf32, #tpu.memory_space<hbm>> -> memref<1000000x32xf32, #tpu.memory_space<hbm>>
      tpu.enqueue_indirect_dma source(%dma_start3A_2473 : memref<1000000x32xf32, #tpu.memory_space<hbm>>) target(%dma_start3A_2467 : memref<26x32xf32, #tpu.memory_space<vmem>>) offsets(%dma_start3A_2470 : memref<26xi32, #tpu.memory_space<vmem>>) semaphore(%arg14 : memref<!tpu.dma_semaphore, #tpu.memory_space<semaphore_mem>>)
      %dma_start3A_2474 = arith.constant 35 : i32
      %dma_start3A_2475 = arith.constant 442 : i32
      %dma_start3A_2476 = arith.constant 0 : i32
      %dma_start3A_2477 = tpu.memref_slice %arg10[%dma_start3A_2475, %dma_start3A_2476] : memref<650x32xf32, #tpu.memory_space<vmem>> -> memref<26x32xf32, #tpu.memory_space<vmem>>
      %dma_start3A_2478 = arith.constant 0 : i32
      %dma_start3A_2479 = tpu.memref_slice %arg8[%dma_start3A_2474, %dma_start3A_2478] : memref<50x26xi32, #tpu.memory_space<vmem>> -> memref<1x26xi32, #tpu.memory_space<vmem>>
      %dma_start3A_2480 = tpu.memref_squeeze %dma_start3A_2479 : memref<1x26xi32, #tpu.memory_space<vmem>> -> memref<26xi32, #tpu.memory_space<vmem>>
      %dma_start3A_2481 = arith.constant 0 : i32
      %dma_start3A_2482 = arith.constant 0 : i32
      %dma_start3A_2483 = tpu.memref_slice %arg4[%dma_start3A_2481, %dma_start3A_2482] : memref<1000000x32xf32, #tpu.memory_space<hbm>> -> memref<1000000x32xf32, #tpu.memory_space<hbm>>
      tpu.enqueue_indirect_dma source(%dma_start3A_2483 : memref<1000000x32xf32, #tpu.memory_space<hbm>>) target(%dma_start3A_2477 : memref<26x32xf32, #tpu.memory_space<vmem>>) offsets(%dma_start3A_2480 : memref<26xi32, #tpu.memory_space<vmem>>) semaphore(%arg14 : memref<!tpu.dma_semaphore, #tpu.memory_space<semaphore_mem>>)
      %dma_start3A_2484 = arith.constant 37 : i32
      %dma_start3A_2485 = arith.constant 468 : i32
      %dma_start3A_2486 = arith.constant 0 : i32
      %dma_start3A_2487 = tpu.memref_slice %arg10[%dma_start3A_2485, %dma_start3A_2486] : memref<650x32xf32, #tpu.memory_space<vmem>> -> memref<26x32xf32, #tpu.memory_space<vmem>>
      %dma_start3A_2488 = arith.constant 0 : i32
      %dma_start3A_2489 = tpu.memref_slice %arg8[%dma_start3A_2484, %dma_start3A_2488] : memref<50x26xi32, #tpu.memory_space<vmem>> -> memref<1x26xi32, #tpu.memory_space<vmem>>
      %dma_start3A_2490 = tpu.memref_squeeze %dma_start3A_2489 : memref<1x26xi32, #tpu.memory_space<vmem>> -> memref<26xi32, #tpu.memory_space<vmem>>
      %dma_start3A_2491 = arith.constant 0 : i32
      %dma_start3A_2492 = arith.constant 0 : i32
      %dma_start3A_2493 = tpu.memref_slice %arg4[%dma_start3A_2491, %dma_start3A_2492] : memref<1000000x32xf32, #tpu.memory_space<hbm>> -> memref<1000000x32xf32, #tpu.memory_space<hbm>>
      tpu.enqueue_indirect_dma source(%dma_start3A_2493 : memref<1000000x32xf32, #tpu.memory_space<hbm>>) target(%dma_start3A_2487 : memref<26x32xf32, #tpu.memory_space<vmem>>) offsets(%dma_start3A_2490 : memref<26xi32, #tpu.memory_space<vmem>>) semaphore(%arg14 : memref<!tpu.dma_semaphore, #tpu.memory_space<semaphore_mem>>)
      %dma_start3A_2494 = arith.constant 39 : i32
      %dma_start3A_2495 = arith.constant 494 : i32
      %dma_start3A_2496 = arith.constant 0 : i32
      %dma_start3A_2497 = tpu.memref_slice %arg10[%dma_start3A_2495, %dma_start3A_2496] : memref<650x32xf32, #tpu.memory_space<vmem>> -> memref<26x32xf32, #tpu.memory_space<vmem>>
      %dma_start3A_2498 = arith.constant 0 : i32
      %dma_start3A_2499 = tpu.memref_slice %arg8[%dma_start3A_2494, %dma_start3A_2498] : memref<50x26xi32, #tpu.memory_space<vmem>> -> memref<1x26xi32, #tpu.memory_space<vmem>>
      %dma_start3A_2500 = tpu.memref_squeeze %dma_start3A_2499 : memref<1x26xi32, #tpu.memory_space<vmem>> -> memref<26xi32, #tpu.memory_space<vmem>>
      %dma_start3A_2501 = arith.constant 0 : i32
      %dma_start3A_2502 = arith.constant 0 : i32
      %dma_start3A_2503 = tpu.memref_slice %arg4[%dma_start3A_2501, %dma_start3A_2502] : memref<1000000x32xf32, #tpu.memory_space<hbm>> -> memref<1000000x32xf32, #tpu.memory_space<hbm>>
      tpu.enqueue_indirect_dma source(%dma_start3A_2503 : memref<1000000x32xf32, #tpu.memory_space<hbm>>) target(%dma_start3A_2497 : memref<26x32xf32, #tpu.memory_space<vmem>>) offsets(%dma_start3A_2500 : memref<26xi32, #tpu.memory_space<vmem>>) semaphore(%arg14 : memref<!tpu.dma_semaphore, #tpu.memory_space<semaphore_mem>>)
      %dma_start3A_2504 = arith.constant 41 : i32
      %dma_start3A_2505 = arith.constant 520 : i32
      %dma_start3A_2506 = arith.constant 0 : i32
      %dma_start3A_2507 = tpu.memref_slice %arg10[%dma_start3A_2505, %dma_start3A_2506] : memref<650x32xf32, #tpu.memory_space<vmem>> -> memref<26x32xf32, #tpu.memory_space<vmem>>
      %dma_start3A_2508 = arith.constant 0 : i32
      %dma_start3A_2509 = tpu.memref_slice %arg8[%dma_start3A_2504, %dma_start3A_2508] : memref<50x26xi32, #tpu.memory_space<vmem>> -> memref<1x26xi32, #tpu.memory_space<vmem>>
      %dma_start3A_2510 = tpu.memref_squeeze %dma_start3A_2509 : memref<1x26xi32, #tpu.memory_space<vmem>> -> memref<26xi32, #tpu.memory_space<vmem>>
      %dma_start3A_2511 = arith.constant 0 : i32
      %dma_start3A_2512 = arith.constant 0 : i32
      %dma_start3A_2513 = tpu.memref_slice %arg4[%dma_start3A_2511, %dma_start3A_2512] : memref<1000000x32xf32, #tpu.memory_space<hbm>> -> memref<1000000x32xf32, #tpu.memory_space<hbm>>
      tpu.enqueue_indirect_dma source(%dma_start3A_2513 : memref<1000000x32xf32, #tpu.memory_space<hbm>>) target(%dma_start3A_2507 : memref<26x32xf32, #tpu.memory_space<vmem>>) offsets(%dma_start3A_2510 : memref<26xi32, #tpu.memory_space<vmem>>) semaphore(%arg14 : memref<!tpu.dma_semaphore, #tpu.memory_space<semaphore_mem>>)
      %dma_start3A_2514 = arith.constant 43 : i32
      %dma_start3A_2515 = arith.constant 546 : i32
      %dma_start3A_2516 = arith.constant 0 : i32
      %dma_start3A_2517 = tpu.memref_slice %arg10[%dma_start3A_2515, %dma_start3A_2516] : memref<650x32xf32, #tpu.memory_space<vmem>> -> memref<26x32xf32, #tpu.memory_space<vmem>>
      %dma_start3A_2518 = arith.constant 0 : i32
      %dma_start3A_2519 = tpu.memref_slice %arg8[%dma_start3A_2514, %dma_start3A_2518] : memref<50x26xi32, #tpu.memory_space<vmem>> -> memref<1x26xi32, #tpu.memory_space<vmem>>
      %dma_start3A_2520 = tpu.memref_squeeze %dma_start3A_2519 : memref<1x26xi32, #tpu.memory_space<vmem>> -> memref<26xi32, #tpu.memory_space<vmem>>
      %dma_start3A_2521 = arith.constant 0 : i32
      %dma_start3A_2522 = arith.constant 0 : i32
      %dma_start3A_2523 = tpu.memref_slice %arg4[%dma_start3A_2521, %dma_start3A_2522] : memref<1000000x32xf32, #tpu.memory_space<hbm>> -> memref<1000000x32xf32, #tpu.memory_space<hbm>>
      tpu.enqueue_indirect_dma source(%dma_start3A_2523 : memref<1000000x32xf32, #tpu.memory_space<hbm>>) target(%dma_start3A_2517 : memref<26x32xf32, #tpu.memory_space<vmem>>) offsets(%dma_start3A_2520 : memref<26xi32, #tpu.memory_space<vmem>>) semaphore(%arg14 : memref<!tpu.dma_semaphore, #tpu.memory_space<semaphore_mem>>)
      %dma_start3A_2524 = arith.constant 45 : i32
      %dma_start3A_2525 = arith.constant 572 : i32
      %dma_start3A_2526 = arith.constant 0 : i32
      %dma_start3A_2527 = tpu.memref_slice %arg10[%dma_start3A_2525, %dma_start3A_2526] : memref<650x32xf32, #tpu.memory_space<vmem>> -> memref<26x32xf32, #tpu.memory_space<vmem>>
      %dma_start3A_2528 = arith.constant 0 : i32
      %dma_start3A_2529 = tpu.memref_slice %arg8[%dma_start3A_2524, %dma_start3A_2528] : memref<50x26xi32, #tpu.memory_space<vmem>> -> memref<1x26xi32, #tpu.memory_space<vmem>>
      %dma_start3A_2530 = tpu.memref_squeeze %dma_start3A_2529 : memref<1x26xi32, #tpu.memory_space<vmem>> -> memref<26xi32, #tpu.memory_space<vmem>>
      %dma_start3A_2531 = arith.constant 0 : i32
      %dma_start3A_2532 = arith.constant 0 : i32
      %dma_start3A_2533 = tpu.memref_slice %arg4[%dma_start3A_2531, %dma_start3A_2532] : memref<1000000x32xf32, #tpu.memory_space<hbm>> -> memref<1000000x32xf32, #tpu.memory_space<hbm>>
      tpu.enqueue_indirect_dma source(%dma_start3A_2533 : memref<1000000x32xf32, #tpu.memory_space<hbm>>) target(%dma_start3A_2527 : memref<26x32xf32, #tpu.memory_space<vmem>>) offsets(%dma_start3A_2530 : memref<26xi32, #tpu.memory_space<vmem>>) semaphore(%arg14 : memref<!tpu.dma_semaphore, #tpu.memory_space<semaphore_mem>>)
      %dma_start3A_2534 = arith.constant 47 : i32
      %dma_start3A_2535 = arith.constant 598 : i32
      %dma_start3A_2536 = arith.constant 0 : i32
      %dma_start3A_2537 = tpu.memref_slice %arg10[%dma_start3A_2535, %dma_start3A_2536] : memref<650x32xf32, #tpu.memory_space<vmem>> -> memref<26x32xf32, #tpu.memory_space<vmem>>
      %dma_start3A_2538 = arith.constant 0 : i32
      %dma_start3A_2539 = tpu.memref_slice %arg8[%dma_start3A_2534, %dma_start3A_2538] : memref<50x26xi32, #tpu.memory_space<vmem>> -> memref<1x26xi32, #tpu.memory_space<vmem>>
      %dma_start3A_2540 = tpu.memref_squeeze %dma_start3A_2539 : memref<1x26xi32, #tpu.memory_space<vmem>> -> memref<26xi32, #tpu.memory_space<vmem>>
      %dma_start3A_2541 = arith.constant 0 : i32
      %dma_start3A_2542 = arith.constant 0 : i32
      %dma_start3A_2543 = tpu.memref_slice %arg4[%dma_start3A_2541, %dma_start3A_2542] : memref<1000000x32xf32, #tpu.memory_space<hbm>> -> memref<1000000x32xf32, #tpu.memory_space<hbm>>
      tpu.enqueue_indirect_dma source(%dma_start3A_2543 : memref<1000000x32xf32, #tpu.memory_space<hbm>>) target(%dma_start3A_2537 : memref<26x32xf32, #tpu.memory_space<vmem>>) offsets(%dma_start3A_2540 : memref<26xi32, #tpu.memory_space<vmem>>) semaphore(%arg14 : memref<!tpu.dma_semaphore, #tpu.memory_space<semaphore_mem>>)
      %dma_start3A_2544 = arith.constant 49 : i32
      %dma_start3A_2545 = arith.constant 624 : i32
      %dma_start3A_2546 = arith.constant 0 : i32
      %dma_start3A_2547 = tpu.memref_slice %arg10[%dma_start3A_2545, %dma_start3A_2546] : memref<650x32xf32, #tpu.memory_space<vmem>> -> memref<26x32xf32, #tpu.memory_space<vmem>>
      %dma_start3A_2548 = arith.constant 0 : i32
      %dma_start3A_2549 = tpu.memref_slice %arg8[%dma_start3A_2544, %dma_start3A_2548] : memref<50x26xi32, #tpu.memory_space<vmem>> -> memref<1x26xi32, #tpu.memory_space<vmem>>
      %dma_start3A_2550 = tpu.memref_squeeze %dma_start3A_2549 : memref<1x26xi32, #tpu.memory_space<vmem>> -> memref<26xi32, #tpu.memory_space<vmem>>
      %dma_start3A_2551 = arith.constant 0 : i32
      %dma_start3A_2552 = arith.constant 0 : i32
      %dma_start3A_2553 = tpu.memref_slice %arg4[%dma_start3A_2551, %dma_start3A_2552] : memref<1000000x32xf32, #tpu.memory_space<hbm>> -> memref<1000000x32xf32, #tpu.memory_space<hbm>>
      tpu.enqueue_indirect_dma source(%dma_start3A_2553 : memref<1000000x32xf32, #tpu.memory_space<hbm>>) target(%dma_start3A_2547 : memref<26x32xf32, #tpu.memory_space<vmem>>) offsets(%dma_start3A_2550 : memref<26xi32, #tpu.memory_space<vmem>>) semaphore(%arg14 : memref<!tpu.dma_semaphore, #tpu.memory_space<semaphore_mem>>)
      %gt3A = arith.constant 0 : i32
      %gt3A_2554 = arith.cmpi sgt, %scan3A_97, %gt3A : i32
      %convert_element_type3A_2555 = arith.extui %gt3A_2554 : i1 to i32
      %cond3A_2556 = arith.constant 0 : i32
      %cond3A_2557 = arith.cmpi ne, %convert_element_type3A_2555, %cond3A_2556 : i32
      scf.if %cond3A_2557 {
        %dma_wait3A_3179 = arith.constant 0 : i32
        %dma_wait3A_3180 = arith.constant 0 : i32
        %dma_wait3A_3181 = tpu.memref_slice %arg5[%add3A_100, %dma_wait3A_3179, %dma_wait3A_3180] : memref<1024x56x896xf32, #tpu.memory_space<hbm>> -> memref<1x24x896xf32, #tpu.memory_space<hbm>>
        %dma_wait3A_3182 = tpu.memref_squeeze %dma_wait3A_3181 : memref<1x24x896xf32, #tpu.memory_space<hbm>> -> memref<24x896xf32, #tpu.memory_space<hbm>>
        %dma_wait3A_3183 = arith.constant 0 : i32
        %dma_wait3A_3184 = arith.constant 0 : i32
        %dma_wait3A_3185 = tpu.memref_slice %arg5[%add3A_100, %dma_wait3A_3183, %dma_wait3A_3184] : memref<1024x56x896xf32, #tpu.memory_space<hbm>> -> memref<1x24x896xf32, #tpu.memory_space<hbm>>
        %dma_wait3A_3186 = tpu.memref_squeeze %dma_wait3A_3185 : memref<1x24x896xf32, #tpu.memory_space<hbm>> -> memref<24x896xf32, #tpu.memory_space<hbm>>
        tpu.wait_dma2 semaphore(%arg15 : memref<!tpu.dma_semaphore, #tpu.memory_space<semaphore_mem>>) src(%arg11 : memref<24x896xf32, #tpu.memory_space<vmem>>) dst(%dma_wait3A_3186 : memref<24x896xf32, #tpu.memory_space<hbm>>)
      } else {
      }
      %dma_wait3A_2558 = arith.constant 0 : i32
      %dma_wait3A_2559 = arith.constant 0 : i32
      %dma_wait3A_2560 = arith.constant 0 : i32
      %dma_wait3A_2561 = tpu.memref_slice %arg9[%dma_wait3A_2559, %dma_wait3A_2560] : memref<600x32xf32, #tpu.memory_space<vmem>> -> memref<24x32xf32, #tpu.memory_space<vmem>>
      %dma_wait3A_2562 = arith.constant 0 : i32
      %dma_wait3A_2563 = tpu.memref_slice %arg8[%dma_wait3A_2558, %dma_wait3A_2562] : memref<50x26xi32, #tpu.memory_space<vmem>> -> memref<1x24xi32, #tpu.memory_space<vmem>>
      %dma_wait3A_2564 = tpu.memref_squeeze %dma_wait3A_2563 : memref<1x24xi32, #tpu.memory_space<vmem>> -> memref<24xi32, #tpu.memory_space<vmem>>
      %dma_wait3A_2565 = arith.constant 0 : i32
      %dma_wait3A_2566 = arith.constant 0 : i32
      %dma_wait3A_2567 = tpu.memref_slice %arg4[%dma_wait3A_2565, %dma_wait3A_2566] : memref<1000000x32xf32, #tpu.memory_space<hbm>> -> memref<1000000x32xf32, #tpu.memory_space<hbm>>
      tpu.wait_indirect_dma semaphore(%arg13 : memref<!tpu.dma_semaphore, #tpu.memory_space<semaphore_mem>>) src(%dma_wait3A_2567 : memref<1000000x32xf32, #tpu.memory_space<hbm>>) dst(%dma_wait3A_2561 : memref<24x32xf32, #tpu.memory_space<vmem>>)
      %dma_wait3A_2568 = arith.constant 2 : i32
      %dma_wait3A_2569 = arith.constant 24 : i32
      %dma_wait3A_2570 = arith.constant 0 : i32
      %dma_wait3A_2571 = tpu.memref_slice %arg9[%dma_wait3A_2569, %dma_wait3A_2570] : memref<600x32xf32, #tpu.memory_space<vmem>> -> memref<24x32xf32, #tpu.memory_space<vmem>>
      %dma_wait3A_2572 = arith.constant 0 : i32
      %dma_wait3A_2573 = tpu.memref_slice %arg8[%dma_wait3A_2568, %dma_wait3A_2572] : memref<50x26xi32, #tpu.memory_space<vmem>> -> memref<1x24xi32, #tpu.memory_space<vmem>>
      %dma_wait3A_2574 = tpu.memref_squeeze %dma_wait3A_2573 : memref<1x24xi32, #tpu.memory_space<vmem>> -> memref<24xi32, #tpu.memory_space<vmem>>
      %dma_wait3A_2575 = arith.constant 0 : i32
      %dma_wait3A_2576 = arith.constant 0 : i32
      %dma_wait3A_2577 = tpu.memref_slice %arg4[%dma_wait3A_2575, %dma_wait3A_2576] : memref<1000000x32xf32, #tpu.memory_space<hbm>> -> memref<1000000x32xf32, #tpu.memory_space<hbm>>
      tpu.wait_indirect_dma semaphore(%arg13 : memref<!tpu.dma_semaphore, #tpu.memory_space<semaphore_mem>>) src(%dma_wait3A_2577 : memref<1000000x32xf32, #tpu.memory_space<hbm>>) dst(%dma_wait3A_2571 : memref<24x32xf32, #tpu.memory_space<vmem>>)
      %dma_wait3A_2578 = arith.constant 4 : i32
      %dma_wait3A_2579 = arith.constant 48 : i32
      %dma_wait3A_2580 = arith.constant 0 : i32
      %dma_wait3A_2581 = tpu.memref_slice %arg9[%dma_wait3A_2579, %dma_wait3A_2580] : memref<600x32xf32, #tpu.memory_space<vmem>> -> memref<24x32xf32, #tpu.memory_space<vmem>>
      %dma_wait3A_2582 = arith.constant 0 : i32
      %dma_wait3A_2583 = tpu.memref_slice %arg8[%dma_wait3A_2578, %dma_wait3A_2582] : memref<50x26xi32, #tpu.memory_space<vmem>> -> memref<1x24xi32, #tpu.memory_space<vmem>>
      %dma_wait3A_2584 = tpu.memref_squeeze %dma_wait3A_2583 : memref<1x24xi32, #tpu.memory_space<vmem>> -> memref<24xi32, #tpu.memory_space<vmem>>
      %dma_wait3A_2585 = arith.constant 0 : i32
      %dma_wait3A_2586 = arith.constant 0 : i32
      %dma_wait3A_2587 = tpu.memref_slice %arg4[%dma_wait3A_2585, %dma_wait3A_2586] : memref<1000000x32xf32, #tpu.memory_space<hbm>> -> memref<1000000x32xf32, #tpu.memory_space<hbm>>
      tpu.wait_indirect_dma semaphore(%arg13 : memref<!tpu.dma_semaphore, #tpu.memory_space<semaphore_mem>>) src(%dma_wait3A_2587 : memref<1000000x32xf32, #tpu.memory_space<hbm>>) dst(%dma_wait3A_2581 : memref<24x32xf32, #tpu.memory_space<vmem>>)
      %dma_wait3A_2588 = arith.constant 6 : i32
      %dma_wait3A_2589 = arith.constant 72 : i32
      %dma_wait3A_2590 = arith.constant 0 : i32
      %dma_wait3A_2591 = tpu.memref_slice %arg9[%dma_wait3A_2589, %dma_wait3A_2590] : memref<600x32xf32, #tpu.memory_space<vmem>> -> memref<24x32xf32, #tpu.memory_space<vmem>>
      %dma_wait3A_2592 = arith.constant 0 : i32
      %dma_wait3A_2593 = tpu.memref_slice %arg8[%dma_wait3A_2588, %dma_wait3A_2592] : memref<50x26xi32, #tpu.memory_space<vmem>> -> memref<1x24xi32, #tpu.memory_space<vmem>>
      %dma_wait3A_2594 = tpu.memref_squeeze %dma_wait3A_2593 : memref<1x24xi32, #tpu.memory_space<vmem>> -> memref<24xi32, #tpu.memory_space<vmem>>
      %dma_wait3A_2595 = arith.constant 0 : i32
      %dma_wait3A_2596 = arith.constant 0 : i32
      %dma_wait3A_2597 = tpu.memref_slice %arg4[%dma_wait3A_2595, %dma_wait3A_2596] : memref<1000000x32xf32, #tpu.memory_space<hbm>> -> memref<1000000x32xf32, #tpu.memory_space<hbm>>
      tpu.wait_indirect_dma semaphore(%arg13 : memref<!tpu.dma_semaphore, #tpu.memory_space<semaphore_mem>>) src(%dma_wait3A_2597 : memref<1000000x32xf32, #tpu.memory_space<hbm>>) dst(%dma_wait3A_2591 : memref<24x32xf32, #tpu.memory_space<vmem>>)
      %dma_wait3A_2598 = arith.constant 8 : i32
      %dma_wait3A_2599 = arith.constant 96 : i32
      %dma_wait3A_2600 = arith.constant 0 : i32
      %dma_wait3A_2601 = tpu.memref_slice %arg9[%dma_wait3A_2599, %dma_wait3A_2600] : memref<600x32xf32, #tpu.memory_space<vmem>> -> memref<24x32xf32, #tpu.memory_space<vmem>>
      %dma_wait3A_2602 = arith.constant 0 : i32
      %dma_wait3A_2603 = tpu.memref_slice %arg8[%dma_wait3A_2598, %dma_wait3A_2602] : memref<50x26xi32, #tpu.memory_space<vmem>> -> memref<1x24xi32, #tpu.memory_space<vmem>>
      %dma_wait3A_2604 = tpu.memref_squeeze %dma_wait3A_2603 : memref<1x24xi32, #tpu.memory_space<vmem>> -> memref<24xi32, #tpu.memory_space<vmem>>
      %dma_wait3A_2605 = arith.constant 0 : i32
      %dma_wait3A_2606 = arith.constant 0 : i32
      %dma_wait3A_2607 = tpu.memref_slice %arg4[%dma_wait3A_2605, %dma_wait3A_2606] : memref<1000000x32xf32, #tpu.memory_space<hbm>> -> memref<1000000x32xf32, #tpu.memory_space<hbm>>
      tpu.wait_indirect_dma semaphore(%arg13 : memref<!tpu.dma_semaphore, #tpu.memory_space<semaphore_mem>>) src(%dma_wait3A_2607 : memref<1000000x32xf32, #tpu.memory_space<hbm>>) dst(%dma_wait3A_2601 : memref<24x32xf32, #tpu.memory_space<vmem>>)
      %dma_wait3A_2608 = arith.constant 10 : i32
      %dma_wait3A_2609 = arith.constant 120 : i32
      %dma_wait3A_2610 = arith.constant 0 : i32
      %dma_wait3A_2611 = tpu.memref_slice %arg9[%dma_wait3A_2609, %dma_wait3A_2610] : memref<600x32xf32, #tpu.memory_space<vmem>> -> memref<24x32xf32, #tpu.memory_space<vmem>>
      %dma_wait3A_2612 = arith.constant 0 : i32
      %dma_wait3A_2613 = tpu.memref_slice %arg8[%dma_wait3A_2608, %dma_wait3A_2612] : memref<50x26xi32, #tpu.memory_space<vmem>> -> memref<1x24xi32, #tpu.memory_space<vmem>>
      %dma_wait3A_2614 = tpu.memref_squeeze %dma_wait3A_2613 : memref<1x24xi32, #tpu.memory_space<vmem>> -> memref<24xi32, #tpu.memory_space<vmem>>
      %dma_wait3A_2615 = arith.constant 0 : i32
      %dma_wait3A_2616 = arith.constant 0 : i32
      %dma_wait3A_2617 = tpu.memref_slice %arg4[%dma_wait3A_2615, %dma_wait3A_2616] : memref<1000000x32xf32, #tpu.memory_space<hbm>> -> memref<1000000x32xf32, #tpu.memory_space<hbm>>
      tpu.wait_indirect_dma semaphore(%arg13 : memref<!tpu.dma_semaphore, #tpu.memory_space<semaphore_mem>>) src(%dma_wait3A_2617 : memref<1000000x32xf32, #tpu.memory_space<hbm>>) dst(%dma_wait3A_2611 : memref<24x32xf32, #tpu.memory_space<vmem>>)
      %dma_wait3A_2618 = arith.constant 12 : i32
      %dma_wait3A_2619 = arith.constant 144 : i32
      %dma_wait3A_2620 = arith.constant 0 : i32
      %dma_wait3A_2621 = tpu.memref_slice %arg9[%dma_wait3A_2619, %dma_wait3A_2620] : memref<600x32xf32, #tpu.memory_space<vmem>> -> memref<24x32xf32, #tpu.memory_space<vmem>>
      %dma_wait3A_2622 = arith.constant 0 : i32
      %dma_wait3A_2623 = tpu.memref_slice %arg8[%dma_wait3A_2618, %dma_wait3A_2622] : memref<50x26xi32, #tpu.memory_space<vmem>> -> memref<1x24xi32, #tpu.memory_space<vmem>>
      %dma_wait3A_2624 = tpu.memref_squeeze %dma_wait3A_2623 : memref<1x24xi32, #tpu.memory_space<vmem>> -> memref<24xi32, #tpu.memory_space<vmem>>
      %dma_wait3A_2625 = arith.constant 0 : i32
      %dma_wait3A_2626 = arith.constant 0 : i32
      %dma_wait3A_2627 = tpu.memref_slice %arg4[%dma_wait3A_2625, %dma_wait3A_2626] : memref<1000000x32xf32, #tpu.memory_space<hbm>> -> memref<1000000x32xf32, #tpu.memory_space<hbm>>
      tpu.wait_indirect_dma semaphore(%arg13 : memref<!tpu.dma_semaphore, #tpu.memory_space<semaphore_mem>>) src(%dma_wait3A_2627 : memref<1000000x32xf32, #tpu.memory_space<hbm>>) dst(%dma_wait3A_2621 : memref<24x32xf32, #tpu.memory_space<vmem>>)
      %dma_wait3A_2628 = arith.constant 14 : i32
      %dma_wait3A_2629 = arith.constant 168 : i32
      %dma_wait3A_2630 = arith.constant 0 : i32
      %dma_wait3A_2631 = tpu.memref_slice %arg9[%dma_wait3A_2629, %dma_wait3A_2630] : memref<600x32xf32, #tpu.memory_space<vmem>> -> memref<24x32xf32, #tpu.memory_space<vmem>>
      %dma_wait3A_2632 = arith.constant 0 : i32
      %dma_wait3A_2633 = tpu.memref_slice %arg8[%dma_wait3A_2628, %dma_wait3A_2632] : memref<50x26xi32, #tpu.memory_space<vmem>> -> memref<1x24xi32, #tpu.memory_space<vmem>>
      %dma_wait3A_2634 = tpu.memref_squeeze %dma_wait3A_2633 : memref<1x24xi32, #tpu.memory_space<vmem>> -> memref<24xi32, #tpu.memory_space<vmem>>
      %dma_wait3A_2635 = arith.constant 0 : i32
      %dma_wait3A_2636 = arith.constant 0 : i32
      %dma_wait3A_2637 = tpu.memref_slice %arg4[%dma_wait3A_2635, %dma_wait3A_2636] : memref<1000000x32xf32, #tpu.memory_space<hbm>> -> memref<1000000x32xf32, #tpu.memory_space<hbm>>
      tpu.wait_indirect_dma semaphore(%arg13 : memref<!tpu.dma_semaphore, #tpu.memory_space<semaphore_mem>>) src(%dma_wait3A_2637 : memref<1000000x32xf32, #tpu.memory_space<hbm>>) dst(%dma_wait3A_2631 : memref<24x32xf32, #tpu.memory_space<vmem>>)
      %dma_wait3A_2638 = arith.constant 16 : i32
      %dma_wait3A_2639 = arith.constant 192 : i32
      %dma_wait3A_2640 = arith.constant 0 : i32
      %dma_wait3A_2641 = tpu.memref_slice %arg9[%dma_wait3A_2639, %dma_wait3A_2640] : memref<600x32xf32, #tpu.memory_space<vmem>> -> memref<24x32xf32, #tpu.memory_space<vmem>>
      %dma_wait3A_2642 = arith.constant 0 : i32
      %dma_wait3A_2643 = tpu.memref_slice %arg8[%dma_wait3A_2638, %dma_wait3A_2642] : memref<50x26xi32, #tpu.memory_space<vmem>> -> memref<1x24xi32, #tpu.memory_space<vmem>>
      %dma_wait3A_2644 = tpu.memref_squeeze %dma_wait3A_2643 : memref<1x24xi32, #tpu.memory_space<vmem>> -> memref<24xi32, #tpu.memory_space<vmem>>
      %dma_wait3A_2645 = arith.constant 0 : i32
      %dma_wait3A_2646 = arith.constant 0 : i32
      %dma_wait3A_2647 = tpu.memref_slice %arg4[%dma_wait3A_2645, %dma_wait3A_2646] : memref<1000000x32xf32, #tpu.memory_space<hbm>> -> memref<1000000x32xf32, #tpu.memory_space<hbm>>
      tpu.wait_indirect_dma semaphore(%arg13 : memref<!tpu.dma_semaphore, #tpu.memory_space<semaphore_mem>>) src(%dma_wait3A_2647 : memref<1000000x32xf32, #tpu.memory_space<hbm>>) dst(%dma_wait3A_2641 : memref<24x32xf32, #tpu.memory_space<vmem>>)
      %dma_wait3A_2648 = arith.constant 18 : i32
      %dma_wait3A_2649 = arith.constant 216 : i32
      %dma_wait3A_2650 = arith.constant 0 : i32
      %dma_wait3A_2651 = tpu.memref_slice %arg9[%dma_wait3A_2649, %dma_wait3A_2650] : memref<600x32xf32, #tpu.memory_space<vmem>> -> memref<24x32xf32, #tpu.memory_space<vmem>>
      %dma_wait3A_2652 = arith.constant 0 : i32
      %dma_wait3A_2653 = tpu.memref_slice %arg8[%dma_wait3A_2648, %dma_wait3A_2652] : memref<50x26xi32, #tpu.memory_space<vmem>> -> memref<1x24xi32, #tpu.memory_space<vmem>>
      %dma_wait3A_2654 = tpu.memref_squeeze %dma_wait3A_2653 : memref<1x24xi32, #tpu.memory_space<vmem>> -> memref<24xi32, #tpu.memory_space<vmem>>
      %dma_wait3A_2655 = arith.constant 0 : i32
      %dma_wait3A_2656 = arith.constant 0 : i32
      %dma_wait3A_2657 = tpu.memref_slice %arg4[%dma_wait3A_2655, %dma_wait3A_2656] : memref<1000000x32xf32, #tpu.memory_space<hbm>> -> memref<1000000x32xf32, #tpu.memory_space<hbm>>
      tpu.wait_indirect_dma semaphore(%arg13 : memref<!tpu.dma_semaphore, #tpu.memory_space<semaphore_mem>>) src(%dma_wait3A_2657 : memref<1000000x32xf32, #tpu.memory_space<hbm>>) dst(%dma_wait3A_2651 : memref<24x32xf32, #tpu.memory_space<vmem>>)
      %dma_wait3A_2658 = arith.constant 20 : i32
      %dma_wait3A_2659 = arith.constant 240 : i32
      %dma_wait3A_2660 = arith.constant 0 : i32
      %dma_wait3A_2661 = tpu.memref_slice %arg9[%dma_wait3A_2659, %dma_wait3A_2660] : memref<600x32xf32, #tpu.memory_space<vmem>> -> memref<24x32xf32, #tpu.memory_space<vmem>>
      %dma_wait3A_2662 = arith.constant 0 : i32
      %dma_wait3A_2663 = tpu.memref_slice %arg8[%dma_wait3A_2658, %dma_wait3A_2662] : memref<50x26xi32, #tpu.memory_space<vmem>> -> memref<1x24xi32, #tpu.memory_space<vmem>>
      %dma_wait3A_2664 = tpu.memref_squeeze %dma_wait3A_2663 : memref<1x24xi32, #tpu.memory_space<vmem>> -> memref<24xi32, #tpu.memory_space<vmem>>
      %dma_wait3A_2665 = arith.constant 0 : i32
      %dma_wait3A_2666 = arith.constant 0 : i32
      %dma_wait3A_2667 = tpu.memref_slice %arg4[%dma_wait3A_2665, %dma_wait3A_2666] : memref<1000000x32xf32, #tpu.memory_space<hbm>> -> memref<1000000x32xf32, #tpu.memory_space<hbm>>
      tpu.wait_indirect_dma semaphore(%arg13 : memref<!tpu.dma_semaphore, #tpu.memory_space<semaphore_mem>>) src(%dma_wait3A_2667 : memref<1000000x32xf32, #tpu.memory_space<hbm>>) dst(%dma_wait3A_2661 : memref<24x32xf32, #tpu.memory_space<vmem>>)
      %dma_wait3A_2668 = arith.constant 22 : i32
      %dma_wait3A_2669 = arith.constant 264 : i32
      %dma_wait3A_2670 = arith.constant 0 : i32
      %dma_wait3A_2671 = tpu.memref_slice %arg9[%dma_wait3A_2669, %dma_wait3A_2670] : memref<600x32xf32, #tpu.memory_space<vmem>> -> memref<24x32xf32, #tpu.memory_space<vmem>>
      %dma_wait3A_2672 = arith.constant 0 : i32
      %dma_wait3A_2673 = tpu.memref_slice %arg8[%dma_wait3A_2668, %dma_wait3A_2672] : memref<50x26xi32, #tpu.memory_space<vmem>> -> memref<1x24xi32, #tpu.memory_space<vmem>>
      %dma_wait3A_2674 = tpu.memref_squeeze %dma_wait3A_2673 : memref<1x24xi32, #tpu.memory_space<vmem>> -> memref<24xi32, #tpu.memory_space<vmem>>
      %dma_wait3A_2675 = arith.constant 0 : i32
      %dma_wait3A_2676 = arith.constant 0 : i32
      %dma_wait3A_2677 = tpu.memref_slice %arg4[%dma_wait3A_2675, %dma_wait3A_2676] : memref<1000000x32xf32, #tpu.memory_space<hbm>> -> memref<1000000x32xf32, #tpu.memory_space<hbm>>
      tpu.wait_indirect_dma semaphore(%arg13 : memref<!tpu.dma_semaphore, #tpu.memory_space<semaphore_mem>>) src(%dma_wait3A_2677 : memref<1000000x32xf32, #tpu.memory_space<hbm>>) dst(%dma_wait3A_2671 : memref<24x32xf32, #tpu.memory_space<vmem>>)
      %dma_wait3A_2678 = arith.constant 24 : i32
      %dma_wait3A_2679 = arith.constant 288 : i32
      %dma_wait3A_2680 = arith.constant 0 : i32
      %dma_wait3A_2681 = tpu.memref_slice %arg9[%dma_wait3A_2679, %dma_wait3A_2680] : memref<600x32xf32, #tpu.memory_space<vmem>> -> memref<24x32xf32, #tpu.memory_space<vmem>>
      %dma_wait3A_2682 = arith.constant 0 : i32
      %dma_wait3A_2683 = tpu.memref_slice %arg8[%dma_wait3A_2678, %dma_wait3A_2682] : memref<50x26xi32, #tpu.memory_space<vmem>> -> memref<1x24xi32, #tpu.memory_space<vmem>>
      %dma_wait3A_2684 = tpu.memref_squeeze %dma_wait3A_2683 : memref<1x24xi32, #tpu.memory_space<vmem>> -> memref<24xi32, #tpu.memory_space<vmem>>
      %dma_wait3A_2685 = arith.constant 0 : i32
      %dma_wait3A_2686 = arith.constant 0 : i32
      %dma_wait3A_2687 = tpu.memref_slice %arg4[%dma_wait3A_2685, %dma_wait3A_2686] : memref<1000000x32xf32, #tpu.memory_space<hbm>> -> memref<1000000x32xf32, #tpu.memory_space<hbm>>
      tpu.wait_indirect_dma semaphore(%arg13 : memref<!tpu.dma_semaphore, #tpu.memory_space<semaphore_mem>>) src(%dma_wait3A_2687 : memref<1000000x32xf32, #tpu.memory_space<hbm>>) dst(%dma_wait3A_2681 : memref<24x32xf32, #tpu.memory_space<vmem>>)
      %dma_wait3A_2688 = arith.constant 26 : i32
      %dma_wait3A_2689 = arith.constant 312 : i32
      %dma_wait3A_2690 = arith.constant 0 : i32
      %dma_wait3A_2691 = tpu.memref_slice %arg9[%dma_wait3A_2689, %dma_wait3A_2690] : memref<600x32xf32, #tpu.memory_space<vmem>> -> memref<24x32xf32, #tpu.memory_space<vmem>>
      %dma_wait3A_2692 = arith.constant 0 : i32
      %dma_wait3A_2693 = tpu.memref_slice %arg8[%dma_wait3A_2688, %dma_wait3A_2692] : memref<50x26xi32, #tpu.memory_space<vmem>> -> memref<1x24xi32, #tpu.memory_space<vmem>>
      %dma_wait3A_2694 = tpu.memref_squeeze %dma_wait3A_2693 : memref<1x24xi32, #tpu.memory_space<vmem>> -> memref<24xi32, #tpu.memory_space<vmem>>
      %dma_wait3A_2695 = arith.constant 0 : i32
      %dma_wait3A_2696 = arith.constant 0 : i32
      %dma_wait3A_2697 = tpu.memref_slice %arg4[%dma_wait3A_2695, %dma_wait3A_2696] : memref<1000000x32xf32, #tpu.memory_space<hbm>> -> memref<1000000x32xf32, #tpu.memory_space<hbm>>
      tpu.wait_indirect_dma semaphore(%arg13 : memref<!tpu.dma_semaphore, #tpu.memory_space<semaphore_mem>>) src(%dma_wait3A_2697 : memref<1000000x32xf32, #tpu.memory_space<hbm>>) dst(%dma_wait3A_2691 : memref<24x32xf32, #tpu.memory_space<vmem>>)
      %dma_wait3A_2698 = arith.constant 28 : i32
      %dma_wait3A_2699 = arith.constant 336 : i32
      %dma_wait3A_2700 = arith.constant 0 : i32
      %dma_wait3A_2701 = tpu.memref_slice %arg9[%dma_wait3A_2699, %dma_wait3A_2700] : memref<600x32xf32, #tpu.memory_space<vmem>> -> memref<24x32xf32, #tpu.memory_space<vmem>>
      %dma_wait3A_2702 = arith.constant 0 : i32
      %dma_wait3A_2703 = tpu.memref_slice %arg8[%dma_wait3A_2698, %dma_wait3A_2702] : memref<50x26xi32, #tpu.memory_space<vmem>> -> memref<1x24xi32, #tpu.memory_space<vmem>>
      %dma_wait3A_2704 = tpu.memref_squeeze %dma_wait3A_2703 : memref<1x24xi32, #tpu.memory_space<vmem>> -> memref<24xi32, #tpu.memory_space<vmem>>
      %dma_wait3A_2705 = arith.constant 0 : i32
      %dma_wait3A_2706 = arith.constant 0 : i32
      %dma_wait3A_2707 = tpu.memref_slice %arg4[%dma_wait3A_2705, %dma_wait3A_2706] : memref<1000000x32xf32, #tpu.memory_space<hbm>> -> memref<1000000x32xf32, #tpu.memory_space<hbm>>
      tpu.wait_indirect_dma semaphore(%arg13 : memref<!tpu.dma_semaphore, #tpu.memory_space<semaphore_mem>>) src(%dma_wait3A_2707 : memref<1000000x32xf32, #tpu.memory_space<hbm>>) dst(%dma_wait3A_2701 : memref<24x32xf32, #tpu.memory_space<vmem>>)
      %dma_wait3A_2708 = arith.constant 30 : i32
      %dma_wait3A_2709 = arith.constant 360 : i32
      %dma_wait3A_2710 = arith.constant 0 : i32
      %dma_wait3A_2711 = tpu.memref_slice %arg9[%dma_wait3A_2709, %dma_wait3A_2710] : memref<600x32xf32, #tpu.memory_space<vmem>> -> memref<24x32xf32, #tpu.memory_space<vmem>>
      %dma_wait3A_2712 = arith.constant 0 : i32
      %dma_wait3A_2713 = tpu.memref_slice %arg8[%dma_wait3A_2708, %dma_wait3A_2712] : memref<50x26xi32, #tpu.memory_space<vmem>> -> memref<1x24xi32, #tpu.memory_space<vmem>>
      %dma_wait3A_2714 = tpu.memref_squeeze %dma_wait3A_2713 : memref<1x24xi32, #tpu.memory_space<vmem>> -> memref<24xi32, #tpu.memory_space<vmem>>
      %dma_wait3A_2715 = arith.constant 0 : i32
      %dma_wait3A_2716 = arith.constant 0 : i32
      %dma_wait3A_2717 = tpu.memref_slice %arg4[%dma_wait3A_2715, %dma_wait3A_2716] : memref<1000000x32xf32, #tpu.memory_space<hbm>> -> memref<1000000x32xf32, #tpu.memory_space<hbm>>
      tpu.wait_indirect_dma semaphore(%arg13 : memref<!tpu.dma_semaphore, #tpu.memory_space<semaphore_mem>>) src(%dma_wait3A_2717 : memref<1000000x32xf32, #tpu.memory_space<hbm>>) dst(%dma_wait3A_2711 : memref<24x32xf32, #tpu.memory_space<vmem>>)
      %dma_wait3A_2718 = arith.constant 32 : i32
      %dma_wait3A_2719 = arith.constant 384 : i32
      %dma_wait3A_2720 = arith.constant 0 : i32
      %dma_wait3A_2721 = tpu.memref_slice %arg9[%dma_wait3A_2719, %dma_wait3A_2720] : memref<600x32xf32, #tpu.memory_space<vmem>> -> memref<24x32xf32, #tpu.memory_space<vmem>>
      %dma_wait3A_2722 = arith.constant 0 : i32
      %dma_wait3A_2723 = tpu.memref_slice %arg8[%dma_wait3A_2718, %dma_wait3A_2722] : memref<50x26xi32, #tpu.memory_space<vmem>> -> memref<1x24xi32, #tpu.memory_space<vmem>>
      %dma_wait3A_2724 = tpu.memref_squeeze %dma_wait3A_2723 : memref<1x24xi32, #tpu.memory_space<vmem>> -> memref<24xi32, #tpu.memory_space<vmem>>
      %dma_wait3A_2725 = arith.constant 0 : i32
      %dma_wait3A_2726 = arith.constant 0 : i32
      %dma_wait3A_2727 = tpu.memref_slice %arg4[%dma_wait3A_2725, %dma_wait3A_2726] : memref<1000000x32xf32, #tpu.memory_space<hbm>> -> memref<1000000x32xf32, #tpu.memory_space<hbm>>
      tpu.wait_indirect_dma semaphore(%arg13 : memref<!tpu.dma_semaphore, #tpu.memory_space<semaphore_mem>>) src(%dma_wait3A_2727 : memref<1000000x32xf32, #tpu.memory_space<hbm>>) dst(%dma_wait3A_2721 : memref<24x32xf32, #tpu.memory_space<vmem>>)
      %dma_wait3A_2728 = arith.constant 34 : i32
      %dma_wait3A_2729 = arith.constant 408 : i32
      %dma_wait3A_2730 = arith.constant 0 : i32
      %dma_wait3A_2731 = tpu.memref_slice %arg9[%dma_wait3A_2729, %dma_wait3A_2730] : memref<600x32xf32, #tpu.memory_space<vmem>> -> memref<24x32xf32, #tpu.memory_space<vmem>>
      %dma_wait3A_2732 = arith.constant 0 : i32
      %dma_wait3A_2733 = tpu.memref_slice %arg8[%dma_wait3A_2728, %dma_wait3A_2732] : memref<50x26xi32, #tpu.memory_space<vmem>> -> memref<1x24xi32, #tpu.memory_space<vmem>>
      %dma_wait3A_2734 = tpu.memref_squeeze %dma_wait3A_2733 : memref<1x24xi32, #tpu.memory_space<vmem>> -> memref<24xi32, #tpu.memory_space<vmem>>
      %dma_wait3A_2735 = arith.constant 0 : i32
      %dma_wait3A_2736 = arith.constant 0 : i32
      %dma_wait3A_2737 = tpu.memref_slice %arg4[%dma_wait3A_2735, %dma_wait3A_2736] : memref<1000000x32xf32, #tpu.memory_space<hbm>> -> memref<1000000x32xf32, #tpu.memory_space<hbm>>
      tpu.wait_indirect_dma semaphore(%arg13 : memref<!tpu.dma_semaphore, #tpu.memory_space<semaphore_mem>>) src(%dma_wait3A_2737 : memref<1000000x32xf32, #tpu.memory_space<hbm>>) dst(%dma_wait3A_2731 : memref<24x32xf32, #tpu.memory_space<vmem>>)
      %dma_wait3A_2738 = arith.constant 36 : i32
      %dma_wait3A_2739 = arith.constant 432 : i32
      %dma_wait3A_2740 = arith.constant 0 : i32
      %dma_wait3A_2741 = tpu.memref_slice %arg9[%dma_wait3A_2739, %dma_wait3A_2740] : memref<600x32xf32, #tpu.memory_space<vmem>> -> memref<24x32xf32, #tpu.memory_space<vmem>>
      %dma_wait3A_2742 = arith.constant 0 : i32
      %dma_wait3A_2743 = tpu.memref_slice %arg8[%dma_wait3A_2738, %dma_wait3A_2742] : memref<50x26xi32, #tpu.memory_space<vmem>> -> memref<1x24xi32, #tpu.memory_space<vmem>>
      %dma_wait3A_2744 = tpu.memref_squeeze %dma_wait3A_2743 : memref<1x24xi32, #tpu.memory_space<vmem>> -> memref<24xi32, #tpu.memory_space<vmem>>
      %dma_wait3A_2745 = arith.constant 0 : i32
      %dma_wait3A_2746 = arith.constant 0 : i32
      %dma_wait3A_2747 = tpu.memref_slice %arg4[%dma_wait3A_2745, %dma_wait3A_2746] : memref<1000000x32xf32, #tpu.memory_space<hbm>> -> memref<1000000x32xf32, #tpu.memory_space<hbm>>
      tpu.wait_indirect_dma semaphore(%arg13 : memref<!tpu.dma_semaphore, #tpu.memory_space<semaphore_mem>>) src(%dma_wait3A_2747 : memref<1000000x32xf32, #tpu.memory_space<hbm>>) dst(%dma_wait3A_2741 : memref<24x32xf32, #tpu.memory_space<vmem>>)
      %dma_wait3A_2748 = arith.constant 38 : i32
      %dma_wait3A_2749 = arith.constant 456 : i32
      %dma_wait3A_2750 = arith.constant 0 : i32
      %dma_wait3A_2751 = tpu.memref_slice %arg9[%dma_wait3A_2749, %dma_wait3A_2750] : memref<600x32xf32, #tpu.memory_space<vmem>> -> memref<24x32xf32, #tpu.memory_space<vmem>>
      %dma_wait3A_2752 = arith.constant 0 : i32
      %dma_wait3A_2753 = tpu.memref_slice %arg8[%dma_wait3A_2748, %dma_wait3A_2752] : memref<50x26xi32, #tpu.memory_space<vmem>> -> memref<1x24xi32, #tpu.memory_space<vmem>>
      %dma_wait3A_2754 = tpu.memref_squeeze %dma_wait3A_2753 : memref<1x24xi32, #tpu.memory_space<vmem>> -> memref<24xi32, #tpu.memory_space<vmem>>
      %dma_wait3A_2755 = arith.constant 0 : i32
      %dma_wait3A_2756 = arith.constant 0 : i32
      %dma_wait3A_2757 = tpu.memref_slice %arg4[%dma_wait3A_2755, %dma_wait3A_2756] : memref<1000000x32xf32, #tpu.memory_space<hbm>> -> memref<1000000x32xf32, #tpu.memory_space<hbm>>
      tpu.wait_indirect_dma semaphore(%arg13 : memref<!tpu.dma_semaphore, #tpu.memory_space<semaphore_mem>>) src(%dma_wait3A_2757 : memref<1000000x32xf32, #tpu.memory_space<hbm>>) dst(%dma_wait3A_2751 : memref<24x32xf32, #tpu.memory_space<vmem>>)
      %dma_wait3A_2758 = arith.constant 40 : i32
      %dma_wait3A_2759 = arith.constant 480 : i32
      %dma_wait3A_2760 = arith.constant 0 : i32
      %dma_wait3A_2761 = tpu.memref_slice %arg9[%dma_wait3A_2759, %dma_wait3A_2760] : memref<600x32xf32, #tpu.memory_space<vmem>> -> memref<24x32xf32, #tpu.memory_space<vmem>>
      %dma_wait3A_2762 = arith.constant 0 : i32
      %dma_wait3A_2763 = tpu.memref_slice %arg8[%dma_wait3A_2758, %dma_wait3A_2762] : memref<50x26xi32, #tpu.memory_space<vmem>> -> memref<1x24xi32, #tpu.memory_space<vmem>>
      %dma_wait3A_2764 = tpu.memref_squeeze %dma_wait3A_2763 : memref<1x24xi32, #tpu.memory_space<vmem>> -> memref<24xi32, #tpu.memory_space<vmem>>
      %dma_wait3A_2765 = arith.constant 0 : i32
      %dma_wait3A_2766 = arith.constant 0 : i32
      %dma_wait3A_2767 = tpu.memref_slice %arg4[%dma_wait3A_2765, %dma_wait3A_2766] : memref<1000000x32xf32, #tpu.memory_space<hbm>> -> memref<1000000x32xf32, #tpu.memory_space<hbm>>
      tpu.wait_indirect_dma semaphore(%arg13 : memref<!tpu.dma_semaphore, #tpu.memory_space<semaphore_mem>>) src(%dma_wait3A_2767 : memref<1000000x32xf32, #tpu.memory_space<hbm>>) dst(%dma_wait3A_2761 : memref<24x32xf32, #tpu.memory_space<vmem>>)
      %dma_wait3A_2768 = arith.constant 42 : i32
      %dma_wait3A_2769 = arith.constant 504 : i32
      %dma_wait3A_2770 = arith.constant 0 : i32
      %dma_wait3A_2771 = tpu.memref_slice %arg9[%dma_wait3A_2769, %dma_wait3A_2770] : memref<600x32xf32, #tpu.memory_space<vmem>> -> memref<24x32xf32, #tpu.memory_space<vmem>>
      %dma_wait3A_2772 = arith.constant 0 : i32
      %dma_wait3A_2773 = tpu.memref_slice %arg8[%dma_wait3A_2768, %dma_wait3A_2772] : memref<50x26xi32, #tpu.memory_space<vmem>> -> memref<1x24xi32, #tpu.memory_space<vmem>>
      %dma_wait3A_2774 = tpu.memref_squeeze %dma_wait3A_2773 : memref<1x24xi32, #tpu.memory_space<vmem>> -> memref<24xi32, #tpu.memory_space<vmem>>
      %dma_wait3A_2775 = arith.constant 0 : i32
      %dma_wait3A_2776 = arith.constant 0 : i32
      %dma_wait3A_2777 = tpu.memref_slice %arg4[%dma_wait3A_2775, %dma_wait3A_2776] : memref<1000000x32xf32, #tpu.memory_space<hbm>> -> memref<1000000x32xf32, #tpu.memory_space<hbm>>
      tpu.wait_indirect_dma semaphore(%arg13 : memref<!tpu.dma_semaphore, #tpu.memory_space<semaphore_mem>>) src(%dma_wait3A_2777 : memref<1000000x32xf32, #tpu.memory_space<hbm>>) dst(%dma_wait3A_2771 : memref<24x32xf32, #tpu.memory_space<vmem>>)
      %dma_wait3A_2778 = arith.constant 44 : i32
      %dma_wait3A_2779 = arith.constant 528 : i32
      %dma_wait3A_2780 = arith.constant 0 : i32
      %dma_wait3A_2781 = tpu.memref_slice %arg9[%dma_wait3A_2779, %dma_wait3A_2780] : memref<600x32xf32, #tpu.memory_space<vmem>> -> memref<24x32xf32, #tpu.memory_space<vmem>>
      %dma_wait3A_2782 = arith.constant 0 : i32
      %dma_wait3A_2783 = tpu.memref_slice %arg8[%dma_wait3A_2778, %dma_wait3A_2782] : memref<50x26xi32, #tpu.memory_space<vmem>> -> memref<1x24xi32, #tpu.memory_space<vmem>>
      %dma_wait3A_2784 = tpu.memref_squeeze %dma_wait3A_2783 : memref<1x24xi32, #tpu.memory_space<vmem>> -> memref<24xi32, #tpu.memory_space<vmem>>
      %dma_wait3A_2785 = arith.constant 0 : i32
      %dma_wait3A_2786 = arith.constant 0 : i32
      %dma_wait3A_2787 = tpu.memref_slice %arg4[%dma_wait3A_2785, %dma_wait3A_2786] : memref<1000000x32xf32, #tpu.memory_space<hbm>> -> memref<1000000x32xf32, #tpu.memory_space<hbm>>
      tpu.wait_indirect_dma semaphore(%arg13 : memref<!tpu.dma_semaphore, #tpu.memory_space<semaphore_mem>>) src(%dma_wait3A_2787 : memref<1000000x32xf32, #tpu.memory_space<hbm>>) dst(%dma_wait3A_2781 : memref<24x32xf32, #tpu.memory_space<vmem>>)
      %dma_wait3A_2788 = arith.constant 46 : i32
      %dma_wait3A_2789 = arith.constant 552 : i32
      %dma_wait3A_2790 = arith.constant 0 : i32
      %dma_wait3A_2791 = tpu.memref_slice %arg9[%dma_wait3A_2789, %dma_wait3A_2790] : memref<600x32xf32, #tpu.memory_space<vmem>> -> memref<24x32xf32, #tpu.memory_space<vmem>>
      %dma_wait3A_2792 = arith.constant 0 : i32
      %dma_wait3A_2793 = tpu.memref_slice %arg8[%dma_wait3A_2788, %dma_wait3A_2792] : memref<50x26xi32, #tpu.memory_space<vmem>> -> memref<1x24xi32, #tpu.memory_space<vmem>>
      %dma_wait3A_2794 = tpu.memref_squeeze %dma_wait3A_2793 : memref<1x24xi32, #tpu.memory_space<vmem>> -> memref<24xi32, #tpu.memory_space<vmem>>
      %dma_wait3A_2795 = arith.constant 0 : i32
      %dma_wait3A_2796 = arith.constant 0 : i32
      %dma_wait3A_2797 = tpu.memref_slice %arg4[%dma_wait3A_2795, %dma_wait3A_2796] : memref<1000000x32xf32, #tpu.memory_space<hbm>> -> memref<1000000x32xf32, #tpu.memory_space<hbm>>
      tpu.wait_indirect_dma semaphore(%arg13 : memref<!tpu.dma_semaphore, #tpu.memory_space<semaphore_mem>>) src(%dma_wait3A_2797 : memref<1000000x32xf32, #tpu.memory_space<hbm>>) dst(%dma_wait3A_2791 : memref<24x32xf32, #tpu.memory_space<vmem>>)
      %dma_wait3A_2798 = arith.constant 48 : i32
      %dma_wait3A_2799 = arith.constant 576 : i32
      %dma_wait3A_2800 = arith.constant 0 : i32
      %dma_wait3A_2801 = tpu.memref_slice %arg9[%dma_wait3A_2799, %dma_wait3A_2800] : memref<600x32xf32, #tpu.memory_space<vmem>> -> memref<24x32xf32, #tpu.memory_space<vmem>>
      %dma_wait3A_2802 = arith.constant 0 : i32
      %dma_wait3A_2803 = tpu.memref_slice %arg8[%dma_wait3A_2798, %dma_wait3A_2802] : memref<50x26xi32, #tpu.memory_space<vmem>> -> memref<1x24xi32, #tpu.memory_space<vmem>>
      %dma_wait3A_2804 = tpu.memref_squeeze %dma_wait3A_2803 : memref<1x24xi32, #tpu.memory_space<vmem>> -> memref<24xi32, #tpu.memory_space<vmem>>
      %dma_wait3A_2805 = arith.constant 0 : i32
      %dma_wait3A_2806 = arith.constant 0 : i32
      %dma_wait3A_2807 = tpu.memref_slice %arg4[%dma_wait3A_2805, %dma_wait3A_2806] : memref<1000000x32xf32, #tpu.memory_space<hbm>> -> memref<1000000x32xf32, #tpu.memory_space<hbm>>
      tpu.wait_indirect_dma semaphore(%arg13 : memref<!tpu.dma_semaphore, #tpu.memory_space<semaphore_mem>>) src(%dma_wait3A_2807 : memref<1000000x32xf32, #tpu.memory_space<hbm>>) dst(%dma_wait3A_2801 : memref<24x32xf32, #tpu.memory_space<vmem>>)
      %scan3A_2808 = arith.constant 0 : i32
      %scan3A_2809 = arith.constant 0 : i32
      %scan3A_2810 = arith.constant 24 : i32
      %scan3A_2811 = arith.addi %scan3A_2809, %scan3A_2810 : i32
      %scan3A_2812 = arith.constant 1 : i32
      scf.for %scan3A_3179 = %scan3A_2809 to %scan3A_2811 step %scan3A_2812  : i32 {
        %add3A_3180 = arith.constant 0 : i32
        %add3A_3181 = arith.addi %add3A_3180, %scan3A_3179 : i32
        %get3A = arith.index_cast %add3A_3181 : i32 to index
        %get3A_3182 = arith.constant 0 : index
        %get3A_3183 = tpu.vector_load %arg9[%get3A, %get3A_3182] {strides = array<i32>} : memref<600x32xf32, #tpu.memory_space<vmem>>, vector<16xf32>,
        %swap3A_3184 = arith.index_cast %scan3A_3179 : i32 to index
        %swap3A_3185 = arith.constant 1 : index
        %swap3A_3186 = tpu.vector_load %arg11[%swap3A_3184, %swap3A_3185] {strides = array<i32>} : memref<24x896xf32, #tpu.memory_space<vmem>>, vector<16xf32>,
        tpu.vector_store %arg11[%swap3A_3184, %swap3A_3185], %get3A_3183 {strides = array<i32>} : memref<24x896xf32, #tpu.memory_space<vmem>>, vector<16xf32>,
        %get3A_3187 = arith.index_cast %add3A_3181 : i32 to index
        %get3A_3188 = arith.constant 16 : index
        %get3A_3189 = tpu.vector_load %arg9[%get3A_3187, %get3A_3188] {strides = array<i32>} : memref<600x32xf32, #tpu.memory_space<vmem>>, vector<16xf32>,
        %swap3A_3190 = arith.index_cast %scan3A_3179 : i32 to index
        %swap3A_3191 = arith.constant 17 : index
        %swap3A_3192 = tpu.vector_load %arg11[%swap3A_3190, %swap3A_3191] {strides = array<i32>} : memref<24x896xf32, #tpu.memory_space<vmem>>, vector<16xf32>,
        tpu.vector_store %arg11[%swap3A_3190, %swap3A_3191], %get3A_3189 {strides = array<i32>} : memref<24x896xf32, #tpu.memory_space<vmem>>, vector<16xf32>,
        %add3A_3193 = arith.constant 24 : i32
        %add3A_3194 = arith.addi %add3A_3193, %scan3A_3179 : i32
        %get3A_3195 = arith.index_cast %add3A_3194 : i32 to index
        %get3A_3196 = arith.constant 0 : index
        %get3A_3197 = tpu.vector_load %arg9[%get3A_3195, %get3A_3196] {strides = array<i32>} : memref<600x32xf32, #tpu.memory_space<vmem>>, vector<16xf32>,
        %swap3A_3198 = arith.index_cast %scan3A_3179 : i32 to index
        %swap3A_3199 = arith.constant 33 : index
        %swap3A_3200 = tpu.vector_load %arg11[%swap3A_3198, %swap3A_3199] {strides = array<i32>} : memref<24x896xf32, #tpu.memory_space<vmem>>, vector<16xf32>,
        tpu.vector_store %arg11[%swap3A_3198, %swap3A_3199], %get3A_3197 {strides = array<i32>} : memref<24x896xf32, #tpu.memory_space<vmem>>, vector<16xf32>,
        %get3A_3201 = arith.index_cast %add3A_3194 : i32 to index
        %get3A_3202 = arith.constant 16 : index
        %get3A_3203 = tpu.vector_load %arg9[%get3A_3201, %get3A_3202] {strides = array<i32>} : memref<600x32xf32, #tpu.memory_space<vmem>>, vector<16xf32>,
        %swap3A_3204 = arith.index_cast %scan3A_3179 : i32 to index
        %swap3A_3205 = arith.constant 49 : index
        %swap3A_3206 = tpu.vector_load %arg11[%swap3A_3204, %swap3A_3205] {strides = array<i32>} : memref<24x896xf32, #tpu.memory_space<vmem>>, vector<16xf32>,
        tpu.vector_store %arg11[%swap3A_3204, %swap3A_3205], %get3A_3203 {strides = array<i32>} : memref<24x896xf32, #tpu.memory_space<vmem>>, vector<16xf32>,
        %add3A_3207 = arith.constant 48 : i32
        %add3A_3208 = arith.addi %add3A_3207, %scan3A_3179 : i32
        %get3A_3209 = arith.index_cast %add3A_3208 : i32 to index
        %get3A_3210 = arith.constant 0 : index
        %get3A_3211 = tpu.vector_load %arg9[%get3A_3209, %get3A_3210] {strides = array<i32>} : memref<600x32xf32, #tpu.memory_space<vmem>>, vector<16xf32>,
        %swap3A_3212 = arith.index_cast %scan3A_3179 : i32 to index
        %swap3A_3213 = arith.constant 65 : index
        %swap3A_3214 = tpu.vector_load %arg11[%swap3A_3212, %swap3A_3213] {strides = array<i32>} : memref<24x896xf32, #tpu.memory_space<vmem>>, vector<16xf32>,
        tpu.vector_store %arg11[%swap3A_3212, %swap3A_3213], %get3A_3211 {strides = array<i32>} : memref<24x896xf32, #tpu.memory_space<vmem>>, vector<16xf32>,
        %get3A_3215 = arith.index_cast %add3A_3208 : i32 to index
        %get3A_3216 = arith.constant 16 : index
        %get3A_3217 = tpu.vector_load %arg9[%get3A_3215, %get3A_3216] {strides = array<i32>} : memref<600x32xf32, #tpu.memory_space<vmem>>, vector<16xf32>,
        %swap3A_3218 = arith.index_cast %scan3A_3179 : i32 to index
        %swap3A_3219 = arith.constant 81 : index
        %swap3A_3220 = tpu.vector_load %arg11[%swap3A_3218, %swap3A_3219] {strides = array<i32>} : memref<24x896xf32, #tpu.memory_space<vmem>>, vector<16xf32>,
        tpu.vector_store %arg11[%swap3A_3218, %swap3A_3219], %get3A_3217 {strides = array<i32>} : memref<24x896xf32, #tpu.memory_space<vmem>>, vector<16xf32>,
        %add3A_3221 = arith.constant 72 : i32
        %add3A_3222 = arith.addi %add3A_3221, %scan3A_3179 : i32
        %get3A_3223 = arith.index_cast %add3A_3222 : i32 to index
        %get3A_3224 = arith.constant 0 : index
        %get3A_3225 = tpu.vector_load %arg9[%get3A_3223, %get3A_3224] {strides = array<i32>} : memref<600x32xf32, #tpu.memory_space<vmem>>, vector<16xf32>,
        %swap3A_3226 = arith.index_cast %scan3A_3179 : i32 to index
        %swap3A_3227 = arith.constant 97 : index
        %swap3A_3228 = tpu.vector_load %arg11[%swap3A_3226, %swap3A_3227] {strides = array<i32>} : memref<24x896xf32, #tpu.memory_space<vmem>>, vector<16xf32>,
        tpu.vector_store %arg11[%swap3A_3226, %swap3A_3227], %get3A_3225 {strides = array<i32>} : memref<24x896xf32, #tpu.memory_space<vmem>>, vector<16xf32>,
        %get3A_3229 = arith.index_cast %add3A_3222 : i32 to index
        %get3A_3230 = arith.constant 16 : index
        %get3A_3231 = tpu.vector_load %arg9[%get3A_3229, %get3A_3230] {strides = array<i32>} : memref<600x32xf32, #tpu.memory_space<vmem>>, vector<16xf32>,
        %swap3A_3232 = arith.index_cast %scan3A_3179 : i32 to index
        %swap3A_3233 = arith.constant 113 : index
        %swap3A_3234 = tpu.vector_load %arg11[%swap3A_3232, %swap3A_3233] {strides = array<i32>} : memref<24x896xf32, #tpu.memory_space<vmem>>, vector<16xf32>,
        tpu.vector_store %arg11[%swap3A_3232, %swap3A_3233], %get3A_3231 {strides = array<i32>} : memref<24x896xf32, #tpu.memory_space<vmem>>, vector<16xf32>,
        %add3A_3235 = arith.constant 96 : i32
        %add3A_3236 = arith.addi %add3A_3235, %scan3A_3179 : i32
        %get3A_3237 = arith.index_cast %add3A_3236 : i32 to index
        %get3A_3238 = arith.constant 0 : index
        %get3A_3239 = tpu.vector_load %arg9[%get3A_3237, %get3A_3238] {strides = array<i32>} : memref<600x32xf32, #tpu.memory_space<vmem>>, vector<16xf32>,
        %swap3A_3240 = arith.index_cast %scan3A_3179 : i32 to index
        %swap3A_3241 = arith.constant 129 : index
        %swap3A_3242 = tpu.vector_load %arg11[%swap3A_3240, %swap3A_3241] {strides = array<i32>} : memref<24x896xf32, #tpu.memory_space<vmem>>, vector<16xf32>,
        tpu.vector_store %arg11[%swap3A_3240, %swap3A_3241], %get3A_3239 {strides = array<i32>} : memref<24x896xf32, #tpu.memory_space<vmem>>, vector<16xf32>,
        %get3A_3243 = arith.index_cast %add3A_3236 : i32 to index
        %get3A_3244 = arith.constant 16 : index
        %get3A_3245 = tpu.vector_load %arg9[%get3A_3243, %get3A_3244] {strides = array<i32>} : memref<600x32xf32, #tpu.memory_space<vmem>>, vector<16xf32>,
        %swap3A_3246 = arith.index_cast %scan3A_3179 : i32 to index
        %swap3A_3247 = arith.constant 145 : index
        %swap3A_3248 = tpu.vector_load %arg11[%swap3A_3246, %swap3A_3247] {strides = array<i32>} : memref<24x896xf32, #tpu.memory_space<vmem>>, vector<16xf32>,
        tpu.vector_store %arg11[%swap3A_3246, %swap3A_3247], %get3A_3245 {strides = array<i32>} : memref<24x896xf32, #tpu.memory_space<vmem>>, vector<16xf32>,
        %add3A_3249 = arith.constant 120 : i32
        %add3A_3250 = arith.addi %add3A_3249, %scan3A_3179 : i32
        %get3A_3251 = arith.index_cast %add3A_3250 : i32 to index
        %get3A_3252 = arith.constant 0 : index
        %get3A_3253 = tpu.vector_load %arg9[%get3A_3251, %get3A_3252] {strides = array<i32>} : memref<600x32xf32, #tpu.memory_space<vmem>>, vector<16xf32>,
        %swap3A_3254 = arith.index_cast %scan3A_3179 : i32 to index
        %swap3A_3255 = arith.constant 161 : index
        %swap3A_3256 = tpu.vector_load %arg11[%swap3A_3254, %swap3A_3255] {strides = array<i32>} : memref<24x896xf32, #tpu.memory_space<vmem>>, vector<16xf32>,
        tpu.vector_store %arg11[%swap3A_3254, %swap3A_3255], %get3A_3253 {strides = array<i32>} : memref<24x896xf32, #tpu.memory_space<vmem>>, vector<16xf32>,
        %get3A_3257 = arith.index_cast %add3A_3250 : i32 to index
        %get3A_3258 = arith.constant 16 : index
        %get3A_3259 = tpu.vector_load %arg9[%get3A_3257, %get3A_3258] {strides = array<i32>} : memref<600x32xf32, #tpu.memory_space<vmem>>, vector<16xf32>,
        %swap3A_3260 = arith.index_cast %scan3A_3179 : i32 to index
        %swap3A_3261 = arith.constant 177 : index
        %swap3A_3262 = tpu.vector_load %arg11[%swap3A_3260, %swap3A_3261] {strides = array<i32>} : memref<24x896xf32, #tpu.memory_space<vmem>>, vector<16xf32>,
        tpu.vector_store %arg11[%swap3A_3260, %swap3A_3261], %get3A_3259 {strides = array<i32>} : memref<24x896xf32, #tpu.memory_space<vmem>>, vector<16xf32>,
        %add3A_3263 = arith.constant 144 : i32
        %add3A_3264 = arith.addi %add3A_3263, %scan3A_3179 : i32
        %get3A_3265 = arith.index_cast %add3A_3264 : i32 to index
        %get3A_3266 = arith.constant 0 : index
        %get3A_3267 = tpu.vector_load %arg9[%get3A_3265, %get3A_3266] {strides = array<i32>} : memref<600x32xf32, #tpu.memory_space<vmem>>, vector<16xf32>,
        %swap3A_3268 = arith.index_cast %scan3A_3179 : i32 to index
        %swap3A_3269 = arith.constant 193 : index
        %swap3A_3270 = tpu.vector_load %arg11[%swap3A_3268, %swap3A_3269] {strides = array<i32>} : memref<24x896xf32, #tpu.memory_space<vmem>>, vector<16xf32>,
        tpu.vector_store %arg11[%swap3A_3268, %swap3A_3269], %get3A_3267 {strides = array<i32>} : memref<24x896xf32, #tpu.memory_space<vmem>>, vector<16xf32>,
        %get3A_3271 = arith.index_cast %add3A_3264 : i32 to index
        %get3A_3272 = arith.constant 16 : index
        %get3A_3273 = tpu.vector_load %arg9[%get3A_3271, %get3A_3272] {strides = array<i32>} : memref<600x32xf32, #tpu.memory_space<vmem>>, vector<16xf32>,
        %swap3A_3274 = arith.index_cast %scan3A_3179 : i32 to index
        %swap3A_3275 = arith.constant 209 : index
        %swap3A_3276 = tpu.vector_load %arg11[%swap3A_3274, %swap3A_3275] {strides = array<i32>} : memref<24x896xf32, #tpu.memory_space<vmem>>, vector<16xf32>,
        tpu.vector_store %arg11[%swap3A_3274, %swap3A_3275], %get3A_3273 {strides = array<i32>} : memref<24x896xf32, #tpu.memory_space<vmem>>, vector<16xf32>,
        %add3A_3277 = arith.constant 168 : i32
        %add3A_3278 = arith.addi %add3A_3277, %scan3A_3179 : i32
        %get3A_3279 = arith.index_cast %add3A_3278 : i32 to index
        %get3A_3280 = arith.constant 0 : index
        %get3A_3281 = tpu.vector_load %arg9[%get3A_3279, %get3A_3280] {strides = array<i32>} : memref<600x32xf32, #tpu.memory_space<vmem>>, vector<16xf32>,
        %swap3A_3282 = arith.index_cast %scan3A_3179 : i32 to index
        %swap3A_3283 = arith.constant 225 : index
        %swap3A_3284 = tpu.vector_load %arg11[%swap3A_3282, %swap3A_3283] {strides = array<i32>} : memref<24x896xf32, #tpu.memory_space<vmem>>, vector<16xf32>,
        tpu.vector_store %arg11[%swap3A_3282, %swap3A_3283], %get3A_3281 {strides = array<i32>} : memref<24x896xf32, #tpu.memory_space<vmem>>, vector<16xf32>,
        %get3A_3285 = arith.index_cast %add3A_3278 : i32 to index
        %get3A_3286 = arith.constant 16 : index
        %get3A_3287 = tpu.vector_load %arg9[%get3A_3285, %get3A_3286] {strides = array<i32>} : memref<600x32xf32, #tpu.memory_space<vmem>>, vector<16xf32>,
        %swap3A_3288 = arith.index_cast %scan3A_3179 : i32 to index
        %swap3A_3289 = arith.constant 241 : index
        %swap3A_3290 = tpu.vector_load %arg11[%swap3A_3288, %swap3A_3289] {strides = array<i32>} : memref<24x896xf32, #tpu.memory_space<vmem>>, vector<16xf32>,
        tpu.vector_store %arg11[%swap3A_3288, %swap3A_3289], %get3A_3287 {strides = array<i32>} : memref<24x896xf32, #tpu.memory_space<vmem>>, vector<16xf32>,
        %add3A_3291 = arith.constant 192 : i32
        %add3A_3292 = arith.addi %add3A_3291, %scan3A_3179 : i32
        %get3A_3293 = arith.index_cast %add3A_3292 : i32 to index
        %get3A_3294 = arith.constant 0 : index
        %get3A_3295 = tpu.vector_load %arg9[%get3A_3293, %get3A_3294] {strides = array<i32>} : memref<600x32xf32, #tpu.memory_space<vmem>>, vector<16xf32>,
        %swap3A_3296 = arith.index_cast %scan3A_3179 : i32 to index
        %swap3A_3297 = arith.constant 257 : index
        %swap3A_3298 = tpu.vector_load %arg11[%swap3A_3296, %swap3A_3297] {strides = array<i32>} : memref<24x896xf32, #tpu.memory_space<vmem>>, vector<16xf32>,
        tpu.vector_store %arg11[%swap3A_3296, %swap3A_3297], %get3A_3295 {strides = array<i32>} : memref<24x896xf32, #tpu.memory_space<vmem>>, vector<16xf32>,
        %get3A_3299 = arith.index_cast %add3A_3292 : i32 to index
        %get3A_3300 = arith.constant 16 : index
        %get3A_3301 = tpu.vector_load %arg9[%get3A_3299, %get3A_3300] {strides = array<i32>} : memref<600x32xf32, #tpu.memory_space<vmem>>, vector<16xf32>,
        %swap3A_3302 = arith.index_cast %scan3A_3179 : i32 to index
        %swap3A_3303 = arith.constant 273 : index
        %swap3A_3304 = tpu.vector_load %arg11[%swap3A_3302, %swap3A_3303] {strides = array<i32>} : memref<24x896xf32, #tpu.memory_space<vmem>>, vector<16xf32>,
        tpu.vector_store %arg11[%swap3A_3302, %swap3A_3303], %get3A_3301 {strides = array<i32>} : memref<24x896xf32, #tpu.memory_space<vmem>>, vector<16xf32>,
        %add3A_3305 = arith.constant 216 : i32
        %add3A_3306 = arith.addi %add3A_3305, %scan3A_3179 : i32
        %get3A_3307 = arith.index_cast %add3A_3306 : i32 to index
        %get3A_3308 = arith.constant 0 : index
        %get3A_3309 = tpu.vector_load %arg9[%get3A_3307, %get3A_3308] {strides = array<i32>} : memref<600x32xf32, #tpu.memory_space<vmem>>, vector<16xf32>,
        %swap3A_3310 = arith.index_cast %scan3A_3179 : i32 to index
        %swap3A_3311 = arith.constant 289 : index
        %swap3A_3312 = tpu.vector_load %arg11[%swap3A_3310, %swap3A_3311] {strides = array<i32>} : memref<24x896xf32, #tpu.memory_space<vmem>>, vector<16xf32>,
        tpu.vector_store %arg11[%swap3A_3310, %swap3A_3311], %get3A_3309 {strides = array<i32>} : memref<24x896xf32, #tpu.memory_space<vmem>>, vector<16xf32>,
        %get3A_3313 = arith.index_cast %add3A_3306 : i32 to index
        %get3A_3314 = arith.constant 16 : index
        %get3A_3315 = tpu.vector_load %arg9[%get3A_3313, %get3A_3314] {strides = array<i32>} : memref<600x32xf32, #tpu.memory_space<vmem>>, vector<16xf32>,
        %swap3A_3316 = arith.index_cast %scan3A_3179 : i32 to index
        %swap3A_3317 = arith.constant 305 : index
        %swap3A_3318 = tpu.vector_load %arg11[%swap3A_3316, %swap3A_3317] {strides = array<i32>} : memref<24x896xf32, #tpu.memory_space<vmem>>, vector<16xf32>,
        tpu.vector_store %arg11[%swap3A_3316, %swap3A_3317], %get3A_3315 {strides = array<i32>} : memref<24x896xf32, #tpu.memory_space<vmem>>, vector<16xf32>,
        %add3A_3319 = arith.constant 240 : i32
        %add3A_3320 = arith.addi %add3A_3319, %scan3A_3179 : i32
        %get3A_3321 = arith.index_cast %add3A_3320 : i32 to index
        %get3A_3322 = arith.constant 0 : index
        %get3A_3323 = tpu.vector_load %arg9[%get3A_3321, %get3A_3322] {strides = array<i32>} : memref<600x32xf32, #tpu.memory_space<vmem>>, vector<16xf32>,
        %swap3A_3324 = arith.index_cast %scan3A_3179 : i32 to index
        %swap3A_3325 = arith.constant 321 : index
        %swap3A_3326 = tpu.vector_load %arg11[%swap3A_3324, %swap3A_3325] {strides = array<i32>} : memref<24x896xf32, #tpu.memory_space<vmem>>, vector<16xf32>,
        tpu.vector_store %arg11[%swap3A_3324, %swap3A_3325], %get3A_3323 {strides = array<i32>} : memref<24x896xf32, #tpu.memory_space<vmem>>, vector<16xf32>,
        %get3A_3327 = arith.index_cast %add3A_3320 : i32 to index
        %get3A_3328 = arith.constant 16 : index
        %get3A_3329 = tpu.vector_load %arg9[%get3A_3327, %get3A_3328] {strides = array<i32>} : memref<600x32xf32, #tpu.memory_space<vmem>>, vector<16xf32>,
        %swap3A_3330 = arith.index_cast %scan3A_3179 : i32 to index
        %swap3A_3331 = arith.constant 337 : index
        %swap3A_3332 = tpu.vector_load %arg11[%swap3A_3330, %swap3A_3331] {strides = array<i32>} : memref<24x896xf32, #tpu.memory_space<vmem>>, vector<16xf32>,
        tpu.vector_store %arg11[%swap3A_3330, %swap3A_3331], %get3A_3329 {strides = array<i32>} : memref<24x896xf32, #tpu.memory_space<vmem>>, vector<16xf32>,
        %add3A_3333 = arith.constant 264 : i32
        %add3A_3334 = arith.addi %add3A_3333, %scan3A_3179 : i32
        %get3A_3335 = arith.index_cast %add3A_3334 : i32 to index
        %get3A_3336 = arith.constant 0 : index
        %get3A_3337 = tpu.vector_load %arg9[%get3A_3335, %get3A_3336] {strides = array<i32>} : memref<600x32xf32, #tpu.memory_space<vmem>>, vector<16xf32>,
        %swap3A_3338 = arith.index_cast %scan3A_3179 : i32 to index
        %swap3A_3339 = arith.constant 353 : index
        %swap3A_3340 = tpu.vector_load %arg11[%swap3A_3338, %swap3A_3339] {strides = array<i32>} : memref<24x896xf32, #tpu.memory_space<vmem>>, vector<16xf32>,
        tpu.vector_store %arg11[%swap3A_3338, %swap3A_3339], %get3A_3337 {strides = array<i32>} : memref<24x896xf32, #tpu.memory_space<vmem>>, vector<16xf32>,
        %get3A_3341 = arith.index_cast %add3A_3334 : i32 to index
        %get3A_3342 = arith.constant 16 : index
        %get3A_3343 = tpu.vector_load %arg9[%get3A_3341, %get3A_3342] {strides = array<i32>} : memref<600x32xf32, #tpu.memory_space<vmem>>, vector<16xf32>,
        %swap3A_3344 = arith.index_cast %scan3A_3179 : i32 to index
        %swap3A_3345 = arith.constant 369 : index
        %swap3A_3346 = tpu.vector_load %arg11[%swap3A_3344, %swap3A_3345] {strides = array<i32>} : memref<24x896xf32, #tpu.memory_space<vmem>>, vector<16xf32>,
        tpu.vector_store %arg11[%swap3A_3344, %swap3A_3345], %get3A_3343 {strides = array<i32>} : memref<24x896xf32, #tpu.memory_space<vmem>>, vector<16xf32>,
        %add3A_3347 = arith.constant 288 : i32
        %add3A_3348 = arith.addi %add3A_3347, %scan3A_3179 : i32
        %get3A_3349 = arith.index_cast %add3A_3348 : i32 to index
        %get3A_3350 = arith.constant 0 : index
        %get3A_3351 = tpu.vector_load %arg9[%get3A_3349, %get3A_3350] {strides = array<i32>} : memref<600x32xf32, #tpu.memory_space<vmem>>, vector<16xf32>,
        %swap3A_3352 = arith.index_cast %scan3A_3179 : i32 to index
        %swap3A_3353 = arith.constant 385 : index
        %swap3A_3354 = tpu.vector_load %arg11[%swap3A_3352, %swap3A_3353] {strides = array<i32>} : memref<24x896xf32, #tpu.memory_space<vmem>>, vector<16xf32>,
        tpu.vector_store %arg11[%swap3A_3352, %swap3A_3353], %get3A_3351 {strides = array<i32>} : memref<24x896xf32, #tpu.memory_space<vmem>>, vector<16xf32>,
        %get3A_3355 = arith.index_cast %add3A_3348 : i32 to index
        %get3A_3356 = arith.constant 16 : index
        %get3A_3357 = tpu.vector_load %arg9[%get3A_3355, %get3A_3356] {strides = array<i32>} : memref<600x32xf32, #tpu.memory_space<vmem>>, vector<16xf32>,
        %swap3A_3358 = arith.index_cast %scan3A_3179 : i32 to index
        %swap3A_3359 = arith.constant 401 : index
        %swap3A_3360 = tpu.vector_load %arg11[%swap3A_3358, %swap3A_3359] {strides = array<i32>} : memref<24x896xf32, #tpu.memory_space<vmem>>, vector<16xf32>,
        tpu.vector_store %arg11[%swap3A_3358, %swap3A_3359], %get3A_3357 {strides = array<i32>} : memref<24x896xf32, #tpu.memory_space<vmem>>, vector<16xf32>,
        %add3A_3361 = arith.constant 312 : i32
        %add3A_3362 = arith.addi %add3A_3361, %scan3A_3179 : i32
        %get3A_3363 = arith.index_cast %add3A_3362 : i32 to index
        %get3A_3364 = arith.constant 0 : index
        %get3A_3365 = tpu.vector_load %arg9[%get3A_3363, %get3A_3364] {strides = array<i32>} : memref<600x32xf32, #tpu.memory_space<vmem>>, vector<16xf32>,
        %swap3A_3366 = arith.index_cast %scan3A_3179 : i32 to index
        %swap3A_3367 = arith.constant 417 : index
        %swap3A_3368 = tpu.vector_load %arg11[%swap3A_3366, %swap3A_3367] {strides = array<i32>} : memref<24x896xf32, #tpu.memory_space<vmem>>, vector<16xf32>,
        tpu.vector_store %arg11[%swap3A_3366, %swap3A_3367], %get3A_3365 {strides = array<i32>} : memref<24x896xf32, #tpu.memory_space<vmem>>, vector<16xf32>,
        %get3A_3369 = arith.index_cast %add3A_3362 : i32 to index
        %get3A_3370 = arith.constant 16 : index
        %get3A_3371 = tpu.vector_load %arg9[%get3A_3369, %get3A_3370] {strides = array<i32>} : memref<600x32xf32, #tpu.memory_space<vmem>>, vector<16xf32>,
        %swap3A_3372 = arith.index_cast %scan3A_3179 : i32 to index
        %swap3A_3373 = arith.constant 433 : index
        %swap3A_3374 = tpu.vector_load %arg11[%swap3A_3372, %swap3A_3373] {strides = array<i32>} : memref<24x896xf32, #tpu.memory_space<vmem>>, vector<16xf32>,
        tpu.vector_store %arg11[%swap3A_3372, %swap3A_3373], %get3A_3371 {strides = array<i32>} : memref<24x896xf32, #tpu.memory_space<vmem>>, vector<16xf32>,
        %add3A_3375 = arith.constant 336 : i32
        %add3A_3376 = arith.addi %add3A_3375, %scan3A_3179 : i32
        %get3A_3377 = arith.index_cast %add3A_3376 : i32 to index
        %get3A_3378 = arith.constant 0 : index
        %get3A_3379 = tpu.vector_load %arg9[%get3A_3377, %get3A_3378] {strides = array<i32>} : memref<600x32xf32, #tpu.memory_space<vmem>>, vector<16xf32>,
        %swap3A_3380 = arith.index_cast %scan3A_3179 : i32 to index
        %swap3A_3381 = arith.constant 449 : index
        %swap3A_3382 = tpu.vector_load %arg11[%swap3A_3380, %swap3A_3381] {strides = array<i32>} : memref<24x896xf32, #tpu.memory_space<vmem>>, vector<16xf32>,
        tpu.vector_store %arg11[%swap3A_3380, %swap3A_3381], %get3A_3379 {strides = array<i32>} : memref<24x896xf32, #tpu.memory_space<vmem>>, vector<16xf32>,
        %get3A_3383 = arith.index_cast %add3A_3376 : i32 to index
        %get3A_3384 = arith.constant 16 : index
        %get3A_3385 = tpu.vector_load %arg9[%get3A_3383, %get3A_3384] {strides = array<i32>} : memref<600x32xf32, #tpu.memory_space<vmem>>, vector<16xf32>,
        %swap3A_3386 = arith.index_cast %scan3A_3179 : i32 to index
        %swap3A_3387 = arith.constant 465 : index
        %swap3A_3388 = tpu.vector_load %arg11[%swap3A_3386, %swap3A_3387] {strides = array<i32>} : memref<24x896xf32, #tpu.memory_space<vmem>>, vector<16xf32>,
        tpu.vector_store %arg11[%swap3A_3386, %swap3A_3387], %get3A_3385 {strides = array<i32>} : memref<24x896xf32, #tpu.memory_space<vmem>>, vector<16xf32>,
        %add3A_3389 = arith.constant 360 : i32
        %add3A_3390 = arith.addi %add3A_3389, %scan3A_3179 : i32
        %get3A_3391 = arith.index_cast %add3A_3390 : i32 to index
        %get3A_3392 = arith.constant 0 : index
        %get3A_3393 = tpu.vector_load %arg9[%get3A_3391, %get3A_3392] {strides = array<i32>} : memref<600x32xf32, #tpu.memory_space<vmem>>, vector<16xf32>,
        %swap3A_3394 = arith.index_cast %scan3A_3179 : i32 to index
        %swap3A_3395 = arith.constant 481 : index
        %swap3A_3396 = tpu.vector_load %arg11[%swap3A_3394, %swap3A_3395] {strides = array<i32>} : memref<24x896xf32, #tpu.memory_space<vmem>>, vector<16xf32>,
        tpu.vector_store %arg11[%swap3A_3394, %swap3A_3395], %get3A_3393 {strides = array<i32>} : memref<24x896xf32, #tpu.memory_space<vmem>>, vector<16xf32>,
        %get3A_3397 = arith.index_cast %add3A_3390 : i32 to index
        %get3A_3398 = arith.constant 16 : index
        %get3A_3399 = tpu.vector_load %arg9[%get3A_3397, %get3A_3398] {strides = array<i32>} : memref<600x32xf32, #tpu.memory_space<vmem>>, vector<16xf32>,
        %swap3A_3400 = arith.index_cast %scan3A_3179 : i32 to index
        %swap3A_3401 = arith.constant 497 : index
        %swap3A_3402 = tpu.vector_load %arg11[%swap3A_3400, %swap3A_3401] {strides = array<i32>} : memref<24x896xf32, #tpu.memory_space<vmem>>, vector<16xf32>,
        tpu.vector_store %arg11[%swap3A_3400, %swap3A_3401], %get3A_3399 {strides = array<i32>} : memref<24x896xf32, #tpu.memory_space<vmem>>, vector<16xf32>,
        %add3A_3403 = arith.constant 384 : i32
        %add3A_3404 = arith.addi %add3A_3403, %scan3A_3179 : i32
        %get3A_3405 = arith.index_cast %add3A_3404 : i32 to index
        %get3A_3406 = arith.constant 0 : index
        %get3A_3407 = tpu.vector_load %arg9[%get3A_3405, %get3A_3406] {strides = array<i32>} : memref<600x32xf32, #tpu.memory_space<vmem>>, vector<16xf32>,
        %swap3A_3408 = arith.index_cast %scan3A_3179 : i32 to index
        %swap3A_3409 = arith.constant 513 : index
        %swap3A_3410 = tpu.vector_load %arg11[%swap3A_3408, %swap3A_3409] {strides = array<i32>} : memref<24x896xf32, #tpu.memory_space<vmem>>, vector<16xf32>,
        tpu.vector_store %arg11[%swap3A_3408, %swap3A_3409], %get3A_3407 {strides = array<i32>} : memref<24x896xf32, #tpu.memory_space<vmem>>, vector<16xf32>,
        %get3A_3411 = arith.index_cast %add3A_3404 : i32 to index
        %get3A_3412 = arith.constant 16 : index
        %get3A_3413 = tpu.vector_load %arg9[%get3A_3411, %get3A_3412] {strides = array<i32>} : memref<600x32xf32, #tpu.memory_space<vmem>>, vector<16xf32>,
        %swap3A_3414 = arith.index_cast %scan3A_3179 : i32 to index
        %swap3A_3415 = arith.constant 529 : index
        %swap3A_3416 = tpu.vector_load %arg11[%swap3A_3414, %swap3A_3415] {strides = array<i32>} : memref<24x896xf32, #tpu.memory_space<vmem>>, vector<16xf32>,
        tpu.vector_store %arg11[%swap3A_3414, %swap3A_3415], %get3A_3413 {strides = array<i32>} : memref<24x896xf32, #tpu.memory_space<vmem>>, vector<16xf32>,
        %add3A_3417 = arith.constant 408 : i32
        %add3A_3418 = arith.addi %add3A_3417, %scan3A_3179 : i32
        %get3A_3419 = arith.index_cast %add3A_3418 : i32 to index
        %get3A_3420 = arith.constant 0 : index
        %get3A_3421 = tpu.vector_load %arg9[%get3A_3419, %get3A_3420] {strides = array<i32>} : memref<600x32xf32, #tpu.memory_space<vmem>>, vector<16xf32>,
        %swap3A_3422 = arith.index_cast %scan3A_3179 : i32 to index
        %swap3A_3423 = arith.constant 545 : index
        %swap3A_3424 = tpu.vector_load %arg11[%swap3A_3422, %swap3A_3423] {strides = array<i32>} : memref<24x896xf32, #tpu.memory_space<vmem>>, vector<16xf32>,
        tpu.vector_store %arg11[%swap3A_3422, %swap3A_3423], %get3A_3421 {strides = array<i32>} : memref<24x896xf32, #tpu.memory_space<vmem>>, vector<16xf32>,
        %get3A_3425 = arith.index_cast %add3A_3418 : i32 to index
        %get3A_3426 = arith.constant 16 : index
        %get3A_3427 = tpu.vector_load %arg9[%get3A_3425, %get3A_3426] {strides = array<i32>} : memref<600x32xf32, #tpu.memory_space<vmem>>, vector<16xf32>,
        %swap3A_3428 = arith.index_cast %scan3A_3179 : i32 to index
        %swap3A_3429 = arith.constant 561 : index
        %swap3A_3430 = tpu.vector_load %arg11[%swap3A_3428, %swap3A_3429] {strides = array<i32>} : memref<24x896xf32, #tpu.memory_space<vmem>>, vector<16xf32>,
        tpu.vector_store %arg11[%swap3A_3428, %swap3A_3429], %get3A_3427 {strides = array<i32>} : memref<24x896xf32, #tpu.memory_space<vmem>>, vector<16xf32>,
        %add3A_3431 = arith.constant 432 : i32
        %add3A_3432 = arith.addi %add3A_3431, %scan3A_3179 : i32
        %get3A_3433 = arith.index_cast %add3A_3432 : i32 to index
        %get3A_3434 = arith.constant 0 : index
        %get3A_3435 = tpu.vector_load %arg9[%get3A_3433, %get3A_3434] {strides = array<i32>} : memref<600x32xf32, #tpu.memory_space<vmem>>, vector<16xf32>,
        %swap3A_3436 = arith.index_cast %scan3A_3179 : i32 to index
        %swap3A_3437 = arith.constant 577 : index
        %swap3A_3438 = tpu.vector_load %arg11[%swap3A_3436, %swap3A_3437] {strides = array<i32>} : memref<24x896xf32, #tpu.memory_space<vmem>>, vector<16xf32>,
        tpu.vector_store %arg11[%swap3A_3436, %swap3A_3437], %get3A_3435 {strides = array<i32>} : memref<24x896xf32, #tpu.memory_space<vmem>>, vector<16xf32>,
        %get3A_3439 = arith.index_cast %add3A_3432 : i32 to index
        %get3A_3440 = arith.constant 16 : index
        %get3A_3441 = tpu.vector_load %arg9[%get3A_3439, %get3A_3440] {strides = array<i32>} : memref<600x32xf32, #tpu.memory_space<vmem>>, vector<16xf32>,
        %swap3A_3442 = arith.index_cast %scan3A_3179 : i32 to index
        %swap3A_3443 = arith.constant 593 : index
        %swap3A_3444 = tpu.vector_load %arg11[%swap3A_3442, %swap3A_3443] {strides = array<i32>} : memref<24x896xf32, #tpu.memory_space<vmem>>, vector<16xf32>,
        tpu.vector_store %arg11[%swap3A_3442, %swap3A_3443], %get3A_3441 {strides = array<i32>} : memref<24x896xf32, #tpu.memory_space<vmem>>, vector<16xf32>,
        %add3A_3445 = arith.constant 456 : i32
        %add3A_3446 = arith.addi %add3A_3445, %scan3A_3179 : i32
        %get3A_3447 = arith.index_cast %add3A_3446 : i32 to index
        %get3A_3448 = arith.constant 0 : index
        %get3A_3449 = tpu.vector_load %arg9[%get3A_3447, %get3A_3448] {strides = array<i32>} : memref<600x32xf32, #tpu.memory_space<vmem>>, vector<16xf32>,
        %swap3A_3450 = arith.index_cast %scan3A_3179 : i32 to index
        %swap3A_3451 = arith.constant 609 : index
        %swap3A_3452 = tpu.vector_load %arg11[%swap3A_3450, %swap3A_3451] {strides = array<i32>} : memref<24x896xf32, #tpu.memory_space<vmem>>, vector<16xf32>,
        tpu.vector_store %arg11[%swap3A_3450, %swap3A_3451], %get3A_3449 {strides = array<i32>} : memref<24x896xf32, #tpu.memory_space<vmem>>, vector<16xf32>,
        %get3A_3453 = arith.index_cast %add3A_3446 : i32 to index
        %get3A_3454 = arith.constant 16 : index
        %get3A_3455 = tpu.vector_load %arg9[%get3A_3453, %get3A_3454] {strides = array<i32>} : memref<600x32xf32, #tpu.memory_space<vmem>>, vector<16xf32>,
        %swap3A_3456 = arith.index_cast %scan3A_3179 : i32 to index
        %swap3A_3457 = arith.constant 625 : index
        %swap3A_3458 = tpu.vector_load %arg11[%swap3A_3456, %swap3A_3457] {strides = array<i32>} : memref<24x896xf32, #tpu.memory_space<vmem>>, vector<16xf32>,
        tpu.vector_store %arg11[%swap3A_3456, %swap3A_3457], %get3A_3455 {strides = array<i32>} : memref<24x896xf32, #tpu.memory_space<vmem>>, vector<16xf32>,
        %add3A_3459 = arith.constant 480 : i32
        %add3A_3460 = arith.addi %add3A_3459, %scan3A_3179 : i32
        %get3A_3461 = arith.index_cast %add3A_3460 : i32 to index
        %get3A_3462 = arith.constant 0 : index
        %get3A_3463 = tpu.vector_load %arg9[%get3A_3461, %get3A_3462] {strides = array<i32>} : memref<600x32xf32, #tpu.memory_space<vmem>>, vector<16xf32>,
        %swap3A_3464 = arith.index_cast %scan3A_3179 : i32 to index
        %swap3A_3465 = arith.constant 641 : index
        %swap3A_3466 = tpu.vector_load %arg11[%swap3A_3464, %swap3A_3465] {strides = array<i32>} : memref<24x896xf32, #tpu.memory_space<vmem>>, vector<16xf32>,
        tpu.vector_store %arg11[%swap3A_3464, %swap3A_3465], %get3A_3463 {strides = array<i32>} : memref<24x896xf32, #tpu.memory_space<vmem>>, vector<16xf32>,
        %get3A_3467 = arith.index_cast %add3A_3460 : i32 to index
        %get3A_3468 = arith.constant 16 : index
        %get3A_3469 = tpu.vector_load %arg9[%get3A_3467, %get3A_3468] {strides = array<i32>} : memref<600x32xf32, #tpu.memory_space<vmem>>, vector<16xf32>,
        %swap3A_3470 = arith.index_cast %scan3A_3179 : i32 to index
        %swap3A_3471 = arith.constant 657 : index
        %swap3A_3472 = tpu.vector_load %arg11[%swap3A_3470, %swap3A_3471] {strides = array<i32>} : memref<24x896xf32, #tpu.memory_space<vmem>>, vector<16xf32>,
        tpu.vector_store %arg11[%swap3A_3470, %swap3A_3471], %get3A_3469 {strides = array<i32>} : memref<24x896xf32, #tpu.memory_space<vmem>>, vector<16xf32>,
        %add3A_3473 = arith.constant 504 : i32
        %add3A_3474 = arith.addi %add3A_3473, %scan3A_3179 : i32
        %get3A_3475 = arith.index_cast %add3A_3474 : i32 to index
        %get3A_3476 = arith.constant 0 : index
        %get3A_3477 = tpu.vector_load %arg9[%get3A_3475, %get3A_3476] {strides = array<i32>} : memref<600x32xf32, #tpu.memory_space<vmem>>, vector<16xf32>,
        %swap3A_3478 = arith.index_cast %scan3A_3179 : i32 to index
        %swap3A_3479 = arith.constant 673 : index
        %swap3A_3480 = tpu.vector_load %arg11[%swap3A_3478, %swap3A_3479] {strides = array<i32>} : memref<24x896xf32, #tpu.memory_space<vmem>>, vector<16xf32>,
        tpu.vector_store %arg11[%swap3A_3478, %swap3A_3479], %get3A_3477 {strides = array<i32>} : memref<24x896xf32, #tpu.memory_space<vmem>>, vector<16xf32>,
        %get3A_3481 = arith.index_cast %add3A_3474 : i32 to index
        %get3A_3482 = arith.constant 16 : index
        %get3A_3483 = tpu.vector_load %arg9[%get3A_3481, %get3A_3482] {strides = array<i32>} : memref<600x32xf32, #tpu.memory_space<vmem>>, vector<16xf32>,
        %swap3A_3484 = arith.index_cast %scan3A_3179 : i32 to index
        %swap3A_3485 = arith.constant 689 : index
        %swap3A_3486 = tpu.vector_load %arg11[%swap3A_3484, %swap3A_3485] {strides = array<i32>} : memref<24x896xf32, #tpu.memory_space<vmem>>, vector<16xf32>,
        tpu.vector_store %arg11[%swap3A_3484, %swap3A_3485], %get3A_3483 {strides = array<i32>} : memref<24x896xf32, #tpu.memory_space<vmem>>, vector<16xf32>,
        %add3A_3487 = arith.constant 528 : i32
        %add3A_3488 = arith.addi %add3A_3487, %scan3A_3179 : i32
        %get3A_3489 = arith.index_cast %add3A_3488 : i32 to index
        %get3A_3490 = arith.constant 0 : index
        %get3A_3491 = tpu.vector_load %arg9[%get3A_3489, %get3A_3490] {strides = array<i32>} : memref<600x32xf32, #tpu.memory_space<vmem>>, vector<16xf32>,
        %swap3A_3492 = arith.index_cast %scan3A_3179 : i32 to index
        %swap3A_3493 = arith.constant 705 : index
        %swap3A_3494 = tpu.vector_load %arg11[%swap3A_3492, %swap3A_3493] {strides = array<i32>} : memref<24x896xf32, #tpu.memory_space<vmem>>, vector<16xf32>,
        tpu.vector_store %arg11[%swap3A_3492, %swap3A_3493], %get3A_3491 {strides = array<i32>} : memref<24x896xf32, #tpu.memory_space<vmem>>, vector<16xf32>,
        %get3A_3495 = arith.index_cast %add3A_3488 : i32 to index
        %get3A_3496 = arith.constant 16 : index
        %get3A_3497 = tpu.vector_load %arg9[%get3A_3495, %get3A_3496] {strides = array<i32>} : memref<600x32xf32, #tpu.memory_space<vmem>>, vector<16xf32>,
        %swap3A_3498 = arith.index_cast %scan3A_3179 : i32 to index
        %swap3A_3499 = arith.constant 721 : index
        %swap3A_3500 = tpu.vector_load %arg11[%swap3A_3498, %swap3A_3499] {strides = array<i32>} : memref<24x896xf32, #tpu.memory_space<vmem>>, vector<16xf32>,
        tpu.vector_store %arg11[%swap3A_3498, %swap3A_3499], %get3A_3497 {strides = array<i32>} : memref<24x896xf32, #tpu.memory_space<vmem>>, vector<16xf32>,
        %add3A_3501 = arith.constant 552 : i32
        %add3A_3502 = arith.addi %add3A_3501, %scan3A_3179 : i32
        %get3A_3503 = arith.index_cast %add3A_3502 : i32 to index
        %get3A_3504 = arith.constant 0 : index
        %get3A_3505 = tpu.vector_load %arg9[%get3A_3503, %get3A_3504] {strides = array<i32>} : memref<600x32xf32, #tpu.memory_space<vmem>>, vector<16xf32>,
        %swap3A_3506 = arith.index_cast %scan3A_3179 : i32 to index
        %swap3A_3507 = arith.constant 737 : index
        %swap3A_3508 = tpu.vector_load %arg11[%swap3A_3506, %swap3A_3507] {strides = array<i32>} : memref<24x896xf32, #tpu.memory_space<vmem>>, vector<16xf32>,
        tpu.vector_store %arg11[%swap3A_3506, %swap3A_3507], %get3A_3505 {strides = array<i32>} : memref<24x896xf32, #tpu.memory_space<vmem>>, vector<16xf32>,
        %get3A_3509 = arith.index_cast %add3A_3502 : i32 to index
        %get3A_3510 = arith.constant 16 : index
        %get3A_3511 = tpu.vector_load %arg9[%get3A_3509, %get3A_3510] {strides = array<i32>} : memref<600x32xf32, #tpu.memory_space<vmem>>, vector<16xf32>,
        %swap3A_3512 = arith.index_cast %scan3A_3179 : i32 to index
        %swap3A_3513 = arith.constant 753 : index
        %swap3A_3514 = tpu.vector_load %arg11[%swap3A_3512, %swap3A_3513] {strides = array<i32>} : memref<24x896xf32, #tpu.memory_space<vmem>>, vector<16xf32>,
        tpu.vector_store %arg11[%swap3A_3512, %swap3A_3513], %get3A_3511 {strides = array<i32>} : memref<24x896xf32, #tpu.memory_space<vmem>>, vector<16xf32>,
        %add3A_3515 = arith.constant 576 : i32
        %add3A_3516 = arith.addi %add3A_3515, %scan3A_3179 : i32
        %get3A_3517 = arith.index_cast %add3A_3516 : i32 to index
        %get3A_3518 = arith.constant 0 : index
        %get3A_3519 = tpu.vector_load %arg9[%get3A_3517, %get3A_3518] {strides = array<i32>} : memref<600x32xf32, #tpu.memory_space<vmem>>, vector<16xf32>,
        %swap3A_3520 = arith.index_cast %scan3A_3179 : i32 to index
        %swap3A_3521 = arith.constant 769 : index
        %swap3A_3522 = tpu.vector_load %arg11[%swap3A_3520, %swap3A_3521] {strides = array<i32>} : memref<24x896xf32, #tpu.memory_space<vmem>>, vector<16xf32>,
        tpu.vector_store %arg11[%swap3A_3520, %swap3A_3521], %get3A_3519 {strides = array<i32>} : memref<24x896xf32, #tpu.memory_space<vmem>>, vector<16xf32>,
        %get3A_3523 = arith.index_cast %add3A_3516 : i32 to index
        %get3A_3524 = arith.constant 16 : index
        %get3A_3525 = tpu.vector_load %arg9[%get3A_3523, %get3A_3524] {strides = array<i32>} : memref<600x32xf32, #tpu.memory_space<vmem>>, vector<16xf32>,
        %swap3A_3526 = arith.index_cast %scan3A_3179 : i32 to index
        %swap3A_3527 = arith.constant 785 : index
        %swap3A_3528 = tpu.vector_load %arg11[%swap3A_3526, %swap3A_3527] {strides = array<i32>} : memref<24x896xf32, #tpu.memory_space<vmem>>, vector<16xf32>,
        tpu.vector_store %arg11[%swap3A_3526, %swap3A_3527], %get3A_3525 {strides = array<i32>} : memref<24x896xf32, #tpu.memory_space<vmem>>, vector<16xf32>,
      }
      %scan3A_2813 = arith.constant 24 : i32
      %add3A_2814 = arith.constant 0 : i32
      %add3A_2815 = vector.broadcast %add3A_2814 : i32 to vector<16xi32>
      %add3A_2816 = arith.addi %iota3A, %add3A_2815 : vector<16xi32>
      %add3A_2817 = arith.constant 0 : i32
      %add3A_2818 = vector.broadcast %add3A_2817 : i32 to vector<16xi32>
      %add3A_2819 = arith.addi %add3A_2816, %add3A_2818 : vector<16xi32>
      %add3A_2820 = vector.broadcast %sub3A_120 : i32 to vector<16xi32>
      %add3A_2821 = arith.addi %add3A_2819, %add3A_2820 : vector<16xi32>
      %shift_right_arithmetic3A_2822 = arith.constant 7 : i32
      %shift_right_arithmetic3A_2823 = vector.broadcast %shift_right_arithmetic3A_2822 : i32 to vector<16xi32>
      %shift_right_arithmetic3A_2824 = arith.shrsi %add3A_2821, %shift_right_arithmetic3A_2823 : vector<16xi32>
      %and3A_2825 = arith.constant 127 : i32
      %and3A_2826 = vector.broadcast %and3A_2825 : i32 to vector<16xi32>
      %and3A_2827 = arith.andi %add3A_2821, %and3A_2826 : vector<16xi32>
      %gather3A_2828 = arith.constant 0 : i32
      %gather3A_2829 = arith.constant 0 : i32
      %gather3A_2830 = tpu.memref_slice %arg7[%rem3A_122, %gather3A_2828, %gather3A_2829] : memref<2x2x128xf32, #tpu.memory_space<vmem>> -> memref<1x2x128xf32, #tpu.memory_space<vmem>>
      %gather3A_2831 = tpu.memref_squeeze %gather3A_2830 : memref<1x2x128xf32, #tpu.memory_space<vmem>> -> memref<2x128xf32, #tpu.memory_space<vmem>>
      %gather3A_2832 = tpu.vector_load_idx %gather3A_2831[%shift_right_arithmetic3A_2824, %and3A_2827] : memref<2x128xf32, #tpu.memory_space<vmem>>[vector<16xi32>, vector<16xi32>], vector<16xf32>,
      %add3A_2833 = arith.constant 0 : i32
      %add3A_2834 = vector.broadcast %add3A_2833 : i32 to vector<16xi32>
      %add3A_2835 = arith.addi %iota3A, %add3A_2834 : vector<16xi32>
      tpu.vector_store_idx %arg11[%add3A_2835, %broadcast_in_dim3A_1], %gather3A_2832 : memref<24x896xf32, #tpu.memory_space<vmem>>[vector<16xi32>, vector<16xi32>], vector<16xf32>,
      %add3A_2836 = arith.constant 8 : i32
      %add3A_2837 = vector.broadcast %add3A_2836 : i32 to vector<16xi32>
      %add3A_2838 = arith.addi %iota3A, %add3A_2837 : vector<16xi32>
      %add3A_2839 = arith.constant 0 : i32
      %add3A_2840 = vector.broadcast %add3A_2839 : i32 to vector<16xi32>
      %add3A_2841 = arith.addi %add3A_2838, %add3A_2840 : vector<16xi32>
      %add3A_2842 = vector.broadcast %sub3A_120 : i32 to vector<16xi32>
      %add3A_2843 = arith.addi %add3A_2841, %add3A_2842 : vector<16xi32>
      %shift_right_arithmetic3A_2844 = arith.constant 7 : i32
      %shift_right_arithmetic3A_2845 = vector.broadcast %shift_right_arithmetic3A_2844 : i32 to vector<16xi32>
      %shift_right_arithmetic3A_2846 = arith.shrsi %add3A_2843, %shift_right_arithmetic3A_2845 : vector<16xi32>
      %and3A_2847 = arith.constant 127 : i32
      %and3A_2848 = vector.broadcast %and3A_2847 : i32 to vector<16xi32>
      %and3A_2849 = arith.andi %add3A_2843, %and3A_2848 : vector<16xi32>
      %gather3A_2850 = arith.constant 0 : i32
      %gather3A_2851 = arith.constant 0 : i32
      %gather3A_2852 = tpu.memref_slice %arg7[%rem3A_122, %gather3A_2850, %gather3A_2851] : memref<2x2x128xf32, #tpu.memory_space<vmem>> -> memref<1x2x128xf32, #tpu.memory_space<vmem>>
      %gather3A_2853 = tpu.memref_squeeze %gather3A_2852 : memref<1x2x128xf32, #tpu.memory_space<vmem>> -> memref<2x128xf32, #tpu.memory_space<vmem>>
      %gather3A_2854 = tpu.vector_load_idx %gather3A_2853[%shift_right_arithmetic3A_2846, %and3A_2849] : memref<2x128xf32, #tpu.memory_space<vmem>>[vector<16xi32>, vector<16xi32>], vector<16xf32>,
      %add3A_2855 = arith.constant 8 : i32
      %add3A_2856 = vector.broadcast %add3A_2855 : i32 to vector<16xi32>
      %add3A_2857 = arith.addi %iota3A, %add3A_2856 : vector<16xi32>
      tpu.vector_store_idx %arg11[%add3A_2857, %broadcast_in_dim3A_1], %gather3A_2854 : memref<24x896xf32, #tpu.memory_space<vmem>>[vector<16xi32>, vector<16xi32>], vector<16xf32>,
      %dma_start3A_2858 = arith.constant 0 : i32
      %dma_start3A_2859 = arith.constant 0 : i32
      %dma_start3A_2860 = tpu.memref_slice %arg5[%add3A_100, %dma_start3A_2858, %dma_start3A_2859] : memref<1024x56x896xf32, #tpu.memory_space<hbm>> -> memref<1x24x896xf32, #tpu.memory_space<hbm>>
      %dma_start3A_2861 = tpu.memref_squeeze %dma_start3A_2860 : memref<1x24x896xf32, #tpu.memory_space<hbm>> -> memref<24x896xf32, #tpu.memory_space<hbm>>
      %dma_start3A_2862 = arith.constant 0 : i32
      %dma_start3A_2863 = arith.constant 0 : i32
      %dma_start3A_2864 = tpu.memref_slice %arg5[%add3A_100, %dma_start3A_2862, %dma_start3A_2863] : memref<1024x56x896xf32, #tpu.memory_space<hbm>> -> memref<1x24x896xf32, #tpu.memory_space<hbm>>
      %dma_start3A_2865 = tpu.memref_squeeze %dma_start3A_2864 : memref<1x24x896xf32, #tpu.memory_space<hbm>> -> memref<24x896xf32, #tpu.memory_space<hbm>>
      tpu.enqueue_dma source(%arg11 : memref<24x896xf32, #tpu.memory_space<vmem>>) target(%dma_start3A_2865 : memref<24x896xf32, #tpu.memory_space<hbm>>) target_semaphore(%arg15 : memref<!tpu.dma_semaphore, #tpu.memory_space<semaphore_mem>>)
      %gt3A_2866 = arith.constant 0 : i32
      %gt3A_2867 = arith.cmpi sgt, %scan3A_97, %gt3A_2866 : i32
      %convert_element_type3A_2868 = arith.extui %gt3A_2867 : i1 to i32
      %cond3A_2869 = arith.constant 0 : i32
      %cond3A_2870 = arith.cmpi ne, %convert_element_type3A_2868, %cond3A_2869 : i32
      scf.if %cond3A_2870 {
        %dma_wait3A_3179 = arith.constant 24 : i32
        %dma_wait3A_3180 = arith.constant 0 : i32
        %dma_wait3A_3181 = tpu.memref_slice %arg5[%add3A_100, %dma_wait3A_3179, %dma_wait3A_3180] : memref<1024x56x896xf32, #tpu.memory_space<hbm>> -> memref<1x32x896xf32, #tpu.memory_space<hbm>>
        %dma_wait3A_3182 = tpu.memref_squeeze %dma_wait3A_3181 : memref<1x32x896xf32, #tpu.memory_space<hbm>> -> memref<32x896xf32, #tpu.memory_space<hbm>>
        %dma_wait3A_3183 = arith.constant 24 : i32
        %dma_wait3A_3184 = arith.constant 0 : i32
        %dma_wait3A_3185 = tpu.memref_slice %arg5[%add3A_100, %dma_wait3A_3183, %dma_wait3A_3184] : memref<1024x56x896xf32, #tpu.memory_space<hbm>> -> memref<1x32x896xf32, #tpu.memory_space<hbm>>
        %dma_wait3A_3186 = tpu.memref_squeeze %dma_wait3A_3185 : memref<1x32x896xf32, #tpu.memory_space<hbm>> -> memref<32x896xf32, #tpu.memory_space<hbm>>
        tpu.wait_dma2 semaphore(%arg16 : memref<!tpu.dma_semaphore, #tpu.memory_space<semaphore_mem>>) src(%arg12 : memref<32x896xf32, #tpu.memory_space<vmem>>) dst(%dma_wait3A_3186 : memref<32x896xf32, #tpu.memory_space<hbm>>)
      } else {
      }
      %dma_wait3A_2871 = arith.constant 1 : i32
      %dma_wait3A_2872 = arith.constant 0 : i32
      %dma_wait3A_2873 = arith.constant 0 : i32
      %dma_wait3A_2874 = tpu.memref_slice %arg10[%dma_wait3A_2872, %dma_wait3A_2873] : memref<650x32xf32, #tpu.memory_space<vmem>> -> memref<26x32xf32, #tpu.memory_space<vmem>>
      %dma_wait3A_2875 = arith.constant 0 : i32
      %dma_wait3A_2876 = tpu.memref_slice %arg8[%dma_wait3A_2871, %dma_wait3A_2875] : memref<50x26xi32, #tpu.memory_space<vmem>> -> memref<1x26xi32, #tpu.memory_space<vmem>>
      %dma_wait3A_2877 = tpu.memref_squeeze %dma_wait3A_2876 : memref<1x26xi32, #tpu.memory_space<vmem>> -> memref<26xi32, #tpu.memory_space<vmem>>
      %dma_wait3A_2878 = arith.constant 0 : i32
      %dma_wait3A_2879 = arith.constant 0 : i32
      %dma_wait3A_2880 = tpu.memref_slice %arg4[%dma_wait3A_2878, %dma_wait3A_2879] : memref<1000000x32xf32, #tpu.memory_space<hbm>> -> memref<1000000x32xf32, #tpu.memory_space<hbm>>
      tpu.wait_indirect_dma semaphore(%arg14 : memref<!tpu.dma_semaphore, #tpu.memory_space<semaphore_mem>>) src(%dma_wait3A_2880 : memref<1000000x32xf32, #tpu.memory_space<hbm>>) dst(%dma_wait3A_2874 : memref<26x32xf32, #tpu.memory_space<vmem>>)
      %dma_wait3A_2881 = arith.constant 3 : i32
      %dma_wait3A_2882 = arith.constant 26 : i32
      %dma_wait3A_2883 = arith.constant 0 : i32
      %dma_wait3A_2884 = tpu.memref_slice %arg10[%dma_wait3A_2882, %dma_wait3A_2883] : memref<650x32xf32, #tpu.memory_space<vmem>> -> memref<26x32xf32, #tpu.memory_space<vmem>>
      %dma_wait3A_2885 = arith.constant 0 : i32
      %dma_wait3A_2886 = tpu.memref_slice %arg8[%dma_wait3A_2881, %dma_wait3A_2885] : memref<50x26xi32, #tpu.memory_space<vmem>> -> memref<1x26xi32, #tpu.memory_space<vmem>>
      %dma_wait3A_2887 = tpu.memref_squeeze %dma_wait3A_2886 : memref<1x26xi32, #tpu.memory_space<vmem>> -> memref<26xi32, #tpu.memory_space<vmem>>
      %dma_wait3A_2888 = arith.constant 0 : i32
      %dma_wait3A_2889 = arith.constant 0 : i32
      %dma_wait3A_2890 = tpu.memref_slice %arg4[%dma_wait3A_2888, %dma_wait3A_2889] : memref<1000000x32xf32, #tpu.memory_space<hbm>> -> memref<1000000x32xf32, #tpu.memory_space<hbm>>
      tpu.wait_indirect_dma semaphore(%arg14 : memref<!tpu.dma_semaphore, #tpu.memory_space<semaphore_mem>>) src(%dma_wait3A_2890 : memref<1000000x32xf32, #tpu.memory_space<hbm>>) dst(%dma_wait3A_2884 : memref<26x32xf32, #tpu.memory_space<vmem>>)
      %dma_wait3A_2891 = arith.constant 5 : i32
      %dma_wait3A_2892 = arith.constant 52 : i32
      %dma_wait3A_2893 = arith.constant 0 : i32
      %dma_wait3A_2894 = tpu.memref_slice %arg10[%dma_wait3A_2892, %dma_wait3A_2893] : memref<650x32xf32, #tpu.memory_space<vmem>> -> memref<26x32xf32, #tpu.memory_space<vmem>>
      %dma_wait3A_2895 = arith.constant 0 : i32
      %dma_wait3A_2896 = tpu.memref_slice %arg8[%dma_wait3A_2891, %dma_wait3A_2895] : memref<50x26xi32, #tpu.memory_space<vmem>> -> memref<1x26xi32, #tpu.memory_space<vmem>>
      %dma_wait3A_2897 = tpu.memref_squeeze %dma_wait3A_2896 : memref<1x26xi32, #tpu.memory_space<vmem>> -> memref<26xi32, #tpu.memory_space<vmem>>
      %dma_wait3A_2898 = arith.constant 0 : i32
      %dma_wait3A_2899 = arith.constant 0 : i32
      %dma_wait3A_2900 = tpu.memref_slice %arg4[%dma_wait3A_2898, %dma_wait3A_2899] : memref<1000000x32xf32, #tpu.memory_space<hbm>> -> memref<1000000x32xf32, #tpu.memory_space<hbm>>
      tpu.wait_indirect_dma semaphore(%arg14 : memref<!tpu.dma_semaphore, #tpu.memory_space<semaphore_mem>>) src(%dma_wait3A_2900 : memref<1000000x32xf32, #tpu.memory_space<hbm>>) dst(%dma_wait3A_2894 : memref<26x32xf32, #tpu.memory_space<vmem>>)
      %dma_wait3A_2901 = arith.constant 7 : i32
      %dma_wait3A_2902 = arith.constant 78 : i32
      %dma_wait3A_2903 = arith.constant 0 : i32
      %dma_wait3A_2904 = tpu.memref_slice %arg10[%dma_wait3A_2902, %dma_wait3A_2903] : memref<650x32xf32, #tpu.memory_space<vmem>> -> memref<26x32xf32, #tpu.memory_space<vmem>>
      %dma_wait3A_2905 = arith.constant 0 : i32
      %dma_wait3A_2906 = tpu.memref_slice %arg8[%dma_wait3A_2901, %dma_wait3A_2905] : memref<50x26xi32, #tpu.memory_space<vmem>> -> memref<1x26xi32, #tpu.memory_space<vmem>>
      %dma_wait3A_2907 = tpu.memref_squeeze %dma_wait3A_2906 : memref<1x26xi32, #tpu.memory_space<vmem>> -> memref<26xi32, #tpu.memory_space<vmem>>
      %dma_wait3A_2908 = arith.constant 0 : i32
      %dma_wait3A_2909 = arith.constant 0 : i32
      %dma_wait3A_2910 = tpu.memref_slice %arg4[%dma_wait3A_2908, %dma_wait3A_2909] : memref<1000000x32xf32, #tpu.memory_space<hbm>> -> memref<1000000x32xf32, #tpu.memory_space<hbm>>
      tpu.wait_indirect_dma semaphore(%arg14 : memref<!tpu.dma_semaphore, #tpu.memory_space<semaphore_mem>>) src(%dma_wait3A_2910 : memref<1000000x32xf32, #tpu.memory_space<hbm>>) dst(%dma_wait3A_2904 : memref<26x32xf32, #tpu.memory_space<vmem>>)
      %dma_wait3A_2911 = arith.constant 9 : i32
      %dma_wait3A_2912 = arith.constant 104 : i32
      %dma_wait3A_2913 = arith.constant 0 : i32
      %dma_wait3A_2914 = tpu.memref_slice %arg10[%dma_wait3A_2912, %dma_wait3A_2913] : memref<650x32xf32, #tpu.memory_space<vmem>> -> memref<26x32xf32, #tpu.memory_space<vmem>>
      %dma_wait3A_2915 = arith.constant 0 : i32
      %dma_wait3A_2916 = tpu.memref_slice %arg8[%dma_wait3A_2911, %dma_wait3A_2915] : memref<50x26xi32, #tpu.memory_space<vmem>> -> memref<1x26xi32, #tpu.memory_space<vmem>>
      %dma_wait3A_2917 = tpu.memref_squeeze %dma_wait3A_2916 : memref<1x26xi32, #tpu.memory_space<vmem>> -> memref<26xi32, #tpu.memory_space<vmem>>
      %dma_wait3A_2918 = arith.constant 0 : i32
      %dma_wait3A_2919 = arith.constant 0 : i32
      %dma_wait3A_2920 = tpu.memref_slice %arg4[%dma_wait3A_2918, %dma_wait3A_2919] : memref<1000000x32xf32, #tpu.memory_space<hbm>> -> memref<1000000x32xf32, #tpu.memory_space<hbm>>
      tpu.wait_indirect_dma semaphore(%arg14 : memref<!tpu.dma_semaphore, #tpu.memory_space<semaphore_mem>>) src(%dma_wait3A_2920 : memref<1000000x32xf32, #tpu.memory_space<hbm>>) dst(%dma_wait3A_2914 : memref<26x32xf32, #tpu.memory_space<vmem>>)
      %dma_wait3A_2921 = arith.constant 11 : i32
      %dma_wait3A_2922 = arith.constant 130 : i32
      %dma_wait3A_2923 = arith.constant 0 : i32
      %dma_wait3A_2924 = tpu.memref_slice %arg10[%dma_wait3A_2922, %dma_wait3A_2923] : memref<650x32xf32, #tpu.memory_space<vmem>> -> memref<26x32xf32, #tpu.memory_space<vmem>>
      %dma_wait3A_2925 = arith.constant 0 : i32
      %dma_wait3A_2926 = tpu.memref_slice %arg8[%dma_wait3A_2921, %dma_wait3A_2925] : memref<50x26xi32, #tpu.memory_space<vmem>> -> memref<1x26xi32, #tpu.memory_space<vmem>>
      %dma_wait3A_2927 = tpu.memref_squeeze %dma_wait3A_2926 : memref<1x26xi32, #tpu.memory_space<vmem>> -> memref<26xi32, #tpu.memory_space<vmem>>
      %dma_wait3A_2928 = arith.constant 0 : i32
      %dma_wait3A_2929 = arith.constant 0 : i32
      %dma_wait3A_2930 = tpu.memref_slice %arg4[%dma_wait3A_2928, %dma_wait3A_2929] : memref<1000000x32xf32, #tpu.memory_space<hbm>> -> memref<1000000x32xf32, #tpu.memory_space<hbm>>
      tpu.wait_indirect_dma semaphore(%arg14 : memref<!tpu.dma_semaphore, #tpu.memory_space<semaphore_mem>>) src(%dma_wait3A_2930 : memref<1000000x32xf32, #tpu.memory_space<hbm>>) dst(%dma_wait3A_2924 : memref<26x32xf32, #tpu.memory_space<vmem>>)
      %dma_wait3A_2931 = arith.constant 13 : i32
      %dma_wait3A_2932 = arith.constant 156 : i32
      %dma_wait3A_2933 = arith.constant 0 : i32
      %dma_wait3A_2934 = tpu.memref_slice %arg10[%dma_wait3A_2932, %dma_wait3A_2933] : memref<650x32xf32, #tpu.memory_space<vmem>> -> memref<26x32xf32, #tpu.memory_space<vmem>>
      %dma_wait3A_2935 = arith.constant 0 : i32
      %dma_wait3A_2936 = tpu.memref_slice %arg8[%dma_wait3A_2931, %dma_wait3A_2935] : memref<50x26xi32, #tpu.memory_space<vmem>> -> memref<1x26xi32, #tpu.memory_space<vmem>>
      %dma_wait3A_2937 = tpu.memref_squeeze %dma_wait3A_2936 : memref<1x26xi32, #tpu.memory_space<vmem>> -> memref<26xi32, #tpu.memory_space<vmem>>
      %dma_wait3A_2938 = arith.constant 0 : i32
      %dma_wait3A_2939 = arith.constant 0 : i32
      %dma_wait3A_2940 = tpu.memref_slice %arg4[%dma_wait3A_2938, %dma_wait3A_2939] : memref<1000000x32xf32, #tpu.memory_space<hbm>> -> memref<1000000x32xf32, #tpu.memory_space<hbm>>
      tpu.wait_indirect_dma semaphore(%arg14 : memref<!tpu.dma_semaphore, #tpu.memory_space<semaphore_mem>>) src(%dma_wait3A_2940 : memref<1000000x32xf32, #tpu.memory_space<hbm>>) dst(%dma_wait3A_2934 : memref<26x32xf32, #tpu.memory_space<vmem>>)
      %dma_wait3A_2941 = arith.constant 15 : i32
      %dma_wait3A_2942 = arith.constant 182 : i32
      %dma_wait3A_2943 = arith.constant 0 : i32
      %dma_wait3A_2944 = tpu.memref_slice %arg10[%dma_wait3A_2942, %dma_wait3A_2943] : memref<650x32xf32, #tpu.memory_space<vmem>> -> memref<26x32xf32, #tpu.memory_space<vmem>>
      %dma_wait3A_2945 = arith.constant 0 : i32
      %dma_wait3A_2946 = tpu.memref_slice %arg8[%dma_wait3A_2941, %dma_wait3A_2945] : memref<50x26xi32, #tpu.memory_space<vmem>> -> memref<1x26xi32, #tpu.memory_space<vmem>>
      %dma_wait3A_2947 = tpu.memref_squeeze %dma_wait3A_2946 : memref<1x26xi32, #tpu.memory_space<vmem>> -> memref<26xi32, #tpu.memory_space<vmem>>
      %dma_wait3A_2948 = arith.constant 0 : i32
      %dma_wait3A_2949 = arith.constant 0 : i32
      %dma_wait3A_2950 = tpu.memref_slice %arg4[%dma_wait3A_2948, %dma_wait3A_2949] : memref<1000000x32xf32, #tpu.memory_space<hbm>> -> memref<1000000x32xf32, #tpu.memory_space<hbm>>
      tpu.wait_indirect_dma semaphore(%arg14 : memref<!tpu.dma_semaphore, #tpu.memory_space<semaphore_mem>>) src(%dma_wait3A_2950 : memref<1000000x32xf32, #tpu.memory_space<hbm>>) dst(%dma_wait3A_2944 : memref<26x32xf32, #tpu.memory_space<vmem>>)
      %dma_wait3A_2951 = arith.constant 17 : i32
      %dma_wait3A_2952 = arith.constant 208 : i32
      %dma_wait3A_2953 = arith.constant 0 : i32
      %dma_wait3A_2954 = tpu.memref_slice %arg10[%dma_wait3A_2952, %dma_wait3A_2953] : memref<650x32xf32, #tpu.memory_space<vmem>> -> memref<26x32xf32, #tpu.memory_space<vmem>>
      %dma_wait3A_2955 = arith.constant 0 : i32
      %dma_wait3A_2956 = tpu.memref_slice %arg8[%dma_wait3A_2951, %dma_wait3A_2955] : memref<50x26xi32, #tpu.memory_space<vmem>> -> memref<1x26xi32, #tpu.memory_space<vmem>>
      %dma_wait3A_2957 = tpu.memref_squeeze %dma_wait3A_2956 : memref<1x26xi32, #tpu.memory_space<vmem>> -> memref<26xi32, #tpu.memory_space<vmem>>
      %dma_wait3A_2958 = arith.constant 0 : i32
      %dma_wait3A_2959 = arith.constant 0 : i32
      %dma_wait3A_2960 = tpu.memref_slice %arg4[%dma_wait3A_2958, %dma_wait3A_2959] : memref<1000000x32xf32, #tpu.memory_space<hbm>> -> memref<1000000x32xf32, #tpu.memory_space<hbm>>
      tpu.wait_indirect_dma semaphore(%arg14 : memref<!tpu.dma_semaphore, #tpu.memory_space<semaphore_mem>>) src(%dma_wait3A_2960 : memref<1000000x32xf32, #tpu.memory_space<hbm>>) dst(%dma_wait3A_2954 : memref<26x32xf32, #tpu.memory_space<vmem>>)
      %dma_wait3A_2961 = arith.constant 19 : i32
      %dma_wait3A_2962 = arith.constant 234 : i32
      %dma_wait3A_2963 = arith.constant 0 : i32
      %dma_wait3A_2964 = tpu.memref_slice %arg10[%dma_wait3A_2962, %dma_wait3A_2963] : memref<650x32xf32, #tpu.memory_space<vmem>> -> memref<26x32xf32, #tpu.memory_space<vmem>>
      %dma_wait3A_2965 = arith.constant 0 : i32
      %dma_wait3A_2966 = tpu.memref_slice %arg8[%dma_wait3A_2961, %dma_wait3A_2965] : memref<50x26xi32, #tpu.memory_space<vmem>> -> memref<1x26xi32, #tpu.memory_space<vmem>>
      %dma_wait3A_2967 = tpu.memref_squeeze %dma_wait3A_2966 : memref<1x26xi32, #tpu.memory_space<vmem>> -> memref<26xi32, #tpu.memory_space<vmem>>
      %dma_wait3A_2968 = arith.constant 0 : i32
      %dma_wait3A_2969 = arith.constant 0 : i32
      %dma_wait3A_2970 = tpu.memref_slice %arg4[%dma_wait3A_2968, %dma_wait3A_2969] : memref<1000000x32xf32, #tpu.memory_space<hbm>> -> memref<1000000x32xf32, #tpu.memory_space<hbm>>
      tpu.wait_indirect_dma semaphore(%arg14 : memref<!tpu.dma_semaphore, #tpu.memory_space<semaphore_mem>>) src(%dma_wait3A_2970 : memref<1000000x32xf32, #tpu.memory_space<hbm>>) dst(%dma_wait3A_2964 : memref<26x32xf32, #tpu.memory_space<vmem>>)
      %dma_wait3A_2971 = arith.constant 21 : i32
      %dma_wait3A_2972 = arith.constant 260 : i32
      %dma_wait3A_2973 = arith.constant 0 : i32
      %dma_wait3A_2974 = tpu.memref_slice %arg10[%dma_wait3A_2972, %dma_wait3A_2973] : memref<650x32xf32, #tpu.memory_space<vmem>> -> memref<26x32xf32, #tpu.memory_space<vmem>>
      %dma_wait3A_2975 = arith.constant 0 : i32
      %dma_wait3A_2976 = tpu.memref_slice %arg8[%dma_wait3A_2971, %dma_wait3A_2975] : memref<50x26xi32, #tpu.memory_space<vmem>> -> memref<1x26xi32, #tpu.memory_space<vmem>>
      %dma_wait3A_2977 = tpu.memref_squeeze %dma_wait3A_2976 : memref<1x26xi32, #tpu.memory_space<vmem>> -> memref<26xi32, #tpu.memory_space<vmem>>
      %dma_wait3A_2978 = arith.constant 0 : i32
      %dma_wait3A_2979 = arith.constant 0 : i32
      %dma_wait3A_2980 = tpu.memref_slice %arg4[%dma_wait3A_2978, %dma_wait3A_2979] : memref<1000000x32xf32, #tpu.memory_space<hbm>> -> memref<1000000x32xf32, #tpu.memory_space<hbm>>
      tpu.wait_indirect_dma semaphore(%arg14 : memref<!tpu.dma_semaphore, #tpu.memory_space<semaphore_mem>>) src(%dma_wait3A_2980 : memref<1000000x32xf32, #tpu.memory_space<hbm>>) dst(%dma_wait3A_2974 : memref<26x32xf32, #tpu.memory_space<vmem>>)
      %dma_wait3A_2981 = arith.constant 23 : i32
      %dma_wait3A_2982 = arith.constant 286 : i32
      %dma_wait3A_2983 = arith.constant 0 : i32
      %dma_wait3A_2984 = tpu.memref_slice %arg10[%dma_wait3A_2982, %dma_wait3A_2983] : memref<650x32xf32, #tpu.memory_space<vmem>> -> memref<26x32xf32, #tpu.memory_space<vmem>>
      %dma_wait3A_2985 = arith.constant 0 : i32
      %dma_wait3A_2986 = tpu.memref_slice %arg8[%dma_wait3A_2981, %dma_wait3A_2985] : memref<50x26xi32, #tpu.memory_space<vmem>> -> memref<1x26xi32, #tpu.memory_space<vmem>>
      %dma_wait3A_2987 = tpu.memref_squeeze %dma_wait3A_2986 : memref<1x26xi32, #tpu.memory_space<vmem>> -> memref<26xi32, #tpu.memory_space<vmem>>
      %dma_wait3A_2988 = arith.constant 0 : i32
      %dma_wait3A_2989 = arith.constant 0 : i32
      %dma_wait3A_2990 = tpu.memref_slice %arg4[%dma_wait3A_2988, %dma_wait3A_2989] : memref<1000000x32xf32, #tpu.memory_space<hbm>> -> memref<1000000x32xf32, #tpu.memory_space<hbm>>
      tpu.wait_indirect_dma semaphore(%arg14 : memref<!tpu.dma_semaphore, #tpu.memory_space<semaphore_mem>>) src(%dma_wait3A_2990 : memref<1000000x32xf32, #tpu.memory_space<hbm>>) dst(%dma_wait3A_2984 : memref<26x32xf32, #tpu.memory_space<vmem>>)
      %dma_wait3A_2991 = arith.constant 25 : i32
      %dma_wait3A_2992 = arith.constant 312 : i32
      %dma_wait3A_2993 = arith.constant 0 : i32
      %dma_wait3A_2994 = tpu.memref_slice %arg10[%dma_wait3A_2992, %dma_wait3A_2993] : memref<650x32xf32, #tpu.memory_space<vmem>> -> memref<26x32xf32, #tpu.memory_space<vmem>>
      %dma_wait3A_2995 = arith.constant 0 : i32
      %dma_wait3A_2996 = tpu.memref_slice %arg8[%dma_wait3A_2991, %dma_wait3A_2995] : memref<50x26xi32, #tpu.memory_space<vmem>> -> memref<1x26xi32, #tpu.memory_space<vmem>>
      %dma_wait3A_2997 = tpu.memref_squeeze %dma_wait3A_2996 : memref<1x26xi32, #tpu.memory_space<vmem>> -> memref<26xi32, #tpu.memory_space<vmem>>
      %dma_wait3A_2998 = arith.constant 0 : i32
      %dma_wait3A_2999 = arith.constant 0 : i32
      %dma_wait3A_3000 = tpu.memref_slice %arg4[%dma_wait3A_2998, %dma_wait3A_2999] : memref<1000000x32xf32, #tpu.memory_space<hbm>> -> memref<1000000x32xf32, #tpu.memory_space<hbm>>
      tpu.wait_indirect_dma semaphore(%arg14 : memref<!tpu.dma_semaphore, #tpu.memory_space<semaphore_mem>>) src(%dma_wait3A_3000 : memref<1000000x32xf32, #tpu.memory_space<hbm>>) dst(%dma_wait3A_2994 : memref<26x32xf32, #tpu.memory_space<vmem>>)
      %dma_wait3A_3001 = arith.constant 27 : i32
      %dma_wait3A_3002 = arith.constant 338 : i32
      %dma_wait3A_3003 = arith.constant 0 : i32
      %dma_wait3A_3004 = tpu.memref_slice %arg10[%dma_wait3A_3002, %dma_wait3A_3003] : memref<650x32xf32, #tpu.memory_space<vmem>> -> memref<26x32xf32, #tpu.memory_space<vmem>>
      %dma_wait3A_3005 = arith.constant 0 : i32
      %dma_wait3A_3006 = tpu.memref_slice %arg8[%dma_wait3A_3001, %dma_wait3A_3005] : memref<50x26xi32, #tpu.memory_space<vmem>> -> memref<1x26xi32, #tpu.memory_space<vmem>>
      %dma_wait3A_3007 = tpu.memref_squeeze %dma_wait3A_3006 : memref<1x26xi32, #tpu.memory_space<vmem>> -> memref<26xi32, #tpu.memory_space<vmem>>
      %dma_wait3A_3008 = arith.constant 0 : i32
      %dma_wait3A_3009 = arith.constant 0 : i32
      %dma_wait3A_3010 = tpu.memref_slice %arg4[%dma_wait3A_3008, %dma_wait3A_3009] : memref<1000000x32xf32, #tpu.memory_space<hbm>> -> memref<1000000x32xf32, #tpu.memory_space<hbm>>
      tpu.wait_indirect_dma semaphore(%arg14 : memref<!tpu.dma_semaphore, #tpu.memory_space<semaphore_mem>>) src(%dma_wait3A_3010 : memref<1000000x32xf32, #tpu.memory_space<hbm>>) dst(%dma_wait3A_3004 : memref<26x32xf32, #tpu.memory_space<vmem>>)
      %dma_wait3A_3011 = arith.constant 29 : i32
      %dma_wait3A_3012 = arith.constant 364 : i32
      %dma_wait3A_3013 = arith.constant 0 : i32
      %dma_wait3A_3014 = tpu.memref_slice %arg10[%dma_wait3A_3012, %dma_wait3A_3013] : memref<650x32xf32, #tpu.memory_space<vmem>> -> memref<26x32xf32, #tpu.memory_space<vmem>>
      %dma_wait3A_3015 = arith.constant 0 : i32
      %dma_wait3A_3016 = tpu.memref_slice %arg8[%dma_wait3A_3011, %dma_wait3A_3015] : memref<50x26xi32, #tpu.memory_space<vmem>> -> memref<1x26xi32, #tpu.memory_space<vmem>>
      %dma_wait3A_3017 = tpu.memref_squeeze %dma_wait3A_3016 : memref<1x26xi32, #tpu.memory_space<vmem>> -> memref<26xi32, #tpu.memory_space<vmem>>
      %dma_wait3A_3018 = arith.constant 0 : i32
      %dma_wait3A_3019 = arith.constant 0 : i32
      %dma_wait3A_3020 = tpu.memref_slice %arg4[%dma_wait3A_3018, %dma_wait3A_3019] : memref<1000000x32xf32, #tpu.memory_space<hbm>> -> memref<1000000x32xf32, #tpu.memory_space<hbm>>
      tpu.wait_indirect_dma semaphore(%arg14 : memref<!tpu.dma_semaphore, #tpu.memory_space<semaphore_mem>>) src(%dma_wait3A_3020 : memref<1000000x32xf32, #tpu.memory_space<hbm>>) dst(%dma_wait3A_3014 : memref<26x32xf32, #tpu.memory_space<vmem>>)
      %dma_wait3A_3021 = arith.constant 31 : i32
      %dma_wait3A_3022 = arith.constant 390 : i32
      %dma_wait3A_3023 = arith.constant 0 : i32
      %dma_wait3A_3024 = tpu.memref_slice %arg10[%dma_wait3A_3022, %dma_wait3A_3023] : memref<650x32xf32, #tpu.memory_space<vmem>> -> memref<26x32xf32, #tpu.memory_space<vmem>>
      %dma_wait3A_3025 = arith.constant 0 : i32
      %dma_wait3A_3026 = tpu.memref_slice %arg8[%dma_wait3A_3021, %dma_wait3A_3025] : memref<50x26xi32, #tpu.memory_space<vmem>> -> memref<1x26xi32, #tpu.memory_space<vmem>>
      %dma_wait3A_3027 = tpu.memref_squeeze %dma_wait3A_3026 : memref<1x26xi32, #tpu.memory_space<vmem>> -> memref<26xi32, #tpu.memory_space<vmem>>
      %dma_wait3A_3028 = arith.constant 0 : i32
      %dma_wait3A_3029 = arith.constant 0 : i32
      %dma_wait3A_3030 = tpu.memref_slice %arg4[%dma_wait3A_3028, %dma_wait3A_3029] : memref<1000000x32xf32, #tpu.memory_space<hbm>> -> memref<1000000x32xf32, #tpu.memory_space<hbm>>
      tpu.wait_indirect_dma semaphore(%arg14 : memref<!tpu.dma_semaphore, #tpu.memory_space<semaphore_mem>>) src(%dma_wait3A_3030 : memref<1000000x32xf32, #tpu.memory_space<hbm>>) dst(%dma_wait3A_3024 : memref<26x32xf32, #tpu.memory_space<vmem>>)
      %dma_wait3A_3031 = arith.constant 33 : i32
      %dma_wait3A_3032 = arith.constant 416 : i32
      %dma_wait3A_3033 = arith.constant 0 : i32
      %dma_wait3A_3034 = tpu.memref_slice %arg10[%dma_wait3A_3032, %dma_wait3A_3033] : memref<650x32xf32, #tpu.memory_space<vmem>> -> memref<26x32xf32, #tpu.memory_space<vmem>>
      %dma_wait3A_3035 = arith.constant 0 : i32
      %dma_wait3A_3036 = tpu.memref_slice %arg8[%dma_wait3A_3031, %dma_wait3A_3035] : memref<50x26xi32, #tpu.memory_space<vmem>> -> memref<1x26xi32, #tpu.memory_space<vmem>>
      %dma_wait3A_3037 = tpu.memref_squeeze %dma_wait3A_3036 : memref<1x26xi32, #tpu.memory_space<vmem>> -> memref<26xi32, #tpu.memory_space<vmem>>
      %dma_wait3A_3038 = arith.constant 0 : i32
      %dma_wait3A_3039 = arith.constant 0 : i32
      %dma_wait3A_3040 = tpu.memref_slice %arg4[%dma_wait3A_3038, %dma_wait3A_3039] : memref<1000000x32xf32, #tpu.memory_space<hbm>> -> memref<1000000x32xf32, #tpu.memory_space<hbm>>
      tpu.wait_indirect_dma semaphore(%arg14 : memref<!tpu.dma_semaphore, #tpu.memory_space<semaphore_mem>>) src(%dma_wait3A_3040 : memref<1000000x32xf32, #tpu.memory_space<hbm>>) dst(%dma_wait3A_3034 : memref<26x32xf32, #tpu.memory_space<vmem>>)
      %dma_wait3A_3041 = arith.constant 35 : i32
      %dma_wait3A_3042 = arith.constant 442 : i32
      %dma_wait3A_3043 = arith.constant 0 : i32
      %dma_wait3A_3044 = tpu.memref_slice %arg10[%dma_wait3A_3042, %dma_wait3A_3043] : memref<650x32xf32, #tpu.memory_space<vmem>> -> memref<26x32xf32, #tpu.memory_space<vmem>>
      %dma_wait3A_3045 = arith.constant 0 : i32
      %dma_wait3A_3046 = tpu.memref_slice %arg8[%dma_wait3A_3041, %dma_wait3A_3045] : memref<50x26xi32, #tpu.memory_space<vmem>> -> memref<1x26xi32, #tpu.memory_space<vmem>>
      %dma_wait3A_3047 = tpu.memref_squeeze %dma_wait3A_3046 : memref<1x26xi32, #tpu.memory_space<vmem>> -> memref<26xi32, #tpu.memory_space<vmem>>
      %dma_wait3A_3048 = arith.constant 0 : i32
      %dma_wait3A_3049 = arith.constant 0 : i32
      %dma_wait3A_3050 = tpu.memref_slice %arg4[%dma_wait3A_3048, %dma_wait3A_3049] : memref<1000000x32xf32, #tpu.memory_space<hbm>> -> memref<1000000x32xf32, #tpu.memory_space<hbm>>
      tpu.wait_indirect_dma semaphore(%arg14 : memref<!tpu.dma_semaphore, #tpu.memory_space<semaphore_mem>>) src(%dma_wait3A_3050 : memref<1000000x32xf32, #tpu.memory_space<hbm>>) dst(%dma_wait3A_3044 : memref<26x32xf32, #tpu.memory_space<vmem>>)
      %dma_wait3A_3051 = arith.constant 37 : i32
      %dma_wait3A_3052 = arith.constant 468 : i32
      %dma_wait3A_3053 = arith.constant 0 : i32
      %dma_wait3A_3054 = tpu.memref_slice %arg10[%dma_wait3A_3052, %dma_wait3A_3053] : memref<650x32xf32, #tpu.memory_space<vmem>> -> memref<26x32xf32, #tpu.memory_space<vmem>>
      %dma_wait3A_3055 = arith.constant 0 : i32
      %dma_wait3A_3056 = tpu.memref_slice %arg8[%dma_wait3A_3051, %dma_wait3A_3055] : memref<50x26xi32, #tpu.memory_space<vmem>> -> memref<1x26xi32, #tpu.memory_space<vmem>>
      %dma_wait3A_3057 = tpu.memref_squeeze %dma_wait3A_3056 : memref<1x26xi32, #tpu.memory_space<vmem>> -> memref<26xi32, #tpu.memory_space<vmem>>
      %dma_wait3A_3058 = arith.constant 0 : i32
      %dma_wait3A_3059 = arith.constant 0 : i32
      %dma_wait3A_3060 = tpu.memref_slice %arg4[%dma_wait3A_3058, %dma_wait3A_3059] : memref<1000000x32xf32, #tpu.memory_space<hbm>> -> memref<1000000x32xf32, #tpu.memory_space<hbm>>
      tpu.wait_indirect_dma semaphore(%arg14 : memref<!tpu.dma_semaphore, #tpu.memory_space<semaphore_mem>>) src(%dma_wait3A_3060 : memref<1000000x32xf32, #tpu.memory_space<hbm>>) dst(%dma_wait3A_3054 : memref<26x32xf32, #tpu.memory_space<vmem>>)
      %dma_wait3A_3061 = arith.constant 39 : i32
      %dma_wait3A_3062 = arith.constant 494 : i32
      %dma_wait3A_3063 = arith.constant 0 : i32
      %dma_wait3A_3064 = tpu.memref_slice %arg10[%dma_wait3A_3062, %dma_wait3A_3063] : memref<650x32xf32, #tpu.memory_space<vmem>> -> memref<26x32xf32, #tpu.memory_space<vmem>>
      %dma_wait3A_3065 = arith.constant 0 : i32
      %dma_wait3A_3066 = tpu.memref_slice %arg8[%dma_wait3A_3061, %dma_wait3A_3065] : memref<50x26xi32, #tpu.memory_space<vmem>> -> memref<1x26xi32, #tpu.memory_space<vmem>>
      %dma_wait3A_3067 = tpu.memref_squeeze %dma_wait3A_3066 : memref<1x26xi32, #tpu.memory_space<vmem>> -> memref<26xi32, #tpu.memory_space<vmem>>
      %dma_wait3A_3068 = arith.constant 0 : i32
      %dma_wait3A_3069 = arith.constant 0 : i32
      %dma_wait3A_3070 = tpu.memref_slice %arg4[%dma_wait3A_3068, %dma_wait3A_3069] : memref<1000000x32xf32, #tpu.memory_space<hbm>> -> memref<1000000x32xf32, #tpu.memory_space<hbm>>
      tpu.wait_indirect_dma semaphore(%arg14 : memref<!tpu.dma_semaphore, #tpu.memory_space<semaphore_mem>>) src(%dma_wait3A_3070 : memref<1000000x32xf32, #tpu.memory_space<hbm>>) dst(%dma_wait3A_3064 : memref<26x32xf32, #tpu.memory_space<vmem>>)
      %dma_wait3A_3071 = arith.constant 41 : i32
      %dma_wait3A_3072 = arith.constant 520 : i32
      %dma_wait3A_3073 = arith.constant 0 : i32
      %dma_wait3A_3074 = tpu.memref_slice %arg10[%dma_wait3A_3072, %dma_wait3A_3073] : memref<650x32xf32, #tpu.memory_space<vmem>> -> memref<26x32xf32, #tpu.memory_space<vmem>>
      %dma_wait3A_3075 = arith.constant 0 : i32
      %dma_wait3A_3076 = tpu.memref_slice %arg8[%dma_wait3A_3071, %dma_wait3A_3075] : memref<50x26xi32, #tpu.memory_space<vmem>> -> memref<1x26xi32, #tpu.memory_space<vmem>>
      %dma_wait3A_3077 = tpu.memref_squeeze %dma_wait3A_3076 : memref<1x26xi32, #tpu.memory_space<vmem>> -> memref<26xi32, #tpu.memory_space<vmem>>
      %dma_wait3A_3078 = arith.constant 0 : i32
      %dma_wait3A_3079 = arith.constant 0 : i32
      %dma_wait3A_3080 = tpu.memref_slice %arg4[%dma_wait3A_3078, %dma_wait3A_3079] : memref<1000000x32xf32, #tpu.memory_space<hbm>> -> memref<1000000x32xf32, #tpu.memory_space<hbm>>
      tpu.wait_indirect_dma semaphore(%arg14 : memref<!tpu.dma_semaphore, #tpu.memory_space<semaphore_mem>>) src(%dma_wait3A_3080 : memref<1000000x32xf32, #tpu.memory_space<hbm>>) dst(%dma_wait3A_3074 : memref<26x32xf32, #tpu.memory_space<vmem>>)
      %dma_wait3A_3081 = arith.constant 43 : i32
      %dma_wait3A_3082 = arith.constant 546 : i32
      %dma_wait3A_3083 = arith.constant 0 : i32
      %dma_wait3A_3084 = tpu.memref_slice %arg10[%dma_wait3A_3082, %dma_wait3A_3083] : memref<650x32xf32, #tpu.memory_space<vmem>> -> memref<26x32xf32, #tpu.memory_space<vmem>>
      %dma_wait3A_3085 = arith.constant 0 : i32
      %dma_wait3A_3086 = tpu.memref_slice %arg8[%dma_wait3A_3081, %dma_wait3A_3085] : memref<50x26xi32, #tpu.memory_space<vmem>> -> memref<1x26xi32, #tpu.memory_space<vmem>>
      %dma_wait3A_3087 = tpu.memref_squeeze %dma_wait3A_3086 : memref<1x26xi32, #tpu.memory_space<vmem>> -> memref<26xi32, #tpu.memory_space<vmem>>
      %dma_wait3A_3088 = arith.constant 0 : i32
      %dma_wait3A_3089 = arith.constant 0 : i32
      %dma_wait3A_3090 = tpu.memref_slice %arg4[%dma_wait3A_3088, %dma_wait3A_3089] : memref<1000000x32xf32, #tpu.memory_space<hbm>> -> memref<1000000x32xf32, #tpu.memory_space<hbm>>
      tpu.wait_indirect_dma semaphore(%arg14 : memref<!tpu.dma_semaphore, #tpu.memory_space<semaphore_mem>>) src(%dma_wait3A_3090 : memref<1000000x32xf32, #tpu.memory_space<hbm>>) dst(%dma_wait3A_3084 : memref<26x32xf32, #tpu.memory_space<vmem>>)
      %dma_wait3A_3091 = arith.constant 45 : i32
      %dma_wait3A_3092 = arith.constant 572 : i32
      %dma_wait3A_3093 = arith.constant 0 : i32
      %dma_wait3A_3094 = tpu.memref_slice %arg10[%dma_wait3A_3092, %dma_wait3A_3093] : memref<650x32xf32, #tpu.memory_space<vmem>> -> memref<26x32xf32, #tpu.memory_space<vmem>>
      %dma_wait3A_3095 = arith.constant 0 : i32
      %dma_wait3A_3096 = tpu.memref_slice %arg8[%dma_wait3A_3091, %dma_wait3A_3095] : memref<50x26xi32, #tpu.memory_space<vmem>> -> memref<1x26xi32, #tpu.memory_space<vmem>>
      %dma_wait3A_3097 = tpu.memref_squeeze %dma_wait3A_3096 : memref<1x26xi32, #tpu.memory_space<vmem>> -> memref<26xi32, #tpu.memory_space<vmem>>
      %dma_wait3A_3098 = arith.constant 0 : i32
      %dma_wait3A_3099 = arith.constant 0 : i32
      %dma_wait3A_3100 = tpu.memref_slice %arg4[%dma_wait3A_3098, %dma_wait3A_3099] : memref<1000000x32xf32, #tpu.memory_space<hbm>> -> memref<1000000x32xf32, #tpu.memory_space<hbm>>
      tpu.wait_indirect_dma semaphore(%arg14 : memref<!tpu.dma_semaphore, #tpu.memory_space<semaphore_mem>>) src(%dma_wait3A_3100 : memref<1000000x32xf32, #tpu.memory_space<hbm>>) dst(%dma_wait3A_3094 : memref<26x32xf32, #tpu.memory_space<vmem>>)
      %dma_wait3A_3101 = arith.constant 47 : i32
      %dma_wait3A_3102 = arith.constant 598 : i32
      %dma_wait3A_3103 = arith.constant 0 : i32
      %dma_wait3A_3104 = tpu.memref_slice %arg10[%dma_wait3A_3102, %dma_wait3A_3103] : memref<650x32xf32, #tpu.memory_space<vmem>> -> memref<26x32xf32, #tpu.memory_space<vmem>>
      %dma_wait3A_3105 = arith.constant 0 : i32
      %dma_wait3A_3106 = tpu.memref_slice %arg8[%dma_wait3A_3101, %dma_wait3A_3105] : memref<50x26xi32, #tpu.memory_space<vmem>> -> memref<1x26xi32, #tpu.memory_space<vmem>>
      %dma_wait3A_3107 = tpu.memref_squeeze %dma_wait3A_3106 : memref<1x26xi32, #tpu.memory_space<vmem>> -> memref<26xi32, #tpu.memory_space<vmem>>
      %dma_wait3A_3108 = arith.constant 0 : i32
      %dma_wait3A_3109 = arith.constant 0 : i32
      %dma_wait3A_3110 = tpu.memref_slice %arg4[%dma_wait3A_3108, %dma_wait3A_3109] : memref<1000000x32xf32, #tpu.memory_space<hbm>> -> memref<1000000x32xf32, #tpu.memory_space<hbm>>
      tpu.wait_indirect_dma semaphore(%arg14 : memref<!tpu.dma_semaphore, #tpu.memory_space<semaphore_mem>>) src(%dma_wait3A_3110 : memref<1000000x32xf32, #tpu.memory_space<hbm>>) dst(%dma_wait3A_3104 : memref<26x32xf32, #tpu.memory_space<vmem>>)
      %dma_wait3A_3111 = arith.constant 49 : i32
      %dma_wait3A_3112 = arith.constant 624 : i32
      %dma_wait3A_3113 = arith.constant 0 : i32
      %dma_wait3A_3114 = tpu.memref_slice %arg10[%dma_wait3A_3112, %dma_wait3A_3113] : memref<650x32xf32, #tpu.memory_space<vmem>> -> memref<26x32xf32, #tpu.memory_space<vmem>>
      %dma_wait3A_3115 = arith.constant 0 : i32
      %dma_wait3A_3116 = tpu.memref_slice %arg8[%dma_wait3A_3111, %dma_wait3A_3115] : memref<50x26xi32, #tpu.memory_space<vmem>> -> memref<1x26xi32, #tpu.memory_space<vmem>>
      %dma_wait3A_3117 = tpu.memref_squeeze %dma_wait3A_3116 : memref<1x26xi32, #tpu.memory_space<vmem>> -> memref<26xi32, #tpu.memory_space<vmem>>
      %dma_wait3A_3118 = arith.constant 0 : i32
      %dma_wait3A_3119 = arith.constant 0 : i32
      %dma_wait3A_3120 = tpu.memref_slice %arg4[%dma_wait3A_3118, %dma_wait3A_3119] : memref<1000000x32xf32, #tpu.memory_space<hbm>> -> memref<1000000x32xf32, #tpu.memory_space<hbm>>
      tpu.wait_indirect_dma semaphore(%arg14 : memref<!tpu.dma_semaphore, #tpu.memory_space<semaphore_mem>>) src(%dma_wait3A_3120 : memref<1000000x32xf32, #tpu.memory_space<hbm>>) dst(%dma_wait3A_3114 : memref<26x32xf32, #tpu.memory_space<vmem>>)
      %scan3A_3121 = arith.constant 0 : i32
      %scan3A_3122 = arith.constant 0 : i32
      %scan3A_3123 = arith.constant 26 : i32
      %scan3A_3124 = arith.addi %scan3A_3122, %scan3A_3123 : i32
      %scan3A_3125 = arith.constant 1 : i32
      scf.for %scan3A_3179 = %scan3A_3122 to %scan3A_3124 step %scan3A_3125  : i32 {
        %add3A_3180 = arith.constant 0 : i32
        %add3A_3181 = arith.addi %add3A_3180, %scan3A_3179 : i32
        %get3A = arith.index_cast %add3A_3181 : i32 to index
        %get3A_3182 = arith.constant 0 : index
        %get3A_3183 = tpu.vector_load %arg10[%get3A, %get3A_3182] {strides = array<i32>} : memref<650x32xf32, #tpu.memory_space<vmem>>, vector<16xf32>,
        %swap3A_3184 = arith.index_cast %scan3A_3179 : i32 to index
        %swap3A_3185 = arith.constant 1 : index
        %swap3A_3186 = tpu.vector_load %arg12[%swap3A_3184, %swap3A_3185] {strides = array<i32>} : memref<32x896xf32, #tpu.memory_space<vmem>>, vector<16xf32>,
        tpu.vector_store %arg12[%swap3A_3184, %swap3A_3185], %get3A_3183 {strides = array<i32>} : memref<32x896xf32, #tpu.memory_space<vmem>>, vector<16xf32>,
        %get3A_3187 = arith.index_cast %add3A_3181 : i32 to index
        %get3A_3188 = arith.constant 16 : index
        %get3A_3189 = tpu.vector_load %arg10[%get3A_3187, %get3A_3188] {strides = array<i32>} : memref<650x32xf32, #tpu.memory_space<vmem>>, vector<16xf32>,
        %swap3A_3190 = arith.index_cast %scan3A_3179 : i32 to index
        %swap3A_3191 = arith.constant 17 : index
        %swap3A_3192 = tpu.vector_load %arg12[%swap3A_3190, %swap3A_3191] {strides = array<i32>} : memref<32x896xf32, #tpu.memory_space<vmem>>, vector<16xf32>,
        tpu.vector_store %arg12[%swap3A_3190, %swap3A_3191], %get3A_3189 {strides = array<i32>} : memref<32x896xf32, #tpu.memory_space<vmem>>, vector<16xf32>,
        %add3A_3193 = arith.constant 26 : i32
        %add3A_3194 = arith.addi %add3A_3193, %scan3A_3179 : i32
        %get3A_3195 = arith.index_cast %add3A_3194 : i32 to index
        %get3A_3196 = arith.constant 0 : index
        %get3A_3197 = tpu.vector_load %arg10[%get3A_3195, %get3A_3196] {strides = array<i32>} : memref<650x32xf32, #tpu.memory_space<vmem>>, vector<16xf32>,
        %swap3A_3198 = arith.index_cast %scan3A_3179 : i32 to index
        %swap3A_3199 = arith.constant 33 : index
        %swap3A_3200 = tpu.vector_load %arg12[%swap3A_3198, %swap3A_3199] {strides = array<i32>} : memref<32x896xf32, #tpu.memory_space<vmem>>, vector<16xf32>,
        tpu.vector_store %arg12[%swap3A_3198, %swap3A_3199], %get3A_3197 {strides = array<i32>} : memref<32x896xf32, #tpu.memory_space<vmem>>, vector<16xf32>,
        %get3A_3201 = arith.index_cast %add3A_3194 : i32 to index
        %get3A_3202 = arith.constant 16 : index
        %get3A_3203 = tpu.vector_load %arg10[%get3A_3201, %get3A_3202] {strides = array<i32>} : memref<650x32xf32, #tpu.memory_space<vmem>>, vector<16xf32>,
        %swap3A_3204 = arith.index_cast %scan3A_3179 : i32 to index
        %swap3A_3205 = arith.constant 49 : index
        %swap3A_3206 = tpu.vector_load %arg12[%swap3A_3204, %swap3A_3205] {strides = array<i32>} : memref<32x896xf32, #tpu.memory_space<vmem>>, vector<16xf32>,
        tpu.vector_store %arg12[%swap3A_3204, %swap3A_3205], %get3A_3203 {strides = array<i32>} : memref<32x896xf32, #tpu.memory_space<vmem>>, vector<16xf32>,
        %add3A_3207 = arith.constant 52 : i32
        %add3A_3208 = arith.addi %add3A_3207, %scan3A_3179 : i32
        %get3A_3209 = arith.index_cast %add3A_3208 : i32 to index
        %get3A_3210 = arith.constant 0 : index
        %get3A_3211 = tpu.vector_load %arg10[%get3A_3209, %get3A_3210] {strides = array<i32>} : memref<650x32xf32, #tpu.memory_space<vmem>>, vector<16xf32>,
        %swap3A_3212 = arith.index_cast %scan3A_3179 : i32 to index
        %swap3A_3213 = arith.constant 65 : index
        %swap3A_3214 = tpu.vector_load %arg12[%swap3A_3212, %swap3A_3213] {strides = array<i32>} : memref<32x896xf32, #tpu.memory_space<vmem>>, vector<16xf32>,
        tpu.vector_store %arg12[%swap3A_3212, %swap3A_3213], %get3A_3211 {strides = array<i32>} : memref<32x896xf32, #tpu.memory_space<vmem>>, vector<16xf32>,
        %get3A_3215 = arith.index_cast %add3A_3208 : i32 to index
        %get3A_3216 = arith.constant 16 : index
        %get3A_3217 = tpu.vector_load %arg10[%get3A_3215, %get3A_3216] {strides = array<i32>} : memref<650x32xf32, #tpu.memory_space<vmem>>, vector<16xf32>,
        %swap3A_3218 = arith.index_cast %scan3A_3179 : i32 to index
        %swap3A_3219 = arith.constant 81 : index
        %swap3A_3220 = tpu.vector_load %arg12[%swap3A_3218, %swap3A_3219] {strides = array<i32>} : memref<32x896xf32, #tpu.memory_space<vmem>>, vector<16xf32>,
        tpu.vector_store %arg12[%swap3A_3218, %swap3A_3219], %get3A_3217 {strides = array<i32>} : memref<32x896xf32, #tpu.memory_space<vmem>>, vector<16xf32>,
        %add3A_3221 = arith.constant 78 : i32
        %add3A_3222 = arith.addi %add3A_3221, %scan3A_3179 : i32
        %get3A_3223 = arith.index_cast %add3A_3222 : i32 to index
        %get3A_3224 = arith.constant 0 : index
        %get3A_3225 = tpu.vector_load %arg10[%get3A_3223, %get3A_3224] {strides = array<i32>} : memref<650x32xf32, #tpu.memory_space<vmem>>, vector<16xf32>,
        %swap3A_3226 = arith.index_cast %scan3A_3179 : i32 to index
        %swap3A_3227 = arith.constant 97 : index
        %swap3A_3228 = tpu.vector_load %arg12[%swap3A_3226, %swap3A_3227] {strides = array<i32>} : memref<32x896xf32, #tpu.memory_space<vmem>>, vector<16xf32>,
        tpu.vector_store %arg12[%swap3A_3226, %swap3A_3227], %get3A_3225 {strides = array<i32>} : memref<32x896xf32, #tpu.memory_space<vmem>>, vector<16xf32>,
        %get3A_3229 = arith.index_cast %add3A_3222 : i32 to index
        %get3A_3230 = arith.constant 16 : index
        %get3A_3231 = tpu.vector_load %arg10[%get3A_3229, %get3A_3230] {strides = array<i32>} : memref<650x32xf32, #tpu.memory_space<vmem>>, vector<16xf32>,
        %swap3A_3232 = arith.index_cast %scan3A_3179 : i32 to index
        %swap3A_3233 = arith.constant 113 : index
        %swap3A_3234 = tpu.vector_load %arg12[%swap3A_3232, %swap3A_3233] {strides = array<i32>} : memref<32x896xf32, #tpu.memory_space<vmem>>, vector<16xf32>,
        tpu.vector_store %arg12[%swap3A_3232, %swap3A_3233], %get3A_3231 {strides = array<i32>} : memref<32x896xf32, #tpu.memory_space<vmem>>, vector<16xf32>,
        %add3A_3235 = arith.constant 104 : i32
        %add3A_3236 = arith.addi %add3A_3235, %scan3A_3179 : i32
        %get3A_3237 = arith.index_cast %add3A_3236 : i32 to index
        %get3A_3238 = arith.constant 0 : index
        %get3A_3239 = tpu.vector_load %arg10[%get3A_3237, %get3A_3238] {strides = array<i32>} : memref<650x32xf32, #tpu.memory_space<vmem>>, vector<16xf32>,
        %swap3A_3240 = arith.index_cast %scan3A_3179 : i32 to index
        %swap3A_3241 = arith.constant 129 : index
        %swap3A_3242 = tpu.vector_load %arg12[%swap3A_3240, %swap3A_3241] {strides = array<i32>} : memref<32x896xf32, #tpu.memory_space<vmem>>, vector<16xf32>,
        tpu.vector_store %arg12[%swap3A_3240, %swap3A_3241], %get3A_3239 {strides = array<i32>} : memref<32x896xf32, #tpu.memory_space<vmem>>, vector<16xf32>,
        %get3A_3243 = arith.index_cast %add3A_3236 : i32 to index
        %get3A_3244 = arith.constant 16 : index
        %get3A_3245 = tpu.vector_load %arg10[%get3A_3243, %get3A_3244] {strides = array<i32>} : memref<650x32xf32, #tpu.memory_space<vmem>>, vector<16xf32>,
        %swap3A_3246 = arith.index_cast %scan3A_3179 : i32 to index
        %swap3A_3247 = arith.constant 145 : index
        %swap3A_3248 = tpu.vector_load %arg12[%swap3A_3246, %swap3A_3247] {strides = array<i32>} : memref<32x896xf32, #tpu.memory_space<vmem>>, vector<16xf32>,
        tpu.vector_store %arg12[%swap3A_3246, %swap3A_3247], %get3A_3245 {strides = array<i32>} : memref<32x896xf32, #tpu.memory_space<vmem>>, vector<16xf32>,
        %add3A_3249 = arith.constant 130 : i32
        %add3A_3250 = arith.addi %add3A_3249, %scan3A_3179 : i32
        %get3A_3251 = arith.index_cast %add3A_3250 : i32 to index
        %get3A_3252 = arith.constant 0 : index
        %get3A_3253 = tpu.vector_load %arg10[%get3A_3251, %get3A_3252] {strides = array<i32>} : memref<650x32xf32, #tpu.memory_space<vmem>>, vector<16xf32>,
        %swap3A_3254 = arith.index_cast %scan3A_3179 : i32 to index
        %swap3A_3255 = arith.constant 161 : index
        %swap3A_3256 = tpu.vector_load %arg12[%swap3A_3254, %swap3A_3255] {strides = array<i32>} : memref<32x896xf32, #tpu.memory_space<vmem>>, vector<16xf32>,
        tpu.vector_store %arg12[%swap3A_3254, %swap3A_3255], %get3A_3253 {strides = array<i32>} : memref<32x896xf32, #tpu.memory_space<vmem>>, vector<16xf32>,
        %get3A_3257 = arith.index_cast %add3A_3250 : i32 to index
        %get3A_3258 = arith.constant 16 : index
        %get3A_3259 = tpu.vector_load %arg10[%get3A_3257, %get3A_3258] {strides = array<i32>} : memref<650x32xf32, #tpu.memory_space<vmem>>, vector<16xf32>,
        %swap3A_3260 = arith.index_cast %scan3A_3179 : i32 to index
        %swap3A_3261 = arith.constant 177 : index
        %swap3A_3262 = tpu.vector_load %arg12[%swap3A_3260, %swap3A_3261] {strides = array<i32>} : memref<32x896xf32, #tpu.memory_space<vmem>>, vector<16xf32>,
        tpu.vector_store %arg12[%swap3A_3260, %swap3A_3261], %get3A_3259 {strides = array<i32>} : memref<32x896xf32, #tpu.memory_space<vmem>>, vector<16xf32>,
        %add3A_3263 = arith.constant 156 : i32
        %add3A_3264 = arith.addi %add3A_3263, %scan3A_3179 : i32
        %get3A_3265 = arith.index_cast %add3A_3264 : i32 to index
        %get3A_3266 = arith.constant 0 : index
        %get3A_3267 = tpu.vector_load %arg10[%get3A_3265, %get3A_3266] {strides = array<i32>} : memref<650x32xf32, #tpu.memory_space<vmem>>, vector<16xf32>,
        %swap3A_3268 = arith.index_cast %scan3A_3179 : i32 to index
        %swap3A_3269 = arith.constant 193 : index
        %swap3A_3270 = tpu.vector_load %arg12[%swap3A_3268, %swap3A_3269] {strides = array<i32>} : memref<32x896xf32, #tpu.memory_space<vmem>>, vector<16xf32>,
        tpu.vector_store %arg12[%swap3A_3268, %swap3A_3269], %get3A_3267 {strides = array<i32>} : memref<32x896xf32, #tpu.memory_space<vmem>>, vector<16xf32>,
        %get3A_3271 = arith.index_cast %add3A_3264 : i32 to index
        %get3A_3272 = arith.constant 16 : index
        %get3A_3273 = tpu.vector_load %arg10[%get3A_3271, %get3A_3272] {strides = array<i32>} : memref<650x32xf32, #tpu.memory_space<vmem>>, vector<16xf32>,
        %swap3A_3274 = arith.index_cast %scan3A_3179 : i32 to index
        %swap3A_3275 = arith.constant 209 : index
        %swap3A_3276 = tpu.vector_load %arg12[%swap3A_3274, %swap3A_3275] {strides = array<i32>} : memref<32x896xf32, #tpu.memory_space<vmem>>, vector<16xf32>,
        tpu.vector_store %arg12[%swap3A_3274, %swap3A_3275], %get3A_3273 {strides = array<i32>} : memref<32x896xf32, #tpu.memory_space<vmem>>, vector<16xf32>,
        %add3A_3277 = arith.constant 182 : i32
        %add3A_3278 = arith.addi %add3A_3277, %scan3A_3179 : i32
        %get3A_3279 = arith.index_cast %add3A_3278 : i32 to index
        %get3A_3280 = arith.constant 0 : index
        %get3A_3281 = tpu.vector_load %arg10[%get3A_3279, %get3A_3280] {strides = array<i32>} : memref<650x32xf32, #tpu.memory_space<vmem>>, vector<16xf32>,
        %swap3A_3282 = arith.index_cast %scan3A_3179 : i32 to index
        %swap3A_3283 = arith.constant 225 : index
        %swap3A_3284 = tpu.vector_load %arg12[%swap3A_3282, %swap3A_3283] {strides = array<i32>} : memref<32x896xf32, #tpu.memory_space<vmem>>, vector<16xf32>,
        tpu.vector_store %arg12[%swap3A_3282, %swap3A_3283], %get3A_3281 {strides = array<i32>} : memref<32x896xf32, #tpu.memory_space<vmem>>, vector<16xf32>,
        %get3A_3285 = arith.index_cast %add3A_3278 : i32 to index
        %get3A_3286 = arith.constant 16 : index
        %get3A_3287 = tpu.vector_load %arg10[%get3A_3285, %get3A_3286] {strides = array<i32>} : memref<650x32xf32, #tpu.memory_space<vmem>>, vector<16xf32>,
        %swap3A_3288 = arith.index_cast %scan3A_3179 : i32 to index
        %swap3A_3289 = arith.constant 241 : index
        %swap3A_3290 = tpu.vector_load %arg12[%swap3A_3288, %swap3A_3289] {strides = array<i32>} : memref<32x896xf32, #tpu.memory_space<vmem>>, vector<16xf32>,
        tpu.vector_store %arg12[%swap3A_3288, %swap3A_3289], %get3A_3287 {strides = array<i32>} : memref<32x896xf32, #tpu.memory_space<vmem>>, vector<16xf32>,
        %add3A_3291 = arith.constant 208 : i32
        %add3A_3292 = arith.addi %add3A_3291, %scan3A_3179 : i32
        %get3A_3293 = arith.index_cast %add3A_3292 : i32 to index
        %get3A_3294 = arith.constant 0 : index
        %get3A_3295 = tpu.vector_load %arg10[%get3A_3293, %get3A_3294] {strides = array<i32>} : memref<650x32xf32, #tpu.memory_space<vmem>>, vector<16xf32>,
        %swap3A_3296 = arith.index_cast %scan3A_3179 : i32 to index
        %swap3A_3297 = arith.constant 257 : index
        %swap3A_3298 = tpu.vector_load %arg12[%swap3A_3296, %swap3A_3297] {strides = array<i32>} : memref<32x896xf32, #tpu.memory_space<vmem>>, vector<16xf32>,
        tpu.vector_store %arg12[%swap3A_3296, %swap3A_3297], %get3A_3295 {strides = array<i32>} : memref<32x896xf32, #tpu.memory_space<vmem>>, vector<16xf32>,
        %get3A_3299 = arith.index_cast %add3A_3292 : i32 to index
        %get3A_3300 = arith.constant 16 : index
        %get3A_3301 = tpu.vector_load %arg10[%get3A_3299, %get3A_3300] {strides = array<i32>} : memref<650x32xf32, #tpu.memory_space<vmem>>, vector<16xf32>,
        %swap3A_3302 = arith.index_cast %scan3A_3179 : i32 to index
        %swap3A_3303 = arith.constant 273 : index
        %swap3A_3304 = tpu.vector_load %arg12[%swap3A_3302, %swap3A_3303] {strides = array<i32>} : memref<32x896xf32, #tpu.memory_space<vmem>>, vector<16xf32>,
        tpu.vector_store %arg12[%swap3A_3302, %swap3A_3303], %get3A_3301 {strides = array<i32>} : memref<32x896xf32, #tpu.memory_space<vmem>>, vector<16xf32>,
        %add3A_3305 = arith.constant 234 : i32
        %add3A_3306 = arith.addi %add3A_3305, %scan3A_3179 : i32
        %get3A_3307 = arith.index_cast %add3A_3306 : i32 to index
        %get3A_3308 = arith.constant 0 : index
        %get3A_3309 = tpu.vector_load %arg10[%get3A_3307, %get3A_3308] {strides = array<i32>} : memref<650x32xf32, #tpu.memory_space<vmem>>, vector<16xf32>,
        %swap3A_3310 = arith.index_cast %scan3A_3179 : i32 to index
        %swap3A_3311 = arith.constant 289 : index
        %swap3A_3312 = tpu.vector_load %arg12[%swap3A_3310, %swap3A_3311] {strides = array<i32>} : memref<32x896xf32, #tpu.memory_space<vmem>>, vector<16xf32>,
        tpu.vector_store %arg12[%swap3A_3310, %swap3A_3311], %get3A_3309 {strides = array<i32>} : memref<32x896xf32, #tpu.memory_space<vmem>>, vector<16xf32>,
        %get3A_3313 = arith.index_cast %add3A_3306 : i32 to index
        %get3A_3314 = arith.constant 16 : index
        %get3A_3315 = tpu.vector_load %arg10[%get3A_3313, %get3A_3314] {strides = array<i32>} : memref<650x32xf32, #tpu.memory_space<vmem>>, vector<16xf32>,
        %swap3A_3316 = arith.index_cast %scan3A_3179 : i32 to index
        %swap3A_3317 = arith.constant 305 : index
        %swap3A_3318 = tpu.vector_load %arg12[%swap3A_3316, %swap3A_3317] {strides = array<i32>} : memref<32x896xf32, #tpu.memory_space<vmem>>, vector<16xf32>,
        tpu.vector_store %arg12[%swap3A_3316, %swap3A_3317], %get3A_3315 {strides = array<i32>} : memref<32x896xf32, #tpu.memory_space<vmem>>, vector<16xf32>,
        %add3A_3319 = arith.constant 260 : i32
        %add3A_3320 = arith.addi %add3A_3319, %scan3A_3179 : i32
        %get3A_3321 = arith.index_cast %add3A_3320 : i32 to index
        %get3A_3322 = arith.constant 0 : index
        %get3A_3323 = tpu.vector_load %arg10[%get3A_3321, %get3A_3322] {strides = array<i32>} : memref<650x32xf32, #tpu.memory_space<vmem>>, vector<16xf32>,
        %swap3A_3324 = arith.index_cast %scan3A_3179 : i32 to index
        %swap3A_3325 = arith.constant 321 : index
        %swap3A_3326 = tpu.vector_load %arg12[%swap3A_3324, %swap3A_3325] {strides = array<i32>} : memref<32x896xf32, #tpu.memory_space<vmem>>, vector<16xf32>,
        tpu.vector_store %arg12[%swap3A_3324, %swap3A_3325], %get3A_3323 {strides = array<i32>} : memref<32x896xf32, #tpu.memory_space<vmem>>, vector<16xf32>,
        %get3A_3327 = arith.index_cast %add3A_3320 : i32 to index
        %get3A_3328 = arith.constant 16 : index
        %get3A_3329 = tpu.vector_load %arg10[%get3A_3327, %get3A_3328] {strides = array<i32>} : memref<650x32xf32, #tpu.memory_space<vmem>>, vector<16xf32>,
        %swap3A_3330 = arith.index_cast %scan3A_3179 : i32 to index
        %swap3A_3331 = arith.constant 337 : index
        %swap3A_3332 = tpu.vector_load %arg12[%swap3A_3330, %swap3A_3331] {strides = array<i32>} : memref<32x896xf32, #tpu.memory_space<vmem>>, vector<16xf32>,
        tpu.vector_store %arg12[%swap3A_3330, %swap3A_3331], %get3A_3329 {strides = array<i32>} : memref<32x896xf32, #tpu.memory_space<vmem>>, vector<16xf32>,
        %add3A_3333 = arith.constant 286 : i32
        %add3A_3334 = arith.addi %add3A_3333, %scan3A_3179 : i32
        %get3A_3335 = arith.index_cast %add3A_3334 : i32 to index
        %get3A_3336 = arith.constant 0 : index
        %get3A_3337 = tpu.vector_load %arg10[%get3A_3335, %get3A_3336] {strides = array<i32>} : memref<650x32xf32, #tpu.memory_space<vmem>>, vector<16xf32>,
        %swap3A_3338 = arith.index_cast %scan3A_3179 : i32 to index
        %swap3A_3339 = arith.constant 353 : index
        %swap3A_3340 = tpu.vector_load %arg12[%swap3A_3338, %swap3A_3339] {strides = array<i32>} : memref<32x896xf32, #tpu.memory_space<vmem>>, vector<16xf32>,
        tpu.vector_store %arg12[%swap3A_3338, %swap3A_3339], %get3A_3337 {strides = array<i32>} : memref<32x896xf32, #tpu.memory_space<vmem>>, vector<16xf32>,
        %get3A_3341 = arith.index_cast %add3A_3334 : i32 to index
        %get3A_3342 = arith.constant 16 : index
        %get3A_3343 = tpu.vector_load %arg10[%get3A_3341, %get3A_3342] {strides = array<i32>} : memref<650x32xf32, #tpu.memory_space<vmem>>, vector<16xf32>,
        %swap3A_3344 = arith.index_cast %scan3A_3179 : i32 to index
        %swap3A_3345 = arith.constant 369 : index
        %swap3A_3346 = tpu.vector_load %arg12[%swap3A_3344, %swap3A_3345] {strides = array<i32>} : memref<32x896xf32, #tpu.memory_space<vmem>>, vector<16xf32>,
        tpu.vector_store %arg12[%swap3A_3344, %swap3A_3345], %get3A_3343 {strides = array<i32>} : memref<32x896xf32, #tpu.memory_space<vmem>>, vector<16xf32>,
        %add3A_3347 = arith.constant 312 : i32
        %add3A_3348 = arith.addi %add3A_3347, %scan3A_3179 : i32
        %get3A_3349 = arith.index_cast %add3A_3348 : i32 to index
        %get3A_3350 = arith.constant 0 : index
        %get3A_3351 = tpu.vector_load %arg10[%get3A_3349, %get3A_3350] {strides = array<i32>} : memref<650x32xf32, #tpu.memory_space<vmem>>, vector<16xf32>,
        %swap3A_3352 = arith.index_cast %scan3A_3179 : i32 to index
        %swap3A_3353 = arith.constant 385 : index
        %swap3A_3354 = tpu.vector_load %arg12[%swap3A_3352, %swap3A_3353] {strides = array<i32>} : memref<32x896xf32, #tpu.memory_space<vmem>>, vector<16xf32>,
        tpu.vector_store %arg12[%swap3A_3352, %swap3A_3353], %get3A_3351 {strides = array<i32>} : memref<32x896xf32, #tpu.memory_space<vmem>>, vector<16xf32>,
        %get3A_3355 = arith.index_cast %add3A_3348 : i32 to index
        %get3A_3356 = arith.constant 16 : index
        %get3A_3357 = tpu.vector_load %arg10[%get3A_3355, %get3A_3356] {strides = array<i32>} : memref<650x32xf32, #tpu.memory_space<vmem>>, vector<16xf32>,
        %swap3A_3358 = arith.index_cast %scan3A_3179 : i32 to index
        %swap3A_3359 = arith.constant 401 : index
        %swap3A_3360 = tpu.vector_load %arg12[%swap3A_3358, %swap3A_3359] {strides = array<i32>} : memref<32x896xf32, #tpu.memory_space<vmem>>, vector<16xf32>,
        tpu.vector_store %arg12[%swap3A_3358, %swap3A_3359], %get3A_3357 {strides = array<i32>} : memref<32x896xf32, #tpu.memory_space<vmem>>, vector<16xf32>,
        %add3A_3361 = arith.constant 338 : i32
        %add3A_3362 = arith.addi %add3A_3361, %scan3A_3179 : i32
        %get3A_3363 = arith.index_cast %add3A_3362 : i32 to index
        %get3A_3364 = arith.constant 0 : index
        %get3A_3365 = tpu.vector_load %arg10[%get3A_3363, %get3A_3364] {strides = array<i32>} : memref<650x32xf32, #tpu.memory_space<vmem>>, vector<16xf32>,
        %swap3A_3366 = arith.index_cast %scan3A_3179 : i32 to index
        %swap3A_3367 = arith.constant 417 : index
        %swap3A_3368 = tpu.vector_load %arg12[%swap3A_3366, %swap3A_3367] {strides = array<i32>} : memref<32x896xf32, #tpu.memory_space<vmem>>, vector<16xf32>,
        tpu.vector_store %arg12[%swap3A_3366, %swap3A_3367], %get3A_3365 {strides = array<i32>} : memref<32x896xf32, #tpu.memory_space<vmem>>, vector<16xf32>,
        %get3A_3369 = arith.index_cast %add3A_3362 : i32 to index
        %get3A_3370 = arith.constant 16 : index
        %get3A_3371 = tpu.vector_load %arg10[%get3A_3369, %get3A_3370] {strides = array<i32>} : memref<650x32xf32, #tpu.memory_space<vmem>>, vector<16xf32>,
        %swap3A_3372 = arith.index_cast %scan3A_3179 : i32 to index
        %swap3A_3373 = arith.constant 433 : index
        %swap3A_3374 = tpu.vector_load %arg12[%swap3A_3372, %swap3A_3373] {strides = array<i32>} : memref<32x896xf32, #tpu.memory_space<vmem>>, vector<16xf32>,
        tpu.vector_store %arg12[%swap3A_3372, %swap3A_3373], %get3A_3371 {strides = array<i32>} : memref<32x896xf32, #tpu.memory_space<vmem>>, vector<16xf32>,
        %add3A_3375 = arith.constant 364 : i32
        %add3A_3376 = arith.addi %add3A_3375, %scan3A_3179 : i32
        %get3A_3377 = arith.index_cast %add3A_3376 : i32 to index
        %get3A_3378 = arith.constant 0 : index
        %get3A_3379 = tpu.vector_load %arg10[%get3A_3377, %get3A_3378] {strides = array<i32>} : memref<650x32xf32, #tpu.memory_space<vmem>>, vector<16xf32>,
        %swap3A_3380 = arith.index_cast %scan3A_3179 : i32 to index
        %swap3A_3381 = arith.constant 449 : index
        %swap3A_3382 = tpu.vector_load %arg12[%swap3A_3380, %swap3A_3381] {strides = array<i32>} : memref<32x896xf32, #tpu.memory_space<vmem>>, vector<16xf32>,
        tpu.vector_store %arg12[%swap3A_3380, %swap3A_3381], %get3A_3379 {strides = array<i32>} : memref<32x896xf32, #tpu.memory_space<vmem>>, vector<16xf32>,
        %get3A_3383 = arith.index_cast %add3A_3376 : i32 to index
        %get3A_3384 = arith.constant 16 : index
        %get3A_3385 = tpu.vector_load %arg10[%get3A_3383, %get3A_3384] {strides = array<i32>} : memref<650x32xf32, #tpu.memory_space<vmem>>, vector<16xf32>,
        %swap3A_3386 = arith.index_cast %scan3A_3179 : i32 to index
        %swap3A_3387 = arith.constant 465 : index
        %swap3A_3388 = tpu.vector_load %arg12[%swap3A_3386, %swap3A_3387] {strides = array<i32>} : memref<32x896xf32, #tpu.memory_space<vmem>>, vector<16xf32>,
        tpu.vector_store %arg12[%swap3A_3386, %swap3A_3387], %get3A_3385 {strides = array<i32>} : memref<32x896xf32, #tpu.memory_space<vmem>>, vector<16xf32>,
        %add3A_3389 = arith.constant 390 : i32
        %add3A_3390 = arith.addi %add3A_3389, %scan3A_3179 : i32
        %get3A_3391 = arith.index_cast %add3A_3390 : i32 to index
        %get3A_3392 = arith.constant 0 : index
        %get3A_3393 = tpu.vector_load %arg10[%get3A_3391, %get3A_3392] {strides = array<i32>} : memref<650x32xf32, #tpu.memory_space<vmem>>, vector<16xf32>,
        %swap3A_3394 = arith.index_cast %scan3A_3179 : i32 to index
        %swap3A_3395 = arith.constant 481 : index
        %swap3A_3396 = tpu.vector_load %arg12[%swap3A_3394, %swap3A_3395] {strides = array<i32>} : memref<32x896xf32, #tpu.memory_space<vmem>>, vector<16xf32>,
        tpu.vector_store %arg12[%swap3A_3394, %swap3A_3395], %get3A_3393 {strides = array<i32>} : memref<32x896xf32, #tpu.memory_space<vmem>>, vector<16xf32>,
        %get3A_3397 = arith.index_cast %add3A_3390 : i32 to index
        %get3A_3398 = arith.constant 16 : index
        %get3A_3399 = tpu.vector_load %arg10[%get3A_3397, %get3A_3398] {strides = array<i32>} : memref<650x32xf32, #tpu.memory_space<vmem>>, vector<16xf32>,
        %swap3A_3400 = arith.index_cast %scan3A_3179 : i32 to index
        %swap3A_3401 = arith.constant 497 : index
        %swap3A_3402 = tpu.vector_load %arg12[%swap3A_3400, %swap3A_3401] {strides = array<i32>} : memref<32x896xf32, #tpu.memory_space<vmem>>, vector<16xf32>,
        tpu.vector_store %arg12[%swap3A_3400, %swap3A_3401], %get3A_3399 {strides = array<i32>} : memref<32x896xf32, #tpu.memory_space<vmem>>, vector<16xf32>,
        %add3A_3403 = arith.constant 416 : i32
        %add3A_3404 = arith.addi %add3A_3403, %scan3A_3179 : i32
        %get3A_3405 = arith.index_cast %add3A_3404 : i32 to index
        %get3A_3406 = arith.constant 0 : index
        %get3A_3407 = tpu.vector_load %arg10[%get3A_3405, %get3A_3406] {strides = array<i32>} : memref<650x32xf32, #tpu.memory_space<vmem>>, vector<16xf32>,
        %swap3A_3408 = arith.index_cast %scan3A_3179 : i32 to index
        %swap3A_3409 = arith.constant 513 : index
        %swap3A_3410 = tpu.vector_load %arg12[%swap3A_3408, %swap3A_3409] {strides = array<i32>} : memref<32x896xf32, #tpu.memory_space<vmem>>, vector<16xf32>,
        tpu.vector_store %arg12[%swap3A_3408, %swap3A_3409], %get3A_3407 {strides = array<i32>} : memref<32x896xf32, #tpu.memory_space<vmem>>, vector<16xf32>,
        %get3A_3411 = arith.index_cast %add3A_3404 : i32 to index
        %get3A_3412 = arith.constant 16 : index
        %get3A_3413 = tpu.vector_load %arg10[%get3A_3411, %get3A_3412] {strides = array<i32>} : memref<650x32xf32, #tpu.memory_space<vmem>>, vector<16xf32>,
        %swap3A_3414 = arith.index_cast %scan3A_3179 : i32 to index
        %swap3A_3415 = arith.constant 529 : index
        %swap3A_3416 = tpu.vector_load %arg12[%swap3A_3414, %swap3A_3415] {strides = array<i32>} : memref<32x896xf32, #tpu.memory_space<vmem>>, vector<16xf32>,
        tpu.vector_store %arg12[%swap3A_3414, %swap3A_3415], %get3A_3413 {strides = array<i32>} : memref<32x896xf32, #tpu.memory_space<vmem>>, vector<16xf32>,
        %add3A_3417 = arith.constant 442 : i32
        %add3A_3418 = arith.addi %add3A_3417, %scan3A_3179 : i32
        %get3A_3419 = arith.index_cast %add3A_3418 : i32 to index
        %get3A_3420 = arith.constant 0 : index
        %get3A_3421 = tpu.vector_load %arg10[%get3A_3419, %get3A_3420] {strides = array<i32>} : memref<650x32xf32, #tpu.memory_space<vmem>>, vector<16xf32>,
        %swap3A_3422 = arith.index_cast %scan3A_3179 : i32 to index
        %swap3A_3423 = arith.constant 545 : index
        %swap3A_3424 = tpu.vector_load %arg12[%swap3A_3422, %swap3A_3423] {strides = array<i32>} : memref<32x896xf32, #tpu.memory_space<vmem>>, vector<16xf32>,
        tpu.vector_store %arg12[%swap3A_3422, %swap3A_3423], %get3A_3421 {strides = array<i32>} : memref<32x896xf32, #tpu.memory_space<vmem>>, vector<16xf32>,
        %get3A_3425 = arith.index_cast %add3A_3418 : i32 to index
        %get3A_3426 = arith.constant 16 : index
        %get3A_3427 = tpu.vector_load %arg10[%get3A_3425, %get3A_3426] {strides = array<i32>} : memref<650x32xf32, #tpu.memory_space<vmem>>, vector<16xf32>,
        %swap3A_3428 = arith.index_cast %scan3A_3179 : i32 to index
        %swap3A_3429 = arith.constant 561 : index
        %swap3A_3430 = tpu.vector_load %arg12[%swap3A_3428, %swap3A_3429] {strides = array<i32>} : memref<32x896xf32, #tpu.memory_space<vmem>>, vector<16xf32>,
        tpu.vector_store %arg12[%swap3A_3428, %swap3A_3429], %get3A_3427 {strides = array<i32>} : memref<32x896xf32, #tpu.memory_space<vmem>>, vector<16xf32>,
        %add3A_3431 = arith.constant 468 : i32
        %add3A_3432 = arith.addi %add3A_3431, %scan3A_3179 : i32
        %get3A_3433 = arith.index_cast %add3A_3432 : i32 to index
        %get3A_3434 = arith.constant 0 : index
        %get3A_3435 = tpu.vector_load %arg10[%get3A_3433, %get3A_3434] {strides = array<i32>} : memref<650x32xf32, #tpu.memory_space<vmem>>, vector<16xf32>,
        %swap3A_3436 = arith.index_cast %scan3A_3179 : i32 to index
        %swap3A_3437 = arith.constant 577 : index
        %swap3A_3438 = tpu.vector_load %arg12[%swap3A_3436, %swap3A_3437] {strides = array<i32>} : memref<32x896xf32, #tpu.memory_space<vmem>>, vector<16xf32>,
        tpu.vector_store %arg12[%swap3A_3436, %swap3A_3437], %get3A_3435 {strides = array<i32>} : memref<32x896xf32, #tpu.memory_space<vmem>>, vector<16xf32>,
        %get3A_3439 = arith.index_cast %add3A_3432 : i32 to index
        %get3A_3440 = arith.constant 16 : index
        %get3A_3441 = tpu.vector_load %arg10[%get3A_3439, %get3A_3440] {strides = array<i32>} : memref<650x32xf32, #tpu.memory_space<vmem>>, vector<16xf32>,
        %swap3A_3442 = arith.index_cast %scan3A_3179 : i32 to index
        %swap3A_3443 = arith.constant 593 : index
        %swap3A_3444 = tpu.vector_load %arg12[%swap3A_3442, %swap3A_3443] {strides = array<i32>} : memref<32x896xf32, #tpu.memory_space<vmem>>, vector<16xf32>,
        tpu.vector_store %arg12[%swap3A_3442, %swap3A_3443], %get3A_3441 {strides = array<i32>} : memref<32x896xf32, #tpu.memory_space<vmem>>, vector<16xf32>,
        %add3A_3445 = arith.constant 494 : i32
        %add3A_3446 = arith.addi %add3A_3445, %scan3A_3179 : i32
        %get3A_3447 = arith.index_cast %add3A_3446 : i32 to index
        %get3A_3448 = arith.constant 0 : index
        %get3A_3449 = tpu.vector_load %arg10[%get3A_3447, %get3A_3448] {strides = array<i32>} : memref<650x32xf32, #tpu.memory_space<vmem>>, vector<16xf32>,
        %swap3A_3450 = arith.index_cast %scan3A_3179 : i32 to index
        %swap3A_3451 = arith.constant 609 : index
        %swap3A_3452 = tpu.vector_load %arg12[%swap3A_3450, %swap3A_3451] {strides = array<i32>} : memref<32x896xf32, #tpu.memory_space<vmem>>, vector<16xf32>,
        tpu.vector_store %arg12[%swap3A_3450, %swap3A_3451], %get3A_3449 {strides = array<i32>} : memref<32x896xf32, #tpu.memory_space<vmem>>, vector<16xf32>,
        %get3A_3453 = arith.index_cast %add3A_3446 : i32 to index
        %get3A_3454 = arith.constant 16 : index
        %get3A_3455 = tpu.vector_load %arg10[%get3A_3453, %get3A_3454] {strides = array<i32>} : memref<650x32xf32, #tpu.memory_space<vmem>>, vector<16xf32>,
        %swap3A_3456 = arith.index_cast %scan3A_3179 : i32 to index
        %swap3A_3457 = arith.constant 625 : index
        %swap3A_3458 = tpu.vector_load %arg12[%swap3A_3456, %swap3A_3457] {strides = array<i32>} : memref<32x896xf32, #tpu.memory_space<vmem>>, vector<16xf32>,
        tpu.vector_store %arg12[%swap3A_3456, %swap3A_3457], %get3A_3455 {strides = array<i32>} : memref<32x896xf32, #tpu.memory_space<vmem>>, vector<16xf32>,
        %add3A_3459 = arith.constant 520 : i32
        %add3A_3460 = arith.addi %add3A_3459, %scan3A_3179 : i32
        %get3A_3461 = arith.index_cast %add3A_3460 : i32 to index
        %get3A_3462 = arith.constant 0 : index
        %get3A_3463 = tpu.vector_load %arg10[%get3A_3461, %get3A_3462] {strides = array<i32>} : memref<650x32xf32, #tpu.memory_space<vmem>>, vector<16xf32>,
        %swap3A_3464 = arith.index_cast %scan3A_3179 : i32 to index
        %swap3A_3465 = arith.constant 641 : index
        %swap3A_3466 = tpu.vector_load %arg12[%swap3A_3464, %swap3A_3465] {strides = array<i32>} : memref<32x896xf32, #tpu.memory_space<vmem>>, vector<16xf32>,
        tpu.vector_store %arg12[%swap3A_3464, %swap3A_3465], %get3A_3463 {strides = array<i32>} : memref<32x896xf32, #tpu.memory_space<vmem>>, vector<16xf32>,
        %get3A_3467 = arith.index_cast %add3A_3460 : i32 to index
        %get3A_3468 = arith.constant 16 : index
        %get3A_3469 = tpu.vector_load %arg10[%get3A_3467, %get3A_3468] {strides = array<i32>} : memref<650x32xf32, #tpu.memory_space<vmem>>, vector<16xf32>,
        %swap3A_3470 = arith.index_cast %scan3A_3179 : i32 to index
        %swap3A_3471 = arith.constant 657 : index
        %swap3A_3472 = tpu.vector_load %arg12[%swap3A_3470, %swap3A_3471] {strides = array<i32>} : memref<32x896xf32, #tpu.memory_space<vmem>>, vector<16xf32>,
        tpu.vector_store %arg12[%swap3A_3470, %swap3A_3471], %get3A_3469 {strides = array<i32>} : memref<32x896xf32, #tpu.memory_space<vmem>>, vector<16xf32>,
        %add3A_3473 = arith.constant 546 : i32
        %add3A_3474 = arith.addi %add3A_3473, %scan3A_3179 : i32
        %get3A_3475 = arith.index_cast %add3A_3474 : i32 to index
        %get3A_3476 = arith.constant 0 : index
        %get3A_3477 = tpu.vector_load %arg10[%get3A_3475, %get3A_3476] {strides = array<i32>} : memref<650x32xf32, #tpu.memory_space<vmem>>, vector<16xf32>,
        %swap3A_3478 = arith.index_cast %scan3A_3179 : i32 to index
        %swap3A_3479 = arith.constant 673 : index
        %swap3A_3480 = tpu.vector_load %arg12[%swap3A_3478, %swap3A_3479] {strides = array<i32>} : memref<32x896xf32, #tpu.memory_space<vmem>>, vector<16xf32>,
        tpu.vector_store %arg12[%swap3A_3478, %swap3A_3479], %get3A_3477 {strides = array<i32>} : memref<32x896xf32, #tpu.memory_space<vmem>>, vector<16xf32>,
        %get3A_3481 = arith.index_cast %add3A_3474 : i32 to index
        %get3A_3482 = arith.constant 16 : index
        %get3A_3483 = tpu.vector_load %arg10[%get3A_3481, %get3A_3482] {strides = array<i32>} : memref<650x32xf32, #tpu.memory_space<vmem>>, vector<16xf32>,
        %swap3A_3484 = arith.index_cast %scan3A_3179 : i32 to index
        %swap3A_3485 = arith.constant 689 : index
        %swap3A_3486 = tpu.vector_load %arg12[%swap3A_3484, %swap3A_3485] {strides = array<i32>} : memref<32x896xf32, #tpu.memory_space<vmem>>, vector<16xf32>,
        tpu.vector_store %arg12[%swap3A_3484, %swap3A_3485], %get3A_3483 {strides = array<i32>} : memref<32x896xf32, #tpu.memory_space<vmem>>, vector<16xf32>,
        %add3A_3487 = arith.constant 572 : i32
        %add3A_3488 = arith.addi %add3A_3487, %scan3A_3179 : i32
        %get3A_3489 = arith.index_cast %add3A_3488 : i32 to index
        %get3A_3490 = arith.constant 0 : index
        %get3A_3491 = tpu.vector_load %arg10[%get3A_3489, %get3A_3490] {strides = array<i32>} : memref<650x32xf32, #tpu.memory_space<vmem>>, vector<16xf32>,
        %swap3A_3492 = arith.index_cast %scan3A_3179 : i32 to index
        %swap3A_3493 = arith.constant 705 : index
        %swap3A_3494 = tpu.vector_load %arg12[%swap3A_3492, %swap3A_3493] {strides = array<i32>} : memref<32x896xf32, #tpu.memory_space<vmem>>, vector<16xf32>,
        tpu.vector_store %arg12[%swap3A_3492, %swap3A_3493], %get3A_3491 {strides = array<i32>} : memref<32x896xf32, #tpu.memory_space<vmem>>, vector<16xf32>,
        %get3A_3495 = arith.index_cast %add3A_3488 : i32 to index
        %get3A_3496 = arith.constant 16 : index
        %get3A_3497 = tpu.vector_load %arg10[%get3A_3495, %get3A_3496] {strides = array<i32>} : memref<650x32xf32, #tpu.memory_space<vmem>>, vector<16xf32>,
        %swap3A_3498 = arith.index_cast %scan3A_3179 : i32 to index
        %swap3A_3499 = arith.constant 721 : index
        %swap3A_3500 = tpu.vector_load %arg12[%swap3A_3498, %swap3A_3499] {strides = array<i32>} : memref<32x896xf32, #tpu.memory_space<vmem>>, vector<16xf32>,
        tpu.vector_store %arg12[%swap3A_3498, %swap3A_3499], %get3A_3497 {strides = array<i32>} : memref<32x896xf32, #tpu.memory_space<vmem>>, vector<16xf32>,
        %add3A_3501 = arith.constant 598 : i32
        %add3A_3502 = arith.addi %add3A_3501, %scan3A_3179 : i32
        %get3A_3503 = arith.index_cast %add3A_3502 : i32 to index
        %get3A_3504 = arith.constant 0 : index
        %get3A_3505 = tpu.vector_load %arg10[%get3A_3503, %get3A_3504] {strides = array<i32>} : memref<650x32xf32, #tpu.memory_space<vmem>>, vector<16xf32>,
        %swap3A_3506 = arith.index_cast %scan3A_3179 : i32 to index
        %swap3A_3507 = arith.constant 737 : index
        %swap3A_3508 = tpu.vector_load %arg12[%swap3A_3506, %swap3A_3507] {strides = array<i32>} : memref<32x896xf32, #tpu.memory_space<vmem>>, vector<16xf32>,
        tpu.vector_store %arg12[%swap3A_3506, %swap3A_3507], %get3A_3505 {strides = array<i32>} : memref<32x896xf32, #tpu.memory_space<vmem>>, vector<16xf32>,
        %get3A_3509 = arith.index_cast %add3A_3502 : i32 to index
        %get3A_3510 = arith.constant 16 : index
        %get3A_3511 = tpu.vector_load %arg10[%get3A_3509, %get3A_3510] {strides = array<i32>} : memref<650x32xf32, #tpu.memory_space<vmem>>, vector<16xf32>,
        %swap3A_3512 = arith.index_cast %scan3A_3179 : i32 to index
        %swap3A_3513 = arith.constant 753 : index
        %swap3A_3514 = tpu.vector_load %arg12[%swap3A_3512, %swap3A_3513] {strides = array<i32>} : memref<32x896xf32, #tpu.memory_space<vmem>>, vector<16xf32>,
        tpu.vector_store %arg12[%swap3A_3512, %swap3A_3513], %get3A_3511 {strides = array<i32>} : memref<32x896xf32, #tpu.memory_space<vmem>>, vector<16xf32>,
        %add3A_3515 = arith.constant 624 : i32
        %add3A_3516 = arith.addi %add3A_3515, %scan3A_3179 : i32
        %get3A_3517 = arith.index_cast %add3A_3516 : i32 to index
        %get3A_3518 = arith.constant 0 : index
        %get3A_3519 = tpu.vector_load %arg10[%get3A_3517, %get3A_3518] {strides = array<i32>} : memref<650x32xf32, #tpu.memory_space<vmem>>, vector<16xf32>,
        %swap3A_3520 = arith.index_cast %scan3A_3179 : i32 to index
        %swap3A_3521 = arith.constant 769 : index
        %swap3A_3522 = tpu.vector_load %arg12[%swap3A_3520, %swap3A_3521] {strides = array<i32>} : memref<32x896xf32, #tpu.memory_space<vmem>>, vector<16xf32>,
        tpu.vector_store %arg12[%swap3A_3520, %swap3A_3521], %get3A_3519 {strides = array<i32>} : memref<32x896xf32, #tpu.memory_space<vmem>>, vector<16xf32>,
        %get3A_3523 = arith.index_cast %add3A_3516 : i32 to index
        %get3A_3524 = arith.constant 16 : index
        %get3A_3525 = tpu.vector_load %arg10[%get3A_3523, %get3A_3524] {strides = array<i32>} : memref<650x32xf32, #tpu.memory_space<vmem>>, vector<16xf32>,
        %swap3A_3526 = arith.index_cast %scan3A_3179 : i32 to index
        %swap3A_3527 = arith.constant 785 : index
        %swap3A_3528 = tpu.vector_load %arg12[%swap3A_3526, %swap3A_3527] {strides = array<i32>} : memref<32x896xf32, #tpu.memory_space<vmem>>, vector<16xf32>,
        tpu.vector_store %arg12[%swap3A_3526, %swap3A_3527], %get3A_3525 {strides = array<i32>} : memref<32x896xf32, #tpu.memory_space<vmem>>, vector<16xf32>,
      }
      %scan3A_3126 = arith.constant 26 : i32
      %add3A_3127 = arith.constant 0 : i32
      %add3A_3128 = vector.broadcast %add3A_3127 : i32 to vector<16xi32>
      %add3A_3129 = arith.addi %iota3A, %add3A_3128 : vector<16xi32>
      %add3A_3130 = arith.constant 24 : i32
      %add3A_3131 = vector.broadcast %add3A_3130 : i32 to vector<16xi32>
      %add3A_3132 = arith.addi %add3A_3129, %add3A_3131 : vector<16xi32>
      %add3A_3133 = vector.broadcast %sub3A_120 : i32 to vector<16xi32>
      %add3A_3134 = arith.addi %add3A_3132, %add3A_3133 : vector<16xi32>
      %shift_right_arithmetic3A_3135 = arith.constant 7 : i32
      %shift_right_arithmetic3A_3136 = vector.broadcast %shift_right_arithmetic3A_3135 : i32 to vector<16xi32>
      %shift_right_arithmetic3A_3137 = arith.shrsi %add3A_3134, %shift_right_arithmetic3A_3136 : vector<16xi32>
      %and3A_3138 = arith.constant 127 : i32
      %and3A_3139 = vector.broadcast %and3A_3138 : i32 to vector<16xi32>
      %and3A_3140 = arith.andi %add3A_3134, %and3A_3139 : vector<16xi32>
      %gather3A_3141 = arith.constant 0 : i32
      %gather3A_3142 = arith.constant 0 : i32
      %gather3A_3143 = tpu.memref_slice %arg7[%rem3A_122, %gather3A_3141, %gather3A_3142] : memref<2x2x128xf32, #tpu.memory_space<vmem>> -> memref<1x2x128xf32, #tpu.memory_space<vmem>>
      %gather3A_3144 = tpu.memref_squeeze %gather3A_3143 : memref<1x2x128xf32, #tpu.memory_space<vmem>> -> memref<2x128xf32, #tpu.memory_space<vmem>>
      %gather3A_3145 = tpu.vector_load_idx %gather3A_3144[%shift_right_arithmetic3A_3137, %and3A_3140] : memref<2x128xf32, #tpu.memory_space<vmem>>[vector<16xi32>, vector<16xi32>], vector<16xf32>,
      %add3A_3146 = arith.constant 0 : i32
      %add3A_3147 = vector.broadcast %add3A_3146 : i32 to vector<16xi32>
      %add3A_3148 = arith.addi %iota3A, %add3A_3147 : vector<16xi32>
      tpu.vector_store_idx %arg12[%add3A_3148, %broadcast_in_dim3A_1], %gather3A_3145 : memref<32x896xf32, #tpu.memory_space<vmem>>[vector<16xi32>, vector<16xi32>], vector<16xf32>,
      %add3A_3149 = arith.constant 10 : i32
      %add3A_3150 = vector.broadcast %add3A_3149 : i32 to vector<16xi32>
      %add3A_3151 = arith.addi %iota3A, %add3A_3150 : vector<16xi32>
      %add3A_3152 = arith.constant 24 : i32
      %add3A_3153 = vector.broadcast %add3A_3152 : i32 to vector<16xi32>
      %add3A_3154 = arith.addi %add3A_3151, %add3A_3153 : vector<16xi32>
      %add3A_3155 = vector.broadcast %sub3A_120 : i32 to vector<16xi32>
      %add3A_3156 = arith.addi %add3A_3154, %add3A_3155 : vector<16xi32>
      %shift_right_arithmetic3A_3157 = arith.constant 7 : i32
      %shift_right_arithmetic3A_3158 = vector.broadcast %shift_right_arithmetic3A_3157 : i32 to vector<16xi32>
      %shift_right_arithmetic3A_3159 = arith.shrsi %add3A_3156, %shift_right_arithmetic3A_3158 : vector<16xi32>
      %and3A_3160 = arith.constant 127 : i32
      %and3A_3161 = vector.broadcast %and3A_3160 : i32 to vector<16xi32>
      %and3A_3162 = arith.andi %add3A_3156, %and3A_3161 : vector<16xi32>
      %gather3A_3163 = arith.constant 0 : i32
      %gather3A_3164 = arith.constant 0 : i32
      %gather3A_3165 = tpu.memref_slice %arg7[%rem3A_122, %gather3A_3163, %gather3A_3164] : memref<2x2x128xf32, #tpu.memory_space<vmem>> -> memref<1x2x128xf32, #tpu.memory_space<vmem>>
      %gather3A_3166 = tpu.memref_squeeze %gather3A_3165 : memref<1x2x128xf32, #tpu.memory_space<vmem>> -> memref<2x128xf32, #tpu.memory_space<vmem>>
      %gather3A_3167 = tpu.vector_load_idx %gather3A_3166[%shift_right_arithmetic3A_3159, %and3A_3162] : memref<2x128xf32, #tpu.memory_space<vmem>>[vector<16xi32>, vector<16xi32>], vector<16xf32>,
      %add3A_3168 = arith.constant 10 : i32
      %add3A_3169 = vector.broadcast %add3A_3168 : i32 to vector<16xi32>
      %add3A_3170 = arith.addi %iota3A, %add3A_3169 : vector<16xi32>
      tpu.vector_store_idx %arg12[%add3A_3170, %broadcast_in_dim3A_1], %gather3A_3167 : memref<32x896xf32, #tpu.memory_space<vmem>>[vector<16xi32>, vector<16xi32>], vector<16xf32>,
      %dma_start3A_3171 = arith.constant 24 : i32
      %dma_start3A_3172 = arith.constant 0 : i32
      %dma_start3A_3173 = tpu.memref_slice %arg5[%add3A_100, %dma_start3A_3171, %dma_start3A_3172] : memref<1024x56x896xf32, #tpu.memory_space<hbm>> -> memref<1x32x896xf32, #tpu.memory_space<hbm>>
      %dma_start3A_3174 = tpu.memref_squeeze %dma_start3A_3173 : memref<1x32x896xf32, #tpu.memory_space<hbm>> -> memref<32x896xf32, #tpu.memory_space<hbm>>
      %dma_start3A_3175 = arith.constant 24 : i32
      %dma_start3A_3176 = arith.constant 0 : i32
      %dma_start3A_3177 = tpu.memref_slice %arg5[%add3A_100, %dma_start3A_3175, %dma_start3A_3176] : memref<1024x56x896xf32, #tpu.memory_space<hbm>> -> memref<1x32x896xf32, #tpu.memory_space<hbm>>
      %dma_start3A_3178 = tpu.memref_squeeze %dma_start3A_3177 : memref<1x32x896xf32, #tpu.memory_space<hbm>> -> memref<32x896xf32, #tpu.memory_space<hbm>>
      tpu.enqueue_dma source(%arg12 : memref<32x896xf32, #tpu.memory_space<vmem>>) target(%dma_start3A_3178 : memref<32x896xf32, #tpu.memory_space<hbm>>) target_semaphore(%arg16 : memref<!tpu.dma_semaphore, #tpu.memory_space<semaphore_mem>>)
    }
    %scan3A_79 = arith.constant 32 : i32
    %dma_wait3A = arith.constant 0 : i32
    %dma_wait3A_80 = arith.constant 0 : i32
    %dma_wait3A_81 = arith.constant 0 : i32
    %dma_wait3A_82 = tpu.memref_slice %arg5[%dma_wait3A, %dma_wait3A_80, %dma_wait3A_81] : memref<1024x56x896xf32, #tpu.memory_space<hbm>> -> memref<1x24x896xf32, #tpu.memory_space<hbm>>
    %dma_wait3A_83 = tpu.memref_squeeze %dma_wait3A_82 : memref<1x24x896xf32, #tpu.memory_space<hbm>> -> memref<24x896xf32, #tpu.memory_space<hbm>>
    %dma_wait3A_84 = arith.constant 0 : i32
    %dma_wait3A_85 = arith.constant 0 : i32
    %dma_wait3A_86 = tpu.memref_slice %arg5[%dma_wait3A, %dma_wait3A_84, %dma_wait3A_85] : memref<1024x56x896xf32, #tpu.memory_space<hbm>> -> memref<1x24x896xf32, #tpu.memory_space<hbm>>
    %dma_wait3A_87 = tpu.memref_squeeze %dma_wait3A_86 : memref<1x24x896xf32, #tpu.memory_space<hbm>> -> memref<24x896xf32, #tpu.memory_space<hbm>>
    tpu.wait_dma2 semaphore(%arg15 : memref<!tpu.dma_semaphore, #tpu.memory_space<semaphore_mem>>) src(%arg11 : memref<24x896xf32, #tpu.memory_space<vmem>>) dst(%dma_wait3A_87 : memref<24x896xf32, #tpu.memory_space<hbm>>)
    %dma_wait3A_88 = arith.constant 0 : i32
    %dma_wait3A_89 = arith.constant 24 : i32
    %dma_wait3A_90 = arith.constant 0 : i32
    %dma_wait3A_91 = tpu.memref_slice %arg5[%dma_wait3A_88, %dma_wait3A_89, %dma_wait3A_90] : memref<1024x56x896xf32, #tpu.memory_space<hbm>> -> memref<1x32x896xf32, #tpu.memory_space<hbm>>
    %dma_wait3A_92 = tpu.memref_squeeze %dma_wait3A_91 : memref<1x32x896xf32, #tpu.memory_space<hbm>> -> memref<32x896xf32, #tpu.memory_space<hbm>>
    %dma_wait3A_93 = arith.constant 24 : i32
    %dma_wait3A_94 = arith.constant 0 : i32
    %dma_wait3A_95 = tpu.memref_slice %arg5[%dma_wait3A_88, %dma_wait3A_93, %dma_wait3A_94] : memref<1024x56x896xf32, #tpu.memory_space<hbm>> -> memref<1x32x896xf32, #tpu.memory_space<hbm>>
    %dma_wait3A_96 = tpu.memref_squeeze %dma_wait3A_95 : memref<1x32x896xf32, #tpu.memory_space<hbm>> -> memref<32x896xf32, #tpu.memory_space<hbm>>
    tpu.wait_dma2 semaphore(%arg16 : memref<!tpu.dma_semaphore, #tpu.memory_space<semaphore_mem>>) src(%arg12 : memref<32x896xf32, #tpu.memory_space<vmem>>) dst(%dma_wait3A_96 : memref<32x896xf32, #tpu.memory_space<hbm>>)
    return
  }
}

</mosaic_0001>

<sc_bundles>
// kernel: _sc_call.3.cloned.1.call-start
scs
__scs_entry_jumppad:
0x0: {  	(pc) =	sbr.rel $0x88, $3  }
0x1: {  	(tag) =	ssettag $0x0;
	lr =	simm.s32 $0x1  }
0x2: {  	[smem:$0x3F9E] =	sst lr;
	_ =	strace $0xD0000000  }
0x3: {  	_ = 	snop  }
0x4: {  	_ = 	snop  }
0x5: {  	_ = 	snop  }
0x6: {  	_ = 	snop  }
0x7: {  	_ = 	snop  }
__scs_overlays_trampoline_lowered:
0x8: {  	[smem:$0x3FAD] =	sst s0  }
0x9: {  	[smem:$0x3FAE] =	sst s1  }
0xa: {  	[smem:$0x3FAF] =	sst s2  }
0xb: {  	[smem:$0x3FB0] =	sst s3  }
0xc: {  	[smem:$0x3FB1] =	sst s4  }
0xd: {  	[smem:$0x3FB2] =	sst s5  }
0xe: {  	[smem:$0x3FB3] =	sst s6  }
0xf: {  	[smem:$0x3FB4] =	sst s7  }
0x10: {  	[smem:$0x3FB5] =	sst s8  }
0x11: {  	[smem:$0x3FB6] =	sst s9;
	s0 =	simm.s32 @!p0 $0x0  }
0x12: {  	s1 =	sld [smem:$0x3F9C];
	s0 =	simm.s32 @p0 $0x1  }
0x13: {  	[smem:$0x3FB7] =	sst s0;
	s0 =	simm.s32 @!p1 $0x0  }
0x14: {  	s2 =	sld [smem:$0x3F9B];
	s0 =	simm.s32 @p1 $0x1  }
0x15: {  	[smem:$0x3FB8] =	sst s0;
	s0 =	simm.s32 @!p2 $0x0  }
0x16: {  	s3 =	sld [smem:$0x3FDB];
	s0 =	simm.s32 @p2 $0x1  }
0x17: {  	s4 =	simm.s32 $0x1BF5;
	[smem:$0x3FBA] =	sst s0  }
0x18: {  	s0 =	sld [smem:$0x3F9D];
	_ =	swait.ge [sflag:s4], $0x0  }
0x19: {  	s7 =	sld [smem:$0x3F9E]  }
0x1a: {  	s8 =	sadd.s32 $0xFFFFE003, lr  }
0x1b: {  	s9 =	sadd.s32 $0xFFFFFEF7, lr;
	s5 =	simm.s32 $0xFFFFFFFF;
	p2 =	slt.u32 s8, $0xFFFFF086  }
0x1c: {  	p1 =	slt.u32 s9, $0xF7A;
	s5 =	simm.s32 @!p2 $0x0  }
0x1d: {  	s5 =	simm.s32 @p1 $0x1;
	p0 =	seq.s32 s7, s2  }
0x1e: {  	s7 =	smul.u32 @!p0 $0xF7A, s2;
	p2 =	seq.s32 @!p0 s5, $0x0  }
0x1f: {  	s9 =	smul.u32 $0xF7A, s1;
	s8 =	simm.s32 @!p0 $0x1BF5;
	p2 =	por !p2, p0  }
0x20: {  	[sflag:s8] =	ssyncset.s32 @!p0 $0xFFFFF086;
	s6 =	sadd.s32 @!p0 s3, s7;
	s7 =	simm.s32 @!p0 $0x108  }
0x21: {  	s3 =	sadd.s32 s3, s9;
	s6 =	sadd.s32 @!p0 $0x88, s6;
	s7 =	simm.s32 @p2 $0x1082  }
0x22: {  	[simem:s7], [sflag:s8] =	dma.local @!p0 [hbm:s6], $0xF7A  }
0x23: {  	s9 =	sor.u32 $0xD0000000, s2;
	s6 =	simm.s32 $0x108;
	_ =	swait.ge @!p0 [sflag:s8], $0x0  }
0x24: {  	s3 =	sadd.s32 $0x88, s3;
	s6 =	simm.s32 @!p1 $0x1082;
	[sflag:s4] =	ssyncset.s32 $0xFFFFF086  }
0x25: {  	[simem:s6], [sflag:s4] =	dma.local [hbm:s3], $0xF7A  }
0x26: {  	[smem:$0x3F9E] =	sst s1;
	(tag) =	ssettag s2;
	_ =	strace s9  }
0x27: {  	s1 =	sld [smem:$0x3FAE]  }
0x28: {  	s2 =	sld [smem:$0x3FAF]  }
0x29: {  	s4 =	sld [smem:$0x3FB1]  }
0x2a: {  	p0 =	seq.s32 s5, $0x0;
	s5 =	sld [smem:$0x3FB2]  }
0x2b: {  	s6 =	sld [smem:$0x3FB3]  }
0x2c: {  	s7 =	sld [smem:$0x3FB4]  }
0x2d: {  	s3 =	simm.s32 $0x108;
	s8 =	sld [smem:$0x3FB5]  }
0x2e: {  	s3 =	simm.s32 @!p0 $0x1082;
	s9 =	sld [smem:$0x3FB6]  }
0x2f: {  	lr =	sadd.s32 s0, s3;
	s0 =	sld [smem:$0x3FAD]  }
0x30: {  	s3 =	sld [smem:$0x3FB0]  }
0x31: {  	[smem:$0x3FB9] =	sst s10  }
0x32: {  	s10 =	sld [smem:$0x3FB7];
	_ =	sdelay $0x3  }
0x33: {  	p0 =	seq.s32 s10, $0x1;
	s10 =	sld [smem:$0x3FB9];
	_ =	sdelay $0x3  }
0x34: {  	[smem:$0x3FB9] =	sst s10  }
0x35: {  	s10 =	sld [smem:$0x3FB8];
	_ =	sdelay $0x3  }
0x36: {  	p1 =	seq.s32 s10, $0x1;
	s10 =	sld [smem:$0x3FB9];
	_ =	sdelay $0x3  }
0x37: {  	[smem:$0x3FB9] =	sst s10  }
0x38: {  	s10 =	sld [smem:$0x3FBA]  }
0x39: {  	_ = 	snop;
	(pc) =	sbr.ind lr, $3  }
0x3a: {  	_ = 	snop  }
0x3b: {  	_ = 	snop  }
0x3c: {  	p2 =	seq.s32 s10, $0x1;
	s10 =	sld [smem:$0x3FB9]  }
0x3d: {  	_ =	shalt  }
0x3e: {  	_ =	shalt  }
0x3f: {  	_ =	shalt  }
0x40: {  	_ =	shalt  }
0x41: {  	_ =	shalt  }
0x42: {  	_ =	shalt  }
0x43: {  	_ =	shalt  }
0x44: {  	_ =	shalt  }
0x45: {  	_ =	shalt  }
0x46: {  	_ =	shalt  }
0x47: {  	_ =	shalt  }
0x48: {  	_ =	shalt  }
0x49: {  	_ =	shalt  }
0x4a: {  	_ =	shalt  }
0x4b: {  	_ =	shalt  }
0x4c: {  	_ =	shalt  }
0x4d: {  	_ =	shalt  }
0x4e: {  	_ =	shalt  }
0x4f: {  	_ =	shalt  }
0x50: {  	_ =	shalt  }
0x51: {  	_ =	shalt  }
0x52: {  	_ =	shalt  }
0x53: {  	_ =	shalt  }
0x54: {  	_ =	shalt  }
0x55: {  	_ =	shalt  }
0x56: {  	_ =	shalt  }
0x57: {  	_ =	shalt  }
0x58: {  	_ =	shalt  }
0x59: {  	_ =	shalt  }
0x5a: {  	_ =	shalt  }
0x5b: {  	_ =	shalt  }
0x5c: {  	_ =	shalt  }
0x5d: {  	_ =	shalt  }
0x5e: {  	_ =	shalt  }
0x5f: {  	_ =	shalt  }
0x60: {  	_ =	shalt  }
0x61: {  	_ =	shalt  }
0x62: {  	_ =	shalt  }
0x63: {  	_ =	shalt  }
0x64: {  	_ =	shalt  }
0x65: {  	_ =	shalt  }
0x66: {  	_ =	shalt  }
0x67: {  	_ =	shalt  }
0x68: {  	_ =	shalt  }
0x69: {  	_ =	shalt  }
0x6a: {  	_ =	shalt  }
0x6b: {  	_ =	shalt  }
0x6c: {  	_ =	shalt  }
0x6d: {  	_ =	shalt  }
0x6e: {  	_ =	shalt  }
0x6f: {  	_ =	shalt  }
0x70: {  	_ =	shalt  }
0x71: {  	_ =	shalt  }
0x72: {  	_ =	shalt  }
0x73: {  	_ =	shalt  }
0x74: {  	_ =	shalt  }
0x75: {  	_ =	shalt  }
0x76: {  	_ =	shalt  }
0x77: {  	_ =	shalt  }
0x78: {  	_ =	shalt  }
0x79: {  	_ =	shalt  }
0x7a: {  	_ =	shalt  }
0x7b: {  	_ =	shalt  }
0x7c: {  	_ =	shalt  }
0x7d: {  	_ =	shalt  }
0x7e: {  	_ =	shalt  }
0x7f: {  	_ =	shalt  }
0x80: {  	_ =	shalt  }
0x81: {  	_ =	shalt  }
0x82: {  	_ =	shalt  }
0x83: {  	_ =	shalt  }
0x84: {  	_ =	shalt  }
0x85: {  	_ =	shalt  }
0x86: {  	_ =	shalt  }
0x87: {  	_ =	shalt  }
.Lfunc_end0:
.L_simem_size_0:
called_computation_lowered:
.L_overlay_start_0:
0x88: {  	s2 =	sld [smem:$0x3FD9]  }
0x89: {  	s3 =	sld [smem:$0x3FFE];
	_ =	sdelay $0x1  }
0x8a: {  	s1 =	srdreg.scid  }
0x8b: {  	s0 =	sand.u32 $0x1, s1  }
0x8c: {  	s17 =	sshll.u32 s0, $0xA;
	s2 =	sadd.s32 s3, s2  }
0x8d: {  	s2 =	sadd.s32 s2, s17  }
0x8e: {  	[smem:$0x3FC5] =	sst s2  }
0x8f: {  	_ = 	snop  }
0x90: {  	s2 =	sld [smem:$0x3FC9]  }
0x91: {  	s18 =	sld [smem:$0x3FC8]  }
0x92: {  	s4 =	sld [smem:$0x3FD0];
	(tm) =	ssettm $0x1  }
0x93: {  	s5 =	sld [smem:$0x3FFB];
	_ =	sdelay $0x3  }
0x94: {  	_ =	strace s5  }
0x95: {  	s5 =	sld [smem:$0x3FFC];
	_ =	sdelay $0x3  }
0x96: {  	_ =	strace s5  }
0x97: {  	s5 =	sld [smem:$0x3FFD];
	_ =	sdelay $0x3  }
0x98: {  	_ =	strace s5  }
0x99: {  	_ =	strace $0x8FFFFFFF  }
0x9a: {  	s19 =	sld [smem:$0x3FDB];
	_ =	sdelay $0x1  }
0x9b: {  	s6 =	simm.s32 $_scs_section_size  }
0x9c: {  	s7 =	simm.s32 $_size__tile_overlayer_lowered;
	s8 =	simm.s32 $_tile_overlayer_lowered  }
0x9d: {  	s22 =	simm.s32 $0x1BFF;
	s21 =	sshll.u32 s8, $0x1;
	s5 =	sadd.s32 s6, s19  }
0x9e: {  	s9 =	simm.s32 $0x0;
	s20 =	sshll.u32 s7, $0x1;
	s7 =	sadd.s32 s21, s5  }
0x9f: {  	[timem:s9], [sflag:s22] =	dma.local [hbm:s7], s20  }
0xa0: {  	_ =	swait.ge [sflag:s22], s20  }
0xa1: {  	s6 =	ssub.s32 $0x0, s20;
	[sflag:s22] =	ssyncset.done $0x0  }
0xa2: {  	[sflag:s22] =	ssyncadd.s32 s6;
	_ =	sdelay $0x1  }
0xa3: {  	s23 =	simm.s32 $0x1B8B  }
0xa4: {  	_ =	swait.ge [sflag:s23], $0x1  }
0xa5: {  	[sflag:s23] =	ssyncset.done $0x0  }
0xa6: {  	s25 =	simm.s32 $0x1B8E;
	s24 =	sld [smem:$0x3FFE];
	[sflag:s23] =	ssyncadd.s32 $0xFFFFFFFF  }
0xa7: {  	s26 =	simm.s32 $execute0_lowered;
	[smem:$0x3FD2] =	sst s25  }
0xa8: {  	s7 =	sshll.u32 s26, $0x1;
	_ =	strace $0x80000046;
	[dreg:$0x1] =	wrdreg $0xFFFFFFFF  }
0xa9: {  	s28 =	simm.s32 $_size_execute0_lowered;
	s5 =	sadd.s32 s5, s7;
	[dreg:$0x0] =	wrdreg $0x0  }
0xaa: {  	s7 =	sshll.u32 s28, $0x1;
	[dreg:$0x2] =	wrdreg s5  }
0xab: {  	[dreg:$0x3] =	wrdreg s7  }
0xac: {  	[dreg:$0x4] =	wrdreg $0xC0  }
0xad: {  	_ =	task [dreg:s9], $0x5FFFF  }
0xae: {  	[dreg:$0x1] =	wrdreg $0xFFFFFFFF  }
0xaf: {  	[dreg:$0x0] =	wrdreg $0x60  }
0xb0: {  	[dreg:$0x2] =	wrdreg s2  }
0xb1: {  	[dreg:$0x3] =	wrdreg s18  }
0xb2: {  	[dreg:$0x4] =	wrdreg s4  }
0xb3: {  	[dreg:$0x5] =	wrdreg s24  }
0xb4: {  	[dreg:$0x6] =	wrdreg $0x9  }
0xb5: {  	_ =	task.clear_ibuf [dreg:s9], $0x7FFFF;
	_ =	strace $0x90000046  }
0xb6: {  	s29 =	simm.s32 $0x9;
	_ =	strace $0x80000048  }
0xb7: {  	_ =	swait.ge [sflag:s29], $0x1  }
0xb8: {  	[sflag:s29] =	ssyncadd.s32 $0xFFFFFFFF  }
0xb9: {  	_ =	strace $0x90000048  }
0xba: {  	_ =	sfence  }
0xbb: {  	s30 =	sld [smem:$0x0];
	_ =	sdelay $0x2  }
0xbc: {  	s31 =	sshll.u32 s1, $0xD;
	s1 =	sshrl.u32 s1, $0x2  }
0xbd: {  	s3 =	sand.u32 $0x4000, s31;
	s1 =	sadd.s32 s1, s30  }
0xbe: {  	s0 =	sor.u32 s3, s0;
	s1 =	sshll.u32 s1, $0x11  }
0xbf: {  	s0 =	sor.u32 s1, s0  }
0xc0: {  	s0 =	sadd.s32 $0x8F2B, s0  }
0xc1: {  	[sflag:s0] =	ssyncadd.remote.s32 $0x1  }
0xc2: {  	_ =	sfence.sel $0xFFFF  }
0xc3: {  	[dreg:$0x0] =	wrdreg $0xFFFFFFFF;
	(pc) =	sbr.abs _section_cstart, $3  }
0xc4: {  	[dreg:$0x1] =	wrdreg $0xFFFFFFFF  }
0xc5: {  	_ =	task.clear_ibuf [dreg:s9], $0x2FFFF;
	_ =	strace $0x9FFFFFFF  }
0xc6: {  	(tm) =	ssettm $0x7FFFFFFF  }
0xc7: {  	_ =	shalt  }
tec
execute0_lowered:
.L_overlay_start_1:
0x0: {  	(tag) =	ssettag $0x1  }
0x1: {  	s8 =	rddreg [dreg:$0x0]  }
0x2: {  	s9 =	rddreg [dreg:$0x1];
	s0 =	srdreg.scid  }
0x3: {  	s1 =	stileid.u32;
	s4 =	rddreg [dreg:$0x2]  }
0x4: {  	s2 =	rddreg [dreg:$0x3];
	s6 =	simm.s32 $0x0;
	s12 =	simm.s32 $0x5  }
0x5: {  	s13 =	simm.s32 $0x18;
	s14 =	simm.s32 $0x1A;
	s31 =	simm.s32 $0x9C00  }
0x6: {  	s11 =	simm.s32 $0x1260;
	s10 =	simm.s32 $0xA5C0;
	s15 =	simm.s32 $0x1320  }
0x7: {  	s16 =	simm.s32 $0xAC40;
	s17 =	simm.s32 $0x1;
	s18 =	simm.s32 $0xAF80  }
0x8: {  	s19 =	simm.s32 $0x2;
	s0 =	sand.u32 $0x1, s0;
	s1 =	sshll.u32 s1, $0x1  }
0x9: {  	s20 =	simm.s32 $0x10380;
	s23 =	simm.s32 $0x0;
	s5 =	sor.u32 s0, s1  }
0xa: {  	[smem:$0x7FF] =	sst s6;
	s0 =	ssub.s32 $0x2, s0;
	s3 =	smul.u32 $0x4E2, s5  }
0xb: {  	s7 =	sadd.s32 $0x400, s2;
	s1 =	smul.u32 $0x32, s5;
	s29 =	sshrl.u32 s0, $0x1  }
0xc: {  	_ =	strace $0x80000047;
	s0 =	ssub.s32 s0, s29;
	s3 =	sshrl.u32 s3, $0x3  }
0xd: {  	v0 =	vlaneseq.u32;
	s1 =	sshrl.u32 s1, $0x3;
	s0 =	smax.u32 s0, $0x1;
	s30 =	sand.u32 $0x1FF0, s3  }
0xe: {  	v1 =	vmul.u32 $0x19, v0;
	s1 =	sand.u32 $0xF0, s1;
	[dreg:$0x7] =	wrdreg s0;
	s3 =	simm.s32 $0x1220  }
0xf: {  	v2 =	vmul.u32 $0x380, v0;
	v6 =	vadd.s32 $0x8, v0;
	v8 =	vadd.s32 $0x18, v0;
	s0 =	simm.s32 $0x9F40;
	s2 =	sadd.s32 s8, s30;
	s1 =	sadd.s32 s9, s1  }
0x10: {  	v9 =	vadd.s32 $0x22, v0;
	v3 =	vadd.s32 $0xC8, v1;
	v4 =	vadd.s32 $0x258, v1;
	s8 =	simm.s32 $0xA280;
	s9 =	simm.s32 $0x12A0;
	[dreg:$0x5] =	wrdreg s2  }
0x11: {  	v5 =	vadd.s32 $0x352, v1;
	v7 =	vadd.s32 $0x1C00, v2;
	v10 =	vadd.s32 $0x2300, v2;
	[dreg:$0x6] =	wrdreg s1;
	s1 =	simm.s32 $0x12E0;
	s2 =	simm.s32 $0xA900  }
.LBB2_1:
0x12: {  	[dreg:$0x8] =	wrdreg s23  }
0x13: {  	s21 =	rddreg [dreg:$0x5]  }
0x14: {  	[tilespmem:s6], [sflag:$0x5] =	stream.linear.gather [hbm4b:s21+s6], $0x580, $0x38;
	[tilespmem:$0x17380] =	vst v63  }
0x15: {  	s30 =	rddreg [dreg:$0x6];
	s22 =	simm.s32 $0xB00;
	s21 =	simm.s32 $0x0  }
0x16: {  	[tilespmem:s22], [sflag:$0x5] =	stream.linear.gather [hbm4b:s30+s6], $0x100, $0x38;
	[tilespmem:$0x17380] =	vst v63  }
.LBB2_2:
0x17: {  	s29 =	sshll.u32 s21, $0x5  }
0x18: {  	s22 =	sor.u32 s5, s29  }
0x19: {  	s24 =	smov.u32 s21;
	s23 =	smul.u32 $0x4E2, s22  }
0x1a: {  	s21 =	sadd.s32 $0x1, s24;
	p0 =	seq.s32 s24, $0x1F  }
0x1b: {  	_ =	swait.ge [sflag:s12], $0x580;
	s26 =	sshll.u32 @!p0 s21, $0x5;
	s25 =	sshrl.u32 s23, $0x7  }
0x1c: {  	[sflag:s12] =	ssyncset.done $0x0;
	s26 =	sor.u32 @!p0 s5, s26;
	s25 =	smin.u32 s25, $0x2705  }
0x1d: {  	[sflag:s12] =	ssyncadd.s32 $0xFFFFFA80;
	s28 =	smul.u32 @!p0 $0x4E2, s26;
	s25 =	sshll.u32 s25, $0x7  }
0x1e: {  	_ =	swait.ge [sflag:s12], $0x100;
	s25 =	ssub.s32 s23, s25;
	s23 =	smul.u32 @!p0 $0x32, s26  }
0x1f: {  	[sflag:s12] =	ssyncset.done $0x0;
	s26 =	sand.u32 @!p0 $0x1, s21  }
0x20: {  	s28 =	sshrl.u32 @!p0 s28, $0x7;
	s29 =	smul.u32 @!p0 $0x1600, s26;
	s23 =	sshrl.u32 @!p0 s23, $0x7  }
0x21: {  	[sflag:s12] =	ssyncadd.s32 $0xFFFFFF00;
	s28 =	smin.u32 @!p0 s28, $0x2705;
	s30 =	smin.u32 @!p0 s23, $0x18E  }
0x22: {  	s23 =	sshll.u32 @!p0 s28, $0x4;
	s28 =	sshrl.u32 @!p0 s29, $0x2;
	s29 =	rddreg [dreg:$0x0]  }
0x23: {  	s26 =	sshll.u32 @!p0 s26, $0x8;
	s23 =	sadd.s32 @!p0 s29, s23;
	s29 =	simm.s32 @!p0 $0x0  }
0x24: {  	v11 =	vadd.s32 s25, v1;
	[tilespmem:s28], [sflag:$0x5] =	stream.linear.gather @!p0 [hbm4b:s23+s29], $0x580, $0x38;
	[tilespmem:$0x17380] =	vst v63  }
0x25: {  	s23 =	sand.u32 $0x1, s24;
	s28 =	sshll.u32 @!p0 s30, $0x4;
	s30 =	rddreg [dreg:$0x1]  }
0x26: {  	s26 =	sadd.s32 @!p0 $0xB00, s26;
	s28 =	sadd.s32 @!p0 s30, s28;
	s30 =	smul.u32 $0x1600, s23  }
0x27: {  	[tilespmem:s26], [sflag:$0x5] =	stream.linear.gather @!p0 [hbm4b:s28+s29], $0x100, $0x38;
	[tilespmem:$0x17380] =	vst v63  }
0x28: {  	s30 =	sshrl.u32 s30, $0x2  }
0x29: {  	v11 =	vld.idx.msk [tilespmem:v11+s30+$0x0], $0xffff  }
0x2a: {  	v12 =	vadd.s32 s25, v3;
	_ =	sdelay $0x3  }
0x2b: {  	[tilespmem:$0xD00] =	vst v11  }
0x2c: {  	v11 =	vld.idx.msk [tilespmem:v12+s30+$0x0], $0xffff  }
0x2d: {  	v62 =	vadd.s32 s25, v4;
	_ =	sdelay $0x3  }
0x2e: {  	[tilespmem:$0xD08] =	vst v11  }
0x2f: {  	v11 =	vld.idx.msk [tilespmem:v62+s30+$0x0], $0xffff  }
0x30: {  	v63 =	vadd.s32 s25, v5;
	_ =	sdelay $0x3  }
0x31: {  	[tilespmem:$0xD20] =	vst v11  }
0x32: {  	s28 =	sor.u32 $0x1, s25;
	v11 =	vld.idx.msk [tilespmem:v63+s30+$0x0], $0xffff  }
0x33: {  	v16 =	vadd.s32 s28, v1;
	_ =	sdelay $0x3  }
0x34: {  	[tilespmem:$0xD2A] =	vst v11  }
0x35: {  	v11 =	vld.idx.msk [tilespmem:v16+s30+$0x0], $0xffff  }
0x36: {  	v17 =	vadd.s32 s28, v3;
	_ =	sdelay $0x3  }
0x37: {  	[tilespmem:$0xD40] =	vst v11  }
0x38: {  	v11 =	vld.idx.msk [tilespmem:v17+s30+$0x0], $0xffff  }
0x39: {  	v18 =	vadd.s32 s28, v4;
	_ =	sdelay $0x3  }
0x3a: {  	[tilespmem:$0xD48] =	vst v11  }
0x3b: {  	v11 =	vld.idx.msk [tilespmem:v18+s30+$0x0], $0xffff  }
0x3c: {  	v19 =	vadd.s32 s28, v5;
	_ =	sdelay $0x3  }
0x3d: {  	[tilespmem:$0xD60] =	vst v11  }
0x3e: {  	s28 =	sadd.s32 $0x2, s25;
	v11 =	vld.idx.msk [tilespmem:v19+s30+$0x0], $0xffff  }
0x3f: {  	v20 =	vadd.s32 s28, v1;
	_ =	sdelay $0x3  }
0x40: {  	[tilespmem:$0xD6A] =	vst v11  }
0x41: {  	v11 =	vld.idx.msk [tilespmem:v20+s30+$0x0], $0xffff  }
0x42: {  	v21 =	vadd.s32 s28, v3;
	_ =	sdelay $0x3  }
0x43: {  	[tilespmem:$0xD80] =	vst v11  }
0x44: {  	v11 =	vld.idx.msk [tilespmem:v21+s30+$0x0], $0xffff  }
0x45: {  	v22 =	vadd.s32 s28, v4;
	_ =	sdelay $0x3  }
0x46: {  	[tilespmem:$0xD88] =	vst v11  }
0x47: {  	v11 =	vld.idx.msk [tilespmem:v22+s30+$0x0], $0xffff  }
0x48: {  	v23 =	vadd.s32 s28, v5;
	_ =	sdelay $0x3  }
0x49: {  	[tilespmem:$0xDA0] =	vst v11  }
0x4a: {  	s28 =	sadd.s32 $0x3, s25;
	v11 =	vld.idx.msk [tilespmem:v23+s30+$0x0], $0xffff  }
0x4b: {  	v24 =	vadd.s32 s28, v1;
	_ =	sdelay $0x3  }
0x4c: {  	[tilespmem:$0xDAA] =	vst v11  }
0x4d: {  	v11 =	vld.idx.msk [tilespmem:v24+s30+$0x0], $0xffff  }
0x4e: {  	v25 =	vadd.s32 s28, v3;
	_ =	sdelay $0x3  }
0x4f: {  	[tilespmem:$0xDC0] =	vst v11  }
0x50: {  	v11 =	vld.idx.msk [tilespmem:v25+s30+$0x0], $0xffff  }
0x51: {  	v26 =	vadd.s32 s28, v4;
	_ =	sdelay $0x3  }
0x52: {  	[tilespmem:$0xDC8] =	vst v11  }
0x53: {  	v11 =	vld.idx.msk [tilespmem:v26+s30+$0x0], $0xffff  }
0x54: {  	v27 =	vadd.s32 s28, v5;
	_ =	sdelay $0x3  }
0x55: {  	[tilespmem:$0xDE0] =	vst v11  }
0x56: {  	s28 =	sadd.s32 $0x4, s25;
	v11 =	vld.idx.msk [tilespmem:v27+s30+$0x0], $0xffff  }
0x57: {  	v28 =	vadd.s32 s28, v1;
	_ =	sdelay $0x3  }
0x58: {  	[tilespmem:$0xDEA] =	vst v11  }
0x59: {  	v11 =	vld.idx.msk [tilespmem:v28+s30+$0x0], $0xffff  }
0x5a: {  	v29 =	vadd.s32 s28, v3;
	_ =	sdelay $0x3  }
0x5b: {  	[tilespmem:$0xE00] =	vst v11  }
0x5c: {  	v11 =	vld.idx.msk [tilespmem:v29+s30+$0x0], $0xffff  }
0x5d: {  	v30 =	vadd.s32 s28, v4;
	_ =	sdelay $0x3  }
0x5e: {  	[tilespmem:$0xE08] =	vst v11  }
0x5f: {  	v11 =	vld.idx.msk [tilespmem:v30+s30+$0x0], $0xffff  }
0x60: {  	v31 =	vadd.s32 s28, v5;
	_ =	sdelay $0x3  }
0x61: {  	[tilespmem:$0xE20] =	vst v11  }
0x62: {  	s28 =	sadd.s32 $0x5, s25;
	v11 =	vld.idx.msk [tilespmem:v31+s30+$0x0], $0xffff  }
0x63: {  	v32 =	vadd.s32 s28, v1;
	_ =	sdelay $0x3  }
0x64: {  	[tilespmem:$0xE2A] =	vst v11  }
0x65: {  	v11 =	vld.idx.msk [tilespmem:v32+s30+$0x0], $0xffff  }
0x66: {  	v33 =	vadd.s32 s28, v3;
	_ =	sdelay $0x3  }
0x67: {  	[tilespmem:$0xE40] =	vst v11  }
0x68: {  	v11 =	vld.idx.msk [tilespmem:v33+s30+$0x0], $0xffff  }
0x69: {  	v34 =	vadd.s32 s28, v4;
	_ =	sdelay $0x3  }
0x6a: {  	[tilespmem:$0xE48] =	vst v11  }
0x6b: {  	v11 =	vld.idx.msk [tilespmem:v34+s30+$0x0], $0xffff  }
0x6c: {  	v35 =	vadd.s32 s28, v5;
	_ =	sdelay $0x3  }
0x6d: {  	[tilespmem:$0xE60] =	vst v11  }
0x6e: {  	s28 =	sadd.s32 $0x6, s25;
	v11 =	vld.idx.msk [tilespmem:v35+s30+$0x0], $0xffff  }
0x6f: {  	v36 =	vadd.s32 s28, v1;
	_ =	sdelay $0x3  }
0x70: {  	[tilespmem:$0xE6A] =	vst v11  }
0x71: {  	v11 =	vld.idx.msk [tilespmem:v36+s30+$0x0], $0xffff  }
0x72: {  	v37 =	vadd.s32 s28, v3;
	_ =	sdelay $0x3  }
0x73: {  	[tilespmem:$0xE80] =	vst v11  }
0x74: {  	v11 =	vld.idx.msk [tilespmem:v37+s30+$0x0], $0xffff  }
0x75: {  	v38 =	vadd.s32 s28, v4;
	_ =	sdelay $0x3  }
0x76: {  	[tilespmem:$0xE88] =	vst v11  }
0x77: {  	v11 =	vld.idx.msk [tilespmem:v38+s30+$0x0], $0xffff  }
0x78: {  	v39 =	vadd.s32 s28, v5;
	_ =	sdelay $0x3  }
0x79: {  	[tilespmem:$0xEA0] =	vst v11  }
0x7a: {  	s28 =	sadd.s32 $0x7, s25;
	v11 =	vld.idx.msk [tilespmem:v39+s30+$0x0], $0xffff  }
0x7b: {  	v40 =	vadd.s32 s28, v1;
	_ =	sdelay $0x3  }
0x7c: {  	[tilespmem:$0xEAA] =	vst v11  }
0x7d: {  	v11 =	vld.idx.msk [tilespmem:v40+s30+$0x0], $0xffff  }
0x7e: {  	v41 =	vadd.s32 s28, v3;
	_ =	sdelay $0x3  }
0x7f: {  	[tilespmem:$0xEC0] =	vst v11  }
0x80: {  	v11 =	vld.idx.msk [tilespmem:v41+s30+$0x0], $0xffff  }
0x81: {  	v42 =	vadd.s32 s28, v4;
	_ =	sdelay $0x3  }
0x82: {  	[tilespmem:$0xEC8] =	vst v11  }
0x83: {  	v11 =	vld.idx.msk [tilespmem:v42+s30+$0x0], $0xffff  }
0x84: {  	v43 =	vadd.s32 s28, v5;
	_ =	sdelay $0x3  }
0x85: {  	[tilespmem:$0xEE0] =	vst v11  }
0x86: {  	s28 =	sadd.s32 $0x8, s25;
	v11 =	vld.idx.msk [tilespmem:v43+s30+$0x0], $0xffff  }
0x87: {  	v44 =	vadd.s32 s28, v1;
	_ =	sdelay $0x3  }
0x88: {  	[tilespmem:$0xEEA] =	vst v11  }
0x89: {  	v11 =	vld.idx.msk [tilespmem:v44+s30+$0x0], $0xffff  }
0x8a: {  	v45 =	vadd.s32 s28, v3;
	_ =	sdelay $0x3  }
0x8b: {  	[tilespmem:$0xF00] =	vst v11  }
0x8c: {  	v11 =	vld.idx.msk [tilespmem:v45+s30+$0x0], $0xffff  }
0x8d: {  	v46 =	vadd.s32 s28, v4;
	_ =	sdelay $0x3  }
0x8e: {  	[tilespmem:$0xF08] =	vst v11  }
0x8f: {  	v11 =	vld.idx.msk [tilespmem:v46+s30+$0x0], $0xffff  }
0x90: {  	v47 =	vadd.s32 s28, v5;
	_ =	sdelay $0x3  }
0x91: {  	[tilespmem:$0xF20] =	vst v11  }
0x92: {  	s28 =	sadd.s32 $0x9, s25;
	v11 =	vld.idx.msk [tilespmem:v47+s30+$0x0], $0xffff  }
0x93: {  	v48 =	vadd.s32 s28, v1;
	_ =	sdelay $0x3  }
0x94: {  	[tilespmem:$0xF2A] =	vst v11  }
0x95: {  	v11 =	vld.idx.msk [tilespmem:v48+s30+$0x0], $0xffff  }
0x96: {  	v49 =	vadd.s32 s28, v3;
	_ =	sdelay $0x3  }
0x97: {  	[tilespmem:$0xF40] =	vst v11  }
0x98: {  	v11 =	vld.idx.msk [tilespmem:v49+s30+$0x0], $0xffff  }
0x99: {  	v50 =	vadd.s32 s28, v4;
	_ =	sdelay $0x3  }
0x9a: {  	[tilespmem:$0xF48] =	vst v11  }
0x9b: {  	v11 =	vld.idx.msk [tilespmem:v50+s30+$0x0], $0xffff  }
0x9c: {  	v51 =	vadd.s32 s28, v5;
	_ =	sdelay $0x3  }
0x9d: {  	[tilespmem:$0xF60] =	vst v11  }
0x9e: {  	s28 =	sadd.s32 $0xA, s25;
	v11 =	vld.idx.msk [tilespmem:v51+s30+$0x0], $0xffff  }
0x9f: {  	v52 =	vadd.s32 s28, v1;
	_ =	sdelay $0x3  }
0xa0: {  	[tilespmem:$0xF6A] =	vst v11  }
0xa1: {  	v11 =	vld.idx.msk [tilespmem:v52+s30+$0x0], $0xffff  }
0xa2: {  	v53 =	vadd.s32 s28, v3;
	_ =	sdelay $0x3  }
0xa3: {  	[tilespmem:$0xF80] =	vst v11  }
0xa4: {  	v11 =	vld.idx.msk [tilespmem:v53+s30+$0x0], $0xffff  }
0xa5: {  	v54 =	vadd.s32 s28, v4;
	_ =	sdelay $0x3  }
0xa6: {  	[tilespmem:$0xF88] =	vst v11  }
0xa7: {  	v11 =	vld.idx.msk [tilespmem:v54+s30+$0x0], $0xffff  }
0xa8: {  	v55 =	vadd.s32 s28, v5;
	_ =	sdelay $0x3  }
0xa9: {  	[tilespmem:$0xFA0] =	vst v11  }
0xaa: {  	s28 =	sadd.s32 $0xB, s25;
	v11 =	vld.idx.msk [tilespmem:v55+s30+$0x0], $0xffff  }
0xab: {  	v56 =	vadd.s32 s28, v1;
	_ =	sdelay $0x3  }
0xac: {  	[tilespmem:$0xFAA] =	vst v11  }
0xad: {  	v11 =	vld.idx.msk [tilespmem:v56+s30+$0x0], $0xffff  }
0xae: {  	v57 =	vadd.s32 s28, v3;
	_ =	sdelay $0x3  }
0xaf: {  	[tilespmem:$0xFC0] =	vst v11  }
0xb0: {  	v11 =	vld.idx.msk [tilespmem:v57+s30+$0x0], $0xffff  }
0xb1: {  	v58 =	vadd.s32 s28, v4;
	_ =	sdelay $0x3  }
0xb2: {  	[tilespmem:$0xFC8] =	vst v11  }
0xb3: {  	v11 =	vld.idx.msk [tilespmem:v58+s30+$0x0], $0xffff  }
0xb4: {  	v59 =	vadd.s32 s28, v5;
	_ =	sdelay $0x3  }
0xb5: {  	[tilespmem:$0xFE0] =	vst v11  }
0xb6: {  	s28 =	sadd.s32 $0xC, s25;
	v11 =	vld.idx.msk [tilespmem:v59+s30+$0x0], $0xffff  }
0xb7: {  	v60 =	vadd.s32 s28, v1;
	_ =	sdelay $0x3  }
0xb8: {  	[tilespmem:$0xFEA] =	vst v11  }
0xb9: {  	v11 =	vld.idx.msk [tilespmem:v60+s30+$0x0], $0xffff  }
0xba: {  	v61 =	vadd.s32 s28, v3;
	_ =	sdelay $0x3  }
0xbb: {  	[tilespmem:$0x1000] =	vst v11  }
0xbc: {  	v11 =	vld.idx.msk [tilespmem:v61+s30+$0x0], $0xffff  }
0xbd: {  	v62 =	vadd.s32 s28, v4;
	_ =	sdelay $0x3  }
0xbe: {  	[tilespmem:$0x1008] =	vst v11  }
0xbf: {  	v11 =	vld.idx.msk [tilespmem:v62+s30+$0x0], $0xffff  }
0xc0: {  	v63 =	vadd.s32 s28, v5;
	_ =	sdelay $0x3  }
0xc1: {  	[tilespmem:$0x1020] =	vst v11  }
0xc2: {  	s28 =	sadd.s32 $0xD, s25;
	v11 =	vld.idx.msk [tilespmem:v63+s30+$0x0], $0xffff  }
0xc3: {  	v16 =	vadd.s32 s28, v1;
	_ =	sdelay $0x3  }
0xc4: {  	[tilespmem:$0x102A] =	vst v11  }
0xc5: {  	v11 =	vld.idx.msk [tilespmem:v16+s30+$0x0], $0xffff  }
0xc6: {  	v17 =	vadd.s32 s28, v3;
	_ =	sdelay $0x3  }
0xc7: {  	[tilespmem:$0x1040] =	vst v11  }
0xc8: {  	v11 =	vld.idx.msk [tilespmem:v17+s30+$0x0], $0xffff  }
0xc9: {  	v18 =	vadd.s32 s28, v4;
	_ =	sdelay $0x3  }
0xca: {  	[tilespmem:$0x1048] =	vst v11  }
0xcb: {  	v11 =	vld.idx.msk [tilespmem:v18+s30+$0x0], $0xffff  }
0xcc: {  	v19 =	vadd.s32 s28, v5;
	_ =	sdelay $0x3  }
0xcd: {  	[tilespmem:$0x1060] =	vst v11  }
0xce: {  	s28 =	sadd.s32 $0xE, s25;
	v11 =	vld.idx.msk [tilespmem:v19+s30+$0x0], $0xffff  }
0xcf: {  	v20 =	vadd.s32 s28, v1;
	_ =	sdelay $0x3  }
0xd0: {  	[tilespmem:$0x106A] =	vst v11  }
0xd1: {  	v11 =	vld.idx.msk [tilespmem:v20+s30+$0x0], $0xffff  }
0xd2: {  	v21 =	vadd.s32 s28, v3;
	_ =	sdelay $0x3  }
0xd3: {  	[tilespmem:$0x1080] =	vst v11  }
0xd4: {  	v11 =	vld.idx.msk [tilespmem:v21+s30+$0x0], $0xffff  }
0xd5: {  	v22 =	vadd.s32 s28, v4;
	_ =	sdelay $0x3  }
0xd6: {  	[tilespmem:$0x1088] =	vst v11  }
0xd7: {  	v11 =	vld.idx.msk [tilespmem:v22+s30+$0x0], $0xffff  }
0xd8: {  	v23 =	vadd.s32 s28, v5;
	_ =	sdelay $0x3  }
0xd9: {  	[tilespmem:$0x10A0] =	vst v11  }
0xda: {  	s28 =	sadd.s32 $0xF, s25;
	v11 =	vld.idx.msk [tilespmem:v23+s30+$0x0], $0xffff  }
0xdb: {  	v24 =	vadd.s32 s28, v1;
	_ =	sdelay $0x3  }
0xdc: {  	[tilespmem:$0x10AA] =	vst v11  }
0xdd: {  	v11 =	vld.idx.msk [tilespmem:v24+s30+$0x0], $0xffff  }
0xde: {  	v25 =	vadd.s32 s28, v3;
	_ =	sdelay $0x3  }
0xdf: {  	[tilespmem:$0x10C0] =	vst v11  }
0xe0: {  	v11 =	vld.idx.msk [tilespmem:v25+s30+$0x0], $0xffff  }
0xe1: {  	v26 =	vadd.s32 s28, v4;
	_ =	sdelay $0x3  }
0xe2: {  	[tilespmem:$0x10C8] =	vst v11  }
0xe3: {  	v11 =	vld.idx.msk [tilespmem:v26+s30+$0x0], $0xffff  }
0xe4: {  	v27 =	vadd.s32 s28, v5;
	_ =	sdelay $0x3  }
0xe5: {  	[tilespmem:$0x10E0] =	vst v11  }
0xe6: {  	s28 =	sadd.s32 $0x10, s25;
	v11 =	vld.idx.msk [tilespmem:v27+s30+$0x0], $0xffff  }
0xe7: {  	v28 =	vadd.s32 s28, v1;
	_ =	sdelay $0x3  }
0xe8: {  	[tilespmem:$0x10EA] =	vst v11  }
0xe9: {  	v11 =	vld.idx.msk [tilespmem:v28+s30+$0x0], $0xffff  }
0xea: {  	v29 =	vadd.s32 s28, v3;
	_ =	sdelay $0x3  }
0xeb: {  	[tilespmem:$0x1100] =	vst v11  }
0xec: {  	v11 =	vld.idx.msk [tilespmem:v29+s30+$0x0], $0xffff  }
0xed: {  	v30 =	vadd.s32 s28, v4;
	_ =	sdelay $0x3  }
0xee: {  	[tilespmem:$0x1108] =	vst v11  }
0xef: {  	v11 =	vld.idx.msk [tilespmem:v30+s30+$0x0], $0xffff  }
0xf0: {  	v31 =	vadd.s32 s28, v5;
	_ =	sdelay $0x3  }
0xf1: {  	[tilespmem:$0x1120] =	vst v11  }
0xf2: {  	s28 =	sadd.s32 $0x11, s25;
	v11 =	vld.idx.msk [tilespmem:v31+s30+$0x0], $0xffff  }
0xf3: {  	v32 =	vadd.s32 s28, v1;
	_ =	sdelay $0x3  }
0xf4: {  	[tilespmem:$0x112A] =	vst v11  }
0xf5: {  	v11 =	vld.idx.msk [tilespmem:v32+s30+$0x0], $0xffff  }
0xf6: {  	v33 =	vadd.s32 s28, v3;
	_ =	sdelay $0x3  }
0xf7: {  	[tilespmem:$0x1140] =	vst v11  }
0xf8: {  	v11 =	vld.idx.msk [tilespmem:v33+s30+$0x0], $0xffff  }
0xf9: {  	v34 =	vadd.s32 s28, v4;
	_ =	sdelay $0x3  }
0xfa: {  	[tilespmem:$0x1148] =	vst v11  }
0xfb: {  	v11 =	vld.idx.msk [tilespmem:v34+s30+$0x0], $0xffff  }
0xfc: {  	v35 =	vadd.s32 s28, v5;
	_ =	sdelay $0x3  }
0xfd: {  	[tilespmem:$0x1160] =	vst v11  }
0xfe: {  	s28 =	sadd.s32 $0x12, s25;
	v11 =	vld.idx.msk [tilespmem:v35+s30+$0x0], $0xffff  }
0xff: {  	v36 =	vadd.s32 s28, v1;
	_ =	sdelay $0x3  }
0x100: {  	[tilespmem:$0x116A] =	vst v11  }
0x101: {  	v11 =	vld.idx.msk [tilespmem:v36+s30+$0x0], $0xffff  }
0x102: {  	v37 =	vadd.s32 s28, v3;
	_ =	sdelay $0x3  }
0x103: {  	[tilespmem:$0x1180] =	vst v11  }
0x104: {  	v11 =	vld.idx.msk [tilespmem:v37+s30+$0x0], $0xffff  }
0x105: {  	v38 =	vadd.s32 s28, v4;
	_ =	sdelay $0x3  }
0x106: {  	[tilespmem:$0x1188] =	vst v11  }
0x107: {  	v11 =	vld.idx.msk [tilespmem:v38+s30+$0x0], $0xffff  }
0x108: {  	v39 =	vadd.s32 s28, v5;
	_ =	sdelay $0x3  }
0x109: {  	[tilespmem:$0x11A0] =	vst v11  }
0x10a: {  	s28 =	sadd.s32 $0x13, s25;
	v11 =	vld.idx.msk [tilespmem:v39+s30+$0x0], $0xffff  }
0x10b: {  	v40 =	vadd.s32 s28, v1;
	_ =	sdelay $0x3  }
0x10c: {  	[tilespmem:$0x11AA] =	vst v11  }
0x10d: {  	v11 =	vld.idx.msk [tilespmem:v40+s30+$0x0], $0xffff  }
0x10e: {  	v41 =	vadd.s32 s28, v3;
	_ =	sdelay $0x3  }
0x10f: {  	[tilespmem:$0x11C0] =	vst v11  }
0x110: {  	v11 =	vld.idx.msk [tilespmem:v41+s30+$0x0], $0xffff  }
0x111: {  	v42 =	vadd.s32 s28, v4;
	_ =	sdelay $0x3  }
0x112: {  	[tilespmem:$0x11C8] =	vst v11  }
0x113: {  	v11 =	vld.idx.msk [tilespmem:v42+s30+$0x0], $0xffff  }
0x114: {  	v43 =	vadd.s32 s28, v5;
	_ =	sdelay $0x3  }
0x115: {  	[tilespmem:$0x11E0] =	vst v11  }
0x116: {  	s28 =	sadd.s32 $0x14, s25;
	v11 =	vld.idx.msk [tilespmem:v43+s30+$0x0], $0xffff  }
0x117: {  	v44 =	vadd.s32 s28, v1;
	_ =	sdelay $0x3  }
0x118: {  	[tilespmem:$0x11EA] =	vst v11  }
0x119: {  	v11 =	vld.idx.msk [tilespmem:v44+s30+$0x0], $0xffff  }
0x11a: {  	v45 =	vadd.s32 s28, v3;
	_ =	sdelay $0x3  }
0x11b: {  	[tilespmem:$0x1200] =	vst v11  }
0x11c: {  	v11 =	vld.idx.msk [tilespmem:v45+s30+$0x0], $0xffff  }
0x11d: {  	v46 =	vadd.s32 s28, v4;
	_ =	sdelay $0x3  }
0x11e: {  	[tilespmem:$0x1208] =	vst v11  }
0x11f: {  	v11 =	vld.idx.msk [tilespmem:v46+s30+$0x0], $0xffff  }
0x120: {  	v47 =	vadd.s32 s28, v5;
	_ =	sdelay $0x3  }
0x121: {  	[tilespmem:$0x1220] =	vst v11  }
0x122: {  	s28 =	sadd.s32 $0x15, s25;
	v11 =	vld.idx.msk [tilespmem:v47+s30+$0x0], $0xffff  }
0x123: {  	v48 =	vadd.s32 s28, v1;
	_ =	sdelay $0x3  }
0x124: {  	[tilespmem:$0x122A] =	vst v11  }
0x125: {  	v11 =	vld.idx.msk [tilespmem:v48+s30+$0x0], $0xffff  }
0x126: {  	v49 =	vadd.s32 s28, v3;
	_ =	sdelay $0x3  }
0x127: {  	[tilespmem:$0x1240] =	vst v11  }
0x128: {  	v11 =	vld.idx.msk [tilespmem:v49+s30+$0x0], $0xffff  }
0x129: {  	v50 =	vadd.s32 s28, v4;
	_ =	sdelay $0x3  }
0x12a: {  	[tilespmem:$0x1248] =	vst v11  }
0x12b: {  	v11 =	vld.idx.msk [tilespmem:v50+s30+$0x0], $0xffff  }
0x12c: {  	v51 =	vadd.s32 s28, v5;
	_ =	sdelay $0x3  }
0x12d: {  	[tilespmem:$0x1260] =	vst v11  }
0x12e: {  	s28 =	sadd.s32 $0x16, s25;
	v11 =	vld.idx.msk [tilespmem:v51+s30+$0x0], $0xffff  }
0x12f: {  	v52 =	vadd.s32 s28, v1;
	_ =	sdelay $0x3  }
0x130: {  	[tilespmem:$0x126A] =	vst v11  }
0x131: {  	v11 =	vld.idx.msk [tilespmem:v52+s30+$0x0], $0xffff  }
0x132: {  	v53 =	vadd.s32 s28, v3;
	_ =	sdelay $0x3  }
0x133: {  	[tilespmem:$0x1280] =	vst v11  }
0x134: {  	v11 =	vld.idx.msk [tilespmem:v53+s30+$0x0], $0xffff  }
0x135: {  	v54 =	vadd.s32 s28, v4;
	_ =	sdelay $0x3  }
0x136: {  	[tilespmem:$0x1288] =	vst v11  }
0x137: {  	v11 =	vld.idx.msk [tilespmem:v54+s30+$0x0], $0xffff  }
0x138: {  	v55 =	vadd.s32 s28, v5;
	_ =	sdelay $0x3  }
0x139: {  	[tilespmem:$0x12A0] =	vst v11  }
0x13a: {  	s28 =	sadd.s32 $0x17, s25;
	v11 =	vld.idx.msk [tilespmem:v55+s30+$0x0], $0xffff  }
0x13b: {  	v56 =	vadd.s32 s28, v1;
	_ =	sdelay $0x3  }
0x13c: {  	[tilespmem:$0x12AA] =	vst v11  }
0x13d: {  	v11 =	vld.idx.msk [tilespmem:v56+s30+$0x0], $0xffff  }
0x13e: {  	v57 =	vadd.s32 s28, v3;
	_ =	sdelay $0x3  }
0x13f: {  	[tilespmem:$0x12C0] =	vst v11  }
0x140: {  	v11 =	vld.idx.msk [tilespmem:v57+s30+$0x0], $0xffff  }
0x141: {  	v58 =	vadd.s32 s28, v4;
	_ =	sdelay $0x3  }
0x142: {  	[tilespmem:$0x12C8] =	vst v11  }
0x143: {  	v11 =	vld.idx.msk [tilespmem:v58+s30+$0x0], $0xffff  }
0x144: {  	v59 =	vadd.s32 s28, v5;
	_ =	sdelay $0x3  }
0x145: {  	[tilespmem:$0x12E0] =	vst v11  }
0x146: {  	s25 =	sadd.s32 $0x18, s25;
	v11 =	vld.idx.msk [tilespmem:v59+s30+$0x0], $0xffff  }
0x147: {  	v60 =	vadd.s32 s25, v1;
	_ =	sdelay $0x3  }
0x148: {  	[tilespmem:$0x12EA] =	vst v11  }
0x149: {  	v11 =	vld.idx.msk [tilespmem:v60+s30+$0x0], $0xffff  }
0x14a: {  	v61 =	vadd.s32 s25, v3;
	_ =	sdelay $0x3  }
0x14b: {  	[tilespmem:$0x1300] =	vst v11  }
0x14c: {  	v11 =	vld.idx.msk [tilespmem:v61+s30+$0x0], $0xffff  }
0x14d: {  	v62 =	vadd.s32 s25, v4;
	_ =	sdelay $0x3  }
0x14e: {  	[tilespmem:$0x1308] =	vst v11  }
0x14f: {  	v11 =	vld.idx.msk [tilespmem:v62+s30+$0x0], $0xffff  }
0x150: {  	v63 =	vadd.s32 s25, v5;
	_ =	sdelay $0x3  }
0x151: {  	[tilespmem:$0x1320] =	vst v11  }
0x152: {  	v11 =	vld.idx.msk [tilespmem:v63+s30+$0x0], $0xffff;
	_ =	sdelay $0x4  }
0x153: {  	s29 =	simm.s32 $0xD00;
	s30 =	simm.s32 $0x1340;
	[tilespmem:$0x132A] =	vst v11  }
0x154: {  	[tilespmem:s30], [sflag:$0x1] =	stream.indirect.gather [hbm4b:s4+s13], $0x20, s29, s13, $0xb8;
	[tilespmem:$0x17380] =	vst v63  }
0x155: {  	s29 =	simm.s32 $0xD40;
	s30 =	simm.s32 $0x1640  }
0x156: {  	[tilespmem:s30], [sflag:$0x1] =	stream.indirect.gather [hbm4b:s4+s13], $0x20, s29, s13, $0xb8;
	[tilespmem:$0x17380] =	vst v63  }
0x157: {  	s29 =	simm.s32 $0xD80;
	s30 =	simm.s32 $0x1940  }
0x158: {  	[tilespmem:s30], [sflag:$0x1] =	stream.indirect.gather [hbm4b:s4+s13], $0x20, s29, s13, $0xb8;
	[tilespmem:$0x17380] =	vst v63  }
0x159: {  	s29 =	simm.s32 $0xDC0;
	s30 =	simm.s32 $0x1C40  }
0x15a: {  	[tilespmem:s30], [sflag:$0x1] =	stream.indirect.gather [hbm4b:s4+s13], $0x20, s29, s13, $0xb8;
	[tilespmem:$0x17380] =	vst v63  }
0x15b: {  	s29 =	simm.s32 $0xE00;
	s30 =	simm.s32 $0x1F40  }
0x15c: {  	[tilespmem:s30], [sflag:$0x1] =	stream.indirect.gather [hbm4b:s4+s13], $0x20, s29, s13, $0xb8;
	[tilespmem:$0x17380] =	vst v63  }
0x15d: {  	s29 =	simm.s32 $0xE40;
	s30 =	simm.s32 $0x2240  }
0x15e: {  	[tilespmem:s30], [sflag:$0x1] =	stream.indirect.gather [hbm4b:s4+s13], $0x20, s29, s13, $0xb8;
	[tilespmem:$0x17380] =	vst v63  }
0x15f: {  	s29 =	simm.s32 $0xE80;
	s30 =	simm.s32 $0x2540  }
0x160: {  	[tilespmem:s30], [sflag:$0x1] =	stream.indirect.gather [hbm4b:s4+s13], $0x20, s29, s13, $0xb8;
	[tilespmem:$0x17380] =	vst v63  }
0x161: {  	s29 =	simm.s32 $0xEC0;
	s30 =	simm.s32 $0x2840  }
0x162: {  	[tilespmem:s30], [sflag:$0x1] =	stream.indirect.gather [hbm4b:s4+s13], $0x20, s29, s13, $0xb8;
	[tilespmem:$0x17380] =	vst v63  }
0x163: {  	s29 =	simm.s32 $0xF00;
	s30 =	simm.s32 $0x2B40  }
0x164: {  	[tilespmem:s30], [sflag:$0x1] =	stream.indirect.gather [hbm4b:s4+s13], $0x20, s29, s13, $0xb8;
	[tilespmem:$0x17380] =	vst v63  }
0x165: {  	s29 =	simm.s32 $0xF40;
	s30 =	simm.s32 $0x2E40  }
0x166: {  	[tilespmem:s30], [sflag:$0x1] =	stream.indirect.gather [hbm4b:s4+s13], $0x20, s29, s13, $0xb8;
	[tilespmem:$0x17380] =	vst v63  }
0x167: {  	s29 =	simm.s32 $0xF80;
	s30 =	simm.s32 $0x3140  }
0x168: {  	[tilespmem:s30], [sflag:$0x1] =	stream.indirect.gather [hbm4b:s4+s13], $0x20, s29, s13, $0xb8;
	[tilespmem:$0x17380] =	vst v63  }
0x169: {  	s29 =	simm.s32 $0xFC0;
	s30 =	simm.s32 $0x3440  }
0x16a: {  	[tilespmem:s30], [sflag:$0x1] =	stream.indirect.gather [hbm4b:s4+s13], $0x20, s29, s13, $0xb8;
	[tilespmem:$0x17380] =	vst v63  }
0x16b: {  	s29 =	simm.s32 $0x1000;
	s30 =	simm.s32 $0x3740  }
0x16c: {  	[tilespmem:s30], [sflag:$0x1] =	stream.indirect.gather [hbm4b:s4+s13], $0x20, s29, s13, $0xb8;
	[tilespmem:$0x17380] =	vst v63  }
0x16d: {  	s29 =	simm.s32 $0x1040;
	s30 =	simm.s32 $0x3A40  }
0x16e: {  	[tilespmem:s30], [sflag:$0x1] =	stream.indirect.gather [hbm4b:s4+s13], $0x20, s29, s13, $0xb8;
	[tilespmem:$0x17380] =	vst v63  }
0x16f: {  	s29 =	simm.s32 $0x1080;
	s30 =	simm.s32 $0x3D40  }
0x170: {  	[tilespmem:s30], [sflag:$0x1] =	stream.indirect.gather [hbm4b:s4+s13], $0x20, s29, s13, $0xb8;
	[tilespmem:$0x17380] =	vst v63  }
0x171: {  	s29 =	simm.s32 $0x10C0;
	s30 =	simm.s32 $0x4040  }
0x172: {  	[tilespmem:s30], [sflag:$0x1] =	stream.indirect.gather [hbm4b:s4+s13], $0x20, s29, s13, $0xb8;
	[tilespmem:$0x17380] =	vst v63  }
0x173: {  	s29 =	simm.s32 $0x1100;
	s30 =	simm.s32 $0x4340  }
0x174: {  	[tilespmem:s30], [sflag:$0x1] =	stream.indirect.gather [hbm4b:s4+s13], $0x20, s29, s13, $0xb8;
	[tilespmem:$0x17380] =	vst v63  }
0x175: {  	s29 =	simm.s32 $0x1140;
	s30 =	simm.s32 $0x4640  }
0x176: {  	[tilespmem:s30], [sflag:$0x1] =	stream.indirect.gather [hbm4b:s4+s13], $0x20, s29, s13, $0xb8;
	[tilespmem:$0x17380] =	vst v63  }
0x177: {  	s29 =	simm.s32 $0x1180;
	s30 =	simm.s32 $0x4940  }
0x178: {  	[tilespmem:s30], [sflag:$0x1] =	stream.indirect.gather [hbm4b:s4+s13], $0x20, s29, s13, $0xb8;
	[tilespmem:$0x17380] =	vst v63  }
0x179: {  	s29 =	simm.s32 $0x11C0;
	s30 =	simm.s32 $0x4C40  }
0x17a: {  	[tilespmem:s30], [sflag:$0x1] =	stream.indirect.gather [hbm4b:s4+s13], $0x20, s29, s13, $0xb8;
	[tilespmem:$0x17380] =	vst v63  }
0x17b: {  	s29 =	simm.s32 $0x1200;
	s30 =	simm.s32 $0x4F40  }
0x17c: {  	[tilespmem:s30], [sflag:$0x1] =	stream.indirect.gather [hbm4b:s4+s13], $0x20, s29, s13, $0xb8;
	[tilespmem:$0x17380] =	vst v63  }
0x17d: {  	s29 =	simm.s32 $0x1240;
	s30 =	simm.s32 $0x5240  }
0x17e: {  	[tilespmem:s30], [sflag:$0x1] =	stream.indirect.gather [hbm4b:s4+s13], $0x20, s29, s13, $0xb8;
	[tilespmem:$0x17380] =	vst v63  }
0x17f: {  	s29 =	simm.s32 $0x1280;
	s30 =	simm.s32 $0x5540  }
0x180: {  	[tilespmem:s30], [sflag:$0x1] =	stream.indirect.gather [hbm4b:s4+s13], $0x20, s29, s13, $0xb8;
	[tilespmem:$0x17380] =	vst v63  }
0x181: {  	s29 =	simm.s32 $0x12C0;
	s30 =	simm.s32 $0x5840  }
0x182: {  	[tilespmem:s30], [sflag:$0x1] =	stream.indirect.gather [hbm4b:s4+s13], $0x20, s29, s13, $0xb8;
	[tilespmem:$0x17380] =	vst v63  }
0x183: {  	s29 =	simm.s32 $0x1300;
	s30 =	simm.s32 $0x5B40  }
0x184: {  	[tilespmem:s30], [sflag:$0x1] =	stream.indirect.gather [hbm4b:s4+s13], $0x20, s29, s13, $0xb8;
	[tilespmem:$0x17380] =	vst v63  }
0x185: {  	s29 =	simm.s32 $0xD20;
	s30 =	simm.s32 $0x5E40  }
0x186: {  	[tilespmem:s30], [sflag:$0x2] =	stream.indirect.gather [hbm4b:s4+s14], $0x20, s29, s14, $0xb8;
	[tilespmem:$0x17380] =	vst v63  }
0x187: {  	s29 =	simm.s32 $0xD60;
	s30 =	simm.s32 $0x6180  }
0x188: {  	[tilespmem:s30], [sflag:$0x2] =	stream.indirect.gather [hbm4b:s4+s14], $0x20, s29, s14, $0xb8;
	[tilespmem:$0x17380] =	vst v63  }
0x189: {  	s29 =	simm.s32 $0xDA0;
	s30 =	simm.s32 $0x64C0  }
0x18a: {  	[tilespmem:s30], [sflag:$0x2] =	stream.indirect.gather [hbm4b:s4+s14], $0x20, s29, s14, $0xb8;
	[tilespmem:$0x17380] =	vst v63  }
0x18b: {  	s29 =	simm.s32 $0xDE0;
	s30 =	simm.s32 $0x6800  }
0x18c: {  	[tilespmem:s30], [sflag:$0x2] =	stream.indirect.gather [hbm4b:s4+s14], $0x20, s29, s14, $0xb8;
	[tilespmem:$0x17380] =	vst v63  }
0x18d: {  	s29 =	simm.s32 $0xE20;
	s30 =	simm.s32 $0x6B40  }
0x18e: {  	[tilespmem:s30], [sflag:$0x2] =	stream.indirect.gather [hbm4b:s4+s14], $0x20, s29, s14, $0xb8;
	[tilespmem:$0x17380] =	vst v63  }
0x18f: {  	s29 =	simm.s32 $0xE60;
	s30 =	simm.s32 $0x6E80  }
0x190: {  	[tilespmem:s30], [sflag:$0x2] =	stream.indirect.gather [hbm4b:s4+s14], $0x20, s29, s14, $0xb8;
	[tilespmem:$0x17380] =	vst v63  }
0x191: {  	s29 =	simm.s32 $0xEA0;
	s30 =	simm.s32 $0x71C0  }
0x192: {  	[tilespmem:s30], [sflag:$0x2] =	stream.indirect.gather [hbm4b:s4+s14], $0x20, s29, s14, $0xb8;
	[tilespmem:$0x17380] =	vst v63  }
0x193: {  	s29 =	simm.s32 $0xEE0;
	s30 =	simm.s32 $0x7500  }
0x194: {  	[tilespmem:s30], [sflag:$0x2] =	stream.indirect.gather [hbm4b:s4+s14], $0x20, s29, s14, $0xb8;
	[tilespmem:$0x17380] =	vst v63  }
0x195: {  	s29 =	simm.s32 $0xF20;
	s30 =	simm.s32 $0x7840  }
0x196: {  	[tilespmem:s30], [sflag:$0x2] =	stream.indirect.gather [hbm4b:s4+s14], $0x20, s29, s14, $0xb8;
	[tilespmem:$0x17380] =	vst v63  }
0x197: {  	s29 =	simm.s32 $0xF60;
	s30 =	simm.s32 $0x7B80  }
0x198: {  	[tilespmem:s30], [sflag:$0x2] =	stream.indirect.gather [hbm4b:s4+s14], $0x20, s29, s14, $0xb8;
	[tilespmem:$0x17380] =	vst v63  }
0x199: {  	s29 =	simm.s32 $0xFA0;
	s30 =	simm.s32 $0x7EC0  }
0x19a: {  	[tilespmem:s30], [sflag:$0x2] =	stream.indirect.gather [hbm4b:s4+s14], $0x20, s29, s14, $0xb8;
	[tilespmem:$0x17380] =	vst v63  }
0x19b: {  	s29 =	simm.s32 $0xFE0;
	s30 =	simm.s32 $0x8200  }
0x19c: {  	[tilespmem:s30], [sflag:$0x2] =	stream.indirect.gather [hbm4b:s4+s14], $0x20, s29, s14, $0xb8;
	[tilespmem:$0x17380] =	vst v63  }
0x19d: {  	s29 =	simm.s32 $0x1020;
	s30 =	simm.s32 $0x8540  }
0x19e: {  	[tilespmem:s30], [sflag:$0x2] =	stream.indirect.gather [hbm4b:s4+s14], $0x20, s29, s14, $0xb8;
	[tilespmem:$0x17380] =	vst v63  }
0x19f: {  	s29 =	simm.s32 $0x1060;
	s30 =	simm.s32 $0x8880  }
0x1a0: {  	[tilespmem:s30], [sflag:$0x2] =	stream.indirect.gather [hbm4b:s4+s14], $0x20, s29, s14, $0xb8;
	[tilespmem:$0x17380] =	vst v63  }
0x1a1: {  	s29 =	simm.s32 $0x10A0;
	s30 =	simm.s32 $0x8BC0  }
0x1a2: {  	[tilespmem:s30], [sflag:$0x2] =	stream.indirect.gather [hbm4b:s4+s14], $0x20, s29, s14, $0xb8;
	[tilespmem:$0x17380] =	vst v63  }
0x1a3: {  	s29 =	simm.s32 $0x10E0;
	s30 =	simm.s32 $0x8F00  }
0x1a4: {  	[tilespmem:s30], [sflag:$0x2] =	stream.indirect.gather [hbm4b:s4+s14], $0x20, s29, s14, $0xb8;
	[tilespmem:$0x17380] =	vst v63  }
0x1a5: {  	s29 =	simm.s32 $0x1120;
	s30 =	simm.s32 $0x9240  }
0x1a6: {  	[tilespmem:s30], [sflag:$0x2] =	stream.indirect.gather [hbm4b:s4+s14], $0x20, s29, s14, $0xb8;
	[tilespmem:$0x17380] =	vst v63  }
0x1a7: {  	s29 =	simm.s32 $0x1160;
	s30 =	simm.s32 $0x9580  }
0x1a8: {  	[tilespmem:s30], [sflag:$0x2] =	stream.indirect.gather [hbm4b:s4+s14], $0x20, s29, s14, $0xb8;
	[tilespmem:$0x17380] =	vst v63  }
0x1a9: {  	s26 =	simm.s32 $0x11A0;
	s29 =	simm.s32 $0x98C0  }
0x1aa: {  	[tilespmem:s29], [sflag:$0x2] =	stream.indirect.gather [hbm4b:s4+s14], $0x20, s26, s14, $0xb8;
	[tilespmem:$0x17380] =	vst v63  }
0x1ab: {  	s30 =	simm.s32 $0x11E0  }
0x1ac: {  	[tilespmem:s31], [sflag:$0x2] =	stream.indirect.gather [hbm4b:s4+s14], $0x20, s30, s14, $0xb8;
	[tilespmem:$0x17380] =	vst v63  }
0x1ad: {  	_ = 	snop  }
0x1ae: {  	[tilespmem:s0], [sflag:$0x2] =	stream.indirect.gather [hbm4b:s4+s14], $0x20, s3, s14, $0xb8;
	[tilespmem:$0x17380] =	vst v63  }
0x1af: {  	_ = 	snop  }
0x1b0: {  	[tilespmem:s8], [sflag:$0x2] =	stream.indirect.gather [hbm4b:s4+s14], $0x20, s11, s14, $0xb8;
	[tilespmem:$0x17380] =	vst v63  }
0x1b1: {  	_ = 	snop  }
0x1b2: {  	[tilespmem:s10], [sflag:$0x2] =	stream.indirect.gather [hbm4b:s4+s14], $0x20, s9, s14, $0xb8;
	[tilespmem:$0x17380] =	vst v63  }
0x1b3: {  	p0 =	seq.s32 s24, $0x0  }
0x1b4: {  	[tilespmem:s2], [sflag:$0x2] =	stream.indirect.gather [hbm4b:s4+s14], $0x20, s1, s14, $0xb8;
	[tilespmem:$0x17380] =	vst v63  }
0x1b5: {  	s24 =	simm.s32 @!p0 $0x3  }
0x1b6: {  	[tilespmem:s16], [sflag:$0x2] =	stream.indirect.gather [hbm4b:s4+s14], $0x20, s15, s14, $0xb8;
	[tilespmem:$0x17380] =	vst v63  }
0x1b7: {  	_ =	swait.ge @!p0 [sflag:s24], $0x5400  }
0x1b8: {  	[sflag:s24] =	ssyncset.done @!p0 $0x0  }
0x1b9: {  	[sflag:s24] =	ssyncadd.s32 @!p0 $0xFFFFAC00  }
0x1ba: {  	_ =	swait.ge [sflag:s17], $0x300  }
0x1bb: {  	[sflag:s17] =	ssyncset.done $0x0  }
0x1bc: {  	[sflag:s17] =	ssyncadd.s32 $0xFFFFFD00  }
0x1bd: {  	_ =	swait.ge [sflag:s17], $0x300  }
0x1be: {  	[sflag:s17] =	ssyncset.done $0x0  }
0x1bf: {  	[sflag:s17] =	ssyncadd.s32 $0xFFFFFD00  }
0x1c0: {  	_ =	swait.ge [sflag:s17], $0x300  }
0x1c1: {  	[sflag:s17] =	ssyncset.done $0x0  }
0x1c2: {  	[sflag:s17] =	ssyncadd.s32 $0xFFFFFD00  }
0x1c3: {  	_ =	swait.ge [sflag:s17], $0x300  }
0x1c4: {  	[sflag:s17] =	ssyncset.done $0x0  }
0x1c5: {  	[sflag:s17] =	ssyncadd.s32 $0xFFFFFD00  }
0x1c6: {  	_ =	swait.ge [sflag:s17], $0x300  }
0x1c7: {  	[sflag:s17] =	ssyncset.done $0x0  }
0x1c8: {  	[sflag:s17] =	ssyncadd.s32 $0xFFFFFD00  }
0x1c9: {  	_ =	swait.ge [sflag:s17], $0x300  }
0x1ca: {  	[sflag:s17] =	ssyncset.done $0x0  }
0x1cb: {  	[sflag:s17] =	ssyncadd.s32 $0xFFFFFD00  }
0x1cc: {  	_ =	swait.ge [sflag:s17], $0x300  }
0x1cd: {  	[sflag:s17] =	ssyncset.done $0x0  }
0x1ce: {  	[sflag:s17] =	ssyncadd.s32 $0xFFFFFD00  }
0x1cf: {  	_ =	swait.ge [sflag:s17], $0x300  }
0x1d0: {  	[sflag:s17] =	ssyncset.done $0x0  }
0x1d1: {  	[sflag:s17] =	ssyncadd.s32 $0xFFFFFD00  }
0x1d2: {  	_ =	swait.ge [sflag:s17], $0x300  }
0x1d3: {  	[sflag:s17] =	ssyncset.done $0x0  }
0x1d4: {  	[sflag:s17] =	ssyncadd.s32 $0xFFFFFD00  }
0x1d5: {  	_ =	swait.ge [sflag:s17], $0x300  }
0x1d6: {  	[sflag:s17] =	ssyncset.done $0x0  }
0x1d7: {  	[sflag:s17] =	ssyncadd.s32 $0xFFFFFD00  }
0x1d8: {  	_ =	swait.ge [sflag:s17], $0x300  }
0x1d9: {  	[sflag:s17] =	ssyncset.done $0x0  }
0x1da: {  	[sflag:s17] =	ssyncadd.s32 $0xFFFFFD00  }
0x1db: {  	_ =	swait.ge [sflag:s17], $0x300  }
0x1dc: {  	[sflag:s17] =	ssyncset.done $0x0  }
0x1dd: {  	[sflag:s17] =	ssyncadd.s32 $0xFFFFFD00  }
0x1de: {  	_ =	swait.ge [sflag:s17], $0x300  }
0x1df: {  	[sflag:s17] =	ssyncset.done $0x0  }
0x1e0: {  	[sflag:s17] =	ssyncadd.s32 $0xFFFFFD00  }
0x1e1: {  	_ =	swait.ge [sflag:s17], $0x300  }
0x1e2: {  	[sflag:s17] =	ssyncset.done $0x0  }
0x1e3: {  	[sflag:s17] =	ssyncadd.s32 $0xFFFFFD00  }
0x1e4: {  	_ =	swait.ge [sflag:s17], $0x300  }
0x1e5: {  	[sflag:s17] =	ssyncset.done $0x0  }
0x1e6: {  	[sflag:s17] =	ssyncadd.s32 $0xFFFFFD00  }
0x1e7: {  	_ =	swait.ge [sflag:s17], $0x300  }
0x1e8: {  	[sflag:s17] =	ssyncset.done $0x0  }
0x1e9: {  	[sflag:s17] =	ssyncadd.s32 $0xFFFFFD00  }
0x1ea: {  	_ =	swait.ge [sflag:s17], $0x300  }
0x1eb: {  	[sflag:s17] =	ssyncset.done $0x0  }
0x1ec: {  	[sflag:s17] =	ssyncadd.s32 $0xFFFFFD00  }
0x1ed: {  	_ =	swait.ge [sflag:s17], $0x300  }
0x1ee: {  	[sflag:s17] =	ssyncset.done $0x0  }
0x1ef: {  	[sflag:s17] =	ssyncadd.s32 $0xFFFFFD00  }
0x1f0: {  	_ =	swait.ge [sflag:s17], $0x300  }
0x1f1: {  	[sflag:s17] =	ssyncset.done $0x0  }
0x1f2: {  	[sflag:s17] =	ssyncadd.s32 $0xFFFFFD00  }
0x1f3: {  	_ =	swait.ge [sflag:s17], $0x300  }
0x1f4: {  	[sflag:s17] =	ssyncset.done $0x0  }
0x1f5: {  	[sflag:s17] =	ssyncadd.s32 $0xFFFFFD00  }
0x1f6: {  	_ =	swait.ge [sflag:s17], $0x300  }
0x1f7: {  	[sflag:s17] =	ssyncset.done $0x0  }
0x1f8: {  	[sflag:s17] =	ssyncadd.s32 $0xFFFFFD00  }
0x1f9: {  	_ =	swait.ge [sflag:s17], $0x300  }
0x1fa: {  	[sflag:s17] =	ssyncset.done $0x0  }
0x1fb: {  	[sflag:s17] =	ssyncadd.s32 $0xFFFFFD00  }
0x1fc: {  	_ =	swait.ge [sflag:s17], $0x300  }
0x1fd: {  	[sflag:s17] =	ssyncset.done $0x0  }
0x1fe: {  	[sflag:s17] =	ssyncadd.s32 $0xFFFFFD00  }
0x1ff: {  	_ =	swait.ge [sflag:s17], $0x300  }
0x200: {  	[sflag:s17] =	ssyncset.done $0x0  }
0x201: {  	[sflag:s17] =	ssyncadd.s32 $0xFFFFFD00  }
0x202: {  	_ =	swait.ge [sflag:s17], $0x300  }
0x203: {  	[sflag:s17] =	ssyncset.done $0x0  }
0x204: {  	s26 =	simm.s32 $0x0;
	[sflag:s17] =	ssyncadd.s32 $0xFFFFFD00  }
0x205: {  	v11 =	vld [tilespmem:s26+$0x1340];
	_ =	sdelay $0x3  }
0x206: {  	s25 =	simm.s32 $0xB111  }
0x207: {  	[tilespmem:s25+$0xFFFFFE70] =	vst v11  }
0x208: {  	v11 =	vld [tilespmem:s26+$0x1350];
	_ =	sdelay $0x4  }
0x209: {  	[tilespmem:s25+$0xFFFFFE80] =	vst v11  }
0x20a: {  	v11 =	vld [tilespmem:s26+$0x1640];
	_ =	sdelay $0x4  }
0x20b: {  	[tilespmem:s25+$0xFFFFFE90] =	vst v11  }
0x20c: {  	v11 =	vld [tilespmem:s26+$0x1650];
	_ =	sdelay $0x4  }
0x20d: {  	[tilespmem:s25+$0xFFFFFEA0] =	vst v11  }
0x20e: {  	v11 =	vld [tilespmem:s26+$0x1940];
	_ =	sdelay $0x4  }
0x20f: {  	[tilespmem:s25+$0xFFFFFEB0] =	vst v11  }
0x210: {  	v11 =	vld [tilespmem:s26+$0x1950];
	_ =	sdelay $0x4  }
0x211: {  	[tilespmem:s25+$0xFFFFFEC0] =	vst v11  }
0x212: {  	v11 =	vld [tilespmem:s26+$0x1C40];
	_ =	sdelay $0x4  }
0x213: {  	[tilespmem:s25+$0xFFFFFED0] =	vst v11  }
0x214: {  	v11 =	vld [tilespmem:s26+$0x1C50];
	_ =	sdelay $0x4  }
0x215: {  	[tilespmem:s25+$0xFFFFFEE0] =	vst v11  }
0x216: {  	v11 =	vld [tilespmem:s26+$0x1F40];
	_ =	sdelay $0x4  }
0x217: {  	[tilespmem:s25+$0xFFFFFEF0] =	vst v11  }
0x218: {  	v11 =	vld [tilespmem:s26+$0x1F50];
	_ =	sdelay $0x4  }
0x219: {  	[tilespmem:s25+$0xFFFFFF00] =	vst v11  }
0x21a: {  	v11 =	vld [tilespmem:s26+$0x2240];
	_ =	sdelay $0x4  }
0x21b: {  	[tilespmem:s25+$0xFFFFFF10] =	vst v11  }
0x21c: {  	v11 =	vld [tilespmem:s26+$0x2250];
	_ =	sdelay $0x4  }
0x21d: {  	[tilespmem:s25+$0xFFFFFF20] =	vst v11  }
0x21e: {  	v11 =	vld [tilespmem:s26+$0x2540];
	_ =	sdelay $0x4  }
0x21f: {  	[tilespmem:s25+$0xFFFFFF30] =	vst v11  }
0x220: {  	v11 =	vld [tilespmem:s26+$0x2550];
	_ =	sdelay $0x4  }
0x221: {  	[tilespmem:s25+$0xFFFFFF40] =	vst v11  }
0x222: {  	v11 =	vld [tilespmem:s26+$0x2840];
	_ =	sdelay $0x4  }
0x223: {  	[tilespmem:s25+$0xFFFFFF50] =	vst v11  }
0x224: {  	v11 =	vld [tilespmem:s26+$0x2850];
	_ =	sdelay $0x4  }
0x225: {  	[tilespmem:s25+$0xFFFFFF60] =	vst v11  }
0x226: {  	v11 =	vld [tilespmem:s26+$0x2B40];
	_ =	sdelay $0x4  }
0x227: {  	[tilespmem:s25+$0xFFFFFF70] =	vst v11  }
0x228: {  	v11 =	vld [tilespmem:s26+$0x2B50];
	_ =	sdelay $0x4  }
0x229: {  	[tilespmem:s25+$0xFFFFFF80] =	vst v11  }
0x22a: {  	v11 =	vld [tilespmem:s26+$0x2E40];
	_ =	sdelay $0x4  }
0x22b: {  	[tilespmem:s25+$0xFFFFFF90] =	vst v11  }
0x22c: {  	v11 =	vld [tilespmem:s26+$0x2E50];
	_ =	sdelay $0x4  }
0x22d: {  	[tilespmem:s25+$0xFFFFFFA0] =	vst v11  }
0x22e: {  	v11 =	vld [tilespmem:s26+$0x3140];
	_ =	sdelay $0x4  }
0x22f: {  	[tilespmem:s25+$0xFFFFFFB0] =	vst v11  }
0x230: {  	v11 =	vld [tilespmem:s26+$0x3150];
	_ =	sdelay $0x4  }
0x231: {  	[tilespmem:s25+$0xFFFFFFC0] =	vst v11  }
0x232: {  	v11 =	vld [tilespmem:s26+$0x3440];
	_ =	sdelay $0x4  }
0x233: {  	[tilespmem:s25+$0xFFFFFFD0] =	vst v11  }
0x234: {  	v11 =	vld [tilespmem:s26+$0x3450];
	_ =	sdelay $0x4  }
0x235: {  	[tilespmem:s25+$0xFFFFFFE0] =	vst v11  }
0x236: {  	v11 =	vld [tilespmem:s26+$0x3740];
	_ =	sdelay $0x4  }
0x237: {  	[tilespmem:s25+$0xFFFFFFF0] =	vst v11  }
0x238: {  	v11 =	vld [tilespmem:s26+$0x3750];
	_ =	sdelay $0x4  }
0x239: {  	[tilespmem:s25+$0x0] =	vst v11  }
0x23a: {  	v11 =	vld [tilespmem:s26+$0x3A40];
	_ =	sdelay $0x4  }
0x23b: {  	[tilespmem:s25+$0x10] =	vst v11  }
0x23c: {  	v11 =	vld [tilespmem:s26+$0x3A50];
	_ =	sdelay $0x4  }
0x23d: {  	[tilespmem:s25+$0x20] =	vst v11  }
0x23e: {  	v11 =	vld [tilespmem:s26+$0x3D40];
	_ =	sdelay $0x4  }
0x23f: {  	[tilespmem:s25+$0x30] =	vst v11  }
0x240: {  	v11 =	vld [tilespmem:s26+$0x3D50];
	_ =	sdelay $0x4  }
0x241: {  	[tilespmem:s25+$0x40] =	vst v11  }
0x242: {  	v11 =	vld [tilespmem:s26+$0x4040];
	_ =	sdelay $0x4  }
0x243: {  	[tilespmem:s25+$0x50] =	vst v11  }
0x244: {  	v11 =	vld [tilespmem:s26+$0x4050];
	_ =	sdelay $0x4  }
0x245: {  	[tilespmem:s25+$0x60] =	vst v11  }
0x246: {  	v11 =	vld [tilespmem:s26+$0x4340];
	_ =	sdelay $0x4  }
0x247: {  	[tilespmem:s25+$0x70] =	vst v11  }
0x248: {  	v11 =	vld [tilespmem:s26+$0x4350];
	_ =	sdelay $0x4  }
0x249: {  	[tilespmem:s25+$0x80] =	vst v11  }
0x24a: {  	v11 =	vld [tilespmem:s26+$0x4640];
	_ =	sdelay $0x4  }
0x24b: {  	[tilespmem:s25+$0x90] =	vst v11  }
0x24c: {  	v11 =	vld [tilespmem:s26+$0x4650];
	_ =	sdelay $0x4  }
0x24d: {  	[tilespmem:s25+$0xA0] =	vst v11  }
0x24e: {  	v11 =	vld [tilespmem:s26+$0x4940];
	_ =	sdelay $0x4  }
0x24f: {  	[tilespmem:s25+$0xB0] =	vst v11  }
0x250: {  	v11 =	vld [tilespmem:s26+$0x4950];
	_ =	sdelay $0x4  }
0x251: {  	[tilespmem:s25+$0xC0] =	vst v11  }
0x252: {  	v11 =	vld [tilespmem:s26+$0x4C40];
	_ =	sdelay $0x4  }
0x253: {  	[tilespmem:s25+$0xD0] =	vst v11  }
0x254: {  	v11 =	vld [tilespmem:s26+$0x4C50];
	_ =	sdelay $0x4  }
0x255: {  	[tilespmem:s25+$0xE0] =	vst v11  }
0x256: {  	v11 =	vld [tilespmem:s26+$0x4F40];
	_ =	sdelay $0x4  }
0x257: {  	[tilespmem:s25+$0xF0] =	vst v11  }
0x258: {  	v11 =	vld [tilespmem:s26+$0x4F50];
	_ =	sdelay $0x4  }
0x259: {  	[tilespmem:s25+$0x100] =	vst v11  }
0x25a: {  	v11 =	vld [tilespmem:s26+$0x5240];
	_ =	sdelay $0x4  }
0x25b: {  	[tilespmem:s25+$0x110] =	vst v11  }
0x25c: {  	v11 =	vld [tilespmem:s26+$0x5250];
	_ =	sdelay $0x4  }
0x25d: {  	[tilespmem:s25+$0x120] =	vst v11  }
0x25e: {  	v11 =	vld [tilespmem:s26+$0x5540];
	_ =	sdelay $0x4  }
0x25f: {  	[tilespmem:s25+$0x130] =	vst v11  }
0x260: {  	v11 =	vld [tilespmem:s26+$0x5550];
	_ =	sdelay $0x4  }
0x261: {  	[tilespmem:s25+$0x140] =	vst v11  }
0x262: {  	v11 =	vld [tilespmem:s26+$0x5840];
	_ =	sdelay $0x4  }
0x263: {  	[tilespmem:s25+$0x150] =	vst v11  }
0x264: {  	v11 =	vld [tilespmem:s26+$0x5850];
	_ =	sdelay $0x4  }
0x265: {  	[tilespmem:s25+$0x160] =	vst v11  }
0x266: {  	v11 =	vld [tilespmem:s26+$0x5B40];
	_ =	sdelay $0x4  }
0x267: {  	[tilespmem:s25+$0x170] =	vst v11  }
0x268: {  	s29 =	smul.u32 $0x32, s22;
	v11 =	vld [tilespmem:s26+$0x5B50];
	_ =	sdelay $0x1  }
0x269: {  	s30 =	sshrl.u32 s29, $0x7  }
0x26a: {  	s24 =	smin.u32 s30, $0x18E  }
0x26b: {  	s24 =	sshll.u32 s24, $0x7  }
0x26c: {  	s28 =	simm.s32 $0x100;
	s24 =	ssub.s32 s29, s24;
	s26 =	simm.s32 $0x20;
	[tilespmem:s25+$0x180] =	vst v11  }
.LBB2_3:
0x26d: {  	p1 =	sne.s32 s28, $0xB80;
	v11 =	vld [tilespmem:s26+$0x1340];
	_ =	sdelay $0x3  }
0x26e: {  	s25 =	sadd.s32 $0x380, s25  }
0x26f: {  	[tilespmem:s25+$0xFFFFFE70] =	vst v11  }
0x270: {  	v11 =	vld [tilespmem:s26+$0x1350];
	_ =	sdelay $0x4  }
0x271: {  	[tilespmem:s25+$0xFFFFFE80] =	vst v11  }
0x272: {  	v11 =	vld [tilespmem:s26+$0x1640];
	_ =	sdelay $0x4  }
0x273: {  	[tilespmem:s25+$0xFFFFFE90] =	vst v11  }
0x274: {  	v11 =	vld [tilespmem:s26+$0x1650];
	_ =	sdelay $0x4  }
0x275: {  	[tilespmem:s25+$0xFFFFFEA0] =	vst v11  }
0x276: {  	v11 =	vld [tilespmem:s26+$0x1940];
	_ =	sdelay $0x4  }
0x277: {  	[tilespmem:s25+$0xFFFFFEB0] =	vst v11  }
0x278: {  	v11 =	vld [tilespmem:s26+$0x1950];
	_ =	sdelay $0x4  }
0x279: {  	[tilespmem:s25+$0xFFFFFEC0] =	vst v11  }
0x27a: {  	v11 =	vld [tilespmem:s26+$0x1C40];
	_ =	sdelay $0x4  }
0x27b: {  	[tilespmem:s25+$0xFFFFFED0] =	vst v11  }
0x27c: {  	v11 =	vld [tilespmem:s26+$0x1C50];
	_ =	sdelay $0x4  }
0x27d: {  	[tilespmem:s25+$0xFFFFFEE0] =	vst v11  }
0x27e: {  	v11 =	vld [tilespmem:s26+$0x1F40];
	_ =	sdelay $0x4  }
0x27f: {  	[tilespmem:s25+$0xFFFFFEF0] =	vst v11  }
0x280: {  	v11 =	vld [tilespmem:s26+$0x1F50];
	_ =	sdelay $0x4  }
0x281: {  	[tilespmem:s25+$0xFFFFFF00] =	vst v11  }
0x282: {  	v11 =	vld [tilespmem:s26+$0x2240];
	_ =	sdelay $0x4  }
0x283: {  	[tilespmem:s25+$0xFFFFFF10] =	vst v11  }
0x284: {  	v11 =	vld [tilespmem:s26+$0x2250];
	_ =	sdelay $0x4  }
0x285: {  	[tilespmem:s25+$0xFFFFFF20] =	vst v11  }
0x286: {  	v11 =	vld [tilespmem:s26+$0x2540];
	_ =	sdelay $0x4  }
0x287: {  	[tilespmem:s25+$0xFFFFFF30] =	vst v11  }
0x288: {  	v11 =	vld [tilespmem:s26+$0x2550];
	_ =	sdelay $0x4  }
0x289: {  	[tilespmem:s25+$0xFFFFFF40] =	vst v11  }
0x28a: {  	v11 =	vld [tilespmem:s26+$0x2840];
	_ =	sdelay $0x4  }
0x28b: {  	[tilespmem:s25+$0xFFFFFF50] =	vst v11  }
0x28c: {  	v11 =	vld [tilespmem:s26+$0x2850];
	_ =	sdelay $0x4  }
0x28d: {  	[tilespmem:s25+$0xFFFFFF60] =	vst v11  }
0x28e: {  	v11 =	vld [tilespmem:s26+$0x2B40];
	_ =	sdelay $0x4  }
0x28f: {  	[tilespmem:s25+$0xFFFFFF70] =	vst v11  }
0x290: {  	v11 =	vld [tilespmem:s26+$0x2B50];
	_ =	sdelay $0x4  }
0x291: {  	[tilespmem:s25+$0xFFFFFF80] =	vst v11  }
0x292: {  	v11 =	vld [tilespmem:s26+$0x2E40];
	_ =	sdelay $0x4  }
0x293: {  	[tilespmem:s25+$0xFFFFFF90] =	vst v11  }
0x294: {  	v11 =	vld [tilespmem:s26+$0x2E50];
	_ =	sdelay $0x4  }
0x295: {  	[tilespmem:s25+$0xFFFFFFA0] =	vst v11  }
0x296: {  	v11 =	vld [tilespmem:s26+$0x3140];
	_ =	sdelay $0x4  }
0x297: {  	[tilespmem:s25+$0xFFFFFFB0] =	vst v11  }
0x298: {  	v11 =	vld [tilespmem:s26+$0x3150];
	_ =	sdelay $0x4  }
0x299: {  	[tilespmem:s25+$0xFFFFFFC0] =	vst v11  }
0x29a: {  	v11 =	vld [tilespmem:s26+$0x3440];
	_ =	sdelay $0x4  }
0x29b: {  	[tilespmem:s25+$0xFFFFFFD0] =	vst v11  }
0x29c: {  	v11 =	vld [tilespmem:s26+$0x3450];
	_ =	sdelay $0x4  }
0x29d: {  	[tilespmem:s25+$0xFFFFFFE0] =	vst v11  }
0x29e: {  	v11 =	vld [tilespmem:s26+$0x3740];
	_ =	sdelay $0x4  }
0x29f: {  	[tilespmem:s25+$0xFFFFFFF0] =	vst v11  }
0x2a0: {  	v11 =	vld [tilespmem:s26+$0x3750];
	_ =	sdelay $0x4  }
0x2a1: {  	[tilespmem:s25+$0x0] =	vst v11  }
0x2a2: {  	v11 =	vld [tilespmem:s26+$0x3A40];
	_ =	sdelay $0x4  }
0x2a3: {  	[tilespmem:s25+$0x10] =	vst v11  }
0x2a4: {  	v11 =	vld [tilespmem:s26+$0x3A50];
	_ =	sdelay $0x4  }
0x2a5: {  	[tilespmem:s25+$0x20] =	vst v11  }
0x2a6: {  	v11 =	vld [tilespmem:s26+$0x3D40];
	_ =	sdelay $0x4  }
0x2a7: {  	[tilespmem:s25+$0x30] =	vst v11  }
0x2a8: {  	v11 =	vld [tilespmem:s26+$0x3D50];
	_ =	sdelay $0x4  }
0x2a9: {  	[tilespmem:s25+$0x40] =	vst v11  }
0x2aa: {  	v11 =	vld [tilespmem:s26+$0x4040];
	_ =	sdelay $0x4  }
0x2ab: {  	[tilespmem:s25+$0x50] =	vst v11  }
0x2ac: {  	v11 =	vld [tilespmem:s26+$0x4050];
	_ =	sdelay $0x4  }
0x2ad: {  	[tilespmem:s25+$0x60] =	vst v11  }
0x2ae: {  	v11 =	vld [tilespmem:s26+$0x4340];
	_ =	sdelay $0x4  }
0x2af: {  	[tilespmem:s25+$0x70] =	vst v11  }
0x2b0: {  	v11 =	vld [tilespmem:s26+$0x4350];
	_ =	sdelay $0x4  }
0x2b1: {  	[tilespmem:s25+$0x80] =	vst v11  }
0x2b2: {  	v11 =	vld [tilespmem:s26+$0x4640];
	_ =	sdelay $0x4  }
0x2b3: {  	[tilespmem:s25+$0x90] =	vst v11  }
0x2b4: {  	v11 =	vld [tilespmem:s26+$0x4650];
	_ =	sdelay $0x4  }
0x2b5: {  	[tilespmem:s25+$0xA0] =	vst v11  }
0x2b6: {  	v11 =	vld [tilespmem:s26+$0x4940];
	_ =	sdelay $0x4  }
0x2b7: {  	[tilespmem:s25+$0xB0] =	vst v11  }
0x2b8: {  	v11 =	vld [tilespmem:s26+$0x4950];
	_ =	sdelay $0x4  }
0x2b9: {  	[tilespmem:s25+$0xC0] =	vst v11  }
0x2ba: {  	v11 =	vld [tilespmem:s26+$0x4C40];
	_ =	sdelay $0x4  }
0x2bb: {  	[tilespmem:s25+$0xD0] =	vst v11  }
0x2bc: {  	v11 =	vld [tilespmem:s26+$0x4C50];
	_ =	sdelay $0x4  }
0x2bd: {  	[tilespmem:s25+$0xE0] =	vst v11  }
0x2be: {  	v11 =	vld [tilespmem:s26+$0x4F40];
	_ =	sdelay $0x4  }
0x2bf: {  	[tilespmem:s25+$0xF0] =	vst v11  }
0x2c0: {  	v11 =	vld [tilespmem:s26+$0x4F50];
	_ =	sdelay $0x4  }
0x2c1: {  	[tilespmem:s25+$0x100] =	vst v11  }
0x2c2: {  	v11 =	vld [tilespmem:s26+$0x5240];
	_ =	sdelay $0x4  }
0x2c3: {  	[tilespmem:s25+$0x110] =	vst v11  }
0x2c4: {  	v11 =	vld [tilespmem:s26+$0x5250];
	_ =	sdelay $0x4  }
0x2c5: {  	[tilespmem:s25+$0x120] =	vst v11  }
0x2c6: {  	v11 =	vld [tilespmem:s26+$0x5540];
	_ =	sdelay $0x4  }
0x2c7: {  	[tilespmem:s25+$0x130] =	vst v11  }
0x2c8: {  	v11 =	vld [tilespmem:s26+$0x5550];
	_ =	sdelay $0x4  }
0x2c9: {  	[tilespmem:s25+$0x140] =	vst v11  }
0x2ca: {  	v11 =	vld [tilespmem:s26+$0x5840];
	_ =	sdelay $0x4  }
0x2cb: {  	[tilespmem:s25+$0x150] =	vst v11  }
0x2cc: {  	v11 =	vld [tilespmem:s26+$0x5850];
	_ =	sdelay $0x4  }
0x2cd: {  	[tilespmem:s25+$0x160] =	vst v11  }
0x2ce: {  	v11 =	vld [tilespmem:s26+$0x5B40];
	_ =	sdelay $0x4  }
0x2cf: {  	[tilespmem:s25+$0x170] =	vst v11  }
0x2d0: {  	v11 =	vld [tilespmem:s26+$0x5B50]  }
.Ltmp0:
0x2d1: {  	(pc) =	sbr.rel @p1 .LBB2_3-.Ltmp0, $2  }
0x2d2: {  	_ =	sdelay $0x2  }
0x2d3: {  	s26 =	sshra.s32 s28, $0x2;
	s28 =	sadd.s32 $0x80, s28;
	[tilespmem:s25+$0x180] =	vst v11  }
0x2d4: {  	v11 =	vld [tilespmem:s26+$0x1340];
	_ =	sdelay $0x3  }
0x2d5: {  	s25 =	sadd.s32 $0x380, s25  }
0x2d6: {  	[tilespmem:s25+$0xFFFFFE70] =	vst v11  }
0x2d7: {  	v11 =	vld [tilespmem:s26+$0x1350];
	_ =	sdelay $0x4  }
0x2d8: {  	[tilespmem:s25+$0xFFFFFE80] =	vst v11  }
0x2d9: {  	v11 =	vld [tilespmem:s26+$0x1640];
	_ =	sdelay $0x4  }
0x2da: {  	[tilespmem:s25+$0xFFFFFE90] =	vst v11  }
0x2db: {  	v11 =	vld [tilespmem:s26+$0x1650];
	_ =	sdelay $0x4  }
0x2dc: {  	[tilespmem:s25+$0xFFFFFEA0] =	vst v11  }
0x2dd: {  	v11 =	vld [tilespmem:s26+$0x1940];
	_ =	sdelay $0x4  }
0x2de: {  	[tilespmem:s25+$0xFFFFFEB0] =	vst v11  }
0x2df: {  	v11 =	vld [tilespmem:s26+$0x1950];
	_ =	sdelay $0x4  }
0x2e0: {  	[tilespmem:s25+$0xFFFFFEC0] =	vst v11  }
0x2e1: {  	v11 =	vld [tilespmem:s26+$0x1C40];
	_ =	sdelay $0x4  }
0x2e2: {  	[tilespmem:s25+$0xFFFFFED0] =	vst v11  }
0x2e3: {  	v11 =	vld [tilespmem:s26+$0x1C50];
	_ =	sdelay $0x4  }
0x2e4: {  	[tilespmem:s25+$0xFFFFFEE0] =	vst v11  }
0x2e5: {  	v11 =	vld [tilespmem:s26+$0x1F40];
	_ =	sdelay $0x4  }
0x2e6: {  	[tilespmem:s25+$0xFFFFFEF0] =	vst v11  }
0x2e7: {  	v11 =	vld [tilespmem:s26+$0x1F50];
	_ =	sdelay $0x4  }
0x2e8: {  	[tilespmem:s25+$0xFFFFFF00] =	vst v11  }
0x2e9: {  	v11 =	vld [tilespmem:s26+$0x2240];
	_ =	sdelay $0x4  }
0x2ea: {  	[tilespmem:s25+$0xFFFFFF10] =	vst v11  }
0x2eb: {  	v11 =	vld [tilespmem:s26+$0x2250];
	_ =	sdelay $0x4  }
0x2ec: {  	[tilespmem:s25+$0xFFFFFF20] =	vst v11  }
0x2ed: {  	v11 =	vld [tilespmem:s26+$0x2540];
	_ =	sdelay $0x4  }
0x2ee: {  	[tilespmem:s25+$0xFFFFFF30] =	vst v11  }
0x2ef: {  	v11 =	vld [tilespmem:s26+$0x2550];
	_ =	sdelay $0x4  }
0x2f0: {  	[tilespmem:s25+$0xFFFFFF40] =	vst v11  }
0x2f1: {  	v11 =	vld [tilespmem:s26+$0x2840];
	_ =	sdelay $0x4  }
0x2f2: {  	[tilespmem:s25+$0xFFFFFF50] =	vst v11  }
0x2f3: {  	v11 =	vld [tilespmem:s26+$0x2850];
	_ =	sdelay $0x4  }
0x2f4: {  	[tilespmem:s25+$0xFFFFFF60] =	vst v11  }
0x2f5: {  	v11 =	vld [tilespmem:s26+$0x2B40];
	_ =	sdelay $0x4  }
0x2f6: {  	[tilespmem:s25+$0xFFFFFF70] =	vst v11  }
0x2f7: {  	v11 =	vld [tilespmem:s26+$0x2B50];
	_ =	sdelay $0x4  }
0x2f8: {  	[tilespmem:s25+$0xFFFFFF80] =	vst v11  }
0x2f9: {  	v11 =	vld [tilespmem:s26+$0x2E40];
	_ =	sdelay $0x4  }
0x2fa: {  	[tilespmem:s25+$0xFFFFFF90] =	vst v11  }
0x2fb: {  	v11 =	vld [tilespmem:s26+$0x2E50];
	_ =	sdelay $0x4  }
0x2fc: {  	[tilespmem:s25+$0xFFFFFFA0] =	vst v11  }
0x2fd: {  	v11 =	vld [tilespmem:s26+$0x3140];
	_ =	sdelay $0x4  }
0x2fe: {  	[tilespmem:s25+$0xFFFFFFB0] =	vst v11  }
0x2ff: {  	v11 =	vld [tilespmem:s26+$0x3150];
	_ =	sdelay $0x4  }
0x300: {  	[tilespmem:s25+$0xFFFFFFC0] =	vst v11  }
0x301: {  	v11 =	vld [tilespmem:s26+$0x3440];
	_ =	sdelay $0x4  }
0x302: {  	[tilespmem:s25+$0xFFFFFFD0] =	vst v11  }
0x303: {  	v11 =	vld [tilespmem:s26+$0x3450];
	_ =	sdelay $0x4  }
0x304: {  	[tilespmem:s25+$0xFFFFFFE0] =	vst v11  }
0x305: {  	v11 =	vld [tilespmem:s26+$0x3740];
	_ =	sdelay $0x4  }
0x306: {  	[tilespmem:s25+$0xFFFFFFF0] =	vst v11  }
0x307: {  	v11 =	vld [tilespmem:s26+$0x3750];
	_ =	sdelay $0x4  }
0x308: {  	[tilespmem:s25+$0x0] =	vst v11  }
0x309: {  	v11 =	vld [tilespmem:s26+$0x3A40];
	_ =	sdelay $0x4  }
0x30a: {  	[tilespmem:s25+$0x10] =	vst v11  }
0x30b: {  	v11 =	vld [tilespmem:s26+$0x3A50];
	_ =	sdelay $0x4  }
0x30c: {  	[tilespmem:s25+$0x20] =	vst v11  }
0x30d: {  	v11 =	vld [tilespmem:s26+$0x3D40];
	_ =	sdelay $0x4  }
0x30e: {  	[tilespmem:s25+$0x30] =	vst v11  }
0x30f: {  	v11 =	vld [tilespmem:s26+$0x3D50];
	_ =	sdelay $0x4  }
0x310: {  	[tilespmem:s25+$0x40] =	vst v11  }
0x311: {  	v11 =	vld [tilespmem:s26+$0x4040];
	_ =	sdelay $0x4  }
0x312: {  	[tilespmem:s25+$0x50] =	vst v11  }
0x313: {  	v11 =	vld [tilespmem:s26+$0x4050];
	_ =	sdelay $0x4  }
0x314: {  	[tilespmem:s25+$0x60] =	vst v11  }
0x315: {  	v11 =	vld [tilespmem:s26+$0x4340];
	_ =	sdelay $0x4  }
0x316: {  	[tilespmem:s25+$0x70] =	vst v11  }
0x317: {  	v11 =	vld [tilespmem:s26+$0x4350];
	_ =	sdelay $0x4  }
0x318: {  	[tilespmem:s25+$0x80] =	vst v11  }
0x319: {  	v11 =	vld [tilespmem:s26+$0x4640];
	_ =	sdelay $0x4  }
0x31a: {  	[tilespmem:s25+$0x90] =	vst v11  }
0x31b: {  	v11 =	vld [tilespmem:s26+$0x4650];
	_ =	sdelay $0x4  }
0x31c: {  	[tilespmem:s25+$0xA0] =	vst v11  }
0x31d: {  	v11 =	vld [tilespmem:s26+$0x4940];
	_ =	sdelay $0x4  }
0x31e: {  	[tilespmem:s25+$0xB0] =	vst v11  }
0x31f: {  	v11 =	vld [tilespmem:s26+$0x4950];
	_ =	sdelay $0x4  }
0x320: {  	[tilespmem:s25+$0xC0] =	vst v11  }
0x321: {  	v11 =	vld [tilespmem:s26+$0x4C40];
	_ =	sdelay $0x4  }
0x322: {  	[tilespmem:s25+$0xD0] =	vst v11  }
0x323: {  	v11 =	vld [tilespmem:s26+$0x4C50];
	_ =	sdelay $0x4  }
0x324: {  	[tilespmem:s25+$0xE0] =	vst v11  }
0x325: {  	v11 =	vld [tilespmem:s26+$0x4F40];
	_ =	sdelay $0x4  }
0x326: {  	[tilespmem:s25+$0xF0] =	vst v11  }
0x327: {  	v11 =	vld [tilespmem:s26+$0x4F50];
	_ =	sdelay $0x4  }
0x328: {  	[tilespmem:s25+$0x100] =	vst v11  }
0x329: {  	v11 =	vld [tilespmem:s26+$0x5240];
	_ =	sdelay $0x4  }
0x32a: {  	[tilespmem:s25+$0x110] =	vst v11  }
0x32b: {  	v11 =	vld [tilespmem:s26+$0x5250];
	_ =	sdelay $0x4  }
0x32c: {  	[tilespmem:s25+$0x120] =	vst v11  }
0x32d: {  	v11 =	vld [tilespmem:s26+$0x5540];
	_ =	sdelay $0x4  }
0x32e: {  	[tilespmem:s25+$0x130] =	vst v11  }
0x32f: {  	v11 =	vld [tilespmem:s26+$0x5550];
	_ =	sdelay $0x4  }
0x330: {  	[tilespmem:s25+$0x140] =	vst v11  }
0x331: {  	v11 =	vld [tilespmem:s26+$0x5840];
	_ =	sdelay $0x4  }
0x332: {  	[tilespmem:s25+$0x150] =	vst v11  }
0x333: {  	v11 =	vld [tilespmem:s26+$0x5850];
	_ =	sdelay $0x4  }
0x334: {  	[tilespmem:s25+$0x160] =	vst v11  }
0x335: {  	v11 =	vld [tilespmem:s26+$0x5B40];
	_ =	sdelay $0x4  }
0x336: {  	[tilespmem:s25+$0x170] =	vst v11  }
0x337: {  	v11 =	vld [tilespmem:s26+$0x5B50]  }
0x338: {  	v12 =	vadd.s32 s24, v0;
	_ =	sdelay $0x3  }
0x339: {  	s23 =	sshll.u32 s23, $0x8;
	[tilespmem:s25+$0x180] =	vst v11  }
0x33a: {  	v11 =	vld.idx.msk [tilespmem:v12+s23+$0xB00], $0xffff  }
0x33b: {  	v62 =	vadd.s32 s24, v6;
	_ =	sdelay $0x3  }
0x33c: {  	[tilespmem:v2+s18+$0x0] =	vst.idx.msk $0xffff, v11  }
0x33d: {  	v11 =	vld.idx.msk [tilespmem:v62+s23+$0xB00], $0xffff;
	_ =	sdelay $0x1  }
0x33e: {  	s22 =	smul.u32 $0xC400, s22;
	_ =	sdelay $0x1  }
0x33f: {  	s22 =	sshrl.u32 s22, $0x3  }
0x340: {  	s22 =	sadd.s32 s7, s22;
	s25 =	simm.s32 @!p0 $0x4;
	[tilespmem:v7+s18+$0x0] =	vst.idx.msk $0xffff, v11  }
0x341: {  	[hbm4b:s22+s6] =	stream.linear.scatter [tilespmem:s18], [sflag:$0x3], $0x5400, $0x38;
	[tilespmem:$0x17380] =	vst v63  }
0x342: {  	_ =	swait.ge @!p0 [sflag:s25], $0x7000  }
0x343: {  	[sflag:s25] =	ssyncset.done @!p0 $0x0  }
0x344: {  	[sflag:s25] =	ssyncadd.s32 @!p0 $0xFFFF9000  }
0x345: {  	_ =	swait.ge [sflag:s19], $0x340  }
0x346: {  	[sflag:s19] =	ssyncset.done $0x0  }
0x347: {  	[sflag:s19] =	ssyncadd.s32 $0xFFFFFCC0  }
0x348: {  	_ =	swait.ge [sflag:s19], $0x340  }
0x349: {  	[sflag:s19] =	ssyncset.done $0x0  }
0x34a: {  	[sflag:s19] =	ssyncadd.s32 $0xFFFFFCC0  }
0x34b: {  	_ =	swait.ge [sflag:s19], $0x340  }
0x34c: {  	[sflag:s19] =	ssyncset.done $0x0  }
0x34d: {  	[sflag:s19] =	ssyncadd.s32 $0xFFFFFCC0  }
0x34e: {  	_ =	swait.ge [sflag:s19], $0x340  }
0x34f: {  	[sflag:s19] =	ssyncset.done $0x0  }
0x350: {  	[sflag:s19] =	ssyncadd.s32 $0xFFFFFCC0  }
0x351: {  	_ =	swait.ge [sflag:s19], $0x340  }
0x352: {  	[sflag:s19] =	ssyncset.done $0x0  }
0x353: {  	[sflag:s19] =	ssyncadd.s32 $0xFFFFFCC0  }
0x354: {  	_ =	swait.ge [sflag:s19], $0x340  }
0x355: {  	[sflag:s19] =	ssyncset.done $0x0  }
0x356: {  	[sflag:s19] =	ssyncadd.s32 $0xFFFFFCC0  }
0x357: {  	_ =	swait.ge [sflag:s19], $0x340  }
0x358: {  	[sflag:s19] =	ssyncset.done $0x0  }
0x359: {  	[sflag:s19] =	ssyncadd.s32 $0xFFFFFCC0  }
0x35a: {  	_ =	swait.ge [sflag:s19], $0x340  }
0x35b: {  	[sflag:s19] =	ssyncset.done $0x0  }
0x35c: {  	[sflag:s19] =	ssyncadd.s32 $0xFFFFFCC0  }
0x35d: {  	_ =	swait.ge [sflag:s19], $0x340  }
0x35e: {  	[sflag:s19] =	ssyncset.done $0x0  }
0x35f: {  	[sflag:s19] =	ssyncadd.s32 $0xFFFFFCC0  }
0x360: {  	_ =	swait.ge [sflag:s19], $0x340  }
0x361: {  	[sflag:s19] =	ssyncset.done $0x0  }
0x362: {  	[sflag:s19] =	ssyncadd.s32 $0xFFFFFCC0  }
0x363: {  	_ =	swait.ge [sflag:s19], $0x340  }
0x364: {  	[sflag:s19] =	ssyncset.done $0x0  }
0x365: {  	[sflag:s19] =	ssyncadd.s32 $0xFFFFFCC0  }
0x366: {  	_ =	swait.ge [sflag:s19], $0x340  }
0x367: {  	[sflag:s19] =	ssyncset.done $0x0  }
0x368: {  	[sflag:s19] =	ssyncadd.s32 $0xFFFFFCC0  }
0x369: {  	_ =	swait.ge [sflag:s19], $0x340  }
0x36a: {  	[sflag:s19] =	ssyncset.done $0x0  }
0x36b: {  	[sflag:s19] =	ssyncadd.s32 $0xFFFFFCC0  }
0x36c: {  	_ =	swait.ge [sflag:s19], $0x340  }
0x36d: {  	[sflag:s19] =	ssyncset.done $0x0  }
0x36e: {  	[sflag:s19] =	ssyncadd.s32 $0xFFFFFCC0  }
0x36f: {  	_ =	swait.ge [sflag:s19], $0x340  }
0x370: {  	[sflag:s19] =	ssyncset.done $0x0  }
0x371: {  	[sflag:s19] =	ssyncadd.s32 $0xFFFFFCC0  }
0x372: {  	_ =	swait.ge [sflag:s19], $0x340  }
0x373: {  	[sflag:s19] =	ssyncset.done $0x0  }
0x374: {  	[sflag:s19] =	ssyncadd.s32 $0xFFFFFCC0  }
0x375: {  	_ =	swait.ge [sflag:s19], $0x340  }
0x376: {  	[sflag:s19] =	ssyncset.done $0x0  }
0x377: {  	[sflag:s19] =	ssyncadd.s32 $0xFFFFFCC0  }
0x378: {  	_ =	swait.ge [sflag:s19], $0x340  }
0x379: {  	[sflag:s19] =	ssyncset.done $0x0  }
0x37a: {  	[sflag:s19] =	ssyncadd.s32 $0xFFFFFCC0  }
0x37b: {  	_ =	swait.ge [sflag:s19], $0x340  }
0x37c: {  	[sflag:s19] =	ssyncset.done $0x0  }
0x37d: {  	[sflag:s19] =	ssyncadd.s32 $0xFFFFFCC0  }
0x37e: {  	_ =	swait.ge [sflag:s19], $0x340  }
0x37f: {  	[sflag:s19] =	ssyncset.done $0x0  }
0x380: {  	[sflag:s19] =	ssyncadd.s32 $0xFFFFFCC0  }
0x381: {  	_ =	swait.ge [sflag:s19], $0x340  }
0x382: {  	[sflag:s19] =	ssyncset.done $0x0  }
0x383: {  	[sflag:s19] =	ssyncadd.s32 $0xFFFFFCC0  }
0x384: {  	_ =	swait.ge [sflag:s19], $0x340  }
0x385: {  	[sflag:s19] =	ssyncset.done $0x0  }
0x386: {  	[sflag:s19] =	ssyncadd.s32 $0xFFFFFCC0  }
0x387: {  	_ =	swait.ge [sflag:s19], $0x340  }
0x388: {  	[sflag:s19] =	ssyncset.done $0x0  }
0x389: {  	[sflag:s19] =	ssyncadd.s32 $0xFFFFFCC0  }
0x38a: {  	_ =	swait.ge [sflag:s19], $0x340  }
0x38b: {  	[sflag:s19] =	ssyncset.done $0x0  }
0x38c: {  	[sflag:s19] =	ssyncadd.s32 $0xFFFFFCC0  }
0x38d: {  	_ =	swait.ge [sflag:s19], $0x340  }
0x38e: {  	[sflag:s19] =	ssyncset.done $0x0  }
0x38f: {  	s30 =	simm.s32 $0x0;
	[sflag:s19] =	ssyncadd.s32 $0xFFFFFCC0  }
0x390: {  	v11 =	vld [tilespmem:s30+$0x5E40];
	_ =	sdelay $0x3  }
0x391: {  	s25 =	simm.s32 $0x10511  }
0x392: {  	[tilespmem:s25+$0xFFFFFE70] =	vst v11  }
0x393: {  	v11 =	vld [tilespmem:s30+$0x5E50];
	_ =	sdelay $0x4  }
0x394: {  	[tilespmem:s25+$0xFFFFFE80] =	vst v11  }
0x395: {  	v11 =	vld [tilespmem:s30+$0x6180];
	_ =	sdelay $0x4  }
0x396: {  	[tilespmem:s25+$0xFFFFFE90] =	vst v11  }
0x397: {  	v11 =	vld [tilespmem:s30+$0x6190];
	_ =	sdelay $0x4  }
0x398: {  	[tilespmem:s25+$0xFFFFFEA0] =	vst v11  }
0x399: {  	v11 =	vld [tilespmem:s30+$0x64C0];
	_ =	sdelay $0x4  }
0x39a: {  	[tilespmem:s25+$0xFFFFFEB0] =	vst v11  }
0x39b: {  	v11 =	vld [tilespmem:s30+$0x64D0];
	_ =	sdelay $0x4  }
0x39c: {  	[tilespmem:s25+$0xFFFFFEC0] =	vst v11  }
0x39d: {  	v11 =	vld [tilespmem:s30+$0x6800];
	_ =	sdelay $0x4  }
0x39e: {  	[tilespmem:s25+$0xFFFFFED0] =	vst v11  }
0x39f: {  	v11 =	vld [tilespmem:s30+$0x6810];
	_ =	sdelay $0x4  }
0x3a0: {  	[tilespmem:s25+$0xFFFFFEE0] =	vst v11  }
0x3a1: {  	v11 =	vld [tilespmem:s30+$0x6B40];
	_ =	sdelay $0x4  }
0x3a2: {  	[tilespmem:s25+$0xFFFFFEF0] =	vst v11  }
0x3a3: {  	v11 =	vld [tilespmem:s30+$0x6B50];
	_ =	sdelay $0x4  }
0x3a4: {  	[tilespmem:s25+$0xFFFFFF00] =	vst v11  }
0x3a5: {  	v11 =	vld [tilespmem:s30+$0x6E80];
	_ =	sdelay $0x4  }
0x3a6: {  	[tilespmem:s25+$0xFFFFFF10] =	vst v11  }
0x3a7: {  	v11 =	vld [tilespmem:s30+$0x6E90];
	_ =	sdelay $0x4  }
0x3a8: {  	[tilespmem:s25+$0xFFFFFF20] =	vst v11  }
0x3a9: {  	v11 =	vld [tilespmem:s30+$0x71C0];
	_ =	sdelay $0x4  }
0x3aa: {  	[tilespmem:s25+$0xFFFFFF30] =	vst v11  }
0x3ab: {  	v11 =	vld [tilespmem:s30+$0x71D0];
	_ =	sdelay $0x4  }
0x3ac: {  	[tilespmem:s25+$0xFFFFFF40] =	vst v11  }
0x3ad: {  	v11 =	vld [tilespmem:s30+$0x7500];
	_ =	sdelay $0x4  }
0x3ae: {  	[tilespmem:s25+$0xFFFFFF50] =	vst v11  }
0x3af: {  	v11 =	vld [tilespmem:s30+$0x7510];
	_ =	sdelay $0x4  }
0x3b0: {  	[tilespmem:s25+$0xFFFFFF60] =	vst v11  }
0x3b1: {  	v11 =	vld [tilespmem:s30+$0x7840];
	_ =	sdelay $0x4  }
0x3b2: {  	[tilespmem:s25+$0xFFFFFF70] =	vst v11  }
0x3b3: {  	v11 =	vld [tilespmem:s30+$0x7850];
	_ =	sdelay $0x4  }
0x3b4: {  	[tilespmem:s25+$0xFFFFFF80] =	vst v11  }
0x3b5: {  	v11 =	vld [tilespmem:s30+$0x7B80];
	_ =	sdelay $0x4  }
0x3b6: {  	[tilespmem:s25+$0xFFFFFF90] =	vst v11  }
0x3b7: {  	v11 =	vld [tilespmem:s30+$0x7B90];
	_ =	sdelay $0x4  }
0x3b8: {  	[tilespmem:s25+$0xFFFFFFA0] =	vst v11  }
0x3b9: {  	v11 =	vld [tilespmem:s30+$0x7EC0];
	_ =	sdelay $0x4  }
0x3ba: {  	[tilespmem:s25+$0xFFFFFFB0] =	vst v11  }
0x3bb: {  	v11 =	vld [tilespmem:s30+$0x7ED0];
	_ =	sdelay $0x4  }
0x3bc: {  	[tilespmem:s25+$0xFFFFFFC0] =	vst v11  }
0x3bd: {  	v11 =	vld [tilespmem:s30+$0x8200];
	_ =	sdelay $0x4  }
0x3be: {  	[tilespmem:s25+$0xFFFFFFD0] =	vst v11  }
0x3bf: {  	v11 =	vld [tilespmem:s30+$0x8210];
	_ =	sdelay $0x4  }
0x3c0: {  	[tilespmem:s25+$0xFFFFFFE0] =	vst v11  }
0x3c1: {  	v11 =	vld [tilespmem:s30+$0x8540];
	_ =	sdelay $0x4  }
0x3c2: {  	[tilespmem:s25+$0xFFFFFFF0] =	vst v11  }
0x3c3: {  	v11 =	vld [tilespmem:s30+$0x8550];
	_ =	sdelay $0x4  }
0x3c4: {  	[tilespmem:s25+$0x0] =	vst v11  }
0x3c5: {  	v11 =	vld [tilespmem:s30+$0x8880];
	_ =	sdelay $0x4  }
0x3c6: {  	[tilespmem:s25+$0x10] =	vst v11  }
0x3c7: {  	v11 =	vld [tilespmem:s30+$0x8890];
	_ =	sdelay $0x4  }
0x3c8: {  	[tilespmem:s25+$0x20] =	vst v11  }
0x3c9: {  	v11 =	vld [tilespmem:s30+$0x8BC0];
	_ =	sdelay $0x4  }
0x3ca: {  	[tilespmem:s25+$0x30] =	vst v11  }
0x3cb: {  	v11 =	vld [tilespmem:s30+$0x8BD0];
	_ =	sdelay $0x4  }
0x3cc: {  	[tilespmem:s25+$0x40] =	vst v11  }
0x3cd: {  	v11 =	vld [tilespmem:s30+$0x8F00];
	_ =	sdelay $0x4  }
0x3ce: {  	[tilespmem:s25+$0x50] =	vst v11  }
0x3cf: {  	v11 =	vld [tilespmem:s30+$0x8F10];
	_ =	sdelay $0x4  }
0x3d0: {  	[tilespmem:s25+$0x60] =	vst v11  }
0x3d1: {  	v11 =	vld [tilespmem:s30+$0x9240];
	_ =	sdelay $0x4  }
0x3d2: {  	[tilespmem:s25+$0x70] =	vst v11  }
0x3d3: {  	v11 =	vld [tilespmem:s30+$0x9250];
	_ =	sdelay $0x4  }
0x3d4: {  	[tilespmem:s25+$0x80] =	vst v11  }
0x3d5: {  	v11 =	vld [tilespmem:s30+$0x9580];
	_ =	sdelay $0x4  }
0x3d6: {  	[tilespmem:s25+$0x90] =	vst v11  }
0x3d7: {  	v11 =	vld [tilespmem:s30+$0x9590];
	_ =	sdelay $0x4  }
0x3d8: {  	[tilespmem:s25+$0xA0] =	vst v11  }
0x3d9: {  	v11 =	vld [tilespmem:s30+$0x98C0];
	_ =	sdelay $0x4  }
0x3da: {  	[tilespmem:s25+$0xB0] =	vst v11  }
0x3db: {  	v11 =	vld [tilespmem:s30+$0x98D0];
	_ =	sdelay $0x4  }
0x3dc: {  	[tilespmem:s25+$0xC0] =	vst v11  }
0x3dd: {  	v11 =	vld [tilespmem:s30+$0x9C00];
	_ =	sdelay $0x4  }
0x3de: {  	[tilespmem:s25+$0xD0] =	vst v11  }
0x3df: {  	v11 =	vld [tilespmem:s30+$0x9C10];
	_ =	sdelay $0x4  }
0x3e0: {  	[tilespmem:s25+$0xE0] =	vst v11  }
0x3e1: {  	v11 =	vld [tilespmem:s30+$0x9F40];
	_ =	sdelay $0x4  }
0x3e2: {  	[tilespmem:s25+$0xF0] =	vst v11  }
0x3e3: {  	v11 =	vld [tilespmem:s30+$0x9F50];
	_ =	sdelay $0x4  }
0x3e4: {  	[tilespmem:s25+$0x100] =	vst v11  }
0x3e5: {  	v11 =	vld [tilespmem:s30+$0xA280];
	_ =	sdelay $0x4  }
0x3e6: {  	[tilespmem:s25+$0x110] =	vst v11  }
0x3e7: {  	v11 =	vld [tilespmem:s30+$0xA290];
	_ =	sdelay $0x4  }
0x3e8: {  	[tilespmem:s25+$0x120] =	vst v11  }
0x3e9: {  	v11 =	vld [tilespmem:s30+$0xA5C0];
	_ =	sdelay $0x4  }
0x3ea: {  	[tilespmem:s25+$0x130] =	vst v11  }
0x3eb: {  	v11 =	vld [tilespmem:s30+$0xA5D0];
	_ =	sdelay $0x4  }
0x3ec: {  	[tilespmem:s25+$0x140] =	vst v11  }
0x3ed: {  	v11 =	vld [tilespmem:s30+$0xA900];
	_ =	sdelay $0x4  }
0x3ee: {  	[tilespmem:s25+$0x150] =	vst v11  }
0x3ef: {  	v11 =	vld [tilespmem:s30+$0xA910];
	_ =	sdelay $0x4  }
0x3f0: {  	[tilespmem:s25+$0x160] =	vst v11  }
0x3f1: {  	v11 =	vld [tilespmem:s30+$0xAC40];
	_ =	sdelay $0x4  }
0x3f2: {  	[tilespmem:s25+$0x170] =	vst v11  }
0x3f3: {  	v63 =	vld [tilespmem:s30+$0xAC50];
	_ =	sdelay $0x4  }
0x3f4: {  	s26 =	simm.s32 $0x100;
	s23 =	sadd.s32 $0xB00, s23;
	v11 =	vmov s24;
	s24 =	simm.s32 $0x20;
	[tilespmem:s25+$0x180] =	vst v63  }
.LBB2_5:
0x3f5: {  	p0 =	sne.s32 s26, $0xC80;
	v12 =	vld [tilespmem:s24+$0x5E40];
	_ =	sdelay $0x3  }
0x3f6: {  	s25 =	sadd.s32 $0x380, s25  }
0x3f7: {  	[tilespmem:s25+$0xFFFFFE70] =	vst v12  }
0x3f8: {  	v12 =	vld [tilespmem:s24+$0x5E50];
	_ =	sdelay $0x4  }
0x3f9: {  	[tilespmem:s25+$0xFFFFFE80] =	vst v12  }
0x3fa: {  	v12 =	vld [tilespmem:s24+$0x6180];
	_ =	sdelay $0x4  }
0x3fb: {  	[tilespmem:s25+$0xFFFFFE90] =	vst v12  }
0x3fc: {  	v12 =	vld [tilespmem:s24+$0x6190];
	_ =	sdelay $0x4  }
0x3fd: {  	[tilespmem:s25+$0xFFFFFEA0] =	vst v12  }
0x3fe: {  	v12 =	vld [tilespmem:s24+$0x64C0];
	_ =	sdelay $0x4  }
0x3ff: {  	[tilespmem:s25+$0xFFFFFEB0] =	vst v12  }
0x400: {  	v12 =	vld [tilespmem:s24+$0x64D0];
	_ =	sdelay $0x4  }
0x401: {  	[tilespmem:s25+$0xFFFFFEC0] =	vst v12  }
0x402: {  	v12 =	vld [tilespmem:s24+$0x6800];
	_ =	sdelay $0x4  }
0x403: {  	[tilespmem:s25+$0xFFFFFED0] =	vst v12  }
0x404: {  	v12 =	vld [tilespmem:s24+$0x6810];
	_ =	sdelay $0x4  }
0x405: {  	[tilespmem:s25+$0xFFFFFEE0] =	vst v12  }
0x406: {  	v12 =	vld [tilespmem:s24+$0x6B40];
	_ =	sdelay $0x4  }
0x407: {  	[tilespmem:s25+$0xFFFFFEF0] =	vst v12  }
0x408: {  	v12 =	vld [tilespmem:s24+$0x6B50];
	_ =	sdelay $0x4  }
0x409: {  	[tilespmem:s25+$0xFFFFFF00] =	vst v12  }
0x40a: {  	v12 =	vld [tilespmem:s24+$0x6E80];
	_ =	sdelay $0x4  }
0x40b: {  	[tilespmem:s25+$0xFFFFFF10] =	vst v12  }
0x40c: {  	v12 =	vld [tilespmem:s24+$0x6E90];
	_ =	sdelay $0x4  }
0x40d: {  	[tilespmem:s25+$0xFFFFFF20] =	vst v12  }
0x40e: {  	v12 =	vld [tilespmem:s24+$0x71C0];
	_ =	sdelay $0x4  }
0x40f: {  	[tilespmem:s25+$0xFFFFFF30] =	vst v12  }
0x410: {  	v12 =	vld [tilespmem:s24+$0x71D0];
	_ =	sdelay $0x4  }
0x411: {  	[tilespmem:s25+$0xFFFFFF40] =	vst v12  }
0x412: {  	v12 =	vld [tilespmem:s24+$0x7500];
	_ =	sdelay $0x4  }
0x413: {  	[tilespmem:s25+$0xFFFFFF50] =	vst v12  }
0x414: {  	v12 =	vld [tilespmem:s24+$0x7510];
	_ =	sdelay $0x4  }
0x415: {  	[tilespmem:s25+$0xFFFFFF60] =	vst v12  }
0x416: {  	v12 =	vld [tilespmem:s24+$0x7840];
	_ =	sdelay $0x4  }
0x417: {  	[tilespmem:s25+$0xFFFFFF70] =	vst v12  }
0x418: {  	v12 =	vld [tilespmem:s24+$0x7850];
	_ =	sdelay $0x4  }
0x419: {  	[tilespmem:s25+$0xFFFFFF80] =	vst v12  }
0x41a: {  	v12 =	vld [tilespmem:s24+$0x7B80];
	_ =	sdelay $0x4  }
0x41b: {  	[tilespmem:s25+$0xFFFFFF90] =	vst v12  }
0x41c: {  	v12 =	vld [tilespmem:s24+$0x7B90];
	_ =	sdelay $0x4  }
0x41d: {  	[tilespmem:s25+$0xFFFFFFA0] =	vst v12  }
0x41e: {  	v12 =	vld [tilespmem:s24+$0x7EC0];
	_ =	sdelay $0x4  }
0x41f: {  	[tilespmem:s25+$0xFFFFFFB0] =	vst v12  }
0x420: {  	v12 =	vld [tilespmem:s24+$0x7ED0];
	_ =	sdelay $0x4  }
0x421: {  	[tilespmem:s25+$0xFFFFFFC0] =	vst v12  }
0x422: {  	v12 =	vld [tilespmem:s24+$0x8200];
	_ =	sdelay $0x4  }
0x423: {  	[tilespmem:s25+$0xFFFFFFD0] =	vst v12  }
0x424: {  	v12 =	vld [tilespmem:s24+$0x8210];
	_ =	sdelay $0x4  }
0x425: {  	[tilespmem:s25+$0xFFFFFFE0] =	vst v12  }
0x426: {  	v12 =	vld [tilespmem:s24+$0x8540];
	_ =	sdelay $0x4  }
0x427: {  	[tilespmem:s25+$0xFFFFFFF0] =	vst v12  }
0x428: {  	v12 =	vld [tilespmem:s24+$0x8550];
	_ =	sdelay $0x4  }
0x429: {  	[tilespmem:s25+$0x0] =	vst v12  }
0x42a: {  	v12 =	vld [tilespmem:s24+$0x8880];
	_ =	sdelay $0x4  }
0x42b: {  	[tilespmem:s25+$0x10] =	vst v12  }
0x42c: {  	v12 =	vld [tilespmem:s24+$0x8890];
	_ =	sdelay $0x4  }
0x42d: {  	[tilespmem:s25+$0x20] =	vst v12  }
0x42e: {  	v12 =	vld [tilespmem:s24+$0x8BC0];
	_ =	sdelay $0x4  }
0x42f: {  	[tilespmem:s25+$0x30] =	vst v12  }
0x430: {  	v12 =	vld [tilespmem:s24+$0x8BD0];
	_ =	sdelay $0x4  }
0x431: {  	[tilespmem:s25+$0x40] =	vst v12  }
0x432: {  	v12 =	vld [tilespmem:s24+$0x8F00];
	_ =	sdelay $0x4  }
0x433: {  	[tilespmem:s25+$0x50] =	vst v12  }
0x434: {  	v12 =	vld [tilespmem:s24+$0x8F10];
	_ =	sdelay $0x4  }
0x435: {  	[tilespmem:s25+$0x60] =	vst v12  }
0x436: {  	v12 =	vld [tilespmem:s24+$0x9240];
	_ =	sdelay $0x4  }
0x437: {  	[tilespmem:s25+$0x70] =	vst v12  }
0x438: {  	v12 =	vld [tilespmem:s24+$0x9250];
	_ =	sdelay $0x4  }
0x439: {  	[tilespmem:s25+$0x80] =	vst v12  }
0x43a: {  	v12 =	vld [tilespmem:s24+$0x9580];
	_ =	sdelay $0x4  }
0x43b: {  	[tilespmem:s25+$0x90] =	vst v12  }
0x43c: {  	v12 =	vld [tilespmem:s24+$0x9590];
	_ =	sdelay $0x4  }
0x43d: {  	[tilespmem:s25+$0xA0] =	vst v12  }
0x43e: {  	v12 =	vld [tilespmem:s24+$0x98C0];
	_ =	sdelay $0x4  }
0x43f: {  	[tilespmem:s25+$0xB0] =	vst v12  }
0x440: {  	v12 =	vld [tilespmem:s24+$0x98D0];
	_ =	sdelay $0x4  }
0x441: {  	[tilespmem:s25+$0xC0] =	vst v12  }
0x442: {  	v12 =	vld [tilespmem:s24+$0x9C00];
	_ =	sdelay $0x4  }
0x443: {  	[tilespmem:s25+$0xD0] =	vst v12  }
0x444: {  	v12 =	vld [tilespmem:s24+$0x9C10];
	_ =	sdelay $0x4  }
0x445: {  	[tilespmem:s25+$0xE0] =	vst v12  }
0x446: {  	v12 =	vld [tilespmem:s24+$0x9F40];
	_ =	sdelay $0x4  }
0x447: {  	[tilespmem:s25+$0xF0] =	vst v12  }
0x448: {  	v12 =	vld [tilespmem:s24+$0x9F50];
	_ =	sdelay $0x4  }
0x449: {  	[tilespmem:s25+$0x100] =	vst v12  }
0x44a: {  	v12 =	vld [tilespmem:s24+$0xA280];
	_ =	sdelay $0x4  }
0x44b: {  	[tilespmem:s25+$0x110] =	vst v12  }
0x44c: {  	v12 =	vld [tilespmem:s24+$0xA290];
	_ =	sdelay $0x4  }
0x44d: {  	[tilespmem:s25+$0x120] =	vst v12  }
0x44e: {  	v12 =	vld [tilespmem:s24+$0xA5C0];
	_ =	sdelay $0x4  }
0x44f: {  	[tilespmem:s25+$0x130] =	vst v12  }
0x450: {  	v12 =	vld [tilespmem:s24+$0xA5D0];
	_ =	sdelay $0x4  }
0x451: {  	[tilespmem:s25+$0x140] =	vst v12  }
0x452: {  	v12 =	vld [tilespmem:s24+$0xA900];
	_ =	sdelay $0x4  }
0x453: {  	[tilespmem:s25+$0x150] =	vst v12  }
0x454: {  	v12 =	vld [tilespmem:s24+$0xA910];
	_ =	sdelay $0x4  }
0x455: {  	[tilespmem:s25+$0x160] =	vst v12  }
0x456: {  	v12 =	vld [tilespmem:s24+$0xAC40];
	_ =	sdelay $0x4  }
0x457: {  	[tilespmem:s25+$0x170] =	vst v12  }
0x458: {  	v12 =	vld [tilespmem:s24+$0xAC50]  }
.Ltmp1:
0x459: {  	(pc) =	sbr.rel @p0 .LBB2_5-.Ltmp1, $2  }
0x45a: {  	_ =	sdelay $0x2  }
0x45b: {  	s24 =	sshra.s32 s26, $0x2;
	s26 =	sadd.s32 $0x80, s26;
	[tilespmem:s25+$0x180] =	vst v12  }
0x45c: {  	v12 =	vld [tilespmem:s24+$0x5E40];
	_ =	sdelay $0x3  }
0x45d: {  	s25 =	sadd.s32 $0x380, s25  }
0x45e: {  	[tilespmem:s25+$0xFFFFFE70] =	vst v12  }
0x45f: {  	v12 =	vld [tilespmem:s24+$0x5E50];
	_ =	sdelay $0x4  }
0x460: {  	[tilespmem:s25+$0xFFFFFE80] =	vst v12  }
0x461: {  	v12 =	vld [tilespmem:s24+$0x6180];
	_ =	sdelay $0x4  }
0x462: {  	[tilespmem:s25+$0xFFFFFE90] =	vst v12  }
0x463: {  	v12 =	vld [tilespmem:s24+$0x6190];
	_ =	sdelay $0x4  }
0x464: {  	[tilespmem:s25+$0xFFFFFEA0] =	vst v12  }
0x465: {  	v12 =	vld [tilespmem:s24+$0x64C0];
	_ =	sdelay $0x4  }
0x466: {  	[tilespmem:s25+$0xFFFFFEB0] =	vst v12  }
0x467: {  	v12 =	vld [tilespmem:s24+$0x64D0];
	_ =	sdelay $0x4  }
0x468: {  	[tilespmem:s25+$0xFFFFFEC0] =	vst v12  }
0x469: {  	v12 =	vld [tilespmem:s24+$0x6800];
	_ =	sdelay $0x4  }
0x46a: {  	[tilespmem:s25+$0xFFFFFED0] =	vst v12  }
0x46b: {  	v12 =	vld [tilespmem:s24+$0x6810];
	_ =	sdelay $0x4  }
0x46c: {  	[tilespmem:s25+$0xFFFFFEE0] =	vst v12  }
0x46d: {  	v12 =	vld [tilespmem:s24+$0x6B40];
	_ =	sdelay $0x4  }
0x46e: {  	[tilespmem:s25+$0xFFFFFEF0] =	vst v12  }
0x46f: {  	v12 =	vld [tilespmem:s24+$0x6B50];
	_ =	sdelay $0x4  }
0x470: {  	[tilespmem:s25+$0xFFFFFF00] =	vst v12  }
0x471: {  	v12 =	vld [tilespmem:s24+$0x6E80];
	_ =	sdelay $0x4  }
0x472: {  	[tilespmem:s25+$0xFFFFFF10] =	vst v12  }
0x473: {  	v12 =	vld [tilespmem:s24+$0x6E90];
	_ =	sdelay $0x4  }
0x474: {  	[tilespmem:s25+$0xFFFFFF20] =	vst v12  }
0x475: {  	v12 =	vld [tilespmem:s24+$0x71C0];
	_ =	sdelay $0x4  }
0x476: {  	[tilespmem:s25+$0xFFFFFF30] =	vst v12  }
0x477: {  	v12 =	vld [tilespmem:s24+$0x71D0];
	_ =	sdelay $0x4  }
0x478: {  	[tilespmem:s25+$0xFFFFFF40] =	vst v12  }
0x479: {  	v12 =	vld [tilespmem:s24+$0x7500];
	_ =	sdelay $0x4  }
0x47a: {  	[tilespmem:s25+$0xFFFFFF50] =	vst v12  }
0x47b: {  	v12 =	vld [tilespmem:s24+$0x7510];
	_ =	sdelay $0x4  }
0x47c: {  	[tilespmem:s25+$0xFFFFFF60] =	vst v12  }
0x47d: {  	v12 =	vld [tilespmem:s24+$0x7840];
	_ =	sdelay $0x4  }
0x47e: {  	[tilespmem:s25+$0xFFFFFF70] =	vst v12  }
0x47f: {  	v12 =	vld [tilespmem:s24+$0x7850];
	_ =	sdelay $0x4  }
0x480: {  	[tilespmem:s25+$0xFFFFFF80] =	vst v12  }
0x481: {  	v12 =	vld [tilespmem:s24+$0x7B80];
	_ =	sdelay $0x4  }
0x482: {  	[tilespmem:s25+$0xFFFFFF90] =	vst v12  }
0x483: {  	v12 =	vld [tilespmem:s24+$0x7B90];
	_ =	sdelay $0x4  }
0x484: {  	[tilespmem:s25+$0xFFFFFFA0] =	vst v12  }
0x485: {  	v12 =	vld [tilespmem:s24+$0x7EC0];
	_ =	sdelay $0x4  }
0x486: {  	[tilespmem:s25+$0xFFFFFFB0] =	vst v12  }
0x487: {  	v12 =	vld [tilespmem:s24+$0x7ED0];
	_ =	sdelay $0x4  }
0x488: {  	[tilespmem:s25+$0xFFFFFFC0] =	vst v12  }
0x489: {  	v12 =	vld [tilespmem:s24+$0x8200];
	_ =	sdelay $0x4  }
0x48a: {  	[tilespmem:s25+$0xFFFFFFD0] =	vst v12  }
0x48b: {  	v12 =	vld [tilespmem:s24+$0x8210];
	_ =	sdelay $0x4  }
0x48c: {  	[tilespmem:s25+$0xFFFFFFE0] =	vst v12  }
0x48d: {  	v12 =	vld [tilespmem:s24+$0x8540];
	_ =	sdelay $0x4  }
0x48e: {  	[tilespmem:s25+$0xFFFFFFF0] =	vst v12  }
0x48f: {  	v12 =	vld [tilespmem:s24+$0x8550];
	_ =	sdelay $0x4  }
0x490: {  	[tilespmem:s25+$0x0] =	vst v12  }
0x491: {  	v12 =	vld [tilespmem:s24+$0x8880];
	_ =	sdelay $0x4  }
0x492: {  	[tilespmem:s25+$0x10] =	vst v12  }
0x493: {  	v12 =	vld [tilespmem:s24+$0x8890];
	_ =	sdelay $0x4  }
0x494: {  	[tilespmem:s25+$0x20] =	vst v12  }
0x495: {  	v12 =	vld [tilespmem:s24+$0x8BC0];
	_ =	sdelay $0x4  }
0x496: {  	[tilespmem:s25+$0x30] =	vst v12  }
0x497: {  	v12 =	vld [tilespmem:s24+$0x8BD0];
	_ =	sdelay $0x4  }
0x498: {  	[tilespmem:s25+$0x40] =	vst v12  }
0x499: {  	v12 =	vld [tilespmem:s24+$0x8F00];
	_ =	sdelay $0x4  }
0x49a: {  	[tilespmem:s25+$0x50] =	vst v12  }
0x49b: {  	v12 =	vld [tilespmem:s24+$0x8F10];
	_ =	sdelay $0x4  }
0x49c: {  	[tilespmem:s25+$0x60] =	vst v12  }
0x49d: {  	v12 =	vld [tilespmem:s24+$0x9240];
	_ =	sdelay $0x4  }
0x49e: {  	[tilespmem:s25+$0x70] =	vst v12  }
0x49f: {  	v12 =	vld [tilespmem:s24+$0x9250];
	_ =	sdelay $0x4  }
0x4a0: {  	[tilespmem:s25+$0x80] =	vst v12  }
0x4a1: {  	v12 =	vld [tilespmem:s24+$0x9580];
	_ =	sdelay $0x4  }
0x4a2: {  	[tilespmem:s25+$0x90] =	vst v12  }
0x4a3: {  	v12 =	vld [tilespmem:s24+$0x9590];
	_ =	sdelay $0x4  }
0x4a4: {  	[tilespmem:s25+$0xA0] =	vst v12  }
0x4a5: {  	v12 =	vld [tilespmem:s24+$0x98C0];
	_ =	sdelay $0x4  }
0x4a6: {  	[tilespmem:s25+$0xB0] =	vst v12  }
0x4a7: {  	v12 =	vld [tilespmem:s24+$0x98D0];
	_ =	sdelay $0x4  }
0x4a8: {  	[tilespmem:s25+$0xC0] =	vst v12  }
0x4a9: {  	v12 =	vld [tilespmem:s24+$0x9C00];
	_ =	sdelay $0x4  }
0x4aa: {  	[tilespmem:s25+$0xD0] =	vst v12  }
0x4ab: {  	v12 =	vld [tilespmem:s24+$0x9C10];
	_ =	sdelay $0x4  }
0x4ac: {  	[tilespmem:s25+$0xE0] =	vst v12  }
0x4ad: {  	v12 =	vld [tilespmem:s24+$0x9F40];
	_ =	sdelay $0x4  }
0x4ae: {  	[tilespmem:s25+$0xF0] =	vst v12  }
0x4af: {  	v12 =	vld [tilespmem:s24+$0x9F50];
	_ =	sdelay $0x4  }
0x4b0: {  	[tilespmem:s25+$0x100] =	vst v12  }
0x4b1: {  	v12 =	vld [tilespmem:s24+$0xA280];
	_ =	sdelay $0x4  }
0x4b2: {  	[tilespmem:s25+$0x110] =	vst v12  }
0x4b3: {  	v12 =	vld [tilespmem:s24+$0xA290];
	_ =	sdelay $0x4  }
0x4b4: {  	[tilespmem:s25+$0x120] =	vst v12  }
0x4b5: {  	v12 =	vld [tilespmem:s24+$0xA5C0];
	_ =	sdelay $0x4  }
0x4b6: {  	[tilespmem:s25+$0x130] =	vst v12  }
0x4b7: {  	v12 =	vld [tilespmem:s24+$0xA5D0];
	_ =	sdelay $0x4  }
0x4b8: {  	[tilespmem:s25+$0x140] =	vst v12  }
0x4b9: {  	v12 =	vld [tilespmem:s24+$0xA900];
	_ =	sdelay $0x4  }
0x4ba: {  	[tilespmem:s25+$0x150] =	vst v12  }
0x4bb: {  	v12 =	vld [tilespmem:s24+$0xA910];
	_ =	sdelay $0x4  }
0x4bc: {  	[tilespmem:s25+$0x160] =	vst v12  }
0x4bd: {  	v12 =	vld [tilespmem:s24+$0xAC40];
	_ =	sdelay $0x4  }
0x4be: {  	[tilespmem:s25+$0x170] =	vst v12  }
0x4bf: {  	v12 =	vld [tilespmem:s24+$0xAC50]  }
0x4c0: {  	v13 =	vadd.s32 v8, v11;
	_ =	sdelay $0x3  }
0x4c1: {  	[tilespmem:s25+$0x180] =	vst v12  }
0x4c2: {  	v12 =	vld.idx.msk [tilespmem:v13+s23+$0x0], $0xffff  }
0x4c3: {  	v11 =	vadd.s32 v9, v11;
	_ =	sdelay $0x3  }
0x4c4: {  	[tilespmem:v2+s20+$0x0] =	vst.idx.msk $0xffff, v12  }
0x4c5: {  	v11 =	vld.idx.msk [tilespmem:v11+s23+$0x0], $0xffff  }
0x4c6: {  	p0 =	sne.s32 s21, $0x20  }
.Ltmp2:
0x4c7: {  	_ = 	snop;
	(pc) =	sbr.rel @p0 .LBB2_2-.Ltmp2, $3  }
0x4c8: {  	_ =	sdelay $0x1  }
0x4c9: {  	s22 =	sadd.s32 $0xA80, s22;
	[tilespmem:v10+s20+$0x0] =	vst.idx.msk $0xffff, v11  }
0x4ca: {  	[hbm4b:s22+s6] =	stream.linear.scatter [tilespmem:s20], [sflag:$0x4], $0x7000, $0x38;
	[tilespmem:$0x17380] =	vst v63  }
0x4cb: {  	s21 =	simm.s32 $0x3  }
0x4cc: {  	_ =	swait.ge [sflag:s21], $0x5400  }
0x4cd: {  	[sflag:s21] =	ssyncset.done $0x0  }
0x4ce: {  	s22 =	simm.s32 $0x4;
	[sflag:s21] =	ssyncadd.s32 $0xFFFFAC00  }
0x4cf: {  	_ =	swait.ge [sflag:s22], $0x7000  }
0x4d0: {  	s23 =	rddreg [dreg:$0x8]  }
0x4d1: {  	s30 =	rddreg [dreg:$0x7];
	s23 =	sadd.s32 $0x1, s23  }
0x4d2: {  	p0 =	sne.s32 s23, s30  }
.Ltmp3:
0x4d3: {  	_ = 	snop;
	(pc) =	sbr.rel @p0 .LBB2_1-.Ltmp3, $3  }
0x4d4: {  	_ =	sdelay $0x1  }
0x4d5: {  	[sflag:s22] =	ssyncset.done $0x0  }
0x4d6: {  	[sflag:s22] =	ssyncadd.s32 $0xFFFF9000  }
0x4d7: {  	_ =	sfence.sel $0x180000  }
0x4d8: {  	[bflag:$0x0] =	sbarrier.arrive $0xFFFF  }
0x4d9: {  	_ =	strace $0x90000047  }
0x4da: {  	s0 =	stileid.u32;
	[bflag:$0x2] =	sbarrier.arrive $0xFFFF  }
0x4db: {  	p0 =	sne.s32 s0, $0x0;
	s0 =	rddreg [dreg:$0x4]  }
0x4dc: {  	s0 =	sadd.s32 @!p0 $0x100000, s0  }
0x4dd: {  	[sflag:s0] =	ssyncadd.tile.s32 @!p0 $0x1;
	_ =	shalt  }
.Lfunc_end2:
_tile_overlayer_lowered:
.L_overlay_start_2:
0x4de: {  	(tag) =	ssettag $0x2  }
0x4df: {  	s0 =	rddreg [dreg:$0x0];
	s2 =	stileid.u32  }
0x4e0: {  	s1 =	rddreg [dreg:$0x1];
	p0 =	sne.s32 s2, $0x0  }
0x4e1: {  	s3 =	rddreg [dreg:$0x2];
	[bflag:$0x3] =	sbarrier.arrive $0xFFFF;
	s2 =	simm.s32 @!p0 $0x1C06  }
0x4e2: {  	[timem:s3], [sflag:s2] =	dma.local @!p0 [hbm:s0], s1  }
0x4e3: {  	s0 =	simm.s32 @!p0 $0x6  }
0x4e4: {  	_ =	swait.ge @!p0 [sflag:s0], s1  }
0x4e5: {  	s1 =	ssub.s32 @!p0 $0x0, s1;
	[sflag:s0] =	ssyncset.done @!p0 $0x0  }
0x4e6: {  	[sflag:s0] =	ssyncadd.s32 @!p0 s1  }
0x4e7: {  	[bflag:$0x3] =	sbarrier.arrive $0xFFFF  }
0x4e8: {  	_ =	shalt  }

</sc_bundles>
